<compile_context>
chip_gen: v7x
topology: tpu7x:2x2x1
jax: 0.10.2.dev20260603
libtpu: 0.0.44.dev20260713+nightly
codegen_flags: <defaults>
</compile_context>

<pallas_src>
import functools

import jax
import jax.numpy as jnp
import numpy as np
from jax import lax
from jax.experimental import pallas as pl
from jax.experimental.pallas import tpu as pltpu
from jax.experimental.pallas import tpu_sc as plsc

N = 65536
C = 18
K = 256
NW = 32
VPT = N // NW
MV = VPT // 16
HL = 2 * K

_NUSC_FREQS = np.array([
    944004, 1897170, 152386, 2391677, 16957802, 724139, 189027, 2074468,
    413451, 2384460, 5916653, 175883646, 4275424, 51393615, 61411620,
    105975596, 116424404, 1892500630], dtype=np.float64)
_W32 = np.zeros(32, dtype=np.float32)
_W32[:C] = (1.0 / np.log(_NUSC_FREQS + 0.001)).astype(np.float32)

_LOG2_POLY = (
    1.47787208e-02, -7.68487260e-02, 1.90420831e-01, -3.23115935e-01,
    4.72499525e-01, -7.20386612e-01, 1.44265211e+00, 3.19697829e-07)
_LN2 = float(np.log(2.0))


def _wid():
    return lax.axis_index("c") * 16 + lax.axis_index("s")


def _ln(s):
    bits = lax.bitcast_convert_type(s, jnp.int32)
    e = (bits >> 23) - 127
    mant = lax.bitcast_convert_type(
        (bits & 0x007FFFFF) | 0x3F800000, jnp.float32)
    t = mant - 1.0
    p = jnp.float32(_LOG2_POLY[0])
    for coef in _LOG2_POLY[1:]:
        p = p * t + jnp.float32(coef)
    return (e.astype(jnp.float32) + p) * jnp.float32(_LN2)


def _phase1_body(xt_hbm, lab_hbm, w_hbm, hist_hbm, ce_hbm,
                 xv, lv, wtab, hloc, ceb, sem):
    w = _wid()
    base = w * VPT
    pend = [pltpu.async_copy(xt_hbm.at[c, pl.ds(base, VPT)],
                             xv.at[pl.ds(c * VPT, VPT)], sem)
            for c in range(C)]
    pend.append(pltpu.async_copy(lab_hbm.at[pl.ds(base, VPT)], lv, sem))
    pend.append(pltpu.async_copy(w_hbm, wtab, sem))

    zeros = jnp.zeros((16,), jnp.float32)
    ones = jnp.ones((16,), jnp.float32)
    neg_ones = -ones

    def zloop(i, carry):
        for u in range(8):
            hloc[pl.ds(i * 128 + u * 16, 16)] = zeros
        return carry

    lax.fori_loop(0, C * HL // 128, zloop, 0)
    for p in pend:
        p.wait()

    iota = lax.broadcasted_iota(jnp.int32, (16,), 0)
    UNROLL = 4

    def _tree_sum(vs):
        while len(vs) > 1:
            vs = [a + b for a, b in zip(vs[::2], vs[1::2])] + (
                [vs[-1]] if len(vs) % 2 else [])
        return vs[0]

    def _group(off, acc_num, acc_den):
        lab = lv[pl.ds(off, 16)]
        es = [jnp.exp(xv[pl.ds(c * VPT + off, 16)]) for c in range(C)]
        s = _tree_sum(list(es))
        r = 1.0 / s
        kr = jnp.float32(K - 0.5) * r
        for c in range(C):
            b = (es[c] * kr).astype(jnp.int32)
            plsc.addupdate_scatter(hloc, [b + (c * HL)], ones)
        x_lab = plsc.load_gather(xv, [lab * VPT + off + iota])
        wl = plsc.load_gather(wtab, [lab])
        nll = _ln(s) - x_lab
        acc_num = acc_num + nll * wl
        acc_den = acc_den + wl
        pfk = jnp.exp(x_lab) * kr
        labh = lab * HL
        plsc.addupdate_scatter(hloc, [pfk.astype(jnp.int32) + labh], neg_ones)
        i2 = (jnp.float32(K - 0.5) - pfk).astype(jnp.int32) + labh
        plsc.addupdate_scatter(hloc, [i2], ones)
        plsc.addupdate_scatter(hloc, [i2 + K], ones)
        return acc_num, acc_den

    def mloop(m, carry):
        a0, d0, a1, d1 = carry
        off = m * (16 * UNROLL)
        a0, d0 = _group(off, a0, d0)
        a1, d1 = _group(off + 16, a1, d1)
        a0, d0 = _group(off + 32, a0, d0)
        a1, d1 = _group(off + 48, a1, d1)
        return a0, d0, a1, d1

    z16 = jnp.zeros((16,), jnp.float32)
    a0, d0, a1, d1 = lax.fori_loop(0, MV // UNROLL, mloop, (z16, z16, z16, z16))
    acc_num = a0 + a1
    acc_den = d0 + d1
    ceb[pl.ds(0, 16)] = acc_num
    ceb[pl.ds(16, 16)] = acc_den
    out = [pltpu.async_copy(ceb, ce_hbm.at[w], sem)]
    out.extend(
        pltpu.async_copy(hloc.at[pl.ds(c * HL, HL)],
                         hist_hbm.at[c, pl.ds(w * HL, HL)], sem)
        for c in range(C))
    for p in out:
        p.wait()


def _phase2_body(hist_hbm, cls_hbm, hv, sv, ob):
    w = _wid()
    active = w < C
    c = jnp.minimum(w, C - 1)
    pltpu.sync_copy(hist_hbm.at[c], hv)

    def sloop(k, g):
        acc = hv[pl.ds(k * 16, 16)]
        for t in range(1, NW):
            acc = acc + hv[pl.ds(t * HL + k * 16, 16)]
        sv[pl.ds(k * 16, 16)] = acc
        return jnp.where(k * 16 >= K, g + jnp.sum(acc), g)

    g = lax.fori_loop(0, HL // 16, sloop, jnp.float32(0.0))

    def jloop(t, carry):
        ci, fi, sacc = carry
        lo = K - 16 * (t + 1)
        cnt = lax.rev(sv[pl.ds(lo, 16)], (0,))
        fgh = lax.rev(sv[pl.ds(lo + K, 16)], (0,))
        i_v = ci + jnp.cumsum(cnt)
        f_v = fi + jnp.cumsum(fgh)
        jac = 1.0 - (g - f_v) / jnp.maximum(g + i_v - f_v, 1e-12)
        return (ci + jnp.sum(cnt), fi + jnp.sum(fgh), sacc + jac)

    _, _, sacc = lax.fori_loop(
        0, K // 16, jloop,
        (jnp.float32(0.0), jnp.float32(0.0), jnp.zeros((16,), jnp.float32)))
    s_total = jnp.sum(sacc)
    loss = (s_total - 0.5) * jnp.float32(1.0 / (K - 0.5))
    keep = jnp.logical_and(active, g > 0.5)
    loss_v = jnp.where(keep, loss, 0.0)
    pres_v = jnp.where(keep, 1.0, 0.0)
    iota = lax.broadcasted_iota(jnp.int32, (16,), 0)
    ob[...] = jnp.where(iota == 0, loss_v,
                        jnp.where(iota == 1, pres_v, 0.0))
    pltpu.sync_copy(ob, cls_hbm.at[w])


@jax.jit
def kernel(seg_pred, voxel_semantics):
    mesh = plsc.VectorSubcoreMesh(core_axis_name="c", subcore_axis_name="s")
    xt = seg_pred.T

    params = pltpu.CompilerParams(needs_layout_passes=False)
    phase1 = functools.partial(
        pl.kernel, mesh=mesh, compiler_params=params,
        out_type=(jax.ShapeDtypeStruct((C, NW * HL), jnp.float32),
                  jax.ShapeDtypeStruct((NW, 32), jnp.float32)),
        scratch_types=[
            pltpu.VMEM((C * VPT,), jnp.float32),
            pltpu.VMEM((VPT,), jnp.int32),
            pltpu.VMEM((32,), jnp.float32),
            pltpu.VMEM((C * HL,), jnp.float32),
            pltpu.VMEM((32,), jnp.float32),
            pltpu.SemaphoreType.DMA,
        ],
    )(_phase1_body)
    hist, ce_part = phase1(xt, voxel_semantics, jnp.asarray(_W32))

    phase2 = functools.partial(
        pl.kernel, mesh=mesh, compiler_params=params,
        out_type=jax.ShapeDtypeStruct((NW, 16), jnp.float32),
        scratch_types=[
            pltpu.VMEM((NW * HL,), jnp.float32),
            pltpu.VMEM((HL,), jnp.float32),
            pltpu.VMEM((16,), jnp.float32),
        ],
    )(_phase2_body)
    cls_part = phase2(hist)

    lovasz = jnp.sum(cls_part[:, 0]) / jnp.maximum(jnp.sum(cls_part[:, 1]), 1.0)
    ce = jnp.sum(ce_part[:, :16]) / jnp.maximum(jnp.sum(ce_part[:, 16:]), 1e-12)
    return jnp.stack([lovasz, ce])

# --- scband reference (transcript-rebuilt; emitter-appended) ---
"""Pipeline reference for scband-sparse-occ-head-21646635172289 (READ-ONLY COPY).

The authoritative reference and input builder live on the scoring server;
editing this copy changes nothing except your own understanding.
"""

import jax, jax.numpy as jnp
import numpy as np

N = 65536
C = 18

NUSC_FREQS = np.array([944004, 1897170, 152386, 2391677, 16957802, 724139, 189027, 2074468, 413451, 2384460, 5916653, 175883646, 4275424, 51393615, 61411620, 105975596, 116424404, 1892500630], dtype=np.float64)
CLASS_WEIGHTS = jnp.asarray(1.0 / np.log(NUSC_FREQS + 0.001), dtype=jnp.float32)


def setup_inputs(seed: int = 0) -> dict:
    key = jax.random.key(seed)
    k1, k2 = jax.random.split(key)
    seg_pred = jax.random.normal(k1, (N, C), dtype=jnp.float32)
    voxel_semantics = jax.random.randint(k2, (N,), 0, C, dtype=jnp.int32)
    return {"seg_pred": seg_pred, "voxel_semantics": voxel_semantics}


def _lovasz_softmax(probs, labels, num_classes):
    # probs: [N, C] softmax probabilities, labels: [N] int
    def per_class(c):
        fg = (labels == c).astype(probs.dtype)
        errors = jnp.abs(fg - probs[:, c])
        perm = jnp.argsort(-errors)  # sort errors descending
        errors_sorted = errors[perm]
        fg_sorted = fg[perm]
        gts = jnp.sum(fg_sorted)
        intersection = gts - jnp.cumsum(fg_sorted)
        union = gts + jnp.cumsum(1.0 - fg_sorted)
        jaccard = 1.0 - intersection / jnp.maximum(union, 1e-12)
        jaccard = jnp.concatenate([jaccard[:1], jaccard[1:] - jaccard[:-1]])
        loss_c = jnp.dot(errors_sorted, jaccard)
        present = (gts > 0).astype(probs.dtype)
        return loss_c, present

    losses, presents = jax.vmap(per_class)(jnp.arange(num_classes))
    return jnp.sum(losses * presents) / jnp.maximum(jnp.sum(presents), 1.0)


def _ce_ssc_loss(logits, labels, class_weights):
    # weighted cross entropy, ignore_index=255, PyTorch-style weighted mean
    logp = jax.nn.log_softmax(logits, axis=1)
    safe_labels = jnp.clip(labels, 0, logits.shape[1] - 1)
    nll = -jnp.take_along_axis(logp, safe_labels[:, None], axis=1)[:, 0]
    w = class_weights[safe_labels]
    valid = (labels < 255).astype(logits.dtype)
    return jnp.sum(nll * w * valid) / jnp.maximum(jnp.sum(w * valid), 1e-12)


def reference(seg_pred, voxel_semantics):
    # loss_single semantic branch for one decoder scale, B=1:
    # loss_sem_lovasz = lovasz_softmax(softmax(seg_pred), labels)
    # loss_sem_ce     = CE_ssc_loss(seg_pred, labels, class_weights)
    probs = jax.nn.softmax(seg_pred, axis=1)
    loss_sem_lovasz = _lovasz_softmax(probs, voxel_semantics, C)
    loss_sem_ce = _ce_ssc_loss(seg_pred, voxel_semantics, CLASS_WEIGHTS)
    return jnp.stack([loss_sem_lovasz, loss_sem_ce])

if __name__ == "__main__":
    import jax
    _d = setup_inputs()
    print(jax.jit(kernel)(*tuple(_d.values())))

</pallas_src>

<mosaic_0001>
#map = affine_map<(d0, d1) -> (0, 0)>
#map1 = affine_map<(d0, d1) -> (0)>
module attributes {stable_mosaic.version = 14 : i64} {
  func.func @_phase1_body(%arg0: i32, %arg1: i32, %arg2: memref<18x65536xf32, #tpu.memory_space<hbm>>, %arg3: memref<65536xi32, #tpu.memory_space<hbm>>, %arg4: memref<32xf32, #tpu.memory_space<hbm>>, %arg5: memref<18x16384xf32, #tpu.memory_space<hbm>>, %arg6: memref<32x32xf32, #tpu.memory_space<hbm>>, %arg7: memref<36864xf32, #tpu.memory_space<vmem>>, %arg8: memref<2048xi32, #tpu.memory_space<vmem>>, %arg9: memref<32xf32, #tpu.memory_space<vmem>>, %arg10: memref<9216xf32, #tpu.memory_space<vmem>>, %arg11: memref<32xf32, #tpu.memory_space<vmem>>, %arg12: memref<!tpu.dma_semaphore, #tpu.memory_space<semaphore_mem>>) attributes {dimension_semantics = [#tpu.dimension_semantics<core_parallel>, #tpu.dimension_semantics<subcore_parallel>], iteration_bounds = array<i64: 2, 16>, scalar_prefetch = 0 : i64, scratch_operands = 6 : i64, tpu.core_type = #tpu.core_type<sc_vector_subcore>, window_params = [{transform_indices = #map}, {transform_indices = #map1}, {transform_indices = #map1}, {transform_indices = #map}, {transform_indices = #map}]} {
    %mul3A = arith.constant 16 : i32
    %mul3A_0 = arith.muli %arg0, %mul3A : i32
    %add3A = arith.addi %mul3A_0, %arg1 : i32
    %mul3A_1 = arith.constant 2048 : i32
    %mul3A_2 = arith.muli %add3A, %mul3A_1 : i32
    %dma_start3A = arith.constant 0 : i32
    %dma_start3A_3 = arith.constant 0 : i32
    %dma_start3A_4 = tpu.memref_slice %arg7[%dma_start3A_3] : memref<36864xf32, #tpu.memory_space<vmem>> -> memref<2048xf32, #tpu.memory_space<vmem>>
    %dma_start3A_5 = tpu.memref_slice %arg2[%dma_start3A, %mul3A_2] : memref<18x65536xf32, #tpu.memory_space<hbm>> -> memref<1x2048xf32, #tpu.memory_space<hbm>>
    %dma_start3A_6 = tpu.memref_squeeze %dma_start3A_5 : memref<1x2048xf32, #tpu.memory_space<hbm>> -> memref<2048xf32, #tpu.memory_space<hbm>>
    %dma_start3A_7 = arith.constant 0 : i32
    %dma_start3A_8 = tpu.memref_slice %arg7[%dma_start3A_7] : memref<36864xf32, #tpu.memory_space<vmem>> -> memref<2048xf32, #tpu.memory_space<vmem>>
    %dma_start3A_9 = tpu.memref_slice %arg2[%dma_start3A, %mul3A_2] : memref<18x65536xf32, #tpu.memory_space<hbm>> -> memref<1x2048xf32, #tpu.memory_space<hbm>>
    %dma_start3A_10 = tpu.memref_squeeze %dma_start3A_9 : memref<1x2048xf32, #tpu.memory_space<hbm>> -> memref<2048xf32, #tpu.memory_space<hbm>>
    tpu.enqueue_dma source(%dma_start3A_10 : memref<2048xf32, #tpu.memory_space<hbm>>) target(%dma_start3A_8 : memref<2048xf32, #tpu.memory_space<vmem>>) target_semaphore(%arg12 : memref<!tpu.dma_semaphore, #tpu.memory_space<semaphore_mem>>)
    %dma_start3A_11 = arith.constant 1 : i32
    %dma_start3A_12 = arith.constant 2048 : i32
    %dma_start3A_13 = tpu.memref_slice %arg7[%dma_start3A_12] : memref<36864xf32, #tpu.memory_space<vmem>> -> memref<2048xf32, #tpu.memory_space<vmem>>
    %dma_start3A_14 = tpu.memref_slice %arg2[%dma_start3A_11, %mul3A_2] : memref<18x65536xf32, #tpu.memory_space<hbm>> -> memref<1x2048xf32, #tpu.memory_space<hbm>>
    %dma_start3A_15 = tpu.memref_squeeze %dma_start3A_14 : memref<1x2048xf32, #tpu.memory_space<hbm>> -> memref<2048xf32, #tpu.memory_space<hbm>>
    %dma_start3A_16 = arith.constant 2048 : i32
    %dma_start3A_17 = tpu.memref_slice %arg7[%dma_start3A_16] : memref<36864xf32, #tpu.memory_space<vmem>> -> memref<2048xf32, #tpu.memory_space<vmem>>
    %dma_start3A_18 = tpu.memref_slice %arg2[%dma_start3A_11, %mul3A_2] : memref<18x65536xf32, #tpu.memory_space<hbm>> -> memref<1x2048xf32, #tpu.memory_space<hbm>>
    %dma_start3A_19 = tpu.memref_squeeze %dma_start3A_18 : memref<1x2048xf32, #tpu.memory_space<hbm>> -> memref<2048xf32, #tpu.memory_space<hbm>>
    tpu.enqueue_dma source(%dma_start3A_19 : memref<2048xf32, #tpu.memory_space<hbm>>) target(%dma_start3A_17 : memref<2048xf32, #tpu.memory_space<vmem>>) target_semaphore(%arg12 : memref<!tpu.dma_semaphore, #tpu.memory_space<semaphore_mem>>)
    %dma_start3A_20 = arith.constant 2 : i32
    %dma_start3A_21 = arith.constant 4096 : i32
    %dma_start3A_22 = tpu.memref_slice %arg7[%dma_start3A_21] : memref<36864xf32, #tpu.memory_space<vmem>> -> memref<2048xf32, #tpu.memory_space<vmem>>
    %dma_start3A_23 = tpu.memref_slice %arg2[%dma_start3A_20, %mul3A_2] : memref<18x65536xf32, #tpu.memory_space<hbm>> -> memref<1x2048xf32, #tpu.memory_space<hbm>>
    %dma_start3A_24 = tpu.memref_squeeze %dma_start3A_23 : memref<1x2048xf32, #tpu.memory_space<hbm>> -> memref<2048xf32, #tpu.memory_space<hbm>>
    %dma_start3A_25 = arith.constant 4096 : i32
    %dma_start3A_26 = tpu.memref_slice %arg7[%dma_start3A_25] : memref<36864xf32, #tpu.memory_space<vmem>> -> memref<2048xf32, #tpu.memory_space<vmem>>
    %dma_start3A_27 = tpu.memref_slice %arg2[%dma_start3A_20, %mul3A_2] : memref<18x65536xf32, #tpu.memory_space<hbm>> -> memref<1x2048xf32, #tpu.memory_space<hbm>>
    %dma_start3A_28 = tpu.memref_squeeze %dma_start3A_27 : memref<1x2048xf32, #tpu.memory_space<hbm>> -> memref<2048xf32, #tpu.memory_space<hbm>>
    tpu.enqueue_dma source(%dma_start3A_28 : memref<2048xf32, #tpu.memory_space<hbm>>) target(%dma_start3A_26 : memref<2048xf32, #tpu.memory_space<vmem>>) target_semaphore(%arg12 : memref<!tpu.dma_semaphore, #tpu.memory_space<semaphore_mem>>)
    %dma_start3A_29 = arith.constant 3 : i32
    %dma_start3A_30 = arith.constant 6144 : i32
    %dma_start3A_31 = tpu.memref_slice %arg7[%dma_start3A_30] : memref<36864xf32, #tpu.memory_space<vmem>> -> memref<2048xf32, #tpu.memory_space<vmem>>
    %dma_start3A_32 = tpu.memref_slice %arg2[%dma_start3A_29, %mul3A_2] : memref<18x65536xf32, #tpu.memory_space<hbm>> -> memref<1x2048xf32, #tpu.memory_space<hbm>>
    %dma_start3A_33 = tpu.memref_squeeze %dma_start3A_32 : memref<1x2048xf32, #tpu.memory_space<hbm>> -> memref<2048xf32, #tpu.memory_space<hbm>>
    %dma_start3A_34 = arith.constant 6144 : i32
    %dma_start3A_35 = tpu.memref_slice %arg7[%dma_start3A_34] : memref<36864xf32, #tpu.memory_space<vmem>> -> memref<2048xf32, #tpu.memory_space<vmem>>
    %dma_start3A_36 = tpu.memref_slice %arg2[%dma_start3A_29, %mul3A_2] : memref<18x65536xf32, #tpu.memory_space<hbm>> -> memref<1x2048xf32, #tpu.memory_space<hbm>>
    %dma_start3A_37 = tpu.memref_squeeze %dma_start3A_36 : memref<1x2048xf32, #tpu.memory_space<hbm>> -> memref<2048xf32, #tpu.memory_space<hbm>>
    tpu.enqueue_dma source(%dma_start3A_37 : memref<2048xf32, #tpu.memory_space<hbm>>) target(%dma_start3A_35 : memref<2048xf32, #tpu.memory_space<vmem>>) target_semaphore(%arg12 : memref<!tpu.dma_semaphore, #tpu.memory_space<semaphore_mem>>)
    %dma_start3A_38 = arith.constant 4 : i32
    %dma_start3A_39 = arith.constant 8192 : i32
    %dma_start3A_40 = tpu.memref_slice %arg7[%dma_start3A_39] : memref<36864xf32, #tpu.memory_space<vmem>> -> memref<2048xf32, #tpu.memory_space<vmem>>
    %dma_start3A_41 = tpu.memref_slice %arg2[%dma_start3A_38, %mul3A_2] : memref<18x65536xf32, #tpu.memory_space<hbm>> -> memref<1x2048xf32, #tpu.memory_space<hbm>>
    %dma_start3A_42 = tpu.memref_squeeze %dma_start3A_41 : memref<1x2048xf32, #tpu.memory_space<hbm>> -> memref<2048xf32, #tpu.memory_space<hbm>>
    %dma_start3A_43 = arith.constant 8192 : i32
    %dma_start3A_44 = tpu.memref_slice %arg7[%dma_start3A_43] : memref<36864xf32, #tpu.memory_space<vmem>> -> memref<2048xf32, #tpu.memory_space<vmem>>
    %dma_start3A_45 = tpu.memref_slice %arg2[%dma_start3A_38, %mul3A_2] : memref<18x65536xf32, #tpu.memory_space<hbm>> -> memref<1x2048xf32, #tpu.memory_space<hbm>>
    %dma_start3A_46 = tpu.memref_squeeze %dma_start3A_45 : memref<1x2048xf32, #tpu.memory_space<hbm>> -> memref<2048xf32, #tpu.memory_space<hbm>>
    tpu.enqueue_dma source(%dma_start3A_46 : memref<2048xf32, #tpu.memory_space<hbm>>) target(%dma_start3A_44 : memref<2048xf32, #tpu.memory_space<vmem>>) target_semaphore(%arg12 : memref<!tpu.dma_semaphore, #tpu.memory_space<semaphore_mem>>)
    %dma_start3A_47 = arith.constant 5 : i32
    %dma_start3A_48 = arith.constant 10240 : i32
    %dma_start3A_49 = tpu.memref_slice %arg7[%dma_start3A_48] : memref<36864xf32, #tpu.memory_space<vmem>> -> memref<2048xf32, #tpu.memory_space<vmem>>
    %dma_start3A_50 = tpu.memref_slice %arg2[%dma_start3A_47, %mul3A_2] : memref<18x65536xf32, #tpu.memory_space<hbm>> -> memref<1x2048xf32, #tpu.memory_space<hbm>>
    %dma_start3A_51 = tpu.memref_squeeze %dma_start3A_50 : memref<1x2048xf32, #tpu.memory_space<hbm>> -> memref<2048xf32, #tpu.memory_space<hbm>>
    %dma_start3A_52 = arith.constant 10240 : i32
    %dma_start3A_53 = tpu.memref_slice %arg7[%dma_start3A_52] : memref<36864xf32, #tpu.memory_space<vmem>> -> memref<2048xf32, #tpu.memory_space<vmem>>
    %dma_start3A_54 = tpu.memref_slice %arg2[%dma_start3A_47, %mul3A_2] : memref<18x65536xf32, #tpu.memory_space<hbm>> -> memref<1x2048xf32, #tpu.memory_space<hbm>>
    %dma_start3A_55 = tpu.memref_squeeze %dma_start3A_54 : memref<1x2048xf32, #tpu.memory_space<hbm>> -> memref<2048xf32, #tpu.memory_space<hbm>>
    tpu.enqueue_dma source(%dma_start3A_55 : memref<2048xf32, #tpu.memory_space<hbm>>) target(%dma_start3A_53 : memref<2048xf32, #tpu.memory_space<vmem>>) target_semaphore(%arg12 : memref<!tpu.dma_semaphore, #tpu.memory_space<semaphore_mem>>)
    %dma_start3A_56 = arith.constant 6 : i32
    %dma_start3A_57 = arith.constant 12288 : i32
    %dma_start3A_58 = tpu.memref_slice %arg7[%dma_start3A_57] : memref<36864xf32, #tpu.memory_space<vmem>> -> memref<2048xf32, #tpu.memory_space<vmem>>
    %dma_start3A_59 = tpu.memref_slice %arg2[%dma_start3A_56, %mul3A_2] : memref<18x65536xf32, #tpu.memory_space<hbm>> -> memref<1x2048xf32, #tpu.memory_space<hbm>>
    %dma_start3A_60 = tpu.memref_squeeze %dma_start3A_59 : memref<1x2048xf32, #tpu.memory_space<hbm>> -> memref<2048xf32, #tpu.memory_space<hbm>>
    %dma_start3A_61 = arith.constant 12288 : i32
    %dma_start3A_62 = tpu.memref_slice %arg7[%dma_start3A_61] : memref<36864xf32, #tpu.memory_space<vmem>> -> memref<2048xf32, #tpu.memory_space<vmem>>
    %dma_start3A_63 = tpu.memref_slice %arg2[%dma_start3A_56, %mul3A_2] : memref<18x65536xf32, #tpu.memory_space<hbm>> -> memref<1x2048xf32, #tpu.memory_space<hbm>>
    %dma_start3A_64 = tpu.memref_squeeze %dma_start3A_63 : memref<1x2048xf32, #tpu.memory_space<hbm>> -> memref<2048xf32, #tpu.memory_space<hbm>>
    tpu.enqueue_dma source(%dma_start3A_64 : memref<2048xf32, #tpu.memory_space<hbm>>) target(%dma_start3A_62 : memref<2048xf32, #tpu.memory_space<vmem>>) target_semaphore(%arg12 : memref<!tpu.dma_semaphore, #tpu.memory_space<semaphore_mem>>)
    %dma_start3A_65 = arith.constant 7 : i32
    %dma_start3A_66 = arith.constant 14336 : i32
    %dma_start3A_67 = tpu.memref_slice %arg7[%dma_start3A_66] : memref<36864xf32, #tpu.memory_space<vmem>> -> memref<2048xf32, #tpu.memory_space<vmem>>
    %dma_start3A_68 = tpu.memref_slice %arg2[%dma_start3A_65, %mul3A_2] : memref<18x65536xf32, #tpu.memory_space<hbm>> -> memref<1x2048xf32, #tpu.memory_space<hbm>>
    %dma_start3A_69 = tpu.memref_squeeze %dma_start3A_68 : memref<1x2048xf32, #tpu.memory_space<hbm>> -> memref<2048xf32, #tpu.memory_space<hbm>>
    %dma_start3A_70 = arith.constant 14336 : i32
    %dma_start3A_71 = tpu.memref_slice %arg7[%dma_start3A_70] : memref<36864xf32, #tpu.memory_space<vmem>> -> memref<2048xf32, #tpu.memory_space<vmem>>
    %dma_start3A_72 = tpu.memref_slice %arg2[%dma_start3A_65, %mul3A_2] : memref<18x65536xf32, #tpu.memory_space<hbm>> -> memref<1x2048xf32, #tpu.memory_space<hbm>>
    %dma_start3A_73 = tpu.memref_squeeze %dma_start3A_72 : memref<1x2048xf32, #tpu.memory_space<hbm>> -> memref<2048xf32, #tpu.memory_space<hbm>>
    tpu.enqueue_dma source(%dma_start3A_73 : memref<2048xf32, #tpu.memory_space<hbm>>) target(%dma_start3A_71 : memref<2048xf32, #tpu.memory_space<vmem>>) target_semaphore(%arg12 : memref<!tpu.dma_semaphore, #tpu.memory_space<semaphore_mem>>)
    %dma_start3A_74 = arith.constant 8 : i32
    %dma_start3A_75 = arith.constant 16384 : i32
    %dma_start3A_76 = tpu.memref_slice %arg7[%dma_start3A_75] : memref<36864xf32, #tpu.memory_space<vmem>> -> memref<2048xf32, #tpu.memory_space<vmem>>
    %dma_start3A_77 = tpu.memref_slice %arg2[%dma_start3A_74, %mul3A_2] : memref<18x65536xf32, #tpu.memory_space<hbm>> -> memref<1x2048xf32, #tpu.memory_space<hbm>>
    %dma_start3A_78 = tpu.memref_squeeze %dma_start3A_77 : memref<1x2048xf32, #tpu.memory_space<hbm>> -> memref<2048xf32, #tpu.memory_space<hbm>>
    %dma_start3A_79 = arith.constant 16384 : i32
    %dma_start3A_80 = tpu.memref_slice %arg7[%dma_start3A_79] : memref<36864xf32, #tpu.memory_space<vmem>> -> memref<2048xf32, #tpu.memory_space<vmem>>
    %dma_start3A_81 = tpu.memref_slice %arg2[%dma_start3A_74, %mul3A_2] : memref<18x65536xf32, #tpu.memory_space<hbm>> -> memref<1x2048xf32, #tpu.memory_space<hbm>>
    %dma_start3A_82 = tpu.memref_squeeze %dma_start3A_81 : memref<1x2048xf32, #tpu.memory_space<hbm>> -> memref<2048xf32, #tpu.memory_space<hbm>>
    tpu.enqueue_dma source(%dma_start3A_82 : memref<2048xf32, #tpu.memory_space<hbm>>) target(%dma_start3A_80 : memref<2048xf32, #tpu.memory_space<vmem>>) target_semaphore(%arg12 : memref<!tpu.dma_semaphore, #tpu.memory_space<semaphore_mem>>)
    %dma_start3A_83 = arith.constant 9 : i32
    %dma_start3A_84 = arith.constant 18432 : i32
    %dma_start3A_85 = tpu.memref_slice %arg7[%dma_start3A_84] : memref<36864xf32, #tpu.memory_space<vmem>> -> memref<2048xf32, #tpu.memory_space<vmem>>
    %dma_start3A_86 = tpu.memref_slice %arg2[%dma_start3A_83, %mul3A_2] : memref<18x65536xf32, #tpu.memory_space<hbm>> -> memref<1x2048xf32, #tpu.memory_space<hbm>>
    %dma_start3A_87 = tpu.memref_squeeze %dma_start3A_86 : memref<1x2048xf32, #tpu.memory_space<hbm>> -> memref<2048xf32, #tpu.memory_space<hbm>>
    %dma_start3A_88 = arith.constant 18432 : i32
    %dma_start3A_89 = tpu.memref_slice %arg7[%dma_start3A_88] : memref<36864xf32, #tpu.memory_space<vmem>> -> memref<2048xf32, #tpu.memory_space<vmem>>
    %dma_start3A_90 = tpu.memref_slice %arg2[%dma_start3A_83, %mul3A_2] : memref<18x65536xf32, #tpu.memory_space<hbm>> -> memref<1x2048xf32, #tpu.memory_space<hbm>>
    %dma_start3A_91 = tpu.memref_squeeze %dma_start3A_90 : memref<1x2048xf32, #tpu.memory_space<hbm>> -> memref<2048xf32, #tpu.memory_space<hbm>>
    tpu.enqueue_dma source(%dma_start3A_91 : memref<2048xf32, #tpu.memory_space<hbm>>) target(%dma_start3A_89 : memref<2048xf32, #tpu.memory_space<vmem>>) target_semaphore(%arg12 : memref<!tpu.dma_semaphore, #tpu.memory_space<semaphore_mem>>)
    %dma_start3A_92 = arith.constant 10 : i32
    %dma_start3A_93 = arith.constant 20480 : i32
    %dma_start3A_94 = tpu.memref_slice %arg7[%dma_start3A_93] : memref<36864xf32, #tpu.memory_space<vmem>> -> memref<2048xf32, #tpu.memory_space<vmem>>
    %dma_start3A_95 = tpu.memref_slice %arg2[%dma_start3A_92, %mul3A_2] : memref<18x65536xf32, #tpu.memory_space<hbm>> -> memref<1x2048xf32, #tpu.memory_space<hbm>>
    %dma_start3A_96 = tpu.memref_squeeze %dma_start3A_95 : memref<1x2048xf32, #tpu.memory_space<hbm>> -> memref<2048xf32, #tpu.memory_space<hbm>>
    %dma_start3A_97 = arith.constant 20480 : i32
    %dma_start3A_98 = tpu.memref_slice %arg7[%dma_start3A_97] : memref<36864xf32, #tpu.memory_space<vmem>> -> memref<2048xf32, #tpu.memory_space<vmem>>
    %dma_start3A_99 = tpu.memref_slice %arg2[%dma_start3A_92, %mul3A_2] : memref<18x65536xf32, #tpu.memory_space<hbm>> -> memref<1x2048xf32, #tpu.memory_space<hbm>>
    %dma_start3A_100 = tpu.memref_squeeze %dma_start3A_99 : memref<1x2048xf32, #tpu.memory_space<hbm>> -> memref<2048xf32, #tpu.memory_space<hbm>>
    tpu.enqueue_dma source(%dma_start3A_100 : memref<2048xf32, #tpu.memory_space<hbm>>) target(%dma_start3A_98 : memref<2048xf32, #tpu.memory_space<vmem>>) target_semaphore(%arg12 : memref<!tpu.dma_semaphore, #tpu.memory_space<semaphore_mem>>)
    %dma_start3A_101 = arith.constant 11 : i32
    %dma_start3A_102 = arith.constant 22528 : i32
    %dma_start3A_103 = tpu.memref_slice %arg7[%dma_start3A_102] : memref<36864xf32, #tpu.memory_space<vmem>> -> memref<2048xf32, #tpu.memory_space<vmem>>
    %dma_start3A_104 = tpu.memref_slice %arg2[%dma_start3A_101, %mul3A_2] : memref<18x65536xf32, #tpu.memory_space<hbm>> -> memref<1x2048xf32, #tpu.memory_space<hbm>>
    %dma_start3A_105 = tpu.memref_squeeze %dma_start3A_104 : memref<1x2048xf32, #tpu.memory_space<hbm>> -> memref<2048xf32, #tpu.memory_space<hbm>>
    %dma_start3A_106 = arith.constant 22528 : i32
    %dma_start3A_107 = tpu.memref_slice %arg7[%dma_start3A_106] : memref<36864xf32, #tpu.memory_space<vmem>> -> memref<2048xf32, #tpu.memory_space<vmem>>
    %dma_start3A_108 = tpu.memref_slice %arg2[%dma_start3A_101, %mul3A_2] : memref<18x65536xf32, #tpu.memory_space<hbm>> -> memref<1x2048xf32, #tpu.memory_space<hbm>>
    %dma_start3A_109 = tpu.memref_squeeze %dma_start3A_108 : memref<1x2048xf32, #tpu.memory_space<hbm>> -> memref<2048xf32, #tpu.memory_space<hbm>>
    tpu.enqueue_dma source(%dma_start3A_109 : memref<2048xf32, #tpu.memory_space<hbm>>) target(%dma_start3A_107 : memref<2048xf32, #tpu.memory_space<vmem>>) target_semaphore(%arg12 : memref<!tpu.dma_semaphore, #tpu.memory_space<semaphore_mem>>)
    %dma_start3A_110 = arith.constant 12 : i32
    %dma_start3A_111 = arith.constant 24576 : i32
    %dma_start3A_112 = tpu.memref_slice %arg7[%dma_start3A_111] : memref<36864xf32, #tpu.memory_space<vmem>> -> memref<2048xf32, #tpu.memory_space<vmem>>
    %dma_start3A_113 = tpu.memref_slice %arg2[%dma_start3A_110, %mul3A_2] : memref<18x65536xf32, #tpu.memory_space<hbm>> -> memref<1x2048xf32, #tpu.memory_space<hbm>>
    %dma_start3A_114 = tpu.memref_squeeze %dma_start3A_113 : memref<1x2048xf32, #tpu.memory_space<hbm>> -> memref<2048xf32, #tpu.memory_space<hbm>>
    %dma_start3A_115 = arith.constant 24576 : i32
    %dma_start3A_116 = tpu.memref_slice %arg7[%dma_start3A_115] : memref<36864xf32, #tpu.memory_space<vmem>> -> memref<2048xf32, #tpu.memory_space<vmem>>
    %dma_start3A_117 = tpu.memref_slice %arg2[%dma_start3A_110, %mul3A_2] : memref<18x65536xf32, #tpu.memory_space<hbm>> -> memref<1x2048xf32, #tpu.memory_space<hbm>>
    %dma_start3A_118 = tpu.memref_squeeze %dma_start3A_117 : memref<1x2048xf32, #tpu.memory_space<hbm>> -> memref<2048xf32, #tpu.memory_space<hbm>>
    tpu.enqueue_dma source(%dma_start3A_118 : memref<2048xf32, #tpu.memory_space<hbm>>) target(%dma_start3A_116 : memref<2048xf32, #tpu.memory_space<vmem>>) target_semaphore(%arg12 : memref<!tpu.dma_semaphore, #tpu.memory_space<semaphore_mem>>)
    %dma_start3A_119 = arith.constant 13 : i32
    %dma_start3A_120 = arith.constant 26624 : i32
    %dma_start3A_121 = tpu.memref_slice %arg7[%dma_start3A_120] : memref<36864xf32, #tpu.memory_space<vmem>> -> memref<2048xf32, #tpu.memory_space<vmem>>
    %dma_start3A_122 = tpu.memref_slice %arg2[%dma_start3A_119, %mul3A_2] : memref<18x65536xf32, #tpu.memory_space<hbm>> -> memref<1x2048xf32, #tpu.memory_space<hbm>>
    %dma_start3A_123 = tpu.memref_squeeze %dma_start3A_122 : memref<1x2048xf32, #tpu.memory_space<hbm>> -> memref<2048xf32, #tpu.memory_space<hbm>>
    %dma_start3A_124 = arith.constant 26624 : i32
    %dma_start3A_125 = tpu.memref_slice %arg7[%dma_start3A_124] : memref<36864xf32, #tpu.memory_space<vmem>> -> memref<2048xf32, #tpu.memory_space<vmem>>
    %dma_start3A_126 = tpu.memref_slice %arg2[%dma_start3A_119, %mul3A_2] : memref<18x65536xf32, #tpu.memory_space<hbm>> -> memref<1x2048xf32, #tpu.memory_space<hbm>>
    %dma_start3A_127 = tpu.memref_squeeze %dma_start3A_126 : memref<1x2048xf32, #tpu.memory_space<hbm>> -> memref<2048xf32, #tpu.memory_space<hbm>>
    tpu.enqueue_dma source(%dma_start3A_127 : memref<2048xf32, #tpu.memory_space<hbm>>) target(%dma_start3A_125 : memref<2048xf32, #tpu.memory_space<vmem>>) target_semaphore(%arg12 : memref<!tpu.dma_semaphore, #tpu.memory_space<semaphore_mem>>)
    %dma_start3A_128 = arith.constant 14 : i32
    %dma_start3A_129 = arith.constant 28672 : i32
    %dma_start3A_130 = tpu.memref_slice %arg7[%dma_start3A_129] : memref<36864xf32, #tpu.memory_space<vmem>> -> memref<2048xf32, #tpu.memory_space<vmem>>
    %dma_start3A_131 = tpu.memref_slice %arg2[%dma_start3A_128, %mul3A_2] : memref<18x65536xf32, #tpu.memory_space<hbm>> -> memref<1x2048xf32, #tpu.memory_space<hbm>>
    %dma_start3A_132 = tpu.memref_squeeze %dma_start3A_131 : memref<1x2048xf32, #tpu.memory_space<hbm>> -> memref<2048xf32, #tpu.memory_space<hbm>>
    %dma_start3A_133 = arith.constant 28672 : i32
    %dma_start3A_134 = tpu.memref_slice %arg7[%dma_start3A_133] : memref<36864xf32, #tpu.memory_space<vmem>> -> memref<2048xf32, #tpu.memory_space<vmem>>
    %dma_start3A_135 = tpu.memref_slice %arg2[%dma_start3A_128, %mul3A_2] : memref<18x65536xf32, #tpu.memory_space<hbm>> -> memref<1x2048xf32, #tpu.memory_space<hbm>>
    %dma_start3A_136 = tpu.memref_squeeze %dma_start3A_135 : memref<1x2048xf32, #tpu.memory_space<hbm>> -> memref<2048xf32, #tpu.memory_space<hbm>>
    tpu.enqueue_dma source(%dma_start3A_136 : memref<2048xf32, #tpu.memory_space<hbm>>) target(%dma_start3A_134 : memref<2048xf32, #tpu.memory_space<vmem>>) target_semaphore(%arg12 : memref<!tpu.dma_semaphore, #tpu.memory_space<semaphore_mem>>)
    %dma_start3A_137 = arith.constant 15 : i32
    %dma_start3A_138 = arith.constant 30720 : i32
    %dma_start3A_139 = tpu.memref_slice %arg7[%dma_start3A_138] : memref<36864xf32, #tpu.memory_space<vmem>> -> memref<2048xf32, #tpu.memory_space<vmem>>
    %dma_start3A_140 = tpu.memref_slice %arg2[%dma_start3A_137, %mul3A_2] : memref<18x65536xf32, #tpu.memory_space<hbm>> -> memref<1x2048xf32, #tpu.memory_space<hbm>>
    %dma_start3A_141 = tpu.memref_squeeze %dma_start3A_140 : memref<1x2048xf32, #tpu.memory_space<hbm>> -> memref<2048xf32, #tpu.memory_space<hbm>>
    %dma_start3A_142 = arith.constant 30720 : i32
    %dma_start3A_143 = tpu.memref_slice %arg7[%dma_start3A_142] : memref<36864xf32, #tpu.memory_space<vmem>> -> memref<2048xf32, #tpu.memory_space<vmem>>
    %dma_start3A_144 = tpu.memref_slice %arg2[%dma_start3A_137, %mul3A_2] : memref<18x65536xf32, #tpu.memory_space<hbm>> -> memref<1x2048xf32, #tpu.memory_space<hbm>>
    %dma_start3A_145 = tpu.memref_squeeze %dma_start3A_144 : memref<1x2048xf32, #tpu.memory_space<hbm>> -> memref<2048xf32, #tpu.memory_space<hbm>>
    tpu.enqueue_dma source(%dma_start3A_145 : memref<2048xf32, #tpu.memory_space<hbm>>) target(%dma_start3A_143 : memref<2048xf32, #tpu.memory_space<vmem>>) target_semaphore(%arg12 : memref<!tpu.dma_semaphore, #tpu.memory_space<semaphore_mem>>)
    %dma_start3A_146 = arith.constant 16 : i32
    %dma_start3A_147 = arith.constant 32768 : i32
    %dma_start3A_148 = tpu.memref_slice %arg7[%dma_start3A_147] : memref<36864xf32, #tpu.memory_space<vmem>> -> memref<2048xf32, #tpu.memory_space<vmem>>
    %dma_start3A_149 = tpu.memref_slice %arg2[%dma_start3A_146, %mul3A_2] : memref<18x65536xf32, #tpu.memory_space<hbm>> -> memref<1x2048xf32, #tpu.memory_space<hbm>>
    %dma_start3A_150 = tpu.memref_squeeze %dma_start3A_149 : memref<1x2048xf32, #tpu.memory_space<hbm>> -> memref<2048xf32, #tpu.memory_space<hbm>>
    %dma_start3A_151 = arith.constant 32768 : i32
    %dma_start3A_152 = tpu.memref_slice %arg7[%dma_start3A_151] : memref<36864xf32, #tpu.memory_space<vmem>> -> memref<2048xf32, #tpu.memory_space<vmem>>
    %dma_start3A_153 = tpu.memref_slice %arg2[%dma_start3A_146, %mul3A_2] : memref<18x65536xf32, #tpu.memory_space<hbm>> -> memref<1x2048xf32, #tpu.memory_space<hbm>>
    %dma_start3A_154 = tpu.memref_squeeze %dma_start3A_153 : memref<1x2048xf32, #tpu.memory_space<hbm>> -> memref<2048xf32, #tpu.memory_space<hbm>>
    tpu.enqueue_dma source(%dma_start3A_154 : memref<2048xf32, #tpu.memory_space<hbm>>) target(%dma_start3A_152 : memref<2048xf32, #tpu.memory_space<vmem>>) target_semaphore(%arg12 : memref<!tpu.dma_semaphore, #tpu.memory_space<semaphore_mem>>)
    %dma_start3A_155 = arith.constant 17 : i32
    %dma_start3A_156 = arith.constant 34816 : i32
    %dma_start3A_157 = tpu.memref_slice %arg7[%dma_start3A_156] : memref<36864xf32, #tpu.memory_space<vmem>> -> memref<2048xf32, #tpu.memory_space<vmem>>
    %dma_start3A_158 = tpu.memref_slice %arg2[%dma_start3A_155, %mul3A_2] : memref<18x65536xf32, #tpu.memory_space<hbm>> -> memref<1x2048xf32, #tpu.memory_space<hbm>>
    %dma_start3A_159 = tpu.memref_squeeze %dma_start3A_158 : memref<1x2048xf32, #tpu.memory_space<hbm>> -> memref<2048xf32, #tpu.memory_space<hbm>>
    %dma_start3A_160 = arith.constant 34816 : i32
    %dma_start3A_161 = tpu.memref_slice %arg7[%dma_start3A_160] : memref<36864xf32, #tpu.memory_space<vmem>> -> memref<2048xf32, #tpu.memory_space<vmem>>
    %dma_start3A_162 = tpu.memref_slice %arg2[%dma_start3A_155, %mul3A_2] : memref<18x65536xf32, #tpu.memory_space<hbm>> -> memref<1x2048xf32, #tpu.memory_space<hbm>>
    %dma_start3A_163 = tpu.memref_squeeze %dma_start3A_162 : memref<1x2048xf32, #tpu.memory_space<hbm>> -> memref<2048xf32, #tpu.memory_space<hbm>>
    tpu.enqueue_dma source(%dma_start3A_163 : memref<2048xf32, #tpu.memory_space<hbm>>) target(%dma_start3A_161 : memref<2048xf32, #tpu.memory_space<vmem>>) target_semaphore(%arg12 : memref<!tpu.dma_semaphore, #tpu.memory_space<semaphore_mem>>)
    %dma_start3A_164 = tpu.memref_slice %arg3[%mul3A_2] : memref<65536xi32, #tpu.memory_space<hbm>> -> memref<2048xi32, #tpu.memory_space<hbm>>
    %dma_start3A_165 = tpu.memref_slice %arg3[%mul3A_2] : memref<65536xi32, #tpu.memory_space<hbm>> -> memref<2048xi32, #tpu.memory_space<hbm>>
    tpu.enqueue_dma source(%dma_start3A_165 : memref<2048xi32, #tpu.memory_space<hbm>>) target(%arg8 : memref<2048xi32, #tpu.memory_space<vmem>>) target_semaphore(%arg12 : memref<!tpu.dma_semaphore, #tpu.memory_space<semaphore_mem>>)
    tpu.enqueue_dma source(%arg4 : memref<32xf32, #tpu.memory_space<hbm>>) target(%arg9 : memref<32xf32, #tpu.memory_space<vmem>>) target_semaphore(%arg12 : memref<!tpu.dma_semaphore, #tpu.memory_space<semaphore_mem>>)
    %broadcast_in_dim3A = arith.constant 0.000000e+00 : f32
    %broadcast_in_dim3A_166 = vector.broadcast %broadcast_in_dim3A : f32 to vector<16xf32>
    %broadcast_in_dim3A_167 = arith.constant 1.000000e+00 : f32
    %broadcast_in_dim3A_168 = vector.broadcast %broadcast_in_dim3A_167 : f32 to vector<16xf32>
    %neg3A = arith.constant 0.000000e+00 : f32
    %neg3A_169 = vector.broadcast %neg3A : f32 to vector<16xf32>
    %neg3A_170 = arith.subf %neg3A_169, %broadcast_in_dim3A_168 : vector<16xf32>
    %scan3A = arith.constant 0 : i32
    %scan3A_171 = arith.constant 0 : i32
    %scan3A_172 = arith.constant 72 : i32
    %scan3A_173 = arith.addi %scan3A_171, %scan3A_172 : i32
    %scan3A_174 = arith.constant 1 : i32
    scf.for %scan3A_724 = %scan3A_171 to %scan3A_173 step %scan3A_174  : i32 {
      %mul3A_725 = arith.constant 128 : i32
      %mul3A_726 = arith.muli %scan3A_724, %mul3A_725 : i32
      %add3A_727 = arith.constant 0 : i32
      %add3A_728 = arith.addi %mul3A_726, %add3A_727 : i32
      %swap3A_729 = arith.index_cast %add3A_728 : i32 to index
      %swap3A_730 = tpu.vector_load %arg10[%swap3A_729] {strides = array<i32>} : memref<9216xf32, #tpu.memory_space<vmem>>, vector<16xf32>,
      tpu.vector_store %arg10[%swap3A_729], %broadcast_in_dim3A_166 {strides = array<i32>} : memref<9216xf32, #tpu.memory_space<vmem>>, vector<16xf32>,
      %mul3A_731 = arith.constant 128 : i32
      %mul3A_732 = arith.muli %scan3A_724, %mul3A_731 : i32
      %add3A_733 = arith.constant 16 : i32
      %add3A_734 = arith.addi %mul3A_732, %add3A_733 : i32
      %swap3A_735 = arith.index_cast %add3A_734 : i32 to index
      %swap3A_736 = tpu.vector_load %arg10[%swap3A_735] {strides = array<i32>} : memref<9216xf32, #tpu.memory_space<vmem>>, vector<16xf32>,
      tpu.vector_store %arg10[%swap3A_735], %broadcast_in_dim3A_166 {strides = array<i32>} : memref<9216xf32, #tpu.memory_space<vmem>>, vector<16xf32>,
      %mul3A_737 = arith.constant 128 : i32
      %mul3A_738 = arith.muli %scan3A_724, %mul3A_737 : i32
      %add3A_739 = arith.constant 32 : i32
      %add3A_740 = arith.addi %mul3A_738, %add3A_739 : i32
      %swap3A_741 = arith.index_cast %add3A_740 : i32 to index
      %swap3A_742 = tpu.vector_load %arg10[%swap3A_741] {strides = array<i32>} : memref<9216xf32, #tpu.memory_space<vmem>>, vector<16xf32>,
      tpu.vector_store %arg10[%swap3A_741], %broadcast_in_dim3A_166 {strides = array<i32>} : memref<9216xf32, #tpu.memory_space<vmem>>, vector<16xf32>,
      %mul3A_743 = arith.constant 128 : i32
      %mul3A_744 = arith.muli %scan3A_724, %mul3A_743 : i32
      %add3A_745 = arith.constant 48 : i32
      %add3A_746 = arith.addi %mul3A_744, %add3A_745 : i32
      %swap3A_747 = arith.index_cast %add3A_746 : i32 to index
      %swap3A_748 = tpu.vector_load %arg10[%swap3A_747] {strides = array<i32>} : memref<9216xf32, #tpu.memory_space<vmem>>, vector<16xf32>,
      tpu.vector_store %arg10[%swap3A_747], %broadcast_in_dim3A_166 {strides = array<i32>} : memref<9216xf32, #tpu.memory_space<vmem>>, vector<16xf32>,
      %mul3A_749 = arith.constant 128 : i32
      %mul3A_750 = arith.muli %scan3A_724, %mul3A_749 : i32
      %add3A_751 = arith.constant 64 : i32
      %add3A_752 = arith.addi %mul3A_750, %add3A_751 : i32
      %swap3A_753 = arith.index_cast %add3A_752 : i32 to index
      %swap3A_754 = tpu.vector_load %arg10[%swap3A_753] {strides = array<i32>} : memref<9216xf32, #tpu.memory_space<vmem>>, vector<16xf32>,
      tpu.vector_store %arg10[%swap3A_753], %broadcast_in_dim3A_166 {strides = array<i32>} : memref<9216xf32, #tpu.memory_space<vmem>>, vector<16xf32>,
      %mul3A_755 = arith.constant 128 : i32
      %mul3A_756 = arith.muli %scan3A_724, %mul3A_755 : i32
      %add3A_757 = arith.constant 80 : i32
      %add3A_758 = arith.addi %mul3A_756, %add3A_757 : i32
      %swap3A_759 = arith.index_cast %add3A_758 : i32 to index
      %swap3A_760 = tpu.vector_load %arg10[%swap3A_759] {strides = array<i32>} : memref<9216xf32, #tpu.memory_space<vmem>>, vector<16xf32>,
      tpu.vector_store %arg10[%swap3A_759], %broadcast_in_dim3A_166 {strides = array<i32>} : memref<9216xf32, #tpu.memory_space<vmem>>, vector<16xf32>,
      %mul3A_761 = arith.constant 128 : i32
      %mul3A_762 = arith.muli %scan3A_724, %mul3A_761 : i32
      %add3A_763 = arith.constant 96 : i32
      %add3A_764 = arith.addi %mul3A_762, %add3A_763 : i32
      %swap3A_765 = arith.index_cast %add3A_764 : i32 to index
      %swap3A_766 = tpu.vector_load %arg10[%swap3A_765] {strides = array<i32>} : memref<9216xf32, #tpu.memory_space<vmem>>, vector<16xf32>,
      tpu.vector_store %arg10[%swap3A_765], %broadcast_in_dim3A_166 {strides = array<i32>} : memref<9216xf32, #tpu.memory_space<vmem>>, vector<16xf32>,
      %mul3A_767 = arith.constant 128 : i32
      %mul3A_768 = arith.muli %scan3A_724, %mul3A_767 : i32
      %add3A_769 = arith.constant 112 : i32
      %add3A_770 = arith.addi %mul3A_768, %add3A_769 : i32
      %swap3A_771 = arith.index_cast %add3A_770 : i32 to index
      %swap3A_772 = tpu.vector_load %arg10[%swap3A_771] {strides = array<i32>} : memref<9216xf32, #tpu.memory_space<vmem>>, vector<16xf32>,
      tpu.vector_store %arg10[%swap3A_771], %broadcast_in_dim3A_166 {strides = array<i32>} : memref<9216xf32, #tpu.memory_space<vmem>>, vector<16xf32>,
    }
    %scan3A_175 = arith.constant 72 : i32
    %dma_wait3A = arith.constant 0 : i32
    %dma_wait3A_176 = arith.constant 0 : i32
    %dma_wait3A_177 = tpu.memref_slice %arg7[%dma_wait3A_176] : memref<36864xf32, #tpu.memory_space<vmem>> -> memref<2048xf32, #tpu.memory_space<vmem>>
    %dma_wait3A_178 = tpu.memref_slice %arg2[%dma_wait3A, %mul3A_2] : memref<18x65536xf32, #tpu.memory_space<hbm>> -> memref<1x2048xf32, #tpu.memory_space<hbm>>
    %dma_wait3A_179 = tpu.memref_squeeze %dma_wait3A_178 : memref<1x2048xf32, #tpu.memory_space<hbm>> -> memref<2048xf32, #tpu.memory_space<hbm>>
    %dma_wait3A_180 = arith.constant 0 : i32
    %dma_wait3A_181 = tpu.memref_slice %arg7[%dma_wait3A_180] : memref<36864xf32, #tpu.memory_space<vmem>> -> memref<2048xf32, #tpu.memory_space<vmem>>
    %dma_wait3A_182 = tpu.memref_slice %arg2[%dma_wait3A, %mul3A_2] : memref<18x65536xf32, #tpu.memory_space<hbm>> -> memref<1x2048xf32, #tpu.memory_space<hbm>>
    %dma_wait3A_183 = tpu.memref_squeeze %dma_wait3A_182 : memref<1x2048xf32, #tpu.memory_space<hbm>> -> memref<2048xf32, #tpu.memory_space<hbm>>
    tpu.wait_dma2 semaphore(%arg12 : memref<!tpu.dma_semaphore, #tpu.memory_space<semaphore_mem>>) src(%dma_wait3A_183 : memref<2048xf32, #tpu.memory_space<hbm>>) dst(%dma_wait3A_181 : memref<2048xf32, #tpu.memory_space<vmem>>)
    %dma_wait3A_184 = arith.constant 1 : i32
    %dma_wait3A_185 = arith.constant 2048 : i32
    %dma_wait3A_186 = tpu.memref_slice %arg7[%dma_wait3A_185] : memref<36864xf32, #tpu.memory_space<vmem>> -> memref<2048xf32, #tpu.memory_space<vmem>>
    %dma_wait3A_187 = tpu.memref_slice %arg2[%dma_wait3A_184, %mul3A_2] : memref<18x65536xf32, #tpu.memory_space<hbm>> -> memref<1x2048xf32, #tpu.memory_space<hbm>>
    %dma_wait3A_188 = tpu.memref_squeeze %dma_wait3A_187 : memref<1x2048xf32, #tpu.memory_space<hbm>> -> memref<2048xf32, #tpu.memory_space<hbm>>
    %dma_wait3A_189 = arith.constant 2048 : i32
    %dma_wait3A_190 = tpu.memref_slice %arg7[%dma_wait3A_189] : memref<36864xf32, #tpu.memory_space<vmem>> -> memref<2048xf32, #tpu.memory_space<vmem>>
    %dma_wait3A_191 = tpu.memref_slice %arg2[%dma_wait3A_184, %mul3A_2] : memref<18x65536xf32, #tpu.memory_space<hbm>> -> memref<1x2048xf32, #tpu.memory_space<hbm>>
    %dma_wait3A_192 = tpu.memref_squeeze %dma_wait3A_191 : memref<1x2048xf32, #tpu.memory_space<hbm>> -> memref<2048xf32, #tpu.memory_space<hbm>>
    tpu.wait_dma2 semaphore(%arg12 : memref<!tpu.dma_semaphore, #tpu.memory_space<semaphore_mem>>) src(%dma_wait3A_192 : memref<2048xf32, #tpu.memory_space<hbm>>) dst(%dma_wait3A_190 : memref<2048xf32, #tpu.memory_space<vmem>>)
    %dma_wait3A_193 = arith.constant 2 : i32
    %dma_wait3A_194 = arith.constant 4096 : i32
    %dma_wait3A_195 = tpu.memref_slice %arg7[%dma_wait3A_194] : memref<36864xf32, #tpu.memory_space<vmem>> -> memref<2048xf32, #tpu.memory_space<vmem>>
    %dma_wait3A_196 = tpu.memref_slice %arg2[%dma_wait3A_193, %mul3A_2] : memref<18x65536xf32, #tpu.memory_space<hbm>> -> memref<1x2048xf32, #tpu.memory_space<hbm>>
    %dma_wait3A_197 = tpu.memref_squeeze %dma_wait3A_196 : memref<1x2048xf32, #tpu.memory_space<hbm>> -> memref<2048xf32, #tpu.memory_space<hbm>>
    %dma_wait3A_198 = arith.constant 4096 : i32
    %dma_wait3A_199 = tpu.memref_slice %arg7[%dma_wait3A_198] : memref<36864xf32, #tpu.memory_space<vmem>> -> memref<2048xf32, #tpu.memory_space<vmem>>
    %dma_wait3A_200 = tpu.memref_slice %arg2[%dma_wait3A_193, %mul3A_2] : memref<18x65536xf32, #tpu.memory_space<hbm>> -> memref<1x2048xf32, #tpu.memory_space<hbm>>
    %dma_wait3A_201 = tpu.memref_squeeze %dma_wait3A_200 : memref<1x2048xf32, #tpu.memory_space<hbm>> -> memref<2048xf32, #tpu.memory_space<hbm>>
    tpu.wait_dma2 semaphore(%arg12 : memref<!tpu.dma_semaphore, #tpu.memory_space<semaphore_mem>>) src(%dma_wait3A_201 : memref<2048xf32, #tpu.memory_space<hbm>>) dst(%dma_wait3A_199 : memref<2048xf32, #tpu.memory_space<vmem>>)
    %dma_wait3A_202 = arith.constant 3 : i32
    %dma_wait3A_203 = arith.constant 6144 : i32
    %dma_wait3A_204 = tpu.memref_slice %arg7[%dma_wait3A_203] : memref<36864xf32, #tpu.memory_space<vmem>> -> memref<2048xf32, #tpu.memory_space<vmem>>
    %dma_wait3A_205 = tpu.memref_slice %arg2[%dma_wait3A_202, %mul3A_2] : memref<18x65536xf32, #tpu.memory_space<hbm>> -> memref<1x2048xf32, #tpu.memory_space<hbm>>
    %dma_wait3A_206 = tpu.memref_squeeze %dma_wait3A_205 : memref<1x2048xf32, #tpu.memory_space<hbm>> -> memref<2048xf32, #tpu.memory_space<hbm>>
    %dma_wait3A_207 = arith.constant 6144 : i32
    %dma_wait3A_208 = tpu.memref_slice %arg7[%dma_wait3A_207] : memref<36864xf32, #tpu.memory_space<vmem>> -> memref<2048xf32, #tpu.memory_space<vmem>>
    %dma_wait3A_209 = tpu.memref_slice %arg2[%dma_wait3A_202, %mul3A_2] : memref<18x65536xf32, #tpu.memory_space<hbm>> -> memref<1x2048xf32, #tpu.memory_space<hbm>>
    %dma_wait3A_210 = tpu.memref_squeeze %dma_wait3A_209 : memref<1x2048xf32, #tpu.memory_space<hbm>> -> memref<2048xf32, #tpu.memory_space<hbm>>
    tpu.wait_dma2 semaphore(%arg12 : memref<!tpu.dma_semaphore, #tpu.memory_space<semaphore_mem>>) src(%dma_wait3A_210 : memref<2048xf32, #tpu.memory_space<hbm>>) dst(%dma_wait3A_208 : memref<2048xf32, #tpu.memory_space<vmem>>)
    %dma_wait3A_211 = arith.constant 4 : i32
    %dma_wait3A_212 = arith.constant 8192 : i32
    %dma_wait3A_213 = tpu.memref_slice %arg7[%dma_wait3A_212] : memref<36864xf32, #tpu.memory_space<vmem>> -> memref<2048xf32, #tpu.memory_space<vmem>>
    %dma_wait3A_214 = tpu.memref_slice %arg2[%dma_wait3A_211, %mul3A_2] : memref<18x65536xf32, #tpu.memory_space<hbm>> -> memref<1x2048xf32, #tpu.memory_space<hbm>>
    %dma_wait3A_215 = tpu.memref_squeeze %dma_wait3A_214 : memref<1x2048xf32, #tpu.memory_space<hbm>> -> memref<2048xf32, #tpu.memory_space<hbm>>
    %dma_wait3A_216 = arith.constant 8192 : i32
    %dma_wait3A_217 = tpu.memref_slice %arg7[%dma_wait3A_216] : memref<36864xf32, #tpu.memory_space<vmem>> -> memref<2048xf32, #tpu.memory_space<vmem>>
    %dma_wait3A_218 = tpu.memref_slice %arg2[%dma_wait3A_211, %mul3A_2] : memref<18x65536xf32, #tpu.memory_space<hbm>> -> memref<1x2048xf32, #tpu.memory_space<hbm>>
    %dma_wait3A_219 = tpu.memref_squeeze %dma_wait3A_218 : memref<1x2048xf32, #tpu.memory_space<hbm>> -> memref<2048xf32, #tpu.memory_space<hbm>>
    tpu.wait_dma2 semaphore(%arg12 : memref<!tpu.dma_semaphore, #tpu.memory_space<semaphore_mem>>) src(%dma_wait3A_219 : memref<2048xf32, #tpu.memory_space<hbm>>) dst(%dma_wait3A_217 : memref<2048xf32, #tpu.memory_space<vmem>>)
    %dma_wait3A_220 = arith.constant 5 : i32
    %dma_wait3A_221 = arith.constant 10240 : i32
    %dma_wait3A_222 = tpu.memref_slice %arg7[%dma_wait3A_221] : memref<36864xf32, #tpu.memory_space<vmem>> -> memref<2048xf32, #tpu.memory_space<vmem>>
    %dma_wait3A_223 = tpu.memref_slice %arg2[%dma_wait3A_220, %mul3A_2] : memref<18x65536xf32, #tpu.memory_space<hbm>> -> memref<1x2048xf32, #tpu.memory_space<hbm>>
    %dma_wait3A_224 = tpu.memref_squeeze %dma_wait3A_223 : memref<1x2048xf32, #tpu.memory_space<hbm>> -> memref<2048xf32, #tpu.memory_space<hbm>>
    %dma_wait3A_225 = arith.constant 10240 : i32
    %dma_wait3A_226 = tpu.memref_slice %arg7[%dma_wait3A_225] : memref<36864xf32, #tpu.memory_space<vmem>> -> memref<2048xf32, #tpu.memory_space<vmem>>
    %dma_wait3A_227 = tpu.memref_slice %arg2[%dma_wait3A_220, %mul3A_2] : memref<18x65536xf32, #tpu.memory_space<hbm>> -> memref<1x2048xf32, #tpu.memory_space<hbm>>
    %dma_wait3A_228 = tpu.memref_squeeze %dma_wait3A_227 : memref<1x2048xf32, #tpu.memory_space<hbm>> -> memref<2048xf32, #tpu.memory_space<hbm>>
    tpu.wait_dma2 semaphore(%arg12 : memref<!tpu.dma_semaphore, #tpu.memory_space<semaphore_mem>>) src(%dma_wait3A_228 : memref<2048xf32, #tpu.memory_space<hbm>>) dst(%dma_wait3A_226 : memref<2048xf32, #tpu.memory_space<vmem>>)
    %dma_wait3A_229 = arith.constant 6 : i32
    %dma_wait3A_230 = arith.constant 12288 : i32
    %dma_wait3A_231 = tpu.memref_slice %arg7[%dma_wait3A_230] : memref<36864xf32, #tpu.memory_space<vmem>> -> memref<2048xf32, #tpu.memory_space<vmem>>
    %dma_wait3A_232 = tpu.memref_slice %arg2[%dma_wait3A_229, %mul3A_2] : memref<18x65536xf32, #tpu.memory_space<hbm>> -> memref<1x2048xf32, #tpu.memory_space<hbm>>
    %dma_wait3A_233 = tpu.memref_squeeze %dma_wait3A_232 : memref<1x2048xf32, #tpu.memory_space<hbm>> -> memref<2048xf32, #tpu.memory_space<hbm>>
    %dma_wait3A_234 = arith.constant 12288 : i32
    %dma_wait3A_235 = tpu.memref_slice %arg7[%dma_wait3A_234] : memref<36864xf32, #tpu.memory_space<vmem>> -> memref<2048xf32, #tpu.memory_space<vmem>>
    %dma_wait3A_236 = tpu.memref_slice %arg2[%dma_wait3A_229, %mul3A_2] : memref<18x65536xf32, #tpu.memory_space<hbm>> -> memref<1x2048xf32, #tpu.memory_space<hbm>>
    %dma_wait3A_237 = tpu.memref_squeeze %dma_wait3A_236 : memref<1x2048xf32, #tpu.memory_space<hbm>> -> memref<2048xf32, #tpu.memory_space<hbm>>
    tpu.wait_dma2 semaphore(%arg12 : memref<!tpu.dma_semaphore, #tpu.memory_space<semaphore_mem>>) src(%dma_wait3A_237 : memref<2048xf32, #tpu.memory_space<hbm>>) dst(%dma_wait3A_235 : memref<2048xf32, #tpu.memory_space<vmem>>)
    %dma_wait3A_238 = arith.constant 7 : i32
    %dma_wait3A_239 = arith.constant 14336 : i32
    %dma_wait3A_240 = tpu.memref_slice %arg7[%dma_wait3A_239] : memref<36864xf32, #tpu.memory_space<vmem>> -> memref<2048xf32, #tpu.memory_space<vmem>>
    %dma_wait3A_241 = tpu.memref_slice %arg2[%dma_wait3A_238, %mul3A_2] : memref<18x65536xf32, #tpu.memory_space<hbm>> -> memref<1x2048xf32, #tpu.memory_space<hbm>>
    %dma_wait3A_242 = tpu.memref_squeeze %dma_wait3A_241 : memref<1x2048xf32, #tpu.memory_space<hbm>> -> memref<2048xf32, #tpu.memory_space<hbm>>
    %dma_wait3A_243 = arith.constant 14336 : i32
    %dma_wait3A_244 = tpu.memref_slice %arg7[%dma_wait3A_243] : memref<36864xf32, #tpu.memory_space<vmem>> -> memref<2048xf32, #tpu.memory_space<vmem>>
    %dma_wait3A_245 = tpu.memref_slice %arg2[%dma_wait3A_238, %mul3A_2] : memref<18x65536xf32, #tpu.memory_space<hbm>> -> memref<1x2048xf32, #tpu.memory_space<hbm>>
    %dma_wait3A_246 = tpu.memref_squeeze %dma_wait3A_245 : memref<1x2048xf32, #tpu.memory_space<hbm>> -> memref<2048xf32, #tpu.memory_space<hbm>>
    tpu.wait_dma2 semaphore(%arg12 : memref<!tpu.dma_semaphore, #tpu.memory_space<semaphore_mem>>) src(%dma_wait3A_246 : memref<2048xf32, #tpu.memory_space<hbm>>) dst(%dma_wait3A_244 : memref<2048xf32, #tpu.memory_space<vmem>>)
    %dma_wait3A_247 = arith.constant 8 : i32
    %dma_wait3A_248 = arith.constant 16384 : i32
    %dma_wait3A_249 = tpu.memref_slice %arg7[%dma_wait3A_248] : memref<36864xf32, #tpu.memory_space<vmem>> -> memref<2048xf32, #tpu.memory_space<vmem>>
    %dma_wait3A_250 = tpu.memref_slice %arg2[%dma_wait3A_247, %mul3A_2] : memref<18x65536xf32, #tpu.memory_space<hbm>> -> memref<1x2048xf32, #tpu.memory_space<hbm>>
    %dma_wait3A_251 = tpu.memref_squeeze %dma_wait3A_250 : memref<1x2048xf32, #tpu.memory_space<hbm>> -> memref<2048xf32, #tpu.memory_space<hbm>>
    %dma_wait3A_252 = arith.constant 16384 : i32
    %dma_wait3A_253 = tpu.memref_slice %arg7[%dma_wait3A_252] : memref<36864xf32, #tpu.memory_space<vmem>> -> memref<2048xf32, #tpu.memory_space<vmem>>
    %dma_wait3A_254 = tpu.memref_slice %arg2[%dma_wait3A_247, %mul3A_2] : memref<18x65536xf32, #tpu.memory_space<hbm>> -> memref<1x2048xf32, #tpu.memory_space<hbm>>
    %dma_wait3A_255 = tpu.memref_squeeze %dma_wait3A_254 : memref<1x2048xf32, #tpu.memory_space<hbm>> -> memref<2048xf32, #tpu.memory_space<hbm>>
    tpu.wait_dma2 semaphore(%arg12 : memref<!tpu.dma_semaphore, #tpu.memory_space<semaphore_mem>>) src(%dma_wait3A_255 : memref<2048xf32, #tpu.memory_space<hbm>>) dst(%dma_wait3A_253 : memref<2048xf32, #tpu.memory_space<vmem>>)
    %dma_wait3A_256 = arith.constant 9 : i32
    %dma_wait3A_257 = arith.constant 18432 : i32
    %dma_wait3A_258 = tpu.memref_slice %arg7[%dma_wait3A_257] : memref<36864xf32, #tpu.memory_space<vmem>> -> memref<2048xf32, #tpu.memory_space<vmem>>
    %dma_wait3A_259 = tpu.memref_slice %arg2[%dma_wait3A_256, %mul3A_2] : memref<18x65536xf32, #tpu.memory_space<hbm>> -> memref<1x2048xf32, #tpu.memory_space<hbm>>
    %dma_wait3A_260 = tpu.memref_squeeze %dma_wait3A_259 : memref<1x2048xf32, #tpu.memory_space<hbm>> -> memref<2048xf32, #tpu.memory_space<hbm>>
    %dma_wait3A_261 = arith.constant 18432 : i32
    %dma_wait3A_262 = tpu.memref_slice %arg7[%dma_wait3A_261] : memref<36864xf32, #tpu.memory_space<vmem>> -> memref<2048xf32, #tpu.memory_space<vmem>>
    %dma_wait3A_263 = tpu.memref_slice %arg2[%dma_wait3A_256, %mul3A_2] : memref<18x65536xf32, #tpu.memory_space<hbm>> -> memref<1x2048xf32, #tpu.memory_space<hbm>>
    %dma_wait3A_264 = tpu.memref_squeeze %dma_wait3A_263 : memref<1x2048xf32, #tpu.memory_space<hbm>> -> memref<2048xf32, #tpu.memory_space<hbm>>
    tpu.wait_dma2 semaphore(%arg12 : memref<!tpu.dma_semaphore, #tpu.memory_space<semaphore_mem>>) src(%dma_wait3A_264 : memref<2048xf32, #tpu.memory_space<hbm>>) dst(%dma_wait3A_262 : memref<2048xf32, #tpu.memory_space<vmem>>)
    %dma_wait3A_265 = arith.constant 10 : i32
    %dma_wait3A_266 = arith.constant 20480 : i32
    %dma_wait3A_267 = tpu.memref_slice %arg7[%dma_wait3A_266] : memref<36864xf32, #tpu.memory_space<vmem>> -> memref<2048xf32, #tpu.memory_space<vmem>>
    %dma_wait3A_268 = tpu.memref_slice %arg2[%dma_wait3A_265, %mul3A_2] : memref<18x65536xf32, #tpu.memory_space<hbm>> -> memref<1x2048xf32, #tpu.memory_space<hbm>>
    %dma_wait3A_269 = tpu.memref_squeeze %dma_wait3A_268 : memref<1x2048xf32, #tpu.memory_space<hbm>> -> memref<2048xf32, #tpu.memory_space<hbm>>
    %dma_wait3A_270 = arith.constant 20480 : i32
    %dma_wait3A_271 = tpu.memref_slice %arg7[%dma_wait3A_270] : memref<36864xf32, #tpu.memory_space<vmem>> -> memref<2048xf32, #tpu.memory_space<vmem>>
    %dma_wait3A_272 = tpu.memref_slice %arg2[%dma_wait3A_265, %mul3A_2] : memref<18x65536xf32, #tpu.memory_space<hbm>> -> memref<1x2048xf32, #tpu.memory_space<hbm>>
    %dma_wait3A_273 = tpu.memref_squeeze %dma_wait3A_272 : memref<1x2048xf32, #tpu.memory_space<hbm>> -> memref<2048xf32, #tpu.memory_space<hbm>>
    tpu.wait_dma2 semaphore(%arg12 : memref<!tpu.dma_semaphore, #tpu.memory_space<semaphore_mem>>) src(%dma_wait3A_273 : memref<2048xf32, #tpu.memory_space<hbm>>) dst(%dma_wait3A_271 : memref<2048xf32, #tpu.memory_space<vmem>>)
    %dma_wait3A_274 = arith.constant 11 : i32
    %dma_wait3A_275 = arith.constant 22528 : i32
    %dma_wait3A_276 = tpu.memref_slice %arg7[%dma_wait3A_275] : memref<36864xf32, #tpu.memory_space<vmem>> -> memref<2048xf32, #tpu.memory_space<vmem>>
    %dma_wait3A_277 = tpu.memref_slice %arg2[%dma_wait3A_274, %mul3A_2] : memref<18x65536xf32, #tpu.memory_space<hbm>> -> memref<1x2048xf32, #tpu.memory_space<hbm>>
    %dma_wait3A_278 = tpu.memref_squeeze %dma_wait3A_277 : memref<1x2048xf32, #tpu.memory_space<hbm>> -> memref<2048xf32, #tpu.memory_space<hbm>>
    %dma_wait3A_279 = arith.constant 22528 : i32
    %dma_wait3A_280 = tpu.memref_slice %arg7[%dma_wait3A_279] : memref<36864xf32, #tpu.memory_space<vmem>> -> memref<2048xf32, #tpu.memory_space<vmem>>
    %dma_wait3A_281 = tpu.memref_slice %arg2[%dma_wait3A_274, %mul3A_2] : memref<18x65536xf32, #tpu.memory_space<hbm>> -> memref<1x2048xf32, #tpu.memory_space<hbm>>
    %dma_wait3A_282 = tpu.memref_squeeze %dma_wait3A_281 : memref<1x2048xf32, #tpu.memory_space<hbm>> -> memref<2048xf32, #tpu.memory_space<hbm>>
    tpu.wait_dma2 semaphore(%arg12 : memref<!tpu.dma_semaphore, #tpu.memory_space<semaphore_mem>>) src(%dma_wait3A_282 : memref<2048xf32, #tpu.memory_space<hbm>>) dst(%dma_wait3A_280 : memref<2048xf32, #tpu.memory_space<vmem>>)
    %dma_wait3A_283 = arith.constant 12 : i32
    %dma_wait3A_284 = arith.constant 24576 : i32
    %dma_wait3A_285 = tpu.memref_slice %arg7[%dma_wait3A_284] : memref<36864xf32, #tpu.memory_space<vmem>> -> memref<2048xf32, #tpu.memory_space<vmem>>
    %dma_wait3A_286 = tpu.memref_slice %arg2[%dma_wait3A_283, %mul3A_2] : memref<18x65536xf32, #tpu.memory_space<hbm>> -> memref<1x2048xf32, #tpu.memory_space<hbm>>
    %dma_wait3A_287 = tpu.memref_squeeze %dma_wait3A_286 : memref<1x2048xf32, #tpu.memory_space<hbm>> -> memref<2048xf32, #tpu.memory_space<hbm>>
    %dma_wait3A_288 = arith.constant 24576 : i32
    %dma_wait3A_289 = tpu.memref_slice %arg7[%dma_wait3A_288] : memref<36864xf32, #tpu.memory_space<vmem>> -> memref<2048xf32, #tpu.memory_space<vmem>>
    %dma_wait3A_290 = tpu.memref_slice %arg2[%dma_wait3A_283, %mul3A_2] : memref<18x65536xf32, #tpu.memory_space<hbm>> -> memref<1x2048xf32, #tpu.memory_space<hbm>>
    %dma_wait3A_291 = tpu.memref_squeeze %dma_wait3A_290 : memref<1x2048xf32, #tpu.memory_space<hbm>> -> memref<2048xf32, #tpu.memory_space<hbm>>
    tpu.wait_dma2 semaphore(%arg12 : memref<!tpu.dma_semaphore, #tpu.memory_space<semaphore_mem>>) src(%dma_wait3A_291 : memref<2048xf32, #tpu.memory_space<hbm>>) dst(%dma_wait3A_289 : memref<2048xf32, #tpu.memory_space<vmem>>)
    %dma_wait3A_292 = arith.constant 13 : i32
    %dma_wait3A_293 = arith.constant 26624 : i32
    %dma_wait3A_294 = tpu.memref_slice %arg7[%dma_wait3A_293] : memref<36864xf32, #tpu.memory_space<vmem>> -> memref<2048xf32, #tpu.memory_space<vmem>>
    %dma_wait3A_295 = tpu.memref_slice %arg2[%dma_wait3A_292, %mul3A_2] : memref<18x65536xf32, #tpu.memory_space<hbm>> -> memref<1x2048xf32, #tpu.memory_space<hbm>>
    %dma_wait3A_296 = tpu.memref_squeeze %dma_wait3A_295 : memref<1x2048xf32, #tpu.memory_space<hbm>> -> memref<2048xf32, #tpu.memory_space<hbm>>
    %dma_wait3A_297 = arith.constant 26624 : i32
    %dma_wait3A_298 = tpu.memref_slice %arg7[%dma_wait3A_297] : memref<36864xf32, #tpu.memory_space<vmem>> -> memref<2048xf32, #tpu.memory_space<vmem>>
    %dma_wait3A_299 = tpu.memref_slice %arg2[%dma_wait3A_292, %mul3A_2] : memref<18x65536xf32, #tpu.memory_space<hbm>> -> memref<1x2048xf32, #tpu.memory_space<hbm>>
    %dma_wait3A_300 = tpu.memref_squeeze %dma_wait3A_299 : memref<1x2048xf32, #tpu.memory_space<hbm>> -> memref<2048xf32, #tpu.memory_space<hbm>>
    tpu.wait_dma2 semaphore(%arg12 : memref<!tpu.dma_semaphore, #tpu.memory_space<semaphore_mem>>) src(%dma_wait3A_300 : memref<2048xf32, #tpu.memory_space<hbm>>) dst(%dma_wait3A_298 : memref<2048xf32, #tpu.memory_space<vmem>>)
    %dma_wait3A_301 = arith.constant 14 : i32
    %dma_wait3A_302 = arith.constant 28672 : i32
    %dma_wait3A_303 = tpu.memref_slice %arg7[%dma_wait3A_302] : memref<36864xf32, #tpu.memory_space<vmem>> -> memref<2048xf32, #tpu.memory_space<vmem>>
    %dma_wait3A_304 = tpu.memref_slice %arg2[%dma_wait3A_301, %mul3A_2] : memref<18x65536xf32, #tpu.memory_space<hbm>> -> memref<1x2048xf32, #tpu.memory_space<hbm>>
    %dma_wait3A_305 = tpu.memref_squeeze %dma_wait3A_304 : memref<1x2048xf32, #tpu.memory_space<hbm>> -> memref<2048xf32, #tpu.memory_space<hbm>>
    %dma_wait3A_306 = arith.constant 28672 : i32
    %dma_wait3A_307 = tpu.memref_slice %arg7[%dma_wait3A_306] : memref<36864xf32, #tpu.memory_space<vmem>> -> memref<2048xf32, #tpu.memory_space<vmem>>
    %dma_wait3A_308 = tpu.memref_slice %arg2[%dma_wait3A_301, %mul3A_2] : memref<18x65536xf32, #tpu.memory_space<hbm>> -> memref<1x2048xf32, #tpu.memory_space<hbm>>
    %dma_wait3A_309 = tpu.memref_squeeze %dma_wait3A_308 : memref<1x2048xf32, #tpu.memory_space<hbm>> -> memref<2048xf32, #tpu.memory_space<hbm>>
    tpu.wait_dma2 semaphore(%arg12 : memref<!tpu.dma_semaphore, #tpu.memory_space<semaphore_mem>>) src(%dma_wait3A_309 : memref<2048xf32, #tpu.memory_space<hbm>>) dst(%dma_wait3A_307 : memref<2048xf32, #tpu.memory_space<vmem>>)
    %dma_wait3A_310 = arith.constant 15 : i32
    %dma_wait3A_311 = arith.constant 30720 : i32
    %dma_wait3A_312 = tpu.memref_slice %arg7[%dma_wait3A_311] : memref<36864xf32, #tpu.memory_space<vmem>> -> memref<2048xf32, #tpu.memory_space<vmem>>
    %dma_wait3A_313 = tpu.memref_slice %arg2[%dma_wait3A_310, %mul3A_2] : memref<18x65536xf32, #tpu.memory_space<hbm>> -> memref<1x2048xf32, #tpu.memory_space<hbm>>
    %dma_wait3A_314 = tpu.memref_squeeze %dma_wait3A_313 : memref<1x2048xf32, #tpu.memory_space<hbm>> -> memref<2048xf32, #tpu.memory_space<hbm>>
    %dma_wait3A_315 = arith.constant 30720 : i32
    %dma_wait3A_316 = tpu.memref_slice %arg7[%dma_wait3A_315] : memref<36864xf32, #tpu.memory_space<vmem>> -> memref<2048xf32, #tpu.memory_space<vmem>>
    %dma_wait3A_317 = tpu.memref_slice %arg2[%dma_wait3A_310, %mul3A_2] : memref<18x65536xf32, #tpu.memory_space<hbm>> -> memref<1x2048xf32, #tpu.memory_space<hbm>>
    %dma_wait3A_318 = tpu.memref_squeeze %dma_wait3A_317 : memref<1x2048xf32, #tpu.memory_space<hbm>> -> memref<2048xf32, #tpu.memory_space<hbm>>
    tpu.wait_dma2 semaphore(%arg12 : memref<!tpu.dma_semaphore, #tpu.memory_space<semaphore_mem>>) src(%dma_wait3A_318 : memref<2048xf32, #tpu.memory_space<hbm>>) dst(%dma_wait3A_316 : memref<2048xf32, #tpu.memory_space<vmem>>)
    %dma_wait3A_319 = arith.constant 16 : i32
    %dma_wait3A_320 = arith.constant 32768 : i32
    %dma_wait3A_321 = tpu.memref_slice %arg7[%dma_wait3A_320] : memref<36864xf32, #tpu.memory_space<vmem>> -> memref<2048xf32, #tpu.memory_space<vmem>>
    %dma_wait3A_322 = tpu.memref_slice %arg2[%dma_wait3A_319, %mul3A_2] : memref<18x65536xf32, #tpu.memory_space<hbm>> -> memref<1x2048xf32, #tpu.memory_space<hbm>>
    %dma_wait3A_323 = tpu.memref_squeeze %dma_wait3A_322 : memref<1x2048xf32, #tpu.memory_space<hbm>> -> memref<2048xf32, #tpu.memory_space<hbm>>
    %dma_wait3A_324 = arith.constant 32768 : i32
    %dma_wait3A_325 = tpu.memref_slice %arg7[%dma_wait3A_324] : memref<36864xf32, #tpu.memory_space<vmem>> -> memref<2048xf32, #tpu.memory_space<vmem>>
    %dma_wait3A_326 = tpu.memref_slice %arg2[%dma_wait3A_319, %mul3A_2] : memref<18x65536xf32, #tpu.memory_space<hbm>> -> memref<1x2048xf32, #tpu.memory_space<hbm>>
    %dma_wait3A_327 = tpu.memref_squeeze %dma_wait3A_326 : memref<1x2048xf32, #tpu.memory_space<hbm>> -> memref<2048xf32, #tpu.memory_space<hbm>>
    tpu.wait_dma2 semaphore(%arg12 : memref<!tpu.dma_semaphore, #tpu.memory_space<semaphore_mem>>) src(%dma_wait3A_327 : memref<2048xf32, #tpu.memory_space<hbm>>) dst(%dma_wait3A_325 : memref<2048xf32, #tpu.memory_space<vmem>>)
    %dma_wait3A_328 = arith.constant 17 : i32
    %dma_wait3A_329 = arith.constant 34816 : i32
    %dma_wait3A_330 = tpu.memref_slice %arg7[%dma_wait3A_329] : memref<36864xf32, #tpu.memory_space<vmem>> -> memref<2048xf32, #tpu.memory_space<vmem>>
    %dma_wait3A_331 = tpu.memref_slice %arg2[%dma_wait3A_328, %mul3A_2] : memref<18x65536xf32, #tpu.memory_space<hbm>> -> memref<1x2048xf32, #tpu.memory_space<hbm>>
    %dma_wait3A_332 = tpu.memref_squeeze %dma_wait3A_331 : memref<1x2048xf32, #tpu.memory_space<hbm>> -> memref<2048xf32, #tpu.memory_space<hbm>>
    %dma_wait3A_333 = arith.constant 34816 : i32
    %dma_wait3A_334 = tpu.memref_slice %arg7[%dma_wait3A_333] : memref<36864xf32, #tpu.memory_space<vmem>> -> memref<2048xf32, #tpu.memory_space<vmem>>
    %dma_wait3A_335 = tpu.memref_slice %arg2[%dma_wait3A_328, %mul3A_2] : memref<18x65536xf32, #tpu.memory_space<hbm>> -> memref<1x2048xf32, #tpu.memory_space<hbm>>
    %dma_wait3A_336 = tpu.memref_squeeze %dma_wait3A_335 : memref<1x2048xf32, #tpu.memory_space<hbm>> -> memref<2048xf32, #tpu.memory_space<hbm>>
    tpu.wait_dma2 semaphore(%arg12 : memref<!tpu.dma_semaphore, #tpu.memory_space<semaphore_mem>>) src(%dma_wait3A_336 : memref<2048xf32, #tpu.memory_space<hbm>>) dst(%dma_wait3A_334 : memref<2048xf32, #tpu.memory_space<vmem>>)
    %dma_wait3A_337 = tpu.memref_slice %arg3[%mul3A_2] : memref<65536xi32, #tpu.memory_space<hbm>> -> memref<2048xi32, #tpu.memory_space<hbm>>
    %dma_wait3A_338 = tpu.memref_slice %arg3[%mul3A_2] : memref<65536xi32, #tpu.memory_space<hbm>> -> memref<2048xi32, #tpu.memory_space<hbm>>
    tpu.wait_dma2 semaphore(%arg12 : memref<!tpu.dma_semaphore, #tpu.memory_space<semaphore_mem>>) src(%dma_wait3A_338 : memref<2048xi32, #tpu.memory_space<hbm>>) dst(%arg8 : memref<2048xi32, #tpu.memory_space<vmem>>)
    tpu.wait_dma2 semaphore(%arg12 : memref<!tpu.dma_semaphore, #tpu.memory_space<semaphore_mem>>) src(%arg4 : memref<32xf32, #tpu.memory_space<hbm>>) dst(%arg9 : memref<32xf32, #tpu.memory_space<vmem>>)
    %iota3A = tpu.iota {dimensions = array<i32: 0>} : vector<16xi32>
    %broadcast_in_dim3A_339 = arith.constant 0.000000e+00 : f32
    %broadcast_in_dim3A_340 = vector.broadcast %broadcast_in_dim3A_339 : f32 to vector<16xf32>
    %scan3A_341 = arith.constant 0 : i32
    %scan3A_342 = arith.constant 32 : i32
    %scan3A_343 = arith.addi %scan3A_341, %scan3A_342 : i32
    %scan3A_344 = arith.constant 1 : i32
    %scan3A_345:4 = scf.for %scan3A_724 = %scan3A_341 to %scan3A_343 step %scan3A_344 iter_args(%scan3A_725 = %broadcast_in_dim3A_340, %scan3A_726 = %broadcast_in_dim3A_340, %scan3A_727 = %broadcast_in_dim3A_340, %scan3A_728 = %broadcast_in_dim3A_340) -> (vector<16xf32>, vector<16xf32>, vector<16xf32>, vector<16xf32>)  : i32 {
      %mul3A_729 = arith.constant 64 : i32
      %mul3A_730 = arith.muli %scan3A_724, %mul3A_729 : i32
      %get3A = arith.index_cast %mul3A_730 : i32 to index
      %get3A_731 = tpu.vector_load %arg8[%get3A] {strides = array<i32>} : memref<2048xi32, #tpu.memory_space<vmem>>, vector<16xi32>,
      %add3A_732 = arith.constant 0 : i32
      %add3A_733 = arith.addi %add3A_732, %mul3A_730 : i32
      %get3A_734 = arith.index_cast %add3A_733 : i32 to index
      %get3A_735 = tpu.vector_load %arg7[%get3A_734] {strides = array<i32>} : memref<36864xf32, #tpu.memory_space<vmem>>, vector<16xf32>,
      %exp3A = math.exp %get3A_735 : vector<16xf32>
      %add3A_736 = arith.constant 2048 : i32
      %add3A_737 = arith.addi %add3A_736, %mul3A_730 : i32
      %get3A_738 = arith.index_cast %add3A_737 : i32 to index
      %get3A_739 = tpu.vector_load %arg7[%get3A_738] {strides = array<i32>} : memref<36864xf32, #tpu.memory_space<vmem>>, vector<16xf32>,
      %exp3A_740 = math.exp %get3A_739 : vector<16xf32>
      %add3A_741 = arith.constant 4096 : i32
      %add3A_742 = arith.addi %add3A_741, %mul3A_730 : i32
      %get3A_743 = arith.index_cast %add3A_742 : i32 to index
      %get3A_744 = tpu.vector_load %arg7[%get3A_743] {strides = array<i32>} : memref<36864xf32, #tpu.memory_space<vmem>>, vector<16xf32>,
      %exp3A_745 = math.exp %get3A_744 : vector<16xf32>
      %add3A_746 = arith.constant 6144 : i32
      %add3A_747 = arith.addi %add3A_746, %mul3A_730 : i32
      %get3A_748 = arith.index_cast %add3A_747 : i32 to index
      %get3A_749 = tpu.vector_load %arg7[%get3A_748] {strides = array<i32>} : memref<36864xf32, #tpu.memory_space<vmem>>, vector<16xf32>,
      %exp3A_750 = math.exp %get3A_749 : vector<16xf32>
      %add3A_751 = arith.constant 8192 : i32
      %add3A_752 = arith.addi %add3A_751, %mul3A_730 : i32
      %get3A_753 = arith.index_cast %add3A_752 : i32 to index
      %get3A_754 = tpu.vector_load %arg7[%get3A_753] {strides = array<i32>} : memref<36864xf32, #tpu.memory_space<vmem>>, vector<16xf32>,
      %exp3A_755 = math.exp %get3A_754 : vector<16xf32>
      %add3A_756 = arith.constant 10240 : i32
      %add3A_757 = arith.addi %add3A_756, %mul3A_730 : i32
      %get3A_758 = arith.index_cast %add3A_757 : i32 to index
      %get3A_759 = tpu.vector_load %arg7[%get3A_758] {strides = array<i32>} : memref<36864xf32, #tpu.memory_space<vmem>>, vector<16xf32>,
      %exp3A_760 = math.exp %get3A_759 : vector<16xf32>
      %add3A_761 = arith.constant 12288 : i32
      %add3A_762 = arith.addi %add3A_761, %mul3A_730 : i32
      %get3A_763 = arith.index_cast %add3A_762 : i32 to index
      %get3A_764 = tpu.vector_load %arg7[%get3A_763] {strides = array<i32>} : memref<36864xf32, #tpu.memory_space<vmem>>, vector<16xf32>,
      %exp3A_765 = math.exp %get3A_764 : vector<16xf32>
      %add3A_766 = arith.constant 14336 : i32
      %add3A_767 = arith.addi %add3A_766, %mul3A_730 : i32
      %get3A_768 = arith.index_cast %add3A_767 : i32 to index
      %get3A_769 = tpu.vector_load %arg7[%get3A_768] {strides = array<i32>} : memref<36864xf32, #tpu.memory_space<vmem>>, vector<16xf32>,
      %exp3A_770 = math.exp %get3A_769 : vector<16xf32>
      %add3A_771 = arith.constant 16384 : i32
      %add3A_772 = arith.addi %add3A_771, %mul3A_730 : i32
      %get3A_773 = arith.index_cast %add3A_772 : i32 to index
      %get3A_774 = tpu.vector_load %arg7[%get3A_773] {strides = array<i32>} : memref<36864xf32, #tpu.memory_space<vmem>>, vector<16xf32>,
      %exp3A_775 = math.exp %get3A_774 : vector<16xf32>
      %add3A_776 = arith.constant 18432 : i32
      %add3A_777 = arith.addi %add3A_776, %mul3A_730 : i32
      %get3A_778 = arith.index_cast %add3A_777 : i32 to index
      %get3A_779 = tpu.vector_load %arg7[%get3A_778] {strides = array<i32>} : memref<36864xf32, #tpu.memory_space<vmem>>, vector<16xf32>,
      %exp3A_780 = math.exp %get3A_779 : vector<16xf32>
      %add3A_781 = arith.constant 20480 : i32
      %add3A_782 = arith.addi %add3A_781, %mul3A_730 : i32
      %get3A_783 = arith.index_cast %add3A_782 : i32 to index
      %get3A_784 = tpu.vector_load %arg7[%get3A_783] {strides = array<i32>} : memref<36864xf32, #tpu.memory_space<vmem>>, vector<16xf32>,
      %exp3A_785 = math.exp %get3A_784 : vector<16xf32>
      %add3A_786 = arith.constant 22528 : i32
      %add3A_787 = arith.addi %add3A_786, %mul3A_730 : i32
      %get3A_788 = arith.index_cast %add3A_787 : i32 to index
      %get3A_789 = tpu.vector_load %arg7[%get3A_788] {strides = array<i32>} : memref<36864xf32, #tpu.memory_space<vmem>>, vector<16xf32>,
      %exp3A_790 = math.exp %get3A_789 : vector<16xf32>
      %add3A_791 = arith.constant 24576 : i32
      %add3A_792 = arith.addi %add3A_791, %mul3A_730 : i32
      %get3A_793 = arith.index_cast %add3A_792 : i32 to index
      %get3A_794 = tpu.vector_load %arg7[%get3A_793] {strides = array<i32>} : memref<36864xf32, #tpu.memory_space<vmem>>, vector<16xf32>,
      %exp3A_795 = math.exp %get3A_794 : vector<16xf32>
      %add3A_796 = arith.constant 26624 : i32
      %add3A_797 = arith.addi %add3A_796, %mul3A_730 : i32
      %get3A_798 = arith.index_cast %add3A_797 : i32 to index
      %get3A_799 = tpu.vector_load %arg7[%get3A_798] {strides = array<i32>} : memref<36864xf32, #tpu.memory_space<vmem>>, vector<16xf32>,
      %exp3A_800 = math.exp %get3A_799 : vector<16xf32>
      %add3A_801 = arith.constant 28672 : i32
      %add3A_802 = arith.addi %add3A_801, %mul3A_730 : i32
      %get3A_803 = arith.index_cast %add3A_802 : i32 to index
      %get3A_804 = tpu.vector_load %arg7[%get3A_803] {strides = array<i32>} : memref<36864xf32, #tpu.memory_space<vmem>>, vector<16xf32>,
      %exp3A_805 = math.exp %get3A_804 : vector<16xf32>
      %add3A_806 = arith.constant 30720 : i32
      %add3A_807 = arith.addi %add3A_806, %mul3A_730 : i32
      %get3A_808 = arith.index_cast %add3A_807 : i32 to index
      %get3A_809 = tpu.vector_load %arg7[%get3A_808] {strides = array<i32>} : memref<36864xf32, #tpu.memory_space<vmem>>, vector<16xf32>,
      %exp3A_810 = math.exp %get3A_809 : vector<16xf32>
      %add3A_811 = arith.constant 32768 : i32
      %add3A_812 = arith.addi %add3A_811, %mul3A_730 : i32
      %get3A_813 = arith.index_cast %add3A_812 : i32 to index
      %get3A_814 = tpu.vector_load %arg7[%get3A_813] {strides = array<i32>} : memref<36864xf32, #tpu.memory_space<vmem>>, vector<16xf32>,
      %exp3A_815 = math.exp %get3A_814 : vector<16xf32>
      %add3A_816 = arith.constant 34816 : i32
      %add3A_817 = arith.addi %add3A_816, %mul3A_730 : i32
      %get3A_818 = arith.index_cast %add3A_817 : i32 to index
      %get3A_819 = tpu.vector_load %arg7[%get3A_818] {strides = array<i32>} : memref<36864xf32, #tpu.memory_space<vmem>>, vector<16xf32>,
      %exp3A_820 = math.exp %get3A_819 : vector<16xf32>
      %add3A_821 = arith.addf %exp3A, %exp3A_740 : vector<16xf32>
      %add3A_822 = arith.addf %exp3A_745, %exp3A_750 : vector<16xf32>
      %add3A_823 = arith.addf %exp3A_755, %exp3A_760 : vector<16xf32>
      %add3A_824 = arith.addf %exp3A_765, %exp3A_770 : vector<16xf32>
      %add3A_825 = arith.addf %exp3A_775, %exp3A_780 : vector<16xf32>
      %add3A_826 = arith.addf %exp3A_785, %exp3A_790 : vector<16xf32>
      %add3A_827 = arith.addf %exp3A_795, %exp3A_800 : vector<16xf32>
      %add3A_828 = arith.addf %exp3A_805, %exp3A_810 : vector<16xf32>
      %add3A_829 = arith.addf %exp3A_815, %exp3A_820 : vector<16xf32>
      %add3A_830 = arith.addf %add3A_821, %add3A_822 : vector<16xf32>
      %add3A_831 = arith.addf %add3A_823, %add3A_824 : vector<16xf32>
      %add3A_832 = arith.addf %add3A_825, %add3A_826 : vector<16xf32>
      %add3A_833 = arith.addf %add3A_827, %add3A_828 : vector<16xf32>
      %add3A_834 = arith.addf %add3A_830, %add3A_831 : vector<16xf32>
      %add3A_835 = arith.addf %add3A_832, %add3A_833 : vector<16xf32>
      %add3A_836 = arith.addf %add3A_834, %add3A_835 : vector<16xf32>
      %add3A_837 = arith.addf %add3A_836, %add3A_829 : vector<16xf32>
      %div3A = arith.constant 1.000000e+00 : f32
      %div3A_838 = vector.broadcast %div3A : f32 to vector<16xf32>
      %div3A_839 = arith.divf %div3A_838, %add3A_837 : vector<16xf32>
      %mul3A_840 = arith.constant 2.555000e+02 : f32
      %mul3A_841 = vector.broadcast %mul3A_840 : f32 to vector<16xf32>
      %mul3A_842 = arith.mulf %mul3A_841, %div3A_839 : vector<16xf32>
      %mul3A_843 = arith.mulf %exp3A, %mul3A_842 : vector<16xf32>
      %convert_element_type3A = arith.fptosi %mul3A_843 : vector<16xf32> to vector<16xi32>
      %add3A_844 = arith.constant 0 : i32
      %add3A_845 = vector.broadcast %add3A_844 : i32 to vector<16xi32>
      %add3A_846 = arith.addi %convert_element_type3A, %add3A_845 : vector<16xi32>
      tpu.vector_store_idx %arg10[%add3A_846], %broadcast_in_dim3A_168 {add = true} : memref<9216xf32, #tpu.memory_space<vmem>>[vector<16xi32>], vector<16xf32>,
      %mul3A_847 = arith.mulf %exp3A_740, %mul3A_842 : vector<16xf32>
      %convert_element_type3A_848 = arith.fptosi %mul3A_847 : vector<16xf32> to vector<16xi32>
      %add3A_849 = arith.constant 512 : i32
      %add3A_850 = vector.broadcast %add3A_849 : i32 to vector<16xi32>
      %add3A_851 = arith.addi %convert_element_type3A_848, %add3A_850 : vector<16xi32>
      tpu.vector_store_idx %arg10[%add3A_851], %broadcast_in_dim3A_168 {add = true} : memref<9216xf32, #tpu.memory_space<vmem>>[vector<16xi32>], vector<16xf32>,
      %mul3A_852 = arith.mulf %exp3A_745, %mul3A_842 : vector<16xf32>
      %convert_element_type3A_853 = arith.fptosi %mul3A_852 : vector<16xf32> to vector<16xi32>
      %add3A_854 = arith.constant 1024 : i32
      %add3A_855 = vector.broadcast %add3A_854 : i32 to vector<16xi32>
      %add3A_856 = arith.addi %convert_element_type3A_853, %add3A_855 : vector<16xi32>
      tpu.vector_store_idx %arg10[%add3A_856], %broadcast_in_dim3A_168 {add = true} : memref<9216xf32, #tpu.memory_space<vmem>>[vector<16xi32>], vector<16xf32>,
      %mul3A_857 = arith.mulf %exp3A_750, %mul3A_842 : vector<16xf32>
      %convert_element_type3A_858 = arith.fptosi %mul3A_857 : vector<16xf32> to vector<16xi32>
      %add3A_859 = arith.constant 1536 : i32
      %add3A_860 = vector.broadcast %add3A_859 : i32 to vector<16xi32>
      %add3A_861 = arith.addi %convert_element_type3A_858, %add3A_860 : vector<16xi32>
      tpu.vector_store_idx %arg10[%add3A_861], %broadcast_in_dim3A_168 {add = true} : memref<9216xf32, #tpu.memory_space<vmem>>[vector<16xi32>], vector<16xf32>,
      %mul3A_862 = arith.mulf %exp3A_755, %mul3A_842 : vector<16xf32>
      %convert_element_type3A_863 = arith.fptosi %mul3A_862 : vector<16xf32> to vector<16xi32>
      %add3A_864 = arith.constant 2048 : i32
      %add3A_865 = vector.broadcast %add3A_864 : i32 to vector<16xi32>
      %add3A_866 = arith.addi %convert_element_type3A_863, %add3A_865 : vector<16xi32>
      tpu.vector_store_idx %arg10[%add3A_866], %broadcast_in_dim3A_168 {add = true} : memref<9216xf32, #tpu.memory_space<vmem>>[vector<16xi32>], vector<16xf32>,
      %mul3A_867 = arith.mulf %exp3A_760, %mul3A_842 : vector<16xf32>
      %convert_element_type3A_868 = arith.fptosi %mul3A_867 : vector<16xf32> to vector<16xi32>
      %add3A_869 = arith.constant 2560 : i32
      %add3A_870 = vector.broadcast %add3A_869 : i32 to vector<16xi32>
      %add3A_871 = arith.addi %convert_element_type3A_868, %add3A_870 : vector<16xi32>
      tpu.vector_store_idx %arg10[%add3A_871], %broadcast_in_dim3A_168 {add = true} : memref<9216xf32, #tpu.memory_space<vmem>>[vector<16xi32>], vector<16xf32>,
      %mul3A_872 = arith.mulf %exp3A_765, %mul3A_842 : vector<16xf32>
      %convert_element_type3A_873 = arith.fptosi %mul3A_872 : vector<16xf32> to vector<16xi32>
      %add3A_874 = arith.constant 3072 : i32
      %add3A_875 = vector.broadcast %add3A_874 : i32 to vector<16xi32>
      %add3A_876 = arith.addi %convert_element_type3A_873, %add3A_875 : vector<16xi32>
      tpu.vector_store_idx %arg10[%add3A_876], %broadcast_in_dim3A_168 {add = true} : memref<9216xf32, #tpu.memory_space<vmem>>[vector<16xi32>], vector<16xf32>,
      %mul3A_877 = arith.mulf %exp3A_770, %mul3A_842 : vector<16xf32>
      %convert_element_type3A_878 = arith.fptosi %mul3A_877 : vector<16xf32> to vector<16xi32>
      %add3A_879 = arith.constant 3584 : i32
      %add3A_880 = vector.broadcast %add3A_879 : i32 to vector<16xi32>
      %add3A_881 = arith.addi %convert_element_type3A_878, %add3A_880 : vector<16xi32>
      tpu.vector_store_idx %arg10[%add3A_881], %broadcast_in_dim3A_168 {add = true} : memref<9216xf32, #tpu.memory_space<vmem>>[vector<16xi32>], vector<16xf32>,
      %mul3A_882 = arith.mulf %exp3A_775, %mul3A_842 : vector<16xf32>
      %convert_element_type3A_883 = arith.fptosi %mul3A_882 : vector<16xf32> to vector<16xi32>
      %add3A_884 = arith.constant 4096 : i32
      %add3A_885 = vector.broadcast %add3A_884 : i32 to vector<16xi32>
      %add3A_886 = arith.addi %convert_element_type3A_883, %add3A_885 : vector<16xi32>
      tpu.vector_store_idx %arg10[%add3A_886], %broadcast_in_dim3A_168 {add = true} : memref<9216xf32, #tpu.memory_space<vmem>>[vector<16xi32>], vector<16xf32>,
      %mul3A_887 = arith.mulf %exp3A_780, %mul3A_842 : vector<16xf32>
      %convert_element_type3A_888 = arith.fptosi %mul3A_887 : vector<16xf32> to vector<16xi32>
      %add3A_889 = arith.constant 4608 : i32
      %add3A_890 = vector.broadcast %add3A_889 : i32 to vector<16xi32>
      %add3A_891 = arith.addi %convert_element_type3A_888, %add3A_890 : vector<16xi32>
      tpu.vector_store_idx %arg10[%add3A_891], %broadcast_in_dim3A_168 {add = true} : memref<9216xf32, #tpu.memory_space<vmem>>[vector<16xi32>], vector<16xf32>,
      %mul3A_892 = arith.mulf %exp3A_785, %mul3A_842 : vector<16xf32>
      %convert_element_type3A_893 = arith.fptosi %mul3A_892 : vector<16xf32> to vector<16xi32>
      %add3A_894 = arith.constant 5120 : i32
      %add3A_895 = vector.broadcast %add3A_894 : i32 to vector<16xi32>
      %add3A_896 = arith.addi %convert_element_type3A_893, %add3A_895 : vector<16xi32>
      tpu.vector_store_idx %arg10[%add3A_896], %broadcast_in_dim3A_168 {add = true} : memref<9216xf32, #tpu.memory_space<vmem>>[vector<16xi32>], vector<16xf32>,
      %mul3A_897 = arith.mulf %exp3A_790, %mul3A_842 : vector<16xf32>
      %convert_element_type3A_898 = arith.fptosi %mul3A_897 : vector<16xf32> to vector<16xi32>
      %add3A_899 = arith.constant 5632 : i32
      %add3A_900 = vector.broadcast %add3A_899 : i32 to vector<16xi32>
      %add3A_901 = arith.addi %convert_element_type3A_898, %add3A_900 : vector<16xi32>
      tpu.vector_store_idx %arg10[%add3A_901], %broadcast_in_dim3A_168 {add = true} : memref<9216xf32, #tpu.memory_space<vmem>>[vector<16xi32>], vector<16xf32>,
      %mul3A_902 = arith.mulf %exp3A_795, %mul3A_842 : vector<16xf32>
      %convert_element_type3A_903 = arith.fptosi %mul3A_902 : vector<16xf32> to vector<16xi32>
      %add3A_904 = arith.constant 6144 : i32
      %add3A_905 = vector.broadcast %add3A_904 : i32 to vector<16xi32>
      %add3A_906 = arith.addi %convert_element_type3A_903, %add3A_905 : vector<16xi32>
      tpu.vector_store_idx %arg10[%add3A_906], %broadcast_in_dim3A_168 {add = true} : memref<9216xf32, #tpu.memory_space<vmem>>[vector<16xi32>], vector<16xf32>,
      %mul3A_907 = arith.mulf %exp3A_800, %mul3A_842 : vector<16xf32>
      %convert_element_type3A_908 = arith.fptosi %mul3A_907 : vector<16xf32> to vector<16xi32>
      %add3A_909 = arith.constant 6656 : i32
      %add3A_910 = vector.broadcast %add3A_909 : i32 to vector<16xi32>
      %add3A_911 = arith.addi %convert_element_type3A_908, %add3A_910 : vector<16xi32>
      tpu.vector_store_idx %arg10[%add3A_911], %broadcast_in_dim3A_168 {add = true} : memref<9216xf32, #tpu.memory_space<vmem>>[vector<16xi32>], vector<16xf32>,
      %mul3A_912 = arith.mulf %exp3A_805, %mul3A_842 : vector<16xf32>
      %convert_element_type3A_913 = arith.fptosi %mul3A_912 : vector<16xf32> to vector<16xi32>
      %add3A_914 = arith.constant 7168 : i32
      %add3A_915 = vector.broadcast %add3A_914 : i32 to vector<16xi32>
      %add3A_916 = arith.addi %convert_element_type3A_913, %add3A_915 : vector<16xi32>
      tpu.vector_store_idx %arg10[%add3A_916], %broadcast_in_dim3A_168 {add = true} : memref<9216xf32, #tpu.memory_space<vmem>>[vector<16xi32>], vector<16xf32>,
      %mul3A_917 = arith.mulf %exp3A_810, %mul3A_842 : vector<16xf32>
      %convert_element_type3A_918 = arith.fptosi %mul3A_917 : vector<16xf32> to vector<16xi32>
      %add3A_919 = arith.constant 7680 : i32
      %add3A_920 = vector.broadcast %add3A_919 : i32 to vector<16xi32>
      %add3A_921 = arith.addi %convert_element_type3A_918, %add3A_920 : vector<16xi32>
      tpu.vector_store_idx %arg10[%add3A_921], %broadcast_in_dim3A_168 {add = true} : memref<9216xf32, #tpu.memory_space<vmem>>[vector<16xi32>], vector<16xf32>,
      %mul3A_922 = arith.mulf %exp3A_815, %mul3A_842 : vector<16xf32>
      %convert_element_type3A_923 = arith.fptosi %mul3A_922 : vector<16xf32> to vector<16xi32>
      %add3A_924 = arith.constant 8192 : i32
      %add3A_925 = vector.broadcast %add3A_924 : i32 to vector<16xi32>
      %add3A_926 = arith.addi %convert_element_type3A_923, %add3A_925 : vector<16xi32>
      tpu.vector_store_idx %arg10[%add3A_926], %broadcast_in_dim3A_168 {add = true} : memref<9216xf32, #tpu.memory_space<vmem>>[vector<16xi32>], vector<16xf32>,
      %mul3A_927 = arith.mulf %exp3A_820, %mul3A_842 : vector<16xf32>
      %convert_element_type3A_928 = arith.fptosi %mul3A_927 : vector<16xf32> to vector<16xi32>
      %add3A_929 = arith.constant 8704 : i32
      %add3A_930 = vector.broadcast %add3A_929 : i32 to vector<16xi32>
      %add3A_931 = arith.addi %convert_element_type3A_928, %add3A_930 : vector<16xi32>
      tpu.vector_store_idx %arg10[%add3A_931], %broadcast_in_dim3A_168 {add = true} : memref<9216xf32, #tpu.memory_space<vmem>>[vector<16xi32>], vector<16xf32>,
      %mul3A_932 = arith.constant 2048 : i32
      %mul3A_933 = vector.broadcast %mul3A_932 : i32 to vector<16xi32>
      %mul3A_934 = arith.muli %get3A_731, %mul3A_933 : vector<16xi32>
      %add3A_935 = vector.broadcast %mul3A_730 : i32 to vector<16xi32>
      %add3A_936 = arith.addi %mul3A_934, %add3A_935 : vector<16xi32>
      %add3A_937 = arith.addi %add3A_936, %iota3A : vector<16xi32>
      %gather3A = tpu.vector_load_idx %arg7[%add3A_937] : memref<36864xf32, #tpu.memory_space<vmem>>[vector<16xi32>], vector<16xf32>,
      %gather3A_938 = tpu.vector_load_idx %arg9[%get3A_731] : memref<32xf32, #tpu.memory_space<vmem>>[vector<16xi32>], vector<16xf32>,
      %bitcast_convert_type3A = tpu.bitcast %add3A_837 : vector<16xf32> -> vector<16xi32>
      %shift_right_arithmetic3A = arith.constant 23 : i32
      %shift_right_arithmetic3A_939 = vector.broadcast %shift_right_arithmetic3A : i32 to vector<16xi32>
      %shift_right_arithmetic3A_940 = arith.shrsi %bitcast_convert_type3A, %shift_right_arithmetic3A_939 : vector<16xi32>
      %sub3A = arith.constant 127 : i32
      %sub3A_941 = vector.broadcast %sub3A : i32 to vector<16xi32>
      %sub3A_942 = arith.subi %shift_right_arithmetic3A_940, %sub3A_941 : vector<16xi32>
      %and3A = arith.constant 8388607 : i32
      %and3A_943 = vector.broadcast %and3A : i32 to vector<16xi32>
      %and3A_944 = arith.andi %bitcast_convert_type3A, %and3A_943 : vector<16xi32>
      %or3A = arith.constant 1065353216 : i32
      %or3A_945 = vector.broadcast %or3A : i32 to vector<16xi32>
      %or3A_946 = arith.ori %and3A_944, %or3A_945 : vector<16xi32>
      %bitcast_convert_type3A_947 = tpu.bitcast %or3A_946 : vector<16xi32> -> vector<16xf32>
      %sub3A_948 = arith.constant 1.000000e+00 : f32
      %sub3A_949 = vector.broadcast %sub3A_948 : f32 to vector<16xf32>
      %sub3A_950 = arith.subf %bitcast_convert_type3A_947, %sub3A_949 : vector<16xf32>
      %mul3A_951 = arith.constant 0.0147787211 : f32
      %mul3A_952 = vector.broadcast %mul3A_951 : f32 to vector<16xf32>
      %mul3A_953 = arith.mulf %mul3A_952, %sub3A_950 : vector<16xf32>
      %add3A_954 = arith.constant -0.076848723 : f32
      %add3A_955 = vector.broadcast %add3A_954 : f32 to vector<16xf32>
      %add3A_956 = arith.addf %mul3A_953, %add3A_955 : vector<16xf32>
      %mul3A_957 = arith.mulf %add3A_956, %sub3A_950 : vector<16xf32>
      %add3A_958 = arith.constant 0.190420836 : f32
      %add3A_959 = vector.broadcast %add3A_958 : f32 to vector<16xf32>
      %add3A_960 = arith.addf %mul3A_957, %add3A_959 : vector<16xf32>
      %mul3A_961 = arith.mulf %add3A_960, %sub3A_950 : vector<16xf32>
      %add3A_962 = arith.constant -0.323115945 : f32
      %add3A_963 = vector.broadcast %add3A_962 : f32 to vector<16xf32>
      %add3A_964 = arith.addf %mul3A_961, %add3A_963 : vector<16xf32>
      %mul3A_965 = arith.mulf %add3A_964, %sub3A_950 : vector<16xf32>
      %add3A_966 = arith.constant 0.47249952 : f32
      %add3A_967 = vector.broadcast %add3A_966 : f32 to vector<16xf32>
      %add3A_968 = arith.addf %mul3A_965, %add3A_967 : vector<16xf32>
      %mul3A_969 = arith.mulf %add3A_968, %sub3A_950 : vector<16xf32>
      %add3A_970 = arith.constant -0.720386624 : f32
      %add3A_971 = vector.broadcast %add3A_970 : f32 to vector<16xf32>
      %add3A_972 = arith.addf %mul3A_969, %add3A_971 : vector<16xf32>
      %mul3A_973 = arith.mulf %add3A_972, %sub3A_950 : vector<16xf32>
      %add3A_974 = arith.constant 1.44265211 : f32
      %add3A_975 = vector.broadcast %add3A_974 : f32 to vector<16xf32>
      %add3A_976 = arith.addf %mul3A_973, %add3A_975 : vector<16xf32>
      %mul3A_977 = arith.mulf %add3A_976, %sub3A_950 : vector<16xf32>
      %add3A_978 = arith.constant 3.19697818E-7 : f32
      %add3A_979 = vector.broadcast %add3A_978 : f32 to vector<16xf32>
      %add3A_980 = arith.addf %mul3A_977, %add3A_979 : vector<16xf32>
      %convert_element_type3A_981 = arith.sitofp %sub3A_942 : vector<16xi32> to vector<16xf32>
      %add3A_982 = arith.addf %convert_element_type3A_981, %add3A_980 : vector<16xf32>
      %mul3A_983 = arith.constant 0.693147182 : f32
      %mul3A_984 = vector.broadcast %mul3A_983 : f32 to vector<16xf32>
      %mul3A_985 = arith.mulf %add3A_982, %mul3A_984 : vector<16xf32>
      %sub3A_986 = arith.subf %mul3A_985, %gather3A : vector<16xf32>
      %mul3A_987 = arith.mulf %sub3A_986, %gather3A_938 : vector<16xf32>
      %add3A_988 = arith.addf %scan3A_725, %mul3A_987 : vector<16xf32>
      %add3A_989 = arith.addf %scan3A_726, %gather3A_938 : vector<16xf32>
      %exp3A_990 = math.exp %gather3A : vector<16xf32>
      %mul3A_991 = arith.mulf %exp3A_990, %mul3A_842 : vector<16xf32>
      %mul3A_992 = arith.constant 512 : i32
      %mul3A_993 = vector.broadcast %mul3A_992 : i32 to vector<16xi32>
      %mul3A_994 = arith.muli %get3A_731, %mul3A_993 : vector<16xi32>
      %convert_element_type3A_995 = arith.fptosi %mul3A_991 : vector<16xf32> to vector<16xi32>
      %add3A_996 = arith.addi %convert_element_type3A_995, %mul3A_994 : vector<16xi32>
      tpu.vector_store_idx %arg10[%add3A_996], %neg3A_170 {add = true} : memref<9216xf32, #tpu.memory_space<vmem>>[vector<16xi32>], vector<16xf32>,
      %sub3A_997 = arith.constant 2.555000e+02 : f32
      %sub3A_998 = vector.broadcast %sub3A_997 : f32 to vector<16xf32>
      %sub3A_999 = arith.subf %sub3A_998, %mul3A_991 : vector<16xf32>
      %convert_element_type3A_1000 = arith.fptosi %sub3A_999 : vector<16xf32> to vector<16xi32>
      %add3A_1001 = arith.addi %convert_element_type3A_1000, %mul3A_994 : vector<16xi32>
      tpu.vector_store_idx %arg10[%add3A_1001], %broadcast_in_dim3A_168 {add = true} : memref<9216xf32, #tpu.memory_space<vmem>>[vector<16xi32>], vector<16xf32>,
      %add3A_1002 = arith.constant 256 : i32
      %add3A_1003 = vector.broadcast %add3A_1002 : i32 to vector<16xi32>
      %add3A_1004 = arith.addi %add3A_1001, %add3A_1003 : vector<16xi32>
      tpu.vector_store_idx %arg10[%add3A_1004], %broadcast_in_dim3A_168 {add = true} : memref<9216xf32, #tpu.memory_space<vmem>>[vector<16xi32>], vector<16xf32>,
      %add3A_1005 = arith.constant 16 : i32
      %add3A_1006 = arith.addi %mul3A_730, %add3A_1005 : i32
      %get3A_1007 = arith.index_cast %add3A_1006 : i32 to index
      %get3A_1008 = tpu.vector_load %arg8[%get3A_1007] {strides = array<i32>} : memref<2048xi32, #tpu.memory_space<vmem>>, vector<16xi32>,
      %add3A_1009 = arith.constant 0 : i32
      %add3A_1010 = arith.addi %add3A_1009, %add3A_1006 : i32
      %get3A_1011 = arith.index_cast %add3A_1010 : i32 to index
      %get3A_1012 = tpu.vector_load %arg7[%get3A_1011] {strides = array<i32>} : memref<36864xf32, #tpu.memory_space<vmem>>, vector<16xf32>,
      %exp3A_1013 = math.exp %get3A_1012 : vector<16xf32>
      %add3A_1014 = arith.constant 2048 : i32
      %add3A_1015 = arith.addi %add3A_1014, %add3A_1006 : i32
      %get3A_1016 = arith.index_cast %add3A_1015 : i32 to index
      %get3A_1017 = tpu.vector_load %arg7[%get3A_1016] {strides = array<i32>} : memref<36864xf32, #tpu.memory_space<vmem>>, vector<16xf32>,
      %exp3A_1018 = math.exp %get3A_1017 : vector<16xf32>
      %add3A_1019 = arith.constant 4096 : i32
      %add3A_1020 = arith.addi %add3A_1019, %add3A_1006 : i32
      %get3A_1021 = arith.index_cast %add3A_1020 : i32 to index
      %get3A_1022 = tpu.vector_load %arg7[%get3A_1021] {strides = array<i32>} : memref<36864xf32, #tpu.memory_space<vmem>>, vector<16xf32>,
      %exp3A_1023 = math.exp %get3A_1022 : vector<16xf32>
      %add3A_1024 = arith.constant 6144 : i32
      %add3A_1025 = arith.addi %add3A_1024, %add3A_1006 : i32
      %get3A_1026 = arith.index_cast %add3A_1025 : i32 to index
      %get3A_1027 = tpu.vector_load %arg7[%get3A_1026] {strides = array<i32>} : memref<36864xf32, #tpu.memory_space<vmem>>, vector<16xf32>,
      %exp3A_1028 = math.exp %get3A_1027 : vector<16xf32>
      %add3A_1029 = arith.constant 8192 : i32
      %add3A_1030 = arith.addi %add3A_1029, %add3A_1006 : i32
      %get3A_1031 = arith.index_cast %add3A_1030 : i32 to index
      %get3A_1032 = tpu.vector_load %arg7[%get3A_1031] {strides = array<i32>} : memref<36864xf32, #tpu.memory_space<vmem>>, vector<16xf32>,
      %exp3A_1033 = math.exp %get3A_1032 : vector<16xf32>
      %add3A_1034 = arith.constant 10240 : i32
      %add3A_1035 = arith.addi %add3A_1034, %add3A_1006 : i32
      %get3A_1036 = arith.index_cast %add3A_1035 : i32 to index
      %get3A_1037 = tpu.vector_load %arg7[%get3A_1036] {strides = array<i32>} : memref<36864xf32, #tpu.memory_space<vmem>>, vector<16xf32>,
      %exp3A_1038 = math.exp %get3A_1037 : vector<16xf32>
      %add3A_1039 = arith.constant 12288 : i32
      %add3A_1040 = arith.addi %add3A_1039, %add3A_1006 : i32
      %get3A_1041 = arith.index_cast %add3A_1040 : i32 to index
      %get3A_1042 = tpu.vector_load %arg7[%get3A_1041] {strides = array<i32>} : memref<36864xf32, #tpu.memory_space<vmem>>, vector<16xf32>,
      %exp3A_1043 = math.exp %get3A_1042 : vector<16xf32>
      %add3A_1044 = arith.constant 14336 : i32
      %add3A_1045 = arith.addi %add3A_1044, %add3A_1006 : i32
      %get3A_1046 = arith.index_cast %add3A_1045 : i32 to index
      %get3A_1047 = tpu.vector_load %arg7[%get3A_1046] {strides = array<i32>} : memref<36864xf32, #tpu.memory_space<vmem>>, vector<16xf32>,
      %exp3A_1048 = math.exp %get3A_1047 : vector<16xf32>
      %add3A_1049 = arith.constant 16384 : i32
      %add3A_1050 = arith.addi %add3A_1049, %add3A_1006 : i32
      %get3A_1051 = arith.index_cast %add3A_1050 : i32 to index
      %get3A_1052 = tpu.vector_load %arg7[%get3A_1051] {strides = array<i32>} : memref<36864xf32, #tpu.memory_space<vmem>>, vector<16xf32>,
      %exp3A_1053 = math.exp %get3A_1052 : vector<16xf32>
      %add3A_1054 = arith.constant 18432 : i32
      %add3A_1055 = arith.addi %add3A_1054, %add3A_1006 : i32
      %get3A_1056 = arith.index_cast %add3A_1055 : i32 to index
      %get3A_1057 = tpu.vector_load %arg7[%get3A_1056] {strides = array<i32>} : memref<36864xf32, #tpu.memory_space<vmem>>, vector<16xf32>,
      %exp3A_1058 = math.exp %get3A_1057 : vector<16xf32>
      %add3A_1059 = arith.constant 20480 : i32
      %add3A_1060 = arith.addi %add3A_1059, %add3A_1006 : i32
      %get3A_1061 = arith.index_cast %add3A_1060 : i32 to index
      %get3A_1062 = tpu.vector_load %arg7[%get3A_1061] {strides = array<i32>} : memref<36864xf32, #tpu.memory_space<vmem>>, vector<16xf32>,
      %exp3A_1063 = math.exp %get3A_1062 : vector<16xf32>
      %add3A_1064 = arith.constant 22528 : i32
      %add3A_1065 = arith.addi %add3A_1064, %add3A_1006 : i32
      %get3A_1066 = arith.index_cast %add3A_1065 : i32 to index
      %get3A_1067 = tpu.vector_load %arg7[%get3A_1066] {strides = array<i32>} : memref<36864xf32, #tpu.memory_space<vmem>>, vector<16xf32>,
      %exp3A_1068 = math.exp %get3A_1067 : vector<16xf32>
      %add3A_1069 = arith.constant 24576 : i32
      %add3A_1070 = arith.addi %add3A_1069, %add3A_1006 : i32
      %get3A_1071 = arith.index_cast %add3A_1070 : i32 to index
      %get3A_1072 = tpu.vector_load %arg7[%get3A_1071] {strides = array<i32>} : memref<36864xf32, #tpu.memory_space<vmem>>, vector<16xf32>,
      %exp3A_1073 = math.exp %get3A_1072 : vector<16xf32>
      %add3A_1074 = arith.constant 26624 : i32
      %add3A_1075 = arith.addi %add3A_1074, %add3A_1006 : i32
      %get3A_1076 = arith.index_cast %add3A_1075 : i32 to index
      %get3A_1077 = tpu.vector_load %arg7[%get3A_1076] {strides = array<i32>} : memref<36864xf32, #tpu.memory_space<vmem>>, vector<16xf32>,
      %exp3A_1078 = math.exp %get3A_1077 : vector<16xf32>
      %add3A_1079 = arith.constant 28672 : i32
      %add3A_1080 = arith.addi %add3A_1079, %add3A_1006 : i32
      %get3A_1081 = arith.index_cast %add3A_1080 : i32 to index
      %get3A_1082 = tpu.vector_load %arg7[%get3A_1081] {strides = array<i32>} : memref<36864xf32, #tpu.memory_space<vmem>>, vector<16xf32>,
      %exp3A_1083 = math.exp %get3A_1082 : vector<16xf32>
      %add3A_1084 = arith.constant 30720 : i32
      %add3A_1085 = arith.addi %add3A_1084, %add3A_1006 : i32
      %get3A_1086 = arith.index_cast %add3A_1085 : i32 to index
      %get3A_1087 = tpu.vector_load %arg7[%get3A_1086] {strides = array<i32>} : memref<36864xf32, #tpu.memory_space<vmem>>, vector<16xf32>,
      %exp3A_1088 = math.exp %get3A_1087 : vector<16xf32>
      %add3A_1089 = arith.constant 32768 : i32
      %add3A_1090 = arith.addi %add3A_1089, %add3A_1006 : i32
      %get3A_1091 = arith.index_cast %add3A_1090 : i32 to index
      %get3A_1092 = tpu.vector_load %arg7[%get3A_1091] {strides = array<i32>} : memref<36864xf32, #tpu.memory_space<vmem>>, vector<16xf32>,
      %exp3A_1093 = math.exp %get3A_1092 : vector<16xf32>
      %add3A_1094 = arith.constant 34816 : i32
      %add3A_1095 = arith.addi %add3A_1094, %add3A_1006 : i32
      %get3A_1096 = arith.index_cast %add3A_1095 : i32 to index
      %get3A_1097 = tpu.vector_load %arg7[%get3A_1096] {strides = array<i32>} : memref<36864xf32, #tpu.memory_space<vmem>>, vector<16xf32>,
      %exp3A_1098 = math.exp %get3A_1097 : vector<16xf32>
      %add3A_1099 = arith.addf %exp3A_1013, %exp3A_1018 : vector<16xf32>
      %add3A_1100 = arith.addf %exp3A_1023, %exp3A_1028 : vector<16xf32>
      %add3A_1101 = arith.addf %exp3A_1033, %exp3A_1038 : vector<16xf32>
      %add3A_1102 = arith.addf %exp3A_1043, %exp3A_1048 : vector<16xf32>
      %add3A_1103 = arith.addf %exp3A_1053, %exp3A_1058 : vector<16xf32>
      %add3A_1104 = arith.addf %exp3A_1063, %exp3A_1068 : vector<16xf32>
      %add3A_1105 = arith.addf %exp3A_1073, %exp3A_1078 : vector<16xf32>
      %add3A_1106 = arith.addf %exp3A_1083, %exp3A_1088 : vector<16xf32>
      %add3A_1107 = arith.addf %exp3A_1093, %exp3A_1098 : vector<16xf32>
      %add3A_1108 = arith.addf %add3A_1099, %add3A_1100 : vector<16xf32>
      %add3A_1109 = arith.addf %add3A_1101, %add3A_1102 : vector<16xf32>
      %add3A_1110 = arith.addf %add3A_1103, %add3A_1104 : vector<16xf32>
      %add3A_1111 = arith.addf %add3A_1105, %add3A_1106 : vector<16xf32>
      %add3A_1112 = arith.addf %add3A_1108, %add3A_1109 : vector<16xf32>
      %add3A_1113 = arith.addf %add3A_1110, %add3A_1111 : vector<16xf32>
      %add3A_1114 = arith.addf %add3A_1112, %add3A_1113 : vector<16xf32>
      %add3A_1115 = arith.addf %add3A_1114, %add3A_1107 : vector<16xf32>
      %div3A_1116 = arith.constant 1.000000e+00 : f32
      %div3A_1117 = vector.broadcast %div3A_1116 : f32 to vector<16xf32>
      %div3A_1118 = arith.divf %div3A_1117, %add3A_1115 : vector<16xf32>
      %mul3A_1119 = arith.constant 2.555000e+02 : f32
      %mul3A_1120 = vector.broadcast %mul3A_1119 : f32 to vector<16xf32>
      %mul3A_1121 = arith.mulf %mul3A_1120, %div3A_1118 : vector<16xf32>
      %mul3A_1122 = arith.mulf %exp3A_1013, %mul3A_1121 : vector<16xf32>
      %convert_element_type3A_1123 = arith.fptosi %mul3A_1122 : vector<16xf32> to vector<16xi32>
      %add3A_1124 = arith.constant 0 : i32
      %add3A_1125 = vector.broadcast %add3A_1124 : i32 to vector<16xi32>
      %add3A_1126 = arith.addi %convert_element_type3A_1123, %add3A_1125 : vector<16xi32>
      tpu.vector_store_idx %arg10[%add3A_1126], %broadcast_in_dim3A_168 {add = true} : memref<9216xf32, #tpu.memory_space<vmem>>[vector<16xi32>], vector<16xf32>,
      %mul3A_1127 = arith.mulf %exp3A_1018, %mul3A_1121 : vector<16xf32>
      %convert_element_type3A_1128 = arith.fptosi %mul3A_1127 : vector<16xf32> to vector<16xi32>
      %add3A_1129 = arith.constant 512 : i32
      %add3A_1130 = vector.broadcast %add3A_1129 : i32 to vector<16xi32>
      %add3A_1131 = arith.addi %convert_element_type3A_1128, %add3A_1130 : vector<16xi32>
      tpu.vector_store_idx %arg10[%add3A_1131], %broadcast_in_dim3A_168 {add = true} : memref<9216xf32, #tpu.memory_space<vmem>>[vector<16xi32>], vector<16xf32>,
      %mul3A_1132 = arith.mulf %exp3A_1023, %mul3A_1121 : vector<16xf32>
      %convert_element_type3A_1133 = arith.fptosi %mul3A_1132 : vector<16xf32> to vector<16xi32>
      %add3A_1134 = arith.constant 1024 : i32
      %add3A_1135 = vector.broadcast %add3A_1134 : i32 to vector<16xi32>
      %add3A_1136 = arith.addi %convert_element_type3A_1133, %add3A_1135 : vector<16xi32>
      tpu.vector_store_idx %arg10[%add3A_1136], %broadcast_in_dim3A_168 {add = true} : memref<9216xf32, #tpu.memory_space<vmem>>[vector<16xi32>], vector<16xf32>,
      %mul3A_1137 = arith.mulf %exp3A_1028, %mul3A_1121 : vector<16xf32>
      %convert_element_type3A_1138 = arith.fptosi %mul3A_1137 : vector<16xf32> to vector<16xi32>
      %add3A_1139 = arith.constant 1536 : i32
      %add3A_1140 = vector.broadcast %add3A_1139 : i32 to vector<16xi32>
      %add3A_1141 = arith.addi %convert_element_type3A_1138, %add3A_1140 : vector<16xi32>
      tpu.vector_store_idx %arg10[%add3A_1141], %broadcast_in_dim3A_168 {add = true} : memref<9216xf32, #tpu.memory_space<vmem>>[vector<16xi32>], vector<16xf32>,
      %mul3A_1142 = arith.mulf %exp3A_1033, %mul3A_1121 : vector<16xf32>
      %convert_element_type3A_1143 = arith.fptosi %mul3A_1142 : vector<16xf32> to vector<16xi32>
      %add3A_1144 = arith.constant 2048 : i32
      %add3A_1145 = vector.broadcast %add3A_1144 : i32 to vector<16xi32>
      %add3A_1146 = arith.addi %convert_element_type3A_1143, %add3A_1145 : vector<16xi32>
      tpu.vector_store_idx %arg10[%add3A_1146], %broadcast_in_dim3A_168 {add = true} : memref<9216xf32, #tpu.memory_space<vmem>>[vector<16xi32>], vector<16xf32>,
      %mul3A_1147 = arith.mulf %exp3A_1038, %mul3A_1121 : vector<16xf32>
      %convert_element_type3A_1148 = arith.fptosi %mul3A_1147 : vector<16xf32> to vector<16xi32>
      %add3A_1149 = arith.constant 2560 : i32
      %add3A_1150 = vector.broadcast %add3A_1149 : i32 to vector<16xi32>
      %add3A_1151 = arith.addi %convert_element_type3A_1148, %add3A_1150 : vector<16xi32>
      tpu.vector_store_idx %arg10[%add3A_1151], %broadcast_in_dim3A_168 {add = true} : memref<9216xf32, #tpu.memory_space<vmem>>[vector<16xi32>], vector<16xf32>,
      %mul3A_1152 = arith.mulf %exp3A_1043, %mul3A_1121 : vector<16xf32>
      %convert_element_type3A_1153 = arith.fptosi %mul3A_1152 : vector<16xf32> to vector<16xi32>
      %add3A_1154 = arith.constant 3072 : i32
      %add3A_1155 = vector.broadcast %add3A_1154 : i32 to vector<16xi32>
      %add3A_1156 = arith.addi %convert_element_type3A_1153, %add3A_1155 : vector<16xi32>
      tpu.vector_store_idx %arg10[%add3A_1156], %broadcast_in_dim3A_168 {add = true} : memref<9216xf32, #tpu.memory_space<vmem>>[vector<16xi32>], vector<16xf32>,
      %mul3A_1157 = arith.mulf %exp3A_1048, %mul3A_1121 : vector<16xf32>
      %convert_element_type3A_1158 = arith.fptosi %mul3A_1157 : vector<16xf32> to vector<16xi32>
      %add3A_1159 = arith.constant 3584 : i32
      %add3A_1160 = vector.broadcast %add3A_1159 : i32 to vector<16xi32>
      %add3A_1161 = arith.addi %convert_element_type3A_1158, %add3A_1160 : vector<16xi32>
      tpu.vector_store_idx %arg10[%add3A_1161], %broadcast_in_dim3A_168 {add = true} : memref<9216xf32, #tpu.memory_space<vmem>>[vector<16xi32>], vector<16xf32>,
      %mul3A_1162 = arith.mulf %exp3A_1053, %mul3A_1121 : vector<16xf32>
      %convert_element_type3A_1163 = arith.fptosi %mul3A_1162 : vector<16xf32> to vector<16xi32>
      %add3A_1164 = arith.constant 4096 : i32
      %add3A_1165 = vector.broadcast %add3A_1164 : i32 to vector<16xi32>
      %add3A_1166 = arith.addi %convert_element_type3A_1163, %add3A_1165 : vector<16xi32>
      tpu.vector_store_idx %arg10[%add3A_1166], %broadcast_in_dim3A_168 {add = true} : memref<9216xf32, #tpu.memory_space<vmem>>[vector<16xi32>], vector<16xf32>,
      %mul3A_1167 = arith.mulf %exp3A_1058, %mul3A_1121 : vector<16xf32>
      %convert_element_type3A_1168 = arith.fptosi %mul3A_1167 : vector<16xf32> to vector<16xi32>
      %add3A_1169 = arith.constant 4608 : i32
      %add3A_1170 = vector.broadcast %add3A_1169 : i32 to vector<16xi32>
      %add3A_1171 = arith.addi %convert_element_type3A_1168, %add3A_1170 : vector<16xi32>
      tpu.vector_store_idx %arg10[%add3A_1171], %broadcast_in_dim3A_168 {add = true} : memref<9216xf32, #tpu.memory_space<vmem>>[vector<16xi32>], vector<16xf32>,
      %mul3A_1172 = arith.mulf %exp3A_1063, %mul3A_1121 : vector<16xf32>
      %convert_element_type3A_1173 = arith.fptosi %mul3A_1172 : vector<16xf32> to vector<16xi32>
      %add3A_1174 = arith.constant 5120 : i32
      %add3A_1175 = vector.broadcast %add3A_1174 : i32 to vector<16xi32>
      %add3A_1176 = arith.addi %convert_element_type3A_1173, %add3A_1175 : vector<16xi32>
      tpu.vector_store_idx %arg10[%add3A_1176], %broadcast_in_dim3A_168 {add = true} : memref<9216xf32, #tpu.memory_space<vmem>>[vector<16xi32>], vector<16xf32>,
      %mul3A_1177 = arith.mulf %exp3A_1068, %mul3A_1121 : vector<16xf32>
      %convert_element_type3A_1178 = arith.fptosi %mul3A_1177 : vector<16xf32> to vector<16xi32>
      %add3A_1179 = arith.constant 5632 : i32
      %add3A_1180 = vector.broadcast %add3A_1179 : i32 to vector<16xi32>
      %add3A_1181 = arith.addi %convert_element_type3A_1178, %add3A_1180 : vector<16xi32>
      tpu.vector_store_idx %arg10[%add3A_1181], %broadcast_in_dim3A_168 {add = true} : memref<9216xf32, #tpu.memory_space<vmem>>[vector<16xi32>], vector<16xf32>,
      %mul3A_1182 = arith.mulf %exp3A_1073, %mul3A_1121 : vector<16xf32>
      %convert_element_type3A_1183 = arith.fptosi %mul3A_1182 : vector<16xf32> to vector<16xi32>
      %add3A_1184 = arith.constant 6144 : i32
      %add3A_1185 = vector.broadcast %add3A_1184 : i32 to vector<16xi32>
      %add3A_1186 = arith.addi %convert_element_type3A_1183, %add3A_1185 : vector<16xi32>
      tpu.vector_store_idx %arg10[%add3A_1186], %broadcast_in_dim3A_168 {add = true} : memref<9216xf32, #tpu.memory_space<vmem>>[vector<16xi32>], vector<16xf32>,
      %mul3A_1187 = arith.mulf %exp3A_1078, %mul3A_1121 : vector<16xf32>
      %convert_element_type3A_1188 = arith.fptosi %mul3A_1187 : vector<16xf32> to vector<16xi32>
      %add3A_1189 = arith.constant 6656 : i32
      %add3A_1190 = vector.broadcast %add3A_1189 : i32 to vector<16xi32>
      %add3A_1191 = arith.addi %convert_element_type3A_1188, %add3A_1190 : vector<16xi32>
      tpu.vector_store_idx %arg10[%add3A_1191], %broadcast_in_dim3A_168 {add = true} : memref<9216xf32, #tpu.memory_space<vmem>>[vector<16xi32>], vector<16xf32>,
      %mul3A_1192 = arith.mulf %exp3A_1083, %mul3A_1121 : vector<16xf32>
      %convert_element_type3A_1193 = arith.fptosi %mul3A_1192 : vector<16xf32> to vector<16xi32>
      %add3A_1194 = arith.constant 7168 : i32
      %add3A_1195 = vector.broadcast %add3A_1194 : i32 to vector<16xi32>
      %add3A_1196 = arith.addi %convert_element_type3A_1193, %add3A_1195 : vector<16xi32>
      tpu.vector_store_idx %arg10[%add3A_1196], %broadcast_in_dim3A_168 {add = true} : memref<9216xf32, #tpu.memory_space<vmem>>[vector<16xi32>], vector<16xf32>,
      %mul3A_1197 = arith.mulf %exp3A_1088, %mul3A_1121 : vector<16xf32>
      %convert_element_type3A_1198 = arith.fptosi %mul3A_1197 : vector<16xf32> to vector<16xi32>
      %add3A_1199 = arith.constant 7680 : i32
      %add3A_1200 = vector.broadcast %add3A_1199 : i32 to vector<16xi32>
      %add3A_1201 = arith.addi %convert_element_type3A_1198, %add3A_1200 : vector<16xi32>
      tpu.vector_store_idx %arg10[%add3A_1201], %broadcast_in_dim3A_168 {add = true} : memref<9216xf32, #tpu.memory_space<vmem>>[vector<16xi32>], vector<16xf32>,
      %mul3A_1202 = arith.mulf %exp3A_1093, %mul3A_1121 : vector<16xf32>
      %convert_element_type3A_1203 = arith.fptosi %mul3A_1202 : vector<16xf32> to vector<16xi32>
      %add3A_1204 = arith.constant 8192 : i32
      %add3A_1205 = vector.broadcast %add3A_1204 : i32 to vector<16xi32>
      %add3A_1206 = arith.addi %convert_element_type3A_1203, %add3A_1205 : vector<16xi32>
      tpu.vector_store_idx %arg10[%add3A_1206], %broadcast_in_dim3A_168 {add = true} : memref<9216xf32, #tpu.memory_space<vmem>>[vector<16xi32>], vector<16xf32>,
      %mul3A_1207 = arith.mulf %exp3A_1098, %mul3A_1121 : vector<16xf32>
      %convert_element_type3A_1208 = arith.fptosi %mul3A_1207 : vector<16xf32> to vector<16xi32>
      %add3A_1209 = arith.constant 8704 : i32
      %add3A_1210 = vector.broadcast %add3A_1209 : i32 to vector<16xi32>
      %add3A_1211 = arith.addi %convert_element_type3A_1208, %add3A_1210 : vector<16xi32>
      tpu.vector_store_idx %arg10[%add3A_1211], %broadcast_in_dim3A_168 {add = true} : memref<9216xf32, #tpu.memory_space<vmem>>[vector<16xi32>], vector<16xf32>,
      %mul3A_1212 = arith.constant 2048 : i32
      %mul3A_1213 = vector.broadcast %mul3A_1212 : i32 to vector<16xi32>
      %mul3A_1214 = arith.muli %get3A_1008, %mul3A_1213 : vector<16xi32>
      %add3A_1215 = vector.broadcast %add3A_1006 : i32 to vector<16xi32>
      %add3A_1216 = arith.addi %mul3A_1214, %add3A_1215 : vector<16xi32>
      %add3A_1217 = arith.addi %add3A_1216, %iota3A : vector<16xi32>
      %gather3A_1218 = tpu.vector_load_idx %arg7[%add3A_1217] : memref<36864xf32, #tpu.memory_space<vmem>>[vector<16xi32>], vector<16xf32>,
      %gather3A_1219 = tpu.vector_load_idx %arg9[%get3A_1008] : memref<32xf32, #tpu.memory_space<vmem>>[vector<16xi32>], vector<16xf32>,
      %bitcast_convert_type3A_1220 = tpu.bitcast %add3A_1115 : vector<16xf32> -> vector<16xi32>
      %shift_right_arithmetic3A_1221 = arith.constant 23 : i32
      %shift_right_arithmetic3A_1222 = vector.broadcast %shift_right_arithmetic3A_1221 : i32 to vector<16xi32>
      %shift_right_arithmetic3A_1223 = arith.shrsi %bitcast_convert_type3A_1220, %shift_right_arithmetic3A_1222 : vector<16xi32>
      %sub3A_1224 = arith.constant 127 : i32
      %sub3A_1225 = vector.broadcast %sub3A_1224 : i32 to vector<16xi32>
      %sub3A_1226 = arith.subi %shift_right_arithmetic3A_1223, %sub3A_1225 : vector<16xi32>
      %and3A_1227 = arith.constant 8388607 : i32
      %and3A_1228 = vector.broadcast %and3A_1227 : i32 to vector<16xi32>
      %and3A_1229 = arith.andi %bitcast_convert_type3A_1220, %and3A_1228 : vector<16xi32>
      %or3A_1230 = arith.constant 1065353216 : i32
      %or3A_1231 = vector.broadcast %or3A_1230 : i32 to vector<16xi32>
      %or3A_1232 = arith.ori %and3A_1229, %or3A_1231 : vector<16xi32>
      %bitcast_convert_type3A_1233 = tpu.bitcast %or3A_1232 : vector<16xi32> -> vector<16xf32>
      %sub3A_1234 = arith.constant 1.000000e+00 : f32
      %sub3A_1235 = vector.broadcast %sub3A_1234 : f32 to vector<16xf32>
      %sub3A_1236 = arith.subf %bitcast_convert_type3A_1233, %sub3A_1235 : vector<16xf32>
      %mul3A_1237 = arith.constant 0.0147787211 : f32
      %mul3A_1238 = vector.broadcast %mul3A_1237 : f32 to vector<16xf32>
      %mul3A_1239 = arith.mulf %mul3A_1238, %sub3A_1236 : vector<16xf32>
      %add3A_1240 = arith.constant -0.076848723 : f32
      %add3A_1241 = vector.broadcast %add3A_1240 : f32 to vector<16xf32>
      %add3A_1242 = arith.addf %mul3A_1239, %add3A_1241 : vector<16xf32>
      %mul3A_1243 = arith.mulf %add3A_1242, %sub3A_1236 : vector<16xf32>
      %add3A_1244 = arith.constant 0.190420836 : f32
      %add3A_1245 = vector.broadcast %add3A_1244 : f32 to vector<16xf32>
      %add3A_1246 = arith.addf %mul3A_1243, %add3A_1245 : vector<16xf32>
      %mul3A_1247 = arith.mulf %add3A_1246, %sub3A_1236 : vector<16xf32>
      %add3A_1248 = arith.constant -0.323115945 : f32
      %add3A_1249 = vector.broadcast %add3A_1248 : f32 to vector<16xf32>
      %add3A_1250 = arith.addf %mul3A_1247, %add3A_1249 : vector<16xf32>
      %mul3A_1251 = arith.mulf %add3A_1250, %sub3A_1236 : vector<16xf32>
      %add3A_1252 = arith.constant 0.47249952 : f32
      %add3A_1253 = vector.broadcast %add3A_1252 : f32 to vector<16xf32>
      %add3A_1254 = arith.addf %mul3A_1251, %add3A_1253 : vector<16xf32>
      %mul3A_1255 = arith.mulf %add3A_1254, %sub3A_1236 : vector<16xf32>
      %add3A_1256 = arith.constant -0.720386624 : f32
      %add3A_1257 = vector.broadcast %add3A_1256 : f32 to vector<16xf32>
      %add3A_1258 = arith.addf %mul3A_1255, %add3A_1257 : vector<16xf32>
      %mul3A_1259 = arith.mulf %add3A_1258, %sub3A_1236 : vector<16xf32>
      %add3A_1260 = arith.constant 1.44265211 : f32
      %add3A_1261 = vector.broadcast %add3A_1260 : f32 to vector<16xf32>
      %add3A_1262 = arith.addf %mul3A_1259, %add3A_1261 : vector<16xf32>
      %mul3A_1263 = arith.mulf %add3A_1262, %sub3A_1236 : vector<16xf32>
      %add3A_1264 = arith.constant 3.19697818E-7 : f32
      %add3A_1265 = vector.broadcast %add3A_1264 : f32 to vector<16xf32>
      %add3A_1266 = arith.addf %mul3A_1263, %add3A_1265 : vector<16xf32>
      %convert_element_type3A_1267 = arith.sitofp %sub3A_1226 : vector<16xi32> to vector<16xf32>
      %add3A_1268 = arith.addf %convert_element_type3A_1267, %add3A_1266 : vector<16xf32>
      %mul3A_1269 = arith.constant 0.693147182 : f32
      %mul3A_1270 = vector.broadcast %mul3A_1269 : f32 to vector<16xf32>
      %mul3A_1271 = arith.mulf %add3A_1268, %mul3A_1270 : vector<16xf32>
      %sub3A_1272 = arith.subf %mul3A_1271, %gather3A_1218 : vector<16xf32>
      %mul3A_1273 = arith.mulf %sub3A_1272, %gather3A_1219 : vector<16xf32>
      %add3A_1274 = arith.addf %scan3A_727, %mul3A_1273 : vector<16xf32>
      %add3A_1275 = arith.addf %scan3A_728, %gather3A_1219 : vector<16xf32>
      %exp3A_1276 = math.exp %gather3A_1218 : vector<16xf32>
      %mul3A_1277 = arith.mulf %exp3A_1276, %mul3A_1121 : vector<16xf32>
      %mul3A_1278 = arith.constant 512 : i32
      %mul3A_1279 = vector.broadcast %mul3A_1278 : i32 to vector<16xi32>
      %mul3A_1280 = arith.muli %get3A_1008, %mul3A_1279 : vector<16xi32>
      %convert_element_type3A_1281 = arith.fptosi %mul3A_1277 : vector<16xf32> to vector<16xi32>
      %add3A_1282 = arith.addi %convert_element_type3A_1281, %mul3A_1280 : vector<16xi32>
      tpu.vector_store_idx %arg10[%add3A_1282], %neg3A_170 {add = true} : memref<9216xf32, #tpu.memory_space<vmem>>[vector<16xi32>], vector<16xf32>,
      %sub3A_1283 = arith.constant 2.555000e+02 : f32
      %sub3A_1284 = vector.broadcast %sub3A_1283 : f32 to vector<16xf32>
      %sub3A_1285 = arith.subf %sub3A_1284, %mul3A_1277 : vector<16xf32>
      %convert_element_type3A_1286 = arith.fptosi %sub3A_1285 : vector<16xf32> to vector<16xi32>
      %add3A_1287 = arith.addi %convert_element_type3A_1286, %mul3A_1280 : vector<16xi32>
      tpu.vector_store_idx %arg10[%add3A_1287], %broadcast_in_dim3A_168 {add = true} : memref<9216xf32, #tpu.memory_space<vmem>>[vector<16xi32>], vector<16xf32>,
      %add3A_1288 = arith.constant 256 : i32
      %add3A_1289 = vector.broadcast %add3A_1288 : i32 to vector<16xi32>
      %add3A_1290 = arith.addi %add3A_1287, %add3A_1289 : vector<16xi32>
      tpu.vector_store_idx %arg10[%add3A_1290], %broadcast_in_dim3A_168 {add = true} : memref<9216xf32, #tpu.memory_space<vmem>>[vector<16xi32>], vector<16xf32>,
      %add3A_1291 = arith.constant 32 : i32
      %add3A_1292 = arith.addi %mul3A_730, %add3A_1291 : i32
      %get3A_1293 = arith.index_cast %add3A_1292 : i32 to index
      %get3A_1294 = tpu.vector_load %arg8[%get3A_1293] {strides = array<i32>} : memref<2048xi32, #tpu.memory_space<vmem>>, vector<16xi32>,
      %add3A_1295 = arith.constant 0 : i32
      %add3A_1296 = arith.addi %add3A_1295, %add3A_1292 : i32
      %get3A_1297 = arith.index_cast %add3A_1296 : i32 to index
      %get3A_1298 = tpu.vector_load %arg7[%get3A_1297] {strides = array<i32>} : memref<36864xf32, #tpu.memory_space<vmem>>, vector<16xf32>,
      %exp3A_1299 = math.exp %get3A_1298 : vector<16xf32>
      %add3A_1300 = arith.constant 2048 : i32
      %add3A_1301 = arith.addi %add3A_1300, %add3A_1292 : i32
      %get3A_1302 = arith.index_cast %add3A_1301 : i32 to index
      %get3A_1303 = tpu.vector_load %arg7[%get3A_1302] {strides = array<i32>} : memref<36864xf32, #tpu.memory_space<vmem>>, vector<16xf32>,
      %exp3A_1304 = math.exp %get3A_1303 : vector<16xf32>
      %add3A_1305 = arith.constant 4096 : i32
      %add3A_1306 = arith.addi %add3A_1305, %add3A_1292 : i32
      %get3A_1307 = arith.index_cast %add3A_1306 : i32 to index
      %get3A_1308 = tpu.vector_load %arg7[%get3A_1307] {strides = array<i32>} : memref<36864xf32, #tpu.memory_space<vmem>>, vector<16xf32>,
      %exp3A_1309 = math.exp %get3A_1308 : vector<16xf32>
      %add3A_1310 = arith.constant 6144 : i32
      %add3A_1311 = arith.addi %add3A_1310, %add3A_1292 : i32
      %get3A_1312 = arith.index_cast %add3A_1311 : i32 to index
      %get3A_1313 = tpu.vector_load %arg7[%get3A_1312] {strides = array<i32>} : memref<36864xf32, #tpu.memory_space<vmem>>, vector<16xf32>,
      %exp3A_1314 = math.exp %get3A_1313 : vector<16xf32>
      %add3A_1315 = arith.constant 8192 : i32
      %add3A_1316 = arith.addi %add3A_1315, %add3A_1292 : i32
      %get3A_1317 = arith.index_cast %add3A_1316 : i32 to index
      %get3A_1318 = tpu.vector_load %arg7[%get3A_1317] {strides = array<i32>} : memref<36864xf32, #tpu.memory_space<vmem>>, vector<16xf32>,
      %exp3A_1319 = math.exp %get3A_1318 : vector<16xf32>
      %add3A_1320 = arith.constant 10240 : i32
      %add3A_1321 = arith.addi %add3A_1320, %add3A_1292 : i32
      %get3A_1322 = arith.index_cast %add3A_1321 : i32 to index
      %get3A_1323 = tpu.vector_load %arg7[%get3A_1322] {strides = array<i32>} : memref<36864xf32, #tpu.memory_space<vmem>>, vector<16xf32>,
      %exp3A_1324 = math.exp %get3A_1323 : vector<16xf32>
      %add3A_1325 = arith.constant 12288 : i32
      %add3A_1326 = arith.addi %add3A_1325, %add3A_1292 : i32
      %get3A_1327 = arith.index_cast %add3A_1326 : i32 to index
      %get3A_1328 = tpu.vector_load %arg7[%get3A_1327] {strides = array<i32>} : memref<36864xf32, #tpu.memory_space<vmem>>, vector<16xf32>,
      %exp3A_1329 = math.exp %get3A_1328 : vector<16xf32>
      %add3A_1330 = arith.constant 14336 : i32
      %add3A_1331 = arith.addi %add3A_1330, %add3A_1292 : i32
      %get3A_1332 = arith.index_cast %add3A_1331 : i32 to index
      %get3A_1333 = tpu.vector_load %arg7[%get3A_1332] {strides = array<i32>} : memref<36864xf32, #tpu.memory_space<vmem>>, vector<16xf32>,
      %exp3A_1334 = math.exp %get3A_1333 : vector<16xf32>
      %add3A_1335 = arith.constant 16384 : i32
      %add3A_1336 = arith.addi %add3A_1335, %add3A_1292 : i32
      %get3A_1337 = arith.index_cast %add3A_1336 : i32 to index
      %get3A_1338 = tpu.vector_load %arg7[%get3A_1337] {strides = array<i32>} : memref<36864xf32, #tpu.memory_space<vmem>>, vector<16xf32>,
      %exp3A_1339 = math.exp %get3A_1338 : vector<16xf32>
      %add3A_1340 = arith.constant 18432 : i32
      %add3A_1341 = arith.addi %add3A_1340, %add3A_1292 : i32
      %get3A_1342 = arith.index_cast %add3A_1341 : i32 to index
      %get3A_1343 = tpu.vector_load %arg7[%get3A_1342] {strides = array<i32>} : memref<36864xf32, #tpu.memory_space<vmem>>, vector<16xf32>,
      %exp3A_1344 = math.exp %get3A_1343 : vector<16xf32>
      %add3A_1345 = arith.constant 20480 : i32
      %add3A_1346 = arith.addi %add3A_1345, %add3A_1292 : i32
      %get3A_1347 = arith.index_cast %add3A_1346 : i32 to index
      %get3A_1348 = tpu.vector_load %arg7[%get3A_1347] {strides = array<i32>} : memref<36864xf32, #tpu.memory_space<vmem>>, vector<16xf32>,
      %exp3A_1349 = math.exp %get3A_1348 : vector<16xf32>
      %add3A_1350 = arith.constant 22528 : i32
      %add3A_1351 = arith.addi %add3A_1350, %add3A_1292 : i32
      %get3A_1352 = arith.index_cast %add3A_1351 : i32 to index
      %get3A_1353 = tpu.vector_load %arg7[%get3A_1352] {strides = array<i32>} : memref<36864xf32, #tpu.memory_space<vmem>>, vector<16xf32>,
      %exp3A_1354 = math.exp %get3A_1353 : vector<16xf32>
      %add3A_1355 = arith.constant 24576 : i32
      %add3A_1356 = arith.addi %add3A_1355, %add3A_1292 : i32
      %get3A_1357 = arith.index_cast %add3A_1356 : i32 to index
      %get3A_1358 = tpu.vector_load %arg7[%get3A_1357] {strides = array<i32>} : memref<36864xf32, #tpu.memory_space<vmem>>, vector<16xf32>,
      %exp3A_1359 = math.exp %get3A_1358 : vector<16xf32>
      %add3A_1360 = arith.constant 26624 : i32
      %add3A_1361 = arith.addi %add3A_1360, %add3A_1292 : i32
      %get3A_1362 = arith.index_cast %add3A_1361 : i32 to index
      %get3A_1363 = tpu.vector_load %arg7[%get3A_1362] {strides = array<i32>} : memref<36864xf32, #tpu.memory_space<vmem>>, vector<16xf32>,
      %exp3A_1364 = math.exp %get3A_1363 : vector<16xf32>
      %add3A_1365 = arith.constant 28672 : i32
      %add3A_1366 = arith.addi %add3A_1365, %add3A_1292 : i32
      %get3A_1367 = arith.index_cast %add3A_1366 : i32 to index
      %get3A_1368 = tpu.vector_load %arg7[%get3A_1367] {strides = array<i32>} : memref<36864xf32, #tpu.memory_space<vmem>>, vector<16xf32>,
      %exp3A_1369 = math.exp %get3A_1368 : vector<16xf32>
      %add3A_1370 = arith.constant 30720 : i32
      %add3A_1371 = arith.addi %add3A_1370, %add3A_1292 : i32
      %get3A_1372 = arith.index_cast %add3A_1371 : i32 to index
      %get3A_1373 = tpu.vector_load %arg7[%get3A_1372] {strides = array<i32>} : memref<36864xf32, #tpu.memory_space<vmem>>, vector<16xf32>,
      %exp3A_1374 = math.exp %get3A_1373 : vector<16xf32>
      %add3A_1375 = arith.constant 32768 : i32
      %add3A_1376 = arith.addi %add3A_1375, %add3A_1292 : i32
      %get3A_1377 = arith.index_cast %add3A_1376 : i32 to index
      %get3A_1378 = tpu.vector_load %arg7[%get3A_1377] {strides = array<i32>} : memref<36864xf32, #tpu.memory_space<vmem>>, vector<16xf32>,
      %exp3A_1379 = math.exp %get3A_1378 : vector<16xf32>
      %add3A_1380 = arith.constant 34816 : i32
      %add3A_1381 = arith.addi %add3A_1380, %add3A_1292 : i32
      %get3A_1382 = arith.index_cast %add3A_1381 : i32 to index
      %get3A_1383 = tpu.vector_load %arg7[%get3A_1382] {strides = array<i32>} : memref<36864xf32, #tpu.memory_space<vmem>>, vector<16xf32>,
      %exp3A_1384 = math.exp %get3A_1383 : vector<16xf32>
      %add3A_1385 = arith.addf %exp3A_1299, %exp3A_1304 : vector<16xf32>
      %add3A_1386 = arith.addf %exp3A_1309, %exp3A_1314 : vector<16xf32>
      %add3A_1387 = arith.addf %exp3A_1319, %exp3A_1324 : vector<16xf32>
      %add3A_1388 = arith.addf %exp3A_1329, %exp3A_1334 : vector<16xf32>
      %add3A_1389 = arith.addf %exp3A_1339, %exp3A_1344 : vector<16xf32>
      %add3A_1390 = arith.addf %exp3A_1349, %exp3A_1354 : vector<16xf32>
      %add3A_1391 = arith.addf %exp3A_1359, %exp3A_1364 : vector<16xf32>
      %add3A_1392 = arith.addf %exp3A_1369, %exp3A_1374 : vector<16xf32>
      %add3A_1393 = arith.addf %exp3A_1379, %exp3A_1384 : vector<16xf32>
      %add3A_1394 = arith.addf %add3A_1385, %add3A_1386 : vector<16xf32>
      %add3A_1395 = arith.addf %add3A_1387, %add3A_1388 : vector<16xf32>
      %add3A_1396 = arith.addf %add3A_1389, %add3A_1390 : vector<16xf32>
      %add3A_1397 = arith.addf %add3A_1391, %add3A_1392 : vector<16xf32>
      %add3A_1398 = arith.addf %add3A_1394, %add3A_1395 : vector<16xf32>
      %add3A_1399 = arith.addf %add3A_1396, %add3A_1397 : vector<16xf32>
      %add3A_1400 = arith.addf %add3A_1398, %add3A_1399 : vector<16xf32>
      %add3A_1401 = arith.addf %add3A_1400, %add3A_1393 : vector<16xf32>
      %div3A_1402 = arith.constant 1.000000e+00 : f32
      %div3A_1403 = vector.broadcast %div3A_1402 : f32 to vector<16xf32>
      %div3A_1404 = arith.divf %div3A_1403, %add3A_1401 : vector<16xf32>
      %mul3A_1405 = arith.constant 2.555000e+02 : f32
      %mul3A_1406 = vector.broadcast %mul3A_1405 : f32 to vector<16xf32>
      %mul3A_1407 = arith.mulf %mul3A_1406, %div3A_1404 : vector<16xf32>
      %mul3A_1408 = arith.mulf %exp3A_1299, %mul3A_1407 : vector<16xf32>
      %convert_element_type3A_1409 = arith.fptosi %mul3A_1408 : vector<16xf32> to vector<16xi32>
      %add3A_1410 = arith.constant 0 : i32
      %add3A_1411 = vector.broadcast %add3A_1410 : i32 to vector<16xi32>
      %add3A_1412 = arith.addi %convert_element_type3A_1409, %add3A_1411 : vector<16xi32>
      tpu.vector_store_idx %arg10[%add3A_1412], %broadcast_in_dim3A_168 {add = true} : memref<9216xf32, #tpu.memory_space<vmem>>[vector<16xi32>], vector<16xf32>,
      %mul3A_1413 = arith.mulf %exp3A_1304, %mul3A_1407 : vector<16xf32>
      %convert_element_type3A_1414 = arith.fptosi %mul3A_1413 : vector<16xf32> to vector<16xi32>
      %add3A_1415 = arith.constant 512 : i32
      %add3A_1416 = vector.broadcast %add3A_1415 : i32 to vector<16xi32>
      %add3A_1417 = arith.addi %convert_element_type3A_1414, %add3A_1416 : vector<16xi32>
      tpu.vector_store_idx %arg10[%add3A_1417], %broadcast_in_dim3A_168 {add = true} : memref<9216xf32, #tpu.memory_space<vmem>>[vector<16xi32>], vector<16xf32>,
      %mul3A_1418 = arith.mulf %exp3A_1309, %mul3A_1407 : vector<16xf32>
      %convert_element_type3A_1419 = arith.fptosi %mul3A_1418 : vector<16xf32> to vector<16xi32>
      %add3A_1420 = arith.constant 1024 : i32
      %add3A_1421 = vector.broadcast %add3A_1420 : i32 to vector<16xi32>
      %add3A_1422 = arith.addi %convert_element_type3A_1419, %add3A_1421 : vector<16xi32>
      tpu.vector_store_idx %arg10[%add3A_1422], %broadcast_in_dim3A_168 {add = true} : memref<9216xf32, #tpu.memory_space<vmem>>[vector<16xi32>], vector<16xf32>,
      %mul3A_1423 = arith.mulf %exp3A_1314, %mul3A_1407 : vector<16xf32>
      %convert_element_type3A_1424 = arith.fptosi %mul3A_1423 : vector<16xf32> to vector<16xi32>
      %add3A_1425 = arith.constant 1536 : i32
      %add3A_1426 = vector.broadcast %add3A_1425 : i32 to vector<16xi32>
      %add3A_1427 = arith.addi %convert_element_type3A_1424, %add3A_1426 : vector<16xi32>
      tpu.vector_store_idx %arg10[%add3A_1427], %broadcast_in_dim3A_168 {add = true} : memref<9216xf32, #tpu.memory_space<vmem>>[vector<16xi32>], vector<16xf32>,
      %mul3A_1428 = arith.mulf %exp3A_1319, %mul3A_1407 : vector<16xf32>
      %convert_element_type3A_1429 = arith.fptosi %mul3A_1428 : vector<16xf32> to vector<16xi32>
      %add3A_1430 = arith.constant 2048 : i32
      %add3A_1431 = vector.broadcast %add3A_1430 : i32 to vector<16xi32>
      %add3A_1432 = arith.addi %convert_element_type3A_1429, %add3A_1431 : vector<16xi32>
      tpu.vector_store_idx %arg10[%add3A_1432], %broadcast_in_dim3A_168 {add = true} : memref<9216xf32, #tpu.memory_space<vmem>>[vector<16xi32>], vector<16xf32>,
      %mul3A_1433 = arith.mulf %exp3A_1324, %mul3A_1407 : vector<16xf32>
      %convert_element_type3A_1434 = arith.fptosi %mul3A_1433 : vector<16xf32> to vector<16xi32>
      %add3A_1435 = arith.constant 2560 : i32
      %add3A_1436 = vector.broadcast %add3A_1435 : i32 to vector<16xi32>
      %add3A_1437 = arith.addi %convert_element_type3A_1434, %add3A_1436 : vector<16xi32>
      tpu.vector_store_idx %arg10[%add3A_1437], %broadcast_in_dim3A_168 {add = true} : memref<9216xf32, #tpu.memory_space<vmem>>[vector<16xi32>], vector<16xf32>,
      %mul3A_1438 = arith.mulf %exp3A_1329, %mul3A_1407 : vector<16xf32>
      %convert_element_type3A_1439 = arith.fptosi %mul3A_1438 : vector<16xf32> to vector<16xi32>
      %add3A_1440 = arith.constant 3072 : i32
      %add3A_1441 = vector.broadcast %add3A_1440 : i32 to vector<16xi32>
      %add3A_1442 = arith.addi %convert_element_type3A_1439, %add3A_1441 : vector<16xi32>
      tpu.vector_store_idx %arg10[%add3A_1442], %broadcast_in_dim3A_168 {add = true} : memref<9216xf32, #tpu.memory_space<vmem>>[vector<16xi32>], vector<16xf32>,
      %mul3A_1443 = arith.mulf %exp3A_1334, %mul3A_1407 : vector<16xf32>
      %convert_element_type3A_1444 = arith.fptosi %mul3A_1443 : vector<16xf32> to vector<16xi32>
      %add3A_1445 = arith.constant 3584 : i32
      %add3A_1446 = vector.broadcast %add3A_1445 : i32 to vector<16xi32>
      %add3A_1447 = arith.addi %convert_element_type3A_1444, %add3A_1446 : vector<16xi32>
      tpu.vector_store_idx %arg10[%add3A_1447], %broadcast_in_dim3A_168 {add = true} : memref<9216xf32, #tpu.memory_space<vmem>>[vector<16xi32>], vector<16xf32>,
      %mul3A_1448 = arith.mulf %exp3A_1339, %mul3A_1407 : vector<16xf32>
      %convert_element_type3A_1449 = arith.fptosi %mul3A_1448 : vector<16xf32> to vector<16xi32>
      %add3A_1450 = arith.constant 4096 : i32
      %add3A_1451 = vector.broadcast %add3A_1450 : i32 to vector<16xi32>
      %add3A_1452 = arith.addi %convert_element_type3A_1449, %add3A_1451 : vector<16xi32>
      tpu.vector_store_idx %arg10[%add3A_1452], %broadcast_in_dim3A_168 {add = true} : memref<9216xf32, #tpu.memory_space<vmem>>[vector<16xi32>], vector<16xf32>,
      %mul3A_1453 = arith.mulf %exp3A_1344, %mul3A_1407 : vector<16xf32>
      %convert_element_type3A_1454 = arith.fptosi %mul3A_1453 : vector<16xf32> to vector<16xi32>
      %add3A_1455 = arith.constant 4608 : i32
      %add3A_1456 = vector.broadcast %add3A_1455 : i32 to vector<16xi32>
      %add3A_1457 = arith.addi %convert_element_type3A_1454, %add3A_1456 : vector<16xi32>
      tpu.vector_store_idx %arg10[%add3A_1457], %broadcast_in_dim3A_168 {add = true} : memref<9216xf32, #tpu.memory_space<vmem>>[vector<16xi32>], vector<16xf32>,
      %mul3A_1458 = arith.mulf %exp3A_1349, %mul3A_1407 : vector<16xf32>
      %convert_element_type3A_1459 = arith.fptosi %mul3A_1458 : vector<16xf32> to vector<16xi32>
      %add3A_1460 = arith.constant 5120 : i32
      %add3A_1461 = vector.broadcast %add3A_1460 : i32 to vector<16xi32>
      %add3A_1462 = arith.addi %convert_element_type3A_1459, %add3A_1461 : vector<16xi32>
      tpu.vector_store_idx %arg10[%add3A_1462], %broadcast_in_dim3A_168 {add = true} : memref<9216xf32, #tpu.memory_space<vmem>>[vector<16xi32>], vector<16xf32>,
      %mul3A_1463 = arith.mulf %exp3A_1354, %mul3A_1407 : vector<16xf32>
      %convert_element_type3A_1464 = arith.fptosi %mul3A_1463 : vector<16xf32> to vector<16xi32>
      %add3A_1465 = arith.constant 5632 : i32
      %add3A_1466 = vector.broadcast %add3A_1465 : i32 to vector<16xi32>
      %add3A_1467 = arith.addi %convert_element_type3A_1464, %add3A_1466 : vector<16xi32>
      tpu.vector_store_idx %arg10[%add3A_1467], %broadcast_in_dim3A_168 {add = true} : memref<9216xf32, #tpu.memory_space<vmem>>[vector<16xi32>], vector<16xf32>,
      %mul3A_1468 = arith.mulf %exp3A_1359, %mul3A_1407 : vector<16xf32>
      %convert_element_type3A_1469 = arith.fptosi %mul3A_1468 : vector<16xf32> to vector<16xi32>
      %add3A_1470 = arith.constant 6144 : i32
      %add3A_1471 = vector.broadcast %add3A_1470 : i32 to vector<16xi32>
      %add3A_1472 = arith.addi %convert_element_type3A_1469, %add3A_1471 : vector<16xi32>
      tpu.vector_store_idx %arg10[%add3A_1472], %broadcast_in_dim3A_168 {add = true} : memref<9216xf32, #tpu.memory_space<vmem>>[vector<16xi32>], vector<16xf32>,
      %mul3A_1473 = arith.mulf %exp3A_1364, %mul3A_1407 : vector<16xf32>
      %convert_element_type3A_1474 = arith.fptosi %mul3A_1473 : vector<16xf32> to vector<16xi32>
      %add3A_1475 = arith.constant 6656 : i32
      %add3A_1476 = vector.broadcast %add3A_1475 : i32 to vector<16xi32>
      %add3A_1477 = arith.addi %convert_element_type3A_1474, %add3A_1476 : vector<16xi32>
      tpu.vector_store_idx %arg10[%add3A_1477], %broadcast_in_dim3A_168 {add = true} : memref<9216xf32, #tpu.memory_space<vmem>>[vector<16xi32>], vector<16xf32>,
      %mul3A_1478 = arith.mulf %exp3A_1369, %mul3A_1407 : vector<16xf32>
      %convert_element_type3A_1479 = arith.fptosi %mul3A_1478 : vector<16xf32> to vector<16xi32>
      %add3A_1480 = arith.constant 7168 : i32
      %add3A_1481 = vector.broadcast %add3A_1480 : i32 to vector<16xi32>
      %add3A_1482 = arith.addi %convert_element_type3A_1479, %add3A_1481 : vector<16xi32>
      tpu.vector_store_idx %arg10[%add3A_1482], %broadcast_in_dim3A_168 {add = true} : memref<9216xf32, #tpu.memory_space<vmem>>[vector<16xi32>], vector<16xf32>,
      %mul3A_1483 = arith.mulf %exp3A_1374, %mul3A_1407 : vector<16xf32>
      %convert_element_type3A_1484 = arith.fptosi %mul3A_1483 : vector<16xf32> to vector<16xi32>
      %add3A_1485 = arith.constant 7680 : i32
      %add3A_1486 = vector.broadcast %add3A_1485 : i32 to vector<16xi32>
      %add3A_1487 = arith.addi %convert_element_type3A_1484, %add3A_1486 : vector<16xi32>
      tpu.vector_store_idx %arg10[%add3A_1487], %broadcast_in_dim3A_168 {add = true} : memref<9216xf32, #tpu.memory_space<vmem>>[vector<16xi32>], vector<16xf32>,
      %mul3A_1488 = arith.mulf %exp3A_1379, %mul3A_1407 : vector<16xf32>
      %convert_element_type3A_1489 = arith.fptosi %mul3A_1488 : vector<16xf32> to vector<16xi32>
      %add3A_1490 = arith.constant 8192 : i32
      %add3A_1491 = vector.broadcast %add3A_1490 : i32 to vector<16xi32>
      %add3A_1492 = arith.addi %convert_element_type3A_1489, %add3A_1491 : vector<16xi32>
      tpu.vector_store_idx %arg10[%add3A_1492], %broadcast_in_dim3A_168 {add = true} : memref<9216xf32, #tpu.memory_space<vmem>>[vector<16xi32>], vector<16xf32>,
      %mul3A_1493 = arith.mulf %exp3A_1384, %mul3A_1407 : vector<16xf32>
      %convert_element_type3A_1494 = arith.fptosi %mul3A_1493 : vector<16xf32> to vector<16xi32>
      %add3A_1495 = arith.constant 8704 : i32
      %add3A_1496 = vector.broadcast %add3A_1495 : i32 to vector<16xi32>
      %add3A_1497 = arith.addi %convert_element_type3A_1494, %add3A_1496 : vector<16xi32>
      tpu.vector_store_idx %arg10[%add3A_1497], %broadcast_in_dim3A_168 {add = true} : memref<9216xf32, #tpu.memory_space<vmem>>[vector<16xi32>], vector<16xf32>,
      %mul3A_1498 = arith.constant 2048 : i32
      %mul3A_1499 = vector.broadcast %mul3A_1498 : i32 to vector<16xi32>
      %mul3A_1500 = arith.muli %get3A_1294, %mul3A_1499 : vector<16xi32>
      %add3A_1501 = vector.broadcast %add3A_1292 : i32 to vector<16xi32>
      %add3A_1502 = arith.addi %mul3A_1500, %add3A_1501 : vector<16xi32>
      %add3A_1503 = arith.addi %add3A_1502, %iota3A : vector<16xi32>
      %gather3A_1504 = tpu.vector_load_idx %arg7[%add3A_1503] : memref<36864xf32, #tpu.memory_space<vmem>>[vector<16xi32>], vector<16xf32>,
      %gather3A_1505 = tpu.vector_load_idx %arg9[%get3A_1294] : memref<32xf32, #tpu.memory_space<vmem>>[vector<16xi32>], vector<16xf32>,
      %bitcast_convert_type3A_1506 = tpu.bitcast %add3A_1401 : vector<16xf32> -> vector<16xi32>
      %shift_right_arithmetic3A_1507 = arith.constant 23 : i32
      %shift_right_arithmetic3A_1508 = vector.broadcast %shift_right_arithmetic3A_1507 : i32 to vector<16xi32>
      %shift_right_arithmetic3A_1509 = arith.shrsi %bitcast_convert_type3A_1506, %shift_right_arithmetic3A_1508 : vector<16xi32>
      %sub3A_1510 = arith.constant 127 : i32
      %sub3A_1511 = vector.broadcast %sub3A_1510 : i32 to vector<16xi32>
      %sub3A_1512 = arith.subi %shift_right_arithmetic3A_1509, %sub3A_1511 : vector<16xi32>
      %and3A_1513 = arith.constant 8388607 : i32
      %and3A_1514 = vector.broadcast %and3A_1513 : i32 to vector<16xi32>
      %and3A_1515 = arith.andi %bitcast_convert_type3A_1506, %and3A_1514 : vector<16xi32>
      %or3A_1516 = arith.constant 1065353216 : i32
      %or3A_1517 = vector.broadcast %or3A_1516 : i32 to vector<16xi32>
      %or3A_1518 = arith.ori %and3A_1515, %or3A_1517 : vector<16xi32>
      %bitcast_convert_type3A_1519 = tpu.bitcast %or3A_1518 : vector<16xi32> -> vector<16xf32>
      %sub3A_1520 = arith.constant 1.000000e+00 : f32
      %sub3A_1521 = vector.broadcast %sub3A_1520 : f32 to vector<16xf32>
      %sub3A_1522 = arith.subf %bitcast_convert_type3A_1519, %sub3A_1521 : vector<16xf32>
      %mul3A_1523 = arith.constant 0.0147787211 : f32
      %mul3A_1524 = vector.broadcast %mul3A_1523 : f32 to vector<16xf32>
      %mul3A_1525 = arith.mulf %mul3A_1524, %sub3A_1522 : vector<16xf32>
      %add3A_1526 = arith.constant -0.076848723 : f32
      %add3A_1527 = vector.broadcast %add3A_1526 : f32 to vector<16xf32>
      %add3A_1528 = arith.addf %mul3A_1525, %add3A_1527 : vector<16xf32>
      %mul3A_1529 = arith.mulf %add3A_1528, %sub3A_1522 : vector<16xf32>
      %add3A_1530 = arith.constant 0.190420836 : f32
      %add3A_1531 = vector.broadcast %add3A_1530 : f32 to vector<16xf32>
      %add3A_1532 = arith.addf %mul3A_1529, %add3A_1531 : vector<16xf32>
      %mul3A_1533 = arith.mulf %add3A_1532, %sub3A_1522 : vector<16xf32>
      %add3A_1534 = arith.constant -0.323115945 : f32
      %add3A_1535 = vector.broadcast %add3A_1534 : f32 to vector<16xf32>
      %add3A_1536 = arith.addf %mul3A_1533, %add3A_1535 : vector<16xf32>
      %mul3A_1537 = arith.mulf %add3A_1536, %sub3A_1522 : vector<16xf32>
      %add3A_1538 = arith.constant 0.47249952 : f32
      %add3A_1539 = vector.broadcast %add3A_1538 : f32 to vector<16xf32>
      %add3A_1540 = arith.addf %mul3A_1537, %add3A_1539 : vector<16xf32>
      %mul3A_1541 = arith.mulf %add3A_1540, %sub3A_1522 : vector<16xf32>
      %add3A_1542 = arith.constant -0.720386624 : f32
      %add3A_1543 = vector.broadcast %add3A_1542 : f32 to vector<16xf32>
      %add3A_1544 = arith.addf %mul3A_1541, %add3A_1543 : vector<16xf32>
      %mul3A_1545 = arith.mulf %add3A_1544, %sub3A_1522 : vector<16xf32>
      %add3A_1546 = arith.constant 1.44265211 : f32
      %add3A_1547 = vector.broadcast %add3A_1546 : f32 to vector<16xf32>
      %add3A_1548 = arith.addf %mul3A_1545, %add3A_1547 : vector<16xf32>
      %mul3A_1549 = arith.mulf %add3A_1548, %sub3A_1522 : vector<16xf32>
      %add3A_1550 = arith.constant 3.19697818E-7 : f32
      %add3A_1551 = vector.broadcast %add3A_1550 : f32 to vector<16xf32>
      %add3A_1552 = arith.addf %mul3A_1549, %add3A_1551 : vector<16xf32>
      %convert_element_type3A_1553 = arith.sitofp %sub3A_1512 : vector<16xi32> to vector<16xf32>
      %add3A_1554 = arith.addf %convert_element_type3A_1553, %add3A_1552 : vector<16xf32>
      %mul3A_1555 = arith.constant 0.693147182 : f32
      %mul3A_1556 = vector.broadcast %mul3A_1555 : f32 to vector<16xf32>
      %mul3A_1557 = arith.mulf %add3A_1554, %mul3A_1556 : vector<16xf32>
      %sub3A_1558 = arith.subf %mul3A_1557, %gather3A_1504 : vector<16xf32>
      %mul3A_1559 = arith.mulf %sub3A_1558, %gather3A_1505 : vector<16xf32>
      %add3A_1560 = arith.addf %add3A_988, %mul3A_1559 : vector<16xf32>
      %add3A_1561 = arith.addf %add3A_989, %gather3A_1505 : vector<16xf32>
      %exp3A_1562 = math.exp %gather3A_1504 : vector<16xf32>
      %mul3A_1563 = arith.mulf %exp3A_1562, %mul3A_1407 : vector<16xf32>
      %mul3A_1564 = arith.constant 512 : i32
      %mul3A_1565 = vector.broadcast %mul3A_1564 : i32 to vector<16xi32>
      %mul3A_1566 = arith.muli %get3A_1294, %mul3A_1565 : vector<16xi32>
      %convert_element_type3A_1567 = arith.fptosi %mul3A_1563 : vector<16xf32> to vector<16xi32>
      %add3A_1568 = arith.addi %convert_element_type3A_1567, %mul3A_1566 : vector<16xi32>
      tpu.vector_store_idx %arg10[%add3A_1568], %neg3A_170 {add = true} : memref<9216xf32, #tpu.memory_space<vmem>>[vector<16xi32>], vector<16xf32>,
      %sub3A_1569 = arith.constant 2.555000e+02 : f32
      %sub3A_1570 = vector.broadcast %sub3A_1569 : f32 to vector<16xf32>
      %sub3A_1571 = arith.subf %sub3A_1570, %mul3A_1563 : vector<16xf32>
      %convert_element_type3A_1572 = arith.fptosi %sub3A_1571 : vector<16xf32> to vector<16xi32>
      %add3A_1573 = arith.addi %convert_element_type3A_1572, %mul3A_1566 : vector<16xi32>
      tpu.vector_store_idx %arg10[%add3A_1573], %broadcast_in_dim3A_168 {add = true} : memref<9216xf32, #tpu.memory_space<vmem>>[vector<16xi32>], vector<16xf32>,
      %add3A_1574 = arith.constant 256 : i32
      %add3A_1575 = vector.broadcast %add3A_1574 : i32 to vector<16xi32>
      %add3A_1576 = arith.addi %add3A_1573, %add3A_1575 : vector<16xi32>
      tpu.vector_store_idx %arg10[%add3A_1576], %broadcast_in_dim3A_168 {add = true} : memref<9216xf32, #tpu.memory_space<vmem>>[vector<16xi32>], vector<16xf32>,
      %add3A_1577 = arith.constant 48 : i32
      %add3A_1578 = arith.addi %mul3A_730, %add3A_1577 : i32
      %get3A_1579 = arith.index_cast %add3A_1578 : i32 to index
      %get3A_1580 = tpu.vector_load %arg8[%get3A_1579] {strides = array<i32>} : memref<2048xi32, #tpu.memory_space<vmem>>, vector<16xi32>,
      %add3A_1581 = arith.constant 0 : i32
      %add3A_1582 = arith.addi %add3A_1581, %add3A_1578 : i32
      %get3A_1583 = arith.index_cast %add3A_1582 : i32 to index
      %get3A_1584 = tpu.vector_load %arg7[%get3A_1583] {strides = array<i32>} : memref<36864xf32, #tpu.memory_space<vmem>>, vector<16xf32>,
      %exp3A_1585 = math.exp %get3A_1584 : vector<16xf32>
      %add3A_1586 = arith.constant 2048 : i32
      %add3A_1587 = arith.addi %add3A_1586, %add3A_1578 : i32
      %get3A_1588 = arith.index_cast %add3A_1587 : i32 to index
      %get3A_1589 = tpu.vector_load %arg7[%get3A_1588] {strides = array<i32>} : memref<36864xf32, #tpu.memory_space<vmem>>, vector<16xf32>,
      %exp3A_1590 = math.exp %get3A_1589 : vector<16xf32>
      %add3A_1591 = arith.constant 4096 : i32
      %add3A_1592 = arith.addi %add3A_1591, %add3A_1578 : i32
      %get3A_1593 = arith.index_cast %add3A_1592 : i32 to index
      %get3A_1594 = tpu.vector_load %arg7[%get3A_1593] {strides = array<i32>} : memref<36864xf32, #tpu.memory_space<vmem>>, vector<16xf32>,
      %exp3A_1595 = math.exp %get3A_1594 : vector<16xf32>
      %add3A_1596 = arith.constant 6144 : i32
      %add3A_1597 = arith.addi %add3A_1596, %add3A_1578 : i32
      %get3A_1598 = arith.index_cast %add3A_1597 : i32 to index
      %get3A_1599 = tpu.vector_load %arg7[%get3A_1598] {strides = array<i32>} : memref<36864xf32, #tpu.memory_space<vmem>>, vector<16xf32>,
      %exp3A_1600 = math.exp %get3A_1599 : vector<16xf32>
      %add3A_1601 = arith.constant 8192 : i32
      %add3A_1602 = arith.addi %add3A_1601, %add3A_1578 : i32
      %get3A_1603 = arith.index_cast %add3A_1602 : i32 to index
      %get3A_1604 = tpu.vector_load %arg7[%get3A_1603] {strides = array<i32>} : memref<36864xf32, #tpu.memory_space<vmem>>, vector<16xf32>,
      %exp3A_1605 = math.exp %get3A_1604 : vector<16xf32>
      %add3A_1606 = arith.constant 10240 : i32
      %add3A_1607 = arith.addi %add3A_1606, %add3A_1578 : i32
      %get3A_1608 = arith.index_cast %add3A_1607 : i32 to index
      %get3A_1609 = tpu.vector_load %arg7[%get3A_1608] {strides = array<i32>} : memref<36864xf32, #tpu.memory_space<vmem>>, vector<16xf32>,
      %exp3A_1610 = math.exp %get3A_1609 : vector<16xf32>
      %add3A_1611 = arith.constant 12288 : i32
      %add3A_1612 = arith.addi %add3A_1611, %add3A_1578 : i32
      %get3A_1613 = arith.index_cast %add3A_1612 : i32 to index
      %get3A_1614 = tpu.vector_load %arg7[%get3A_1613] {strides = array<i32>} : memref<36864xf32, #tpu.memory_space<vmem>>, vector<16xf32>,
      %exp3A_1615 = math.exp %get3A_1614 : vector<16xf32>
      %add3A_1616 = arith.constant 14336 : i32
      %add3A_1617 = arith.addi %add3A_1616, %add3A_1578 : i32
      %get3A_1618 = arith.index_cast %add3A_1617 : i32 to index
      %get3A_1619 = tpu.vector_load %arg7[%get3A_1618] {strides = array<i32>} : memref<36864xf32, #tpu.memory_space<vmem>>, vector<16xf32>,
      %exp3A_1620 = math.exp %get3A_1619 : vector<16xf32>
      %add3A_1621 = arith.constant 16384 : i32
      %add3A_1622 = arith.addi %add3A_1621, %add3A_1578 : i32
      %get3A_1623 = arith.index_cast %add3A_1622 : i32 to index
      %get3A_1624 = tpu.vector_load %arg7[%get3A_1623] {strides = array<i32>} : memref<36864xf32, #tpu.memory_space<vmem>>, vector<16xf32>,
      %exp3A_1625 = math.exp %get3A_1624 : vector<16xf32>
      %add3A_1626 = arith.constant 18432 : i32
      %add3A_1627 = arith.addi %add3A_1626, %add3A_1578 : i32
      %get3A_1628 = arith.index_cast %add3A_1627 : i32 to index
      %get3A_1629 = tpu.vector_load %arg7[%get3A_1628] {strides = array<i32>} : memref<36864xf32, #tpu.memory_space<vmem>>, vector<16xf32>,
      %exp3A_1630 = math.exp %get3A_1629 : vector<16xf32>
      %add3A_1631 = arith.constant 20480 : i32
      %add3A_1632 = arith.addi %add3A_1631, %add3A_1578 : i32
      %get3A_1633 = arith.index_cast %add3A_1632 : i32 to index
      %get3A_1634 = tpu.vector_load %arg7[%get3A_1633] {strides = array<i32>} : memref<36864xf32, #tpu.memory_space<vmem>>, vector<16xf32>,
      %exp3A_1635 = math.exp %get3A_1634 : vector<16xf32>
      %add3A_1636 = arith.constant 22528 : i32
      %add3A_1637 = arith.addi %add3A_1636, %add3A_1578 : i32
      %get3A_1638 = arith.index_cast %add3A_1637 : i32 to index
      %get3A_1639 = tpu.vector_load %arg7[%get3A_1638] {strides = array<i32>} : memref<36864xf32, #tpu.memory_space<vmem>>, vector<16xf32>,
      %exp3A_1640 = math.exp %get3A_1639 : vector<16xf32>
      %add3A_1641 = arith.constant 24576 : i32
      %add3A_1642 = arith.addi %add3A_1641, %add3A_1578 : i32
      %get3A_1643 = arith.index_cast %add3A_1642 : i32 to index
      %get3A_1644 = tpu.vector_load %arg7[%get3A_1643] {strides = array<i32>} : memref<36864xf32, #tpu.memory_space<vmem>>, vector<16xf32>,
      %exp3A_1645 = math.exp %get3A_1644 : vector<16xf32>
      %add3A_1646 = arith.constant 26624 : i32
      %add3A_1647 = arith.addi %add3A_1646, %add3A_1578 : i32
      %get3A_1648 = arith.index_cast %add3A_1647 : i32 to index
      %get3A_1649 = tpu.vector_load %arg7[%get3A_1648] {strides = array<i32>} : memref<36864xf32, #tpu.memory_space<vmem>>, vector<16xf32>,
      %exp3A_1650 = math.exp %get3A_1649 : vector<16xf32>
      %add3A_1651 = arith.constant 28672 : i32
      %add3A_1652 = arith.addi %add3A_1651, %add3A_1578 : i32
      %get3A_1653 = arith.index_cast %add3A_1652 : i32 to index
      %get3A_1654 = tpu.vector_load %arg7[%get3A_1653] {strides = array<i32>} : memref<36864xf32, #tpu.memory_space<vmem>>, vector<16xf32>,
      %exp3A_1655 = math.exp %get3A_1654 : vector<16xf32>
      %add3A_1656 = arith.constant 30720 : i32
      %add3A_1657 = arith.addi %add3A_1656, %add3A_1578 : i32
      %get3A_1658 = arith.index_cast %add3A_1657 : i32 to index
      %get3A_1659 = tpu.vector_load %arg7[%get3A_1658] {strides = array<i32>} : memref<36864xf32, #tpu.memory_space<vmem>>, vector<16xf32>,
      %exp3A_1660 = math.exp %get3A_1659 : vector<16xf32>
      %add3A_1661 = arith.constant 32768 : i32
      %add3A_1662 = arith.addi %add3A_1661, %add3A_1578 : i32
      %get3A_1663 = arith.index_cast %add3A_1662 : i32 to index
      %get3A_1664 = tpu.vector_load %arg7[%get3A_1663] {strides = array<i32>} : memref<36864xf32, #tpu.memory_space<vmem>>, vector<16xf32>,
      %exp3A_1665 = math.exp %get3A_1664 : vector<16xf32>
      %add3A_1666 = arith.constant 34816 : i32
      %add3A_1667 = arith.addi %add3A_1666, %add3A_1578 : i32
      %get3A_1668 = arith.index_cast %add3A_1667 : i32 to index
      %get3A_1669 = tpu.vector_load %arg7[%get3A_1668] {strides = array<i32>} : memref<36864xf32, #tpu.memory_space<vmem>>, vector<16xf32>,
      %exp3A_1670 = math.exp %get3A_1669 : vector<16xf32>
      %add3A_1671 = arith.addf %exp3A_1585, %exp3A_1590 : vector<16xf32>
      %add3A_1672 = arith.addf %exp3A_1595, %exp3A_1600 : vector<16xf32>
      %add3A_1673 = arith.addf %exp3A_1605, %exp3A_1610 : vector<16xf32>
      %add3A_1674 = arith.addf %exp3A_1615, %exp3A_1620 : vector<16xf32>
      %add3A_1675 = arith.addf %exp3A_1625, %exp3A_1630 : vector<16xf32>
      %add3A_1676 = arith.addf %exp3A_1635, %exp3A_1640 : vector<16xf32>
      %add3A_1677 = arith.addf %exp3A_1645, %exp3A_1650 : vector<16xf32>
      %add3A_1678 = arith.addf %exp3A_1655, %exp3A_1660 : vector<16xf32>
      %add3A_1679 = arith.addf %exp3A_1665, %exp3A_1670 : vector<16xf32>
      %add3A_1680 = arith.addf %add3A_1671, %add3A_1672 : vector<16xf32>
      %add3A_1681 = arith.addf %add3A_1673, %add3A_1674 : vector<16xf32>
      %add3A_1682 = arith.addf %add3A_1675, %add3A_1676 : vector<16xf32>
      %add3A_1683 = arith.addf %add3A_1677, %add3A_1678 : vector<16xf32>
      %add3A_1684 = arith.addf %add3A_1680, %add3A_1681 : vector<16xf32>
      %add3A_1685 = arith.addf %add3A_1682, %add3A_1683 : vector<16xf32>
      %add3A_1686 = arith.addf %add3A_1684, %add3A_1685 : vector<16xf32>
      %add3A_1687 = arith.addf %add3A_1686, %add3A_1679 : vector<16xf32>
      %div3A_1688 = arith.constant 1.000000e+00 : f32
      %div3A_1689 = vector.broadcast %div3A_1688 : f32 to vector<16xf32>
      %div3A_1690 = arith.divf %div3A_1689, %add3A_1687 : vector<16xf32>
      %mul3A_1691 = arith.constant 2.555000e+02 : f32
      %mul3A_1692 = vector.broadcast %mul3A_1691 : f32 to vector<16xf32>
      %mul3A_1693 = arith.mulf %mul3A_1692, %div3A_1690 : vector<16xf32>
      %mul3A_1694 = arith.mulf %exp3A_1585, %mul3A_1693 : vector<16xf32>
      %convert_element_type3A_1695 = arith.fptosi %mul3A_1694 : vector<16xf32> to vector<16xi32>
      %add3A_1696 = arith.constant 0 : i32
      %add3A_1697 = vector.broadcast %add3A_1696 : i32 to vector<16xi32>
      %add3A_1698 = arith.addi %convert_element_type3A_1695, %add3A_1697 : vector<16xi32>
      tpu.vector_store_idx %arg10[%add3A_1698], %broadcast_in_dim3A_168 {add = true} : memref<9216xf32, #tpu.memory_space<vmem>>[vector<16xi32>], vector<16xf32>,
      %mul3A_1699 = arith.mulf %exp3A_1590, %mul3A_1693 : vector<16xf32>
      %convert_element_type3A_1700 = arith.fptosi %mul3A_1699 : vector<16xf32> to vector<16xi32>
      %add3A_1701 = arith.constant 512 : i32
      %add3A_1702 = vector.broadcast %add3A_1701 : i32 to vector<16xi32>
      %add3A_1703 = arith.addi %convert_element_type3A_1700, %add3A_1702 : vector<16xi32>
      tpu.vector_store_idx %arg10[%add3A_1703], %broadcast_in_dim3A_168 {add = true} : memref<9216xf32, #tpu.memory_space<vmem>>[vector<16xi32>], vector<16xf32>,
      %mul3A_1704 = arith.mulf %exp3A_1595, %mul3A_1693 : vector<16xf32>
      %convert_element_type3A_1705 = arith.fptosi %mul3A_1704 : vector<16xf32> to vector<16xi32>
      %add3A_1706 = arith.constant 1024 : i32
      %add3A_1707 = vector.broadcast %add3A_1706 : i32 to vector<16xi32>
      %add3A_1708 = arith.addi %convert_element_type3A_1705, %add3A_1707 : vector<16xi32>
      tpu.vector_store_idx %arg10[%add3A_1708], %broadcast_in_dim3A_168 {add = true} : memref<9216xf32, #tpu.memory_space<vmem>>[vector<16xi32>], vector<16xf32>,
      %mul3A_1709 = arith.mulf %exp3A_1600, %mul3A_1693 : vector<16xf32>
      %convert_element_type3A_1710 = arith.fptosi %mul3A_1709 : vector<16xf32> to vector<16xi32>
      %add3A_1711 = arith.constant 1536 : i32
      %add3A_1712 = vector.broadcast %add3A_1711 : i32 to vector<16xi32>
      %add3A_1713 = arith.addi %convert_element_type3A_1710, %add3A_1712 : vector<16xi32>
      tpu.vector_store_idx %arg10[%add3A_1713], %broadcast_in_dim3A_168 {add = true} : memref<9216xf32, #tpu.memory_space<vmem>>[vector<16xi32>], vector<16xf32>,
      %mul3A_1714 = arith.mulf %exp3A_1605, %mul3A_1693 : vector<16xf32>
      %convert_element_type3A_1715 = arith.fptosi %mul3A_1714 : vector<16xf32> to vector<16xi32>
      %add3A_1716 = arith.constant 2048 : i32
      %add3A_1717 = vector.broadcast %add3A_1716 : i32 to vector<16xi32>
      %add3A_1718 = arith.addi %convert_element_type3A_1715, %add3A_1717 : vector<16xi32>
      tpu.vector_store_idx %arg10[%add3A_1718], %broadcast_in_dim3A_168 {add = true} : memref<9216xf32, #tpu.memory_space<vmem>>[vector<16xi32>], vector<16xf32>,
      %mul3A_1719 = arith.mulf %exp3A_1610, %mul3A_1693 : vector<16xf32>
      %convert_element_type3A_1720 = arith.fptosi %mul3A_1719 : vector<16xf32> to vector<16xi32>
      %add3A_1721 = arith.constant 2560 : i32
      %add3A_1722 = vector.broadcast %add3A_1721 : i32 to vector<16xi32>
      %add3A_1723 = arith.addi %convert_element_type3A_1720, %add3A_1722 : vector<16xi32>
      tpu.vector_store_idx %arg10[%add3A_1723], %broadcast_in_dim3A_168 {add = true} : memref<9216xf32, #tpu.memory_space<vmem>>[vector<16xi32>], vector<16xf32>,
      %mul3A_1724 = arith.mulf %exp3A_1615, %mul3A_1693 : vector<16xf32>
      %convert_element_type3A_1725 = arith.fptosi %mul3A_1724 : vector<16xf32> to vector<16xi32>
      %add3A_1726 = arith.constant 3072 : i32
      %add3A_1727 = vector.broadcast %add3A_1726 : i32 to vector<16xi32>
      %add3A_1728 = arith.addi %convert_element_type3A_1725, %add3A_1727 : vector<16xi32>
      tpu.vector_store_idx %arg10[%add3A_1728], %broadcast_in_dim3A_168 {add = true} : memref<9216xf32, #tpu.memory_space<vmem>>[vector<16xi32>], vector<16xf32>,
      %mul3A_1729 = arith.mulf %exp3A_1620, %mul3A_1693 : vector<16xf32>
      %convert_element_type3A_1730 = arith.fptosi %mul3A_1729 : vector<16xf32> to vector<16xi32>
      %add3A_1731 = arith.constant 3584 : i32
      %add3A_1732 = vector.broadcast %add3A_1731 : i32 to vector<16xi32>
      %add3A_1733 = arith.addi %convert_element_type3A_1730, %add3A_1732 : vector<16xi32>
      tpu.vector_store_idx %arg10[%add3A_1733], %broadcast_in_dim3A_168 {add = true} : memref<9216xf32, #tpu.memory_space<vmem>>[vector<16xi32>], vector<16xf32>,
      %mul3A_1734 = arith.mulf %exp3A_1625, %mul3A_1693 : vector<16xf32>
      %convert_element_type3A_1735 = arith.fptosi %mul3A_1734 : vector<16xf32> to vector<16xi32>
      %add3A_1736 = arith.constant 4096 : i32
      %add3A_1737 = vector.broadcast %add3A_1736 : i32 to vector<16xi32>
      %add3A_1738 = arith.addi %convert_element_type3A_1735, %add3A_1737 : vector<16xi32>
      tpu.vector_store_idx %arg10[%add3A_1738], %broadcast_in_dim3A_168 {add = true} : memref<9216xf32, #tpu.memory_space<vmem>>[vector<16xi32>], vector<16xf32>,
      %mul3A_1739 = arith.mulf %exp3A_1630, %mul3A_1693 : vector<16xf32>
      %convert_element_type3A_1740 = arith.fptosi %mul3A_1739 : vector<16xf32> to vector<16xi32>
      %add3A_1741 = arith.constant 4608 : i32
      %add3A_1742 = vector.broadcast %add3A_1741 : i32 to vector<16xi32>
      %add3A_1743 = arith.addi %convert_element_type3A_1740, %add3A_1742 : vector<16xi32>
      tpu.vector_store_idx %arg10[%add3A_1743], %broadcast_in_dim3A_168 {add = true} : memref<9216xf32, #tpu.memory_space<vmem>>[vector<16xi32>], vector<16xf32>,
      %mul3A_1744 = arith.mulf %exp3A_1635, %mul3A_1693 : vector<16xf32>
      %convert_element_type3A_1745 = arith.fptosi %mul3A_1744 : vector<16xf32> to vector<16xi32>
      %add3A_1746 = arith.constant 5120 : i32
      %add3A_1747 = vector.broadcast %add3A_1746 : i32 to vector<16xi32>
      %add3A_1748 = arith.addi %convert_element_type3A_1745, %add3A_1747 : vector<16xi32>
      tpu.vector_store_idx %arg10[%add3A_1748], %broadcast_in_dim3A_168 {add = true} : memref<9216xf32, #tpu.memory_space<vmem>>[vector<16xi32>], vector<16xf32>,
      %mul3A_1749 = arith.mulf %exp3A_1640, %mul3A_1693 : vector<16xf32>
      %convert_element_type3A_1750 = arith.fptosi %mul3A_1749 : vector<16xf32> to vector<16xi32>
      %add3A_1751 = arith.constant 5632 : i32
      %add3A_1752 = vector.broadcast %add3A_1751 : i32 to vector<16xi32>
      %add3A_1753 = arith.addi %convert_element_type3A_1750, %add3A_1752 : vector<16xi32>
      tpu.vector_store_idx %arg10[%add3A_1753], %broadcast_in_dim3A_168 {add = true} : memref<9216xf32, #tpu.memory_space<vmem>>[vector<16xi32>], vector<16xf32>,
      %mul3A_1754 = arith.mulf %exp3A_1645, %mul3A_1693 : vector<16xf32>
      %convert_element_type3A_1755 = arith.fptosi %mul3A_1754 : vector<16xf32> to vector<16xi32>
      %add3A_1756 = arith.constant 6144 : i32
      %add3A_1757 = vector.broadcast %add3A_1756 : i32 to vector<16xi32>
      %add3A_1758 = arith.addi %convert_element_type3A_1755, %add3A_1757 : vector<16xi32>
      tpu.vector_store_idx %arg10[%add3A_1758], %broadcast_in_dim3A_168 {add = true} : memref<9216xf32, #tpu.memory_space<vmem>>[vector<16xi32>], vector<16xf32>,
      %mul3A_1759 = arith.mulf %exp3A_1650, %mul3A_1693 : vector<16xf32>
      %convert_element_type3A_1760 = arith.fptosi %mul3A_1759 : vector<16xf32> to vector<16xi32>
      %add3A_1761 = arith.constant 6656 : i32
      %add3A_1762 = vector.broadcast %add3A_1761 : i32 to vector<16xi32>
      %add3A_1763 = arith.addi %convert_element_type3A_1760, %add3A_1762 : vector<16xi32>
      tpu.vector_store_idx %arg10[%add3A_1763], %broadcast_in_dim3A_168 {add = true} : memref<9216xf32, #tpu.memory_space<vmem>>[vector<16xi32>], vector<16xf32>,
      %mul3A_1764 = arith.mulf %exp3A_1655, %mul3A_1693 : vector<16xf32>
      %convert_element_type3A_1765 = arith.fptosi %mul3A_1764 : vector<16xf32> to vector<16xi32>
      %add3A_1766 = arith.constant 7168 : i32
      %add3A_1767 = vector.broadcast %add3A_1766 : i32 to vector<16xi32>
      %add3A_1768 = arith.addi %convert_element_type3A_1765, %add3A_1767 : vector<16xi32>
      tpu.vector_store_idx %arg10[%add3A_1768], %broadcast_in_dim3A_168 {add = true} : memref<9216xf32, #tpu.memory_space<vmem>>[vector<16xi32>], vector<16xf32>,
      %mul3A_1769 = arith.mulf %exp3A_1660, %mul3A_1693 : vector<16xf32>
      %convert_element_type3A_1770 = arith.fptosi %mul3A_1769 : vector<16xf32> to vector<16xi32>
      %add3A_1771 = arith.constant 7680 : i32
      %add3A_1772 = vector.broadcast %add3A_1771 : i32 to vector<16xi32>
      %add3A_1773 = arith.addi %convert_element_type3A_1770, %add3A_1772 : vector<16xi32>
      tpu.vector_store_idx %arg10[%add3A_1773], %broadcast_in_dim3A_168 {add = true} : memref<9216xf32, #tpu.memory_space<vmem>>[vector<16xi32>], vector<16xf32>,
      %mul3A_1774 = arith.mulf %exp3A_1665, %mul3A_1693 : vector<16xf32>
      %convert_element_type3A_1775 = arith.fptosi %mul3A_1774 : vector<16xf32> to vector<16xi32>
      %add3A_1776 = arith.constant 8192 : i32
      %add3A_1777 = vector.broadcast %add3A_1776 : i32 to vector<16xi32>
      %add3A_1778 = arith.addi %convert_element_type3A_1775, %add3A_1777 : vector<16xi32>
      tpu.vector_store_idx %arg10[%add3A_1778], %broadcast_in_dim3A_168 {add = true} : memref<9216xf32, #tpu.memory_space<vmem>>[vector<16xi32>], vector<16xf32>,
      %mul3A_1779 = arith.mulf %exp3A_1670, %mul3A_1693 : vector<16xf32>
      %convert_element_type3A_1780 = arith.fptosi %mul3A_1779 : vector<16xf32> to vector<16xi32>
      %add3A_1781 = arith.constant 8704 : i32
      %add3A_1782 = vector.broadcast %add3A_1781 : i32 to vector<16xi32>
      %add3A_1783 = arith.addi %convert_element_type3A_1780, %add3A_1782 : vector<16xi32>
      tpu.vector_store_idx %arg10[%add3A_1783], %broadcast_in_dim3A_168 {add = true} : memref<9216xf32, #tpu.memory_space<vmem>>[vector<16xi32>], vector<16xf32>,
      %mul3A_1784 = arith.constant 2048 : i32
      %mul3A_1785 = vector.broadcast %mul3A_1784 : i32 to vector<16xi32>
      %mul3A_1786 = arith.muli %get3A_1580, %mul3A_1785 : vector<16xi32>
      %add3A_1787 = vector.broadcast %add3A_1578 : i32 to vector<16xi32>
      %add3A_1788 = arith.addi %mul3A_1786, %add3A_1787 : vector<16xi32>
      %add3A_1789 = arith.addi %add3A_1788, %iota3A : vector<16xi32>
      %gather3A_1790 = tpu.vector_load_idx %arg7[%add3A_1789] : memref<36864xf32, #tpu.memory_space<vmem>>[vector<16xi32>], vector<16xf32>,
      %gather3A_1791 = tpu.vector_load_idx %arg9[%get3A_1580] : memref<32xf32, #tpu.memory_space<vmem>>[vector<16xi32>], vector<16xf32>,
      %bitcast_convert_type3A_1792 = tpu.bitcast %add3A_1687 : vector<16xf32> -> vector<16xi32>
      %shift_right_arithmetic3A_1793 = arith.constant 23 : i32
      %shift_right_arithmetic3A_1794 = vector.broadcast %shift_right_arithmetic3A_1793 : i32 to vector<16xi32>
      %shift_right_arithmetic3A_1795 = arith.shrsi %bitcast_convert_type3A_1792, %shift_right_arithmetic3A_1794 : vector<16xi32>
      %sub3A_1796 = arith.constant 127 : i32
      %sub3A_1797 = vector.broadcast %sub3A_1796 : i32 to vector<16xi32>
      %sub3A_1798 = arith.subi %shift_right_arithmetic3A_1795, %sub3A_1797 : vector<16xi32>
      %and3A_1799 = arith.constant 8388607 : i32
      %and3A_1800 = vector.broadcast %and3A_1799 : i32 to vector<16xi32>
      %and3A_1801 = arith.andi %bitcast_convert_type3A_1792, %and3A_1800 : vector<16xi32>
      %or3A_1802 = arith.constant 1065353216 : i32
      %or3A_1803 = vector.broadcast %or3A_1802 : i32 to vector<16xi32>
      %or3A_1804 = arith.ori %and3A_1801, %or3A_1803 : vector<16xi32>
      %bitcast_convert_type3A_1805 = tpu.bitcast %or3A_1804 : vector<16xi32> -> vector<16xf32>
      %sub3A_1806 = arith.constant 1.000000e+00 : f32
      %sub3A_1807 = vector.broadcast %sub3A_1806 : f32 to vector<16xf32>
      %sub3A_1808 = arith.subf %bitcast_convert_type3A_1805, %sub3A_1807 : vector<16xf32>
      %mul3A_1809 = arith.constant 0.0147787211 : f32
      %mul3A_1810 = vector.broadcast %mul3A_1809 : f32 to vector<16xf32>
      %mul3A_1811 = arith.mulf %mul3A_1810, %sub3A_1808 : vector<16xf32>
      %add3A_1812 = arith.constant -0.076848723 : f32
      %add3A_1813 = vector.broadcast %add3A_1812 : f32 to vector<16xf32>
      %add3A_1814 = arith.addf %mul3A_1811, %add3A_1813 : vector<16xf32>
      %mul3A_1815 = arith.mulf %add3A_1814, %sub3A_1808 : vector<16xf32>
      %add3A_1816 = arith.constant 0.190420836 : f32
      %add3A_1817 = vector.broadcast %add3A_1816 : f32 to vector<16xf32>
      %add3A_1818 = arith.addf %mul3A_1815, %add3A_1817 : vector<16xf32>
      %mul3A_1819 = arith.mulf %add3A_1818, %sub3A_1808 : vector<16xf32>
      %add3A_1820 = arith.constant -0.323115945 : f32
      %add3A_1821 = vector.broadcast %add3A_1820 : f32 to vector<16xf32>
      %add3A_1822 = arith.addf %mul3A_1819, %add3A_1821 : vector<16xf32>
      %mul3A_1823 = arith.mulf %add3A_1822, %sub3A_1808 : vector<16xf32>
      %add3A_1824 = arith.constant 0.47249952 : f32
      %add3A_1825 = vector.broadcast %add3A_1824 : f32 to vector<16xf32>
      %add3A_1826 = arith.addf %mul3A_1823, %add3A_1825 : vector<16xf32>
      %mul3A_1827 = arith.mulf %add3A_1826, %sub3A_1808 : vector<16xf32>
      %add3A_1828 = arith.constant -0.720386624 : f32
      %add3A_1829 = vector.broadcast %add3A_1828 : f32 to vector<16xf32>
      %add3A_1830 = arith.addf %mul3A_1827, %add3A_1829 : vector<16xf32>
      %mul3A_1831 = arith.mulf %add3A_1830, %sub3A_1808 : vector<16xf32>
      %add3A_1832 = arith.constant 1.44265211 : f32
      %add3A_1833 = vector.broadcast %add3A_1832 : f32 to vector<16xf32>
      %add3A_1834 = arith.addf %mul3A_1831, %add3A_1833 : vector<16xf32>
      %mul3A_1835 = arith.mulf %add3A_1834, %sub3A_1808 : vector<16xf32>
      %add3A_1836 = arith.constant 3.19697818E-7 : f32
      %add3A_1837 = vector.broadcast %add3A_1836 : f32 to vector<16xf32>
      %add3A_1838 = arith.addf %mul3A_1835, %add3A_1837 : vector<16xf32>
      %convert_element_type3A_1839 = arith.sitofp %sub3A_1798 : vector<16xi32> to vector<16xf32>
      %add3A_1840 = arith.addf %convert_element_type3A_1839, %add3A_1838 : vector<16xf32>
      %mul3A_1841 = arith.constant 0.693147182 : f32
      %mul3A_1842 = vector.broadcast %mul3A_1841 : f32 to vector<16xf32>
      %mul3A_1843 = arith.mulf %add3A_1840, %mul3A_1842 : vector<16xf32>
      %sub3A_1844 = arith.subf %mul3A_1843, %gather3A_1790 : vector<16xf32>
      %mul3A_1845 = arith.mulf %sub3A_1844, %gather3A_1791 : vector<16xf32>
      %add3A_1846 = arith.addf %add3A_1274, %mul3A_1845 : vector<16xf32>
      %add3A_1847 = arith.addf %add3A_1275, %gather3A_1791 : vector<16xf32>
      %exp3A_1848 = math.exp %gather3A_1790 : vector<16xf32>
      %mul3A_1849 = arith.mulf %exp3A_1848, %mul3A_1693 : vector<16xf32>
      %mul3A_1850 = arith.constant 512 : i32
      %mul3A_1851 = vector.broadcast %mul3A_1850 : i32 to vector<16xi32>
      %mul3A_1852 = arith.muli %get3A_1580, %mul3A_1851 : vector<16xi32>
      %convert_element_type3A_1853 = arith.fptosi %mul3A_1849 : vector<16xf32> to vector<16xi32>
      %add3A_1854 = arith.addi %convert_element_type3A_1853, %mul3A_1852 : vector<16xi32>
      tpu.vector_store_idx %arg10[%add3A_1854], %neg3A_170 {add = true} : memref<9216xf32, #tpu.memory_space<vmem>>[vector<16xi32>], vector<16xf32>,
      %sub3A_1855 = arith.constant 2.555000e+02 : f32
      %sub3A_1856 = vector.broadcast %sub3A_1855 : f32 to vector<16xf32>
      %sub3A_1857 = arith.subf %sub3A_1856, %mul3A_1849 : vector<16xf32>
      %convert_element_type3A_1858 = arith.fptosi %sub3A_1857 : vector<16xf32> to vector<16xi32>
      %add3A_1859 = arith.addi %convert_element_type3A_1858, %mul3A_1852 : vector<16xi32>
      tpu.vector_store_idx %arg10[%add3A_1859], %broadcast_in_dim3A_168 {add = true} : memref<9216xf32, #tpu.memory_space<vmem>>[vector<16xi32>], vector<16xf32>,
      %add3A_1860 = arith.constant 256 : i32
      %add3A_1861 = vector.broadcast %add3A_1860 : i32 to vector<16xi32>
      %add3A_1862 = arith.addi %add3A_1859, %add3A_1861 : vector<16xi32>
      tpu.vector_store_idx %arg10[%add3A_1862], %broadcast_in_dim3A_168 {add = true} : memref<9216xf32, #tpu.memory_space<vmem>>[vector<16xi32>], vector<16xf32>,
      scf.yield %add3A_1560, %add3A_1561, %add3A_1846, %add3A_1847 : vector<16xf32>, vector<16xf32>, vector<16xf32>, vector<16xf32>
    }
    %scan3A_346 = arith.constant 32 : i32
    %add3A_347 = arith.addf %scan3A_345#0, %scan3A_345#2 : vector<16xf32>
    %add3A_348 = arith.addf %scan3A_345#1, %scan3A_345#3 : vector<16xf32>
    %swap3A = arith.constant 0 : index
    %swap3A_349 = tpu.vector_load %arg11[%swap3A] {strides = array<i32>} : memref<32xf32, #tpu.memory_space<vmem>>, vector<16xf32>,
    tpu.vector_store %arg11[%swap3A], %add3A_347 {strides = array<i32>} : memref<32xf32, #tpu.memory_space<vmem>>, vector<16xf32>,
    %swap3A_350 = arith.constant 16 : index
    %swap3A_351 = tpu.vector_load %arg11[%swap3A_350] {strides = array<i32>} : memref<32xf32, #tpu.memory_space<vmem>>, vector<16xf32>,
    tpu.vector_store %arg11[%swap3A_350], %add3A_348 {strides = array<i32>} : memref<32xf32, #tpu.memory_space<vmem>>, vector<16xf32>,
    %dma_start3A_352 = arith.constant 0 : i32
    %dma_start3A_353 = tpu.memref_slice %arg6[%add3A, %dma_start3A_352] : memref<32x32xf32, #tpu.memory_space<hbm>> -> memref<1x32xf32, #tpu.memory_space<hbm>>
    %dma_start3A_354 = tpu.memref_squeeze %dma_start3A_353 : memref<1x32xf32, #tpu.memory_space<hbm>> -> memref<32xf32, #tpu.memory_space<hbm>>
    %dma_start3A_355 = arith.constant 0 : i32
    %dma_start3A_356 = tpu.memref_slice %arg6[%add3A, %dma_start3A_355] : memref<32x32xf32, #tpu.memory_space<hbm>> -> memref<1x32xf32, #tpu.memory_space<hbm>>
    %dma_start3A_357 = tpu.memref_squeeze %dma_start3A_356 : memref<1x32xf32, #tpu.memory_space<hbm>> -> memref<32xf32, #tpu.memory_space<hbm>>
    tpu.enqueue_dma source(%arg11 : memref<32xf32, #tpu.memory_space<vmem>>) target(%dma_start3A_357 : memref<32xf32, #tpu.memory_space<hbm>>) target_semaphore(%arg12 : memref<!tpu.dma_semaphore, #tpu.memory_space<semaphore_mem>>)
    %mul3A_358 = arith.constant 512 : i32
    %mul3A_359 = arith.muli %add3A, %mul3A_358 : i32
    %dma_start3A_360 = arith.constant 0 : i32
    %dma_start3A_361 = arith.constant 0 : i32
    %dma_start3A_362 = tpu.memref_slice %arg10[%dma_start3A_361] : memref<9216xf32, #tpu.memory_space<vmem>> -> memref<512xf32, #tpu.memory_space<vmem>>
    %dma_start3A_363 = tpu.memref_slice %arg5[%dma_start3A_360, %mul3A_359] : memref<18x16384xf32, #tpu.memory_space<hbm>> -> memref<1x512xf32, #tpu.memory_space<hbm>>
    %dma_start3A_364 = tpu.memref_squeeze %dma_start3A_363 : memref<1x512xf32, #tpu.memory_space<hbm>> -> memref<512xf32, #tpu.memory_space<hbm>>
    %dma_start3A_365 = tpu.memref_slice %arg5[%dma_start3A_360, %mul3A_359] : memref<18x16384xf32, #tpu.memory_space<hbm>> -> memref<1x512xf32, #tpu.memory_space<hbm>>
    %dma_start3A_366 = tpu.memref_squeeze %dma_start3A_365 : memref<1x512xf32, #tpu.memory_space<hbm>> -> memref<512xf32, #tpu.memory_space<hbm>>
    %dma_start3A_367 = arith.constant 0 : i32
    %dma_start3A_368 = tpu.memref_slice %arg10[%dma_start3A_367] : memref<9216xf32, #tpu.memory_space<vmem>> -> memref<512xf32, #tpu.memory_space<vmem>>
    tpu.enqueue_dma source(%dma_start3A_368 : memref<512xf32, #tpu.memory_space<vmem>>) target(%dma_start3A_366 : memref<512xf32, #tpu.memory_space<hbm>>) target_semaphore(%arg12 : memref<!tpu.dma_semaphore, #tpu.memory_space<semaphore_mem>>)
    %mul3A_369 = arith.constant 512 : i32
    %mul3A_370 = arith.muli %add3A, %mul3A_369 : i32
    %dma_start3A_371 = arith.constant 1 : i32
    %dma_start3A_372 = arith.constant 512 : i32
    %dma_start3A_373 = tpu.memref_slice %arg10[%dma_start3A_372] : memref<9216xf32, #tpu.memory_space<vmem>> -> memref<512xf32, #tpu.memory_space<vmem>>
    %dma_start3A_374 = tpu.memref_slice %arg5[%dma_start3A_371, %mul3A_370] : memref<18x16384xf32, #tpu.memory_space<hbm>> -> memref<1x512xf32, #tpu.memory_space<hbm>>
    %dma_start3A_375 = tpu.memref_squeeze %dma_start3A_374 : memref<1x512xf32, #tpu.memory_space<hbm>> -> memref<512xf32, #tpu.memory_space<hbm>>
    %dma_start3A_376 = tpu.memref_slice %arg5[%dma_start3A_371, %mul3A_370] : memref<18x16384xf32, #tpu.memory_space<hbm>> -> memref<1x512xf32, #tpu.memory_space<hbm>>
    %dma_start3A_377 = tpu.memref_squeeze %dma_start3A_376 : memref<1x512xf32, #tpu.memory_space<hbm>> -> memref<512xf32, #tpu.memory_space<hbm>>
    %dma_start3A_378 = arith.constant 512 : i32
    %dma_start3A_379 = tpu.memref_slice %arg10[%dma_start3A_378] : memref<9216xf32, #tpu.memory_space<vmem>> -> memref<512xf32, #tpu.memory_space<vmem>>
    tpu.enqueue_dma source(%dma_start3A_379 : memref<512xf32, #tpu.memory_space<vmem>>) target(%dma_start3A_377 : memref<512xf32, #tpu.memory_space<hbm>>) target_semaphore(%arg12 : memref<!tpu.dma_semaphore, #tpu.memory_space<semaphore_mem>>)
    %mul3A_380 = arith.constant 512 : i32
    %mul3A_381 = arith.muli %add3A, %mul3A_380 : i32
    %dma_start3A_382 = arith.constant 2 : i32
    %dma_start3A_383 = arith.constant 1024 : i32
    %dma_start3A_384 = tpu.memref_slice %arg10[%dma_start3A_383] : memref<9216xf32, #tpu.memory_space<vmem>> -> memref<512xf32, #tpu.memory_space<vmem>>
    %dma_start3A_385 = tpu.memref_slice %arg5[%dma_start3A_382, %mul3A_381] : memref<18x16384xf32, #tpu.memory_space<hbm>> -> memref<1x512xf32, #tpu.memory_space<hbm>>
    %dma_start3A_386 = tpu.memref_squeeze %dma_start3A_385 : memref<1x512xf32, #tpu.memory_space<hbm>> -> memref<512xf32, #tpu.memory_space<hbm>>
    %dma_start3A_387 = tpu.memref_slice %arg5[%dma_start3A_382, %mul3A_381] : memref<18x16384xf32, #tpu.memory_space<hbm>> -> memref<1x512xf32, #tpu.memory_space<hbm>>
    %dma_start3A_388 = tpu.memref_squeeze %dma_start3A_387 : memref<1x512xf32, #tpu.memory_space<hbm>> -> memref<512xf32, #tpu.memory_space<hbm>>
    %dma_start3A_389 = arith.constant 1024 : i32
    %dma_start3A_390 = tpu.memref_slice %arg10[%dma_start3A_389] : memref<9216xf32, #tpu.memory_space<vmem>> -> memref<512xf32, #tpu.memory_space<vmem>>
    tpu.enqueue_dma source(%dma_start3A_390 : memref<512xf32, #tpu.memory_space<vmem>>) target(%dma_start3A_388 : memref<512xf32, #tpu.memory_space<hbm>>) target_semaphore(%arg12 : memref<!tpu.dma_semaphore, #tpu.memory_space<semaphore_mem>>)
    %mul3A_391 = arith.constant 512 : i32
    %mul3A_392 = arith.muli %add3A, %mul3A_391 : i32
    %dma_start3A_393 = arith.constant 3 : i32
    %dma_start3A_394 = arith.constant 1536 : i32
    %dma_start3A_395 = tpu.memref_slice %arg10[%dma_start3A_394] : memref<9216xf32, #tpu.memory_space<vmem>> -> memref<512xf32, #tpu.memory_space<vmem>>
    %dma_start3A_396 = tpu.memref_slice %arg5[%dma_start3A_393, %mul3A_392] : memref<18x16384xf32, #tpu.memory_space<hbm>> -> memref<1x512xf32, #tpu.memory_space<hbm>>
    %dma_start3A_397 = tpu.memref_squeeze %dma_start3A_396 : memref<1x512xf32, #tpu.memory_space<hbm>> -> memref<512xf32, #tpu.memory_space<hbm>>
    %dma_start3A_398 = tpu.memref_slice %arg5[%dma_start3A_393, %mul3A_392] : memref<18x16384xf32, #tpu.memory_space<hbm>> -> memref<1x512xf32, #tpu.memory_space<hbm>>
    %dma_start3A_399 = tpu.memref_squeeze %dma_start3A_398 : memref<1x512xf32, #tpu.memory_space<hbm>> -> memref<512xf32, #tpu.memory_space<hbm>>
    %dma_start3A_400 = arith.constant 1536 : i32
    %dma_start3A_401 = tpu.memref_slice %arg10[%dma_start3A_400] : memref<9216xf32, #tpu.memory_space<vmem>> -> memref<512xf32, #tpu.memory_space<vmem>>
    tpu.enqueue_dma source(%dma_start3A_401 : memref<512xf32, #tpu.memory_space<vmem>>) target(%dma_start3A_399 : memref<512xf32, #tpu.memory_space<hbm>>) target_semaphore(%arg12 : memref<!tpu.dma_semaphore, #tpu.memory_space<semaphore_mem>>)
    %mul3A_402 = arith.constant 512 : i32
    %mul3A_403 = arith.muli %add3A, %mul3A_402 : i32
    %dma_start3A_404 = arith.constant 4 : i32
    %dma_start3A_405 = arith.constant 2048 : i32
    %dma_start3A_406 = tpu.memref_slice %arg10[%dma_start3A_405] : memref<9216xf32, #tpu.memory_space<vmem>> -> memref<512xf32, #tpu.memory_space<vmem>>
    %dma_start3A_407 = tpu.memref_slice %arg5[%dma_start3A_404, %mul3A_403] : memref<18x16384xf32, #tpu.memory_space<hbm>> -> memref<1x512xf32, #tpu.memory_space<hbm>>
    %dma_start3A_408 = tpu.memref_squeeze %dma_start3A_407 : memref<1x512xf32, #tpu.memory_space<hbm>> -> memref<512xf32, #tpu.memory_space<hbm>>
    %dma_start3A_409 = tpu.memref_slice %arg5[%dma_start3A_404, %mul3A_403] : memref<18x16384xf32, #tpu.memory_space<hbm>> -> memref<1x512xf32, #tpu.memory_space<hbm>>
    %dma_start3A_410 = tpu.memref_squeeze %dma_start3A_409 : memref<1x512xf32, #tpu.memory_space<hbm>> -> memref<512xf32, #tpu.memory_space<hbm>>
    %dma_start3A_411 = arith.constant 2048 : i32
    %dma_start3A_412 = tpu.memref_slice %arg10[%dma_start3A_411] : memref<9216xf32, #tpu.memory_space<vmem>> -> memref<512xf32, #tpu.memory_space<vmem>>
    tpu.enqueue_dma source(%dma_start3A_412 : memref<512xf32, #tpu.memory_space<vmem>>) target(%dma_start3A_410 : memref<512xf32, #tpu.memory_space<hbm>>) target_semaphore(%arg12 : memref<!tpu.dma_semaphore, #tpu.memory_space<semaphore_mem>>)
    %mul3A_413 = arith.constant 512 : i32
    %mul3A_414 = arith.muli %add3A, %mul3A_413 : i32
    %dma_start3A_415 = arith.constant 5 : i32
    %dma_start3A_416 = arith.constant 2560 : i32
    %dma_start3A_417 = tpu.memref_slice %arg10[%dma_start3A_416] : memref<9216xf32, #tpu.memory_space<vmem>> -> memref<512xf32, #tpu.memory_space<vmem>>
    %dma_start3A_418 = tpu.memref_slice %arg5[%dma_start3A_415, %mul3A_414] : memref<18x16384xf32, #tpu.memory_space<hbm>> -> memref<1x512xf32, #tpu.memory_space<hbm>>
    %dma_start3A_419 = tpu.memref_squeeze %dma_start3A_418 : memref<1x512xf32, #tpu.memory_space<hbm>> -> memref<512xf32, #tpu.memory_space<hbm>>
    %dma_start3A_420 = tpu.memref_slice %arg5[%dma_start3A_415, %mul3A_414] : memref<18x16384xf32, #tpu.memory_space<hbm>> -> memref<1x512xf32, #tpu.memory_space<hbm>>
    %dma_start3A_421 = tpu.memref_squeeze %dma_start3A_420 : memref<1x512xf32, #tpu.memory_space<hbm>> -> memref<512xf32, #tpu.memory_space<hbm>>
    %dma_start3A_422 = arith.constant 2560 : i32
    %dma_start3A_423 = tpu.memref_slice %arg10[%dma_start3A_422] : memref<9216xf32, #tpu.memory_space<vmem>> -> memref<512xf32, #tpu.memory_space<vmem>>
    tpu.enqueue_dma source(%dma_start3A_423 : memref<512xf32, #tpu.memory_space<vmem>>) target(%dma_start3A_421 : memref<512xf32, #tpu.memory_space<hbm>>) target_semaphore(%arg12 : memref<!tpu.dma_semaphore, #tpu.memory_space<semaphore_mem>>)
    %mul3A_424 = arith.constant 512 : i32
    %mul3A_425 = arith.muli %add3A, %mul3A_424 : i32
    %dma_start3A_426 = arith.constant 6 : i32
    %dma_start3A_427 = arith.constant 3072 : i32
    %dma_start3A_428 = tpu.memref_slice %arg10[%dma_start3A_427] : memref<9216xf32, #tpu.memory_space<vmem>> -> memref<512xf32, #tpu.memory_space<vmem>>
    %dma_start3A_429 = tpu.memref_slice %arg5[%dma_start3A_426, %mul3A_425] : memref<18x16384xf32, #tpu.memory_space<hbm>> -> memref<1x512xf32, #tpu.memory_space<hbm>>
    %dma_start3A_430 = tpu.memref_squeeze %dma_start3A_429 : memref<1x512xf32, #tpu.memory_space<hbm>> -> memref<512xf32, #tpu.memory_space<hbm>>
    %dma_start3A_431 = tpu.memref_slice %arg5[%dma_start3A_426, %mul3A_425] : memref<18x16384xf32, #tpu.memory_space<hbm>> -> memref<1x512xf32, #tpu.memory_space<hbm>>
    %dma_start3A_432 = tpu.memref_squeeze %dma_start3A_431 : memref<1x512xf32, #tpu.memory_space<hbm>> -> memref<512xf32, #tpu.memory_space<hbm>>
    %dma_start3A_433 = arith.constant 3072 : i32
    %dma_start3A_434 = tpu.memref_slice %arg10[%dma_start3A_433] : memref<9216xf32, #tpu.memory_space<vmem>> -> memref<512xf32, #tpu.memory_space<vmem>>
    tpu.enqueue_dma source(%dma_start3A_434 : memref<512xf32, #tpu.memory_space<vmem>>) target(%dma_start3A_432 : memref<512xf32, #tpu.memory_space<hbm>>) target_semaphore(%arg12 : memref<!tpu.dma_semaphore, #tpu.memory_space<semaphore_mem>>)
    %mul3A_435 = arith.constant 512 : i32
    %mul3A_436 = arith.muli %add3A, %mul3A_435 : i32
    %dma_start3A_437 = arith.constant 7 : i32
    %dma_start3A_438 = arith.constant 3584 : i32
    %dma_start3A_439 = tpu.memref_slice %arg10[%dma_start3A_438] : memref<9216xf32, #tpu.memory_space<vmem>> -> memref<512xf32, #tpu.memory_space<vmem>>
    %dma_start3A_440 = tpu.memref_slice %arg5[%dma_start3A_437, %mul3A_436] : memref<18x16384xf32, #tpu.memory_space<hbm>> -> memref<1x512xf32, #tpu.memory_space<hbm>>
    %dma_start3A_441 = tpu.memref_squeeze %dma_start3A_440 : memref<1x512xf32, #tpu.memory_space<hbm>> -> memref<512xf32, #tpu.memory_space<hbm>>
    %dma_start3A_442 = tpu.memref_slice %arg5[%dma_start3A_437, %mul3A_436] : memref<18x16384xf32, #tpu.memory_space<hbm>> -> memref<1x512xf32, #tpu.memory_space<hbm>>
    %dma_start3A_443 = tpu.memref_squeeze %dma_start3A_442 : memref<1x512xf32, #tpu.memory_space<hbm>> -> memref<512xf32, #tpu.memory_space<hbm>>
    %dma_start3A_444 = arith.constant 3584 : i32
    %dma_start3A_445 = tpu.memref_slice %arg10[%dma_start3A_444] : memref<9216xf32, #tpu.memory_space<vmem>> -> memref<512xf32, #tpu.memory_space<vmem>>
    tpu.enqueue_dma source(%dma_start3A_445 : memref<512xf32, #tpu.memory_space<vmem>>) target(%dma_start3A_443 : memref<512xf32, #tpu.memory_space<hbm>>) target_semaphore(%arg12 : memref<!tpu.dma_semaphore, #tpu.memory_space<semaphore_mem>>)
    %mul3A_446 = arith.constant 512 : i32
    %mul3A_447 = arith.muli %add3A, %mul3A_446 : i32
    %dma_start3A_448 = arith.constant 8 : i32
    %dma_start3A_449 = arith.constant 4096 : i32
    %dma_start3A_450 = tpu.memref_slice %arg10[%dma_start3A_449] : memref<9216xf32, #tpu.memory_space<vmem>> -> memref<512xf32, #tpu.memory_space<vmem>>
    %dma_start3A_451 = tpu.memref_slice %arg5[%dma_start3A_448, %mul3A_447] : memref<18x16384xf32, #tpu.memory_space<hbm>> -> memref<1x512xf32, #tpu.memory_space<hbm>>
    %dma_start3A_452 = tpu.memref_squeeze %dma_start3A_451 : memref<1x512xf32, #tpu.memory_space<hbm>> -> memref<512xf32, #tpu.memory_space<hbm>>
    %dma_start3A_453 = tpu.memref_slice %arg5[%dma_start3A_448, %mul3A_447] : memref<18x16384xf32, #tpu.memory_space<hbm>> -> memref<1x512xf32, #tpu.memory_space<hbm>>
    %dma_start3A_454 = tpu.memref_squeeze %dma_start3A_453 : memref<1x512xf32, #tpu.memory_space<hbm>> -> memref<512xf32, #tpu.memory_space<hbm>>
    %dma_start3A_455 = arith.constant 4096 : i32
    %dma_start3A_456 = tpu.memref_slice %arg10[%dma_start3A_455] : memref<9216xf32, #tpu.memory_space<vmem>> -> memref<512xf32, #tpu.memory_space<vmem>>
    tpu.enqueue_dma source(%dma_start3A_456 : memref<512xf32, #tpu.memory_space<vmem>>) target(%dma_start3A_454 : memref<512xf32, #tpu.memory_space<hbm>>) target_semaphore(%arg12 : memref<!tpu.dma_semaphore, #tpu.memory_space<semaphore_mem>>)
    %mul3A_457 = arith.constant 512 : i32
    %mul3A_458 = arith.muli %add3A, %mul3A_457 : i32
    %dma_start3A_459 = arith.constant 9 : i32
    %dma_start3A_460 = arith.constant 4608 : i32
    %dma_start3A_461 = tpu.memref_slice %arg10[%dma_start3A_460] : memref<9216xf32, #tpu.memory_space<vmem>> -> memref<512xf32, #tpu.memory_space<vmem>>
    %dma_start3A_462 = tpu.memref_slice %arg5[%dma_start3A_459, %mul3A_458] : memref<18x16384xf32, #tpu.memory_space<hbm>> -> memref<1x512xf32, #tpu.memory_space<hbm>>
    %dma_start3A_463 = tpu.memref_squeeze %dma_start3A_462 : memref<1x512xf32, #tpu.memory_space<hbm>> -> memref<512xf32, #tpu.memory_space<hbm>>
    %dma_start3A_464 = tpu.memref_slice %arg5[%dma_start3A_459, %mul3A_458] : memref<18x16384xf32, #tpu.memory_space<hbm>> -> memref<1x512xf32, #tpu.memory_space<hbm>>
    %dma_start3A_465 = tpu.memref_squeeze %dma_start3A_464 : memref<1x512xf32, #tpu.memory_space<hbm>> -> memref<512xf32, #tpu.memory_space<hbm>>
    %dma_start3A_466 = arith.constant 4608 : i32
    %dma_start3A_467 = tpu.memref_slice %arg10[%dma_start3A_466] : memref<9216xf32, #tpu.memory_space<vmem>> -> memref<512xf32, #tpu.memory_space<vmem>>
    tpu.enqueue_dma source(%dma_start3A_467 : memref<512xf32, #tpu.memory_space<vmem>>) target(%dma_start3A_465 : memref<512xf32, #tpu.memory_space<hbm>>) target_semaphore(%arg12 : memref<!tpu.dma_semaphore, #tpu.memory_space<semaphore_mem>>)
    %mul3A_468 = arith.constant 512 : i32
    %mul3A_469 = arith.muli %add3A, %mul3A_468 : i32
    %dma_start3A_470 = arith.constant 10 : i32
    %dma_start3A_471 = arith.constant 5120 : i32
    %dma_start3A_472 = tpu.memref_slice %arg10[%dma_start3A_471] : memref<9216xf32, #tpu.memory_space<vmem>> -> memref<512xf32, #tpu.memory_space<vmem>>
    %dma_start3A_473 = tpu.memref_slice %arg5[%dma_start3A_470, %mul3A_469] : memref<18x16384xf32, #tpu.memory_space<hbm>> -> memref<1x512xf32, #tpu.memory_space<hbm>>
    %dma_start3A_474 = tpu.memref_squeeze %dma_start3A_473 : memref<1x512xf32, #tpu.memory_space<hbm>> -> memref<512xf32, #tpu.memory_space<hbm>>
    %dma_start3A_475 = tpu.memref_slice %arg5[%dma_start3A_470, %mul3A_469] : memref<18x16384xf32, #tpu.memory_space<hbm>> -> memref<1x512xf32, #tpu.memory_space<hbm>>
    %dma_start3A_476 = tpu.memref_squeeze %dma_start3A_475 : memref<1x512xf32, #tpu.memory_space<hbm>> -> memref<512xf32, #tpu.memory_space<hbm>>
    %dma_start3A_477 = arith.constant 5120 : i32
    %dma_start3A_478 = tpu.memref_slice %arg10[%dma_start3A_477] : memref<9216xf32, #tpu.memory_space<vmem>> -> memref<512xf32, #tpu.memory_space<vmem>>
    tpu.enqueue_dma source(%dma_start3A_478 : memref<512xf32, #tpu.memory_space<vmem>>) target(%dma_start3A_476 : memref<512xf32, #tpu.memory_space<hbm>>) target_semaphore(%arg12 : memref<!tpu.dma_semaphore, #tpu.memory_space<semaphore_mem>>)
    %mul3A_479 = arith.constant 512 : i32
    %mul3A_480 = arith.muli %add3A, %mul3A_479 : i32
    %dma_start3A_481 = arith.constant 11 : i32
    %dma_start3A_482 = arith.constant 5632 : i32
    %dma_start3A_483 = tpu.memref_slice %arg10[%dma_start3A_482] : memref<9216xf32, #tpu.memory_space<vmem>> -> memref<512xf32, #tpu.memory_space<vmem>>
    %dma_start3A_484 = tpu.memref_slice %arg5[%dma_start3A_481, %mul3A_480] : memref<18x16384xf32, #tpu.memory_space<hbm>> -> memref<1x512xf32, #tpu.memory_space<hbm>>
    %dma_start3A_485 = tpu.memref_squeeze %dma_start3A_484 : memref<1x512xf32, #tpu.memory_space<hbm>> -> memref<512xf32, #tpu.memory_space<hbm>>
    %dma_start3A_486 = tpu.memref_slice %arg5[%dma_start3A_481, %mul3A_480] : memref<18x16384xf32, #tpu.memory_space<hbm>> -> memref<1x512xf32, #tpu.memory_space<hbm>>
    %dma_start3A_487 = tpu.memref_squeeze %dma_start3A_486 : memref<1x512xf32, #tpu.memory_space<hbm>> -> memref<512xf32, #tpu.memory_space<hbm>>
    %dma_start3A_488 = arith.constant 5632 : i32
    %dma_start3A_489 = tpu.memref_slice %arg10[%dma_start3A_488] : memref<9216xf32, #tpu.memory_space<vmem>> -> memref<512xf32, #tpu.memory_space<vmem>>
    tpu.enqueue_dma source(%dma_start3A_489 : memref<512xf32, #tpu.memory_space<vmem>>) target(%dma_start3A_487 : memref<512xf32, #tpu.memory_space<hbm>>) target_semaphore(%arg12 : memref<!tpu.dma_semaphore, #tpu.memory_space<semaphore_mem>>)
    %mul3A_490 = arith.constant 512 : i32
    %mul3A_491 = arith.muli %add3A, %mul3A_490 : i32
    %dma_start3A_492 = arith.constant 12 : i32
    %dma_start3A_493 = arith.constant 6144 : i32
    %dma_start3A_494 = tpu.memref_slice %arg10[%dma_start3A_493] : memref<9216xf32, #tpu.memory_space<vmem>> -> memref<512xf32, #tpu.memory_space<vmem>>
    %dma_start3A_495 = tpu.memref_slice %arg5[%dma_start3A_492, %mul3A_491] : memref<18x16384xf32, #tpu.memory_space<hbm>> -> memref<1x512xf32, #tpu.memory_space<hbm>>
    %dma_start3A_496 = tpu.memref_squeeze %dma_start3A_495 : memref<1x512xf32, #tpu.memory_space<hbm>> -> memref<512xf32, #tpu.memory_space<hbm>>
    %dma_start3A_497 = tpu.memref_slice %arg5[%dma_start3A_492, %mul3A_491] : memref<18x16384xf32, #tpu.memory_space<hbm>> -> memref<1x512xf32, #tpu.memory_space<hbm>>
    %dma_start3A_498 = tpu.memref_squeeze %dma_start3A_497 : memref<1x512xf32, #tpu.memory_space<hbm>> -> memref<512xf32, #tpu.memory_space<hbm>>
    %dma_start3A_499 = arith.constant 6144 : i32
    %dma_start3A_500 = tpu.memref_slice %arg10[%dma_start3A_499] : memref<9216xf32, #tpu.memory_space<vmem>> -> memref<512xf32, #tpu.memory_space<vmem>>
    tpu.enqueue_dma source(%dma_start3A_500 : memref<512xf32, #tpu.memory_space<vmem>>) target(%dma_start3A_498 : memref<512xf32, #tpu.memory_space<hbm>>) target_semaphore(%arg12 : memref<!tpu.dma_semaphore, #tpu.memory_space<semaphore_mem>>)
    %mul3A_501 = arith.constant 512 : i32
    %mul3A_502 = arith.muli %add3A, %mul3A_501 : i32
    %dma_start3A_503 = arith.constant 13 : i32
    %dma_start3A_504 = arith.constant 6656 : i32
    %dma_start3A_505 = tpu.memref_slice %arg10[%dma_start3A_504] : memref<9216xf32, #tpu.memory_space<vmem>> -> memref<512xf32, #tpu.memory_space<vmem>>
    %dma_start3A_506 = tpu.memref_slice %arg5[%dma_start3A_503, %mul3A_502] : memref<18x16384xf32, #tpu.memory_space<hbm>> -> memref<1x512xf32, #tpu.memory_space<hbm>>
    %dma_start3A_507 = tpu.memref_squeeze %dma_start3A_506 : memref<1x512xf32, #tpu.memory_space<hbm>> -> memref<512xf32, #tpu.memory_space<hbm>>
    %dma_start3A_508 = tpu.memref_slice %arg5[%dma_start3A_503, %mul3A_502] : memref<18x16384xf32, #tpu.memory_space<hbm>> -> memref<1x512xf32, #tpu.memory_space<hbm>>
    %dma_start3A_509 = tpu.memref_squeeze %dma_start3A_508 : memref<1x512xf32, #tpu.memory_space<hbm>> -> memref<512xf32, #tpu.memory_space<hbm>>
    %dma_start3A_510 = arith.constant 6656 : i32
    %dma_start3A_511 = tpu.memref_slice %arg10[%dma_start3A_510] : memref<9216xf32, #tpu.memory_space<vmem>> -> memref<512xf32, #tpu.memory_space<vmem>>
    tpu.enqueue_dma source(%dma_start3A_511 : memref<512xf32, #tpu.memory_space<vmem>>) target(%dma_start3A_509 : memref<512xf32, #tpu.memory_space<hbm>>) target_semaphore(%arg12 : memref<!tpu.dma_semaphore, #tpu.memory_space<semaphore_mem>>)
    %mul3A_512 = arith.constant 512 : i32
    %mul3A_513 = arith.muli %add3A, %mul3A_512 : i32
    %dma_start3A_514 = arith.constant 14 : i32
    %dma_start3A_515 = arith.constant 7168 : i32
    %dma_start3A_516 = tpu.memref_slice %arg10[%dma_start3A_515] : memref<9216xf32, #tpu.memory_space<vmem>> -> memref<512xf32, #tpu.memory_space<vmem>>
    %dma_start3A_517 = tpu.memref_slice %arg5[%dma_start3A_514, %mul3A_513] : memref<18x16384xf32, #tpu.memory_space<hbm>> -> memref<1x512xf32, #tpu.memory_space<hbm>>
    %dma_start3A_518 = tpu.memref_squeeze %dma_start3A_517 : memref<1x512xf32, #tpu.memory_space<hbm>> -> memref<512xf32, #tpu.memory_space<hbm>>
    %dma_start3A_519 = tpu.memref_slice %arg5[%dma_start3A_514, %mul3A_513] : memref<18x16384xf32, #tpu.memory_space<hbm>> -> memref<1x512xf32, #tpu.memory_space<hbm>>
    %dma_start3A_520 = tpu.memref_squeeze %dma_start3A_519 : memref<1x512xf32, #tpu.memory_space<hbm>> -> memref<512xf32, #tpu.memory_space<hbm>>
    %dma_start3A_521 = arith.constant 7168 : i32
    %dma_start3A_522 = tpu.memref_slice %arg10[%dma_start3A_521] : memref<9216xf32, #tpu.memory_space<vmem>> -> memref<512xf32, #tpu.memory_space<vmem>>
    tpu.enqueue_dma source(%dma_start3A_522 : memref<512xf32, #tpu.memory_space<vmem>>) target(%dma_start3A_520 : memref<512xf32, #tpu.memory_space<hbm>>) target_semaphore(%arg12 : memref<!tpu.dma_semaphore, #tpu.memory_space<semaphore_mem>>)
    %mul3A_523 = arith.constant 512 : i32
    %mul3A_524 = arith.muli %add3A, %mul3A_523 : i32
    %dma_start3A_525 = arith.constant 15 : i32
    %dma_start3A_526 = arith.constant 7680 : i32
    %dma_start3A_527 = tpu.memref_slice %arg10[%dma_start3A_526] : memref<9216xf32, #tpu.memory_space<vmem>> -> memref<512xf32, #tpu.memory_space<vmem>>
    %dma_start3A_528 = tpu.memref_slice %arg5[%dma_start3A_525, %mul3A_524] : memref<18x16384xf32, #tpu.memory_space<hbm>> -> memref<1x512xf32, #tpu.memory_space<hbm>>
    %dma_start3A_529 = tpu.memref_squeeze %dma_start3A_528 : memref<1x512xf32, #tpu.memory_space<hbm>> -> memref<512xf32, #tpu.memory_space<hbm>>
    %dma_start3A_530 = tpu.memref_slice %arg5[%dma_start3A_525, %mul3A_524] : memref<18x16384xf32, #tpu.memory_space<hbm>> -> memref<1x512xf32, #tpu.memory_space<hbm>>
    %dma_start3A_531 = tpu.memref_squeeze %dma_start3A_530 : memref<1x512xf32, #tpu.memory_space<hbm>> -> memref<512xf32, #tpu.memory_space<hbm>>
    %dma_start3A_532 = arith.constant 7680 : i32
    %dma_start3A_533 = tpu.memref_slice %arg10[%dma_start3A_532] : memref<9216xf32, #tpu.memory_space<vmem>> -> memref<512xf32, #tpu.memory_space<vmem>>
    tpu.enqueue_dma source(%dma_start3A_533 : memref<512xf32, #tpu.memory_space<vmem>>) target(%dma_start3A_531 : memref<512xf32, #tpu.memory_space<hbm>>) target_semaphore(%arg12 : memref<!tpu.dma_semaphore, #tpu.memory_space<semaphore_mem>>)
    %mul3A_534 = arith.constant 512 : i32
    %mul3A_535 = arith.muli %add3A, %mul3A_534 : i32
    %dma_start3A_536 = arith.constant 16 : i32
    %dma_start3A_537 = arith.constant 8192 : i32
    %dma_start3A_538 = tpu.memref_slice %arg10[%dma_start3A_537] : memref<9216xf32, #tpu.memory_space<vmem>> -> memref<512xf32, #tpu.memory_space<vmem>>
    %dma_start3A_539 = tpu.memref_slice %arg5[%dma_start3A_536, %mul3A_535] : memref<18x16384xf32, #tpu.memory_space<hbm>> -> memref<1x512xf32, #tpu.memory_space<hbm>>
    %dma_start3A_540 = tpu.memref_squeeze %dma_start3A_539 : memref<1x512xf32, #tpu.memory_space<hbm>> -> memref<512xf32, #tpu.memory_space<hbm>>
    %dma_start3A_541 = tpu.memref_slice %arg5[%dma_start3A_536, %mul3A_535] : memref<18x16384xf32, #tpu.memory_space<hbm>> -> memref<1x512xf32, #tpu.memory_space<hbm>>
    %dma_start3A_542 = tpu.memref_squeeze %dma_start3A_541 : memref<1x512xf32, #tpu.memory_space<hbm>> -> memref<512xf32, #tpu.memory_space<hbm>>
    %dma_start3A_543 = arith.constant 8192 : i32
    %dma_start3A_544 = tpu.memref_slice %arg10[%dma_start3A_543] : memref<9216xf32, #tpu.memory_space<vmem>> -> memref<512xf32, #tpu.memory_space<vmem>>
    tpu.enqueue_dma source(%dma_start3A_544 : memref<512xf32, #tpu.memory_space<vmem>>) target(%dma_start3A_542 : memref<512xf32, #tpu.memory_space<hbm>>) target_semaphore(%arg12 : memref<!tpu.dma_semaphore, #tpu.memory_space<semaphore_mem>>)
    %mul3A_545 = arith.constant 512 : i32
    %mul3A_546 = arith.muli %add3A, %mul3A_545 : i32
    %dma_start3A_547 = arith.constant 17 : i32
    %dma_start3A_548 = arith.constant 8704 : i32
    %dma_start3A_549 = tpu.memref_slice %arg10[%dma_start3A_548] : memref<9216xf32, #tpu.memory_space<vmem>> -> memref<512xf32, #tpu.memory_space<vmem>>
    %dma_start3A_550 = tpu.memref_slice %arg5[%dma_start3A_547, %mul3A_546] : memref<18x16384xf32, #tpu.memory_space<hbm>> -> memref<1x512xf32, #tpu.memory_space<hbm>>
    %dma_start3A_551 = tpu.memref_squeeze %dma_start3A_550 : memref<1x512xf32, #tpu.memory_space<hbm>> -> memref<512xf32, #tpu.memory_space<hbm>>
    %dma_start3A_552 = tpu.memref_slice %arg5[%dma_start3A_547, %mul3A_546] : memref<18x16384xf32, #tpu.memory_space<hbm>> -> memref<1x512xf32, #tpu.memory_space<hbm>>
    %dma_start3A_553 = tpu.memref_squeeze %dma_start3A_552 : memref<1x512xf32, #tpu.memory_space<hbm>> -> memref<512xf32, #tpu.memory_space<hbm>>
    %dma_start3A_554 = arith.constant 8704 : i32
    %dma_start3A_555 = tpu.memref_slice %arg10[%dma_start3A_554] : memref<9216xf32, #tpu.memory_space<vmem>> -> memref<512xf32, #tpu.memory_space<vmem>>
    tpu.enqueue_dma source(%dma_start3A_555 : memref<512xf32, #tpu.memory_space<vmem>>) target(%dma_start3A_553 : memref<512xf32, #tpu.memory_space<hbm>>) target_semaphore(%arg12 : memref<!tpu.dma_semaphore, #tpu.memory_space<semaphore_mem>>)
    %dma_wait3A_556 = arith.constant 0 : i32
    %dma_wait3A_557 = tpu.memref_slice %arg6[%add3A, %dma_wait3A_556] : memref<32x32xf32, #tpu.memory_space<hbm>> -> memref<1x32xf32, #tpu.memory_space<hbm>>
    %dma_wait3A_558 = tpu.memref_squeeze %dma_wait3A_557 : memref<1x32xf32, #tpu.memory_space<hbm>> -> memref<32xf32, #tpu.memory_space<hbm>>
    %dma_wait3A_559 = arith.constant 0 : i32
    %dma_wait3A_560 = tpu.memref_slice %arg6[%add3A, %dma_wait3A_559] : memref<32x32xf32, #tpu.memory_space<hbm>> -> memref<1x32xf32, #tpu.memory_space<hbm>>
    %dma_wait3A_561 = tpu.memref_squeeze %dma_wait3A_560 : memref<1x32xf32, #tpu.memory_space<hbm>> -> memref<32xf32, #tpu.memory_space<hbm>>
    tpu.wait_dma2 semaphore(%arg12 : memref<!tpu.dma_semaphore, #tpu.memory_space<semaphore_mem>>) src(%arg11 : memref<32xf32, #tpu.memory_space<vmem>>) dst(%dma_wait3A_561 : memref<32xf32, #tpu.memory_space<hbm>>)
    %dma_wait3A_562 = arith.constant 0 : i32
    %dma_wait3A_563 = arith.constant 0 : i32
    %dma_wait3A_564 = tpu.memref_slice %arg10[%dma_wait3A_563] : memref<9216xf32, #tpu.memory_space<vmem>> -> memref<512xf32, #tpu.memory_space<vmem>>
    %dma_wait3A_565 = tpu.memref_slice %arg5[%dma_wait3A_562, %mul3A_359] : memref<18x16384xf32, #tpu.memory_space<hbm>> -> memref<1x512xf32, #tpu.memory_space<hbm>>
    %dma_wait3A_566 = tpu.memref_squeeze %dma_wait3A_565 : memref<1x512xf32, #tpu.memory_space<hbm>> -> memref<512xf32, #tpu.memory_space<hbm>>
    %dma_wait3A_567 = tpu.memref_slice %arg5[%dma_wait3A_562, %mul3A_359] : memref<18x16384xf32, #tpu.memory_space<hbm>> -> memref<1x512xf32, #tpu.memory_space<hbm>>
    %dma_wait3A_568 = tpu.memref_squeeze %dma_wait3A_567 : memref<1x512xf32, #tpu.memory_space<hbm>> -> memref<512xf32, #tpu.memory_space<hbm>>
    %dma_wait3A_569 = arith.constant 0 : i32
    %dma_wait3A_570 = tpu.memref_slice %arg10[%dma_wait3A_569] : memref<9216xf32, #tpu.memory_space<vmem>> -> memref<512xf32, #tpu.memory_space<vmem>>
    tpu.wait_dma2 semaphore(%arg12 : memref<!tpu.dma_semaphore, #tpu.memory_space<semaphore_mem>>) src(%dma_wait3A_570 : memref<512xf32, #tpu.memory_space<vmem>>) dst(%dma_wait3A_568 : memref<512xf32, #tpu.memory_space<hbm>>)
    %dma_wait3A_571 = arith.constant 1 : i32
    %dma_wait3A_572 = arith.constant 512 : i32
    %dma_wait3A_573 = tpu.memref_slice %arg10[%dma_wait3A_572] : memref<9216xf32, #tpu.memory_space<vmem>> -> memref<512xf32, #tpu.memory_space<vmem>>
    %dma_wait3A_574 = tpu.memref_slice %arg5[%dma_wait3A_571, %mul3A_370] : memref<18x16384xf32, #tpu.memory_space<hbm>> -> memref<1x512xf32, #tpu.memory_space<hbm>>
    %dma_wait3A_575 = tpu.memref_squeeze %dma_wait3A_574 : memref<1x512xf32, #tpu.memory_space<hbm>> -> memref<512xf32, #tpu.memory_space<hbm>>
    %dma_wait3A_576 = tpu.memref_slice %arg5[%dma_wait3A_571, %mul3A_370] : memref<18x16384xf32, #tpu.memory_space<hbm>> -> memref<1x512xf32, #tpu.memory_space<hbm>>
    %dma_wait3A_577 = tpu.memref_squeeze %dma_wait3A_576 : memref<1x512xf32, #tpu.memory_space<hbm>> -> memref<512xf32, #tpu.memory_space<hbm>>
    %dma_wait3A_578 = arith.constant 512 : i32
    %dma_wait3A_579 = tpu.memref_slice %arg10[%dma_wait3A_578] : memref<9216xf32, #tpu.memory_space<vmem>> -> memref<512xf32, #tpu.memory_space<vmem>>
    tpu.wait_dma2 semaphore(%arg12 : memref<!tpu.dma_semaphore, #tpu.memory_space<semaphore_mem>>) src(%dma_wait3A_579 : memref<512xf32, #tpu.memory_space<vmem>>) dst(%dma_wait3A_577 : memref<512xf32, #tpu.memory_space<hbm>>)
    %dma_wait3A_580 = arith.constant 2 : i32
    %dma_wait3A_581 = arith.constant 1024 : i32
    %dma_wait3A_582 = tpu.memref_slice %arg10[%dma_wait3A_581] : memref<9216xf32, #tpu.memory_space<vmem>> -> memref<512xf32, #tpu.memory_space<vmem>>
    %dma_wait3A_583 = tpu.memref_slice %arg5[%dma_wait3A_580, %mul3A_381] : memref<18x16384xf32, #tpu.memory_space<hbm>> -> memref<1x512xf32, #tpu.memory_space<hbm>>
    %dma_wait3A_584 = tpu.memref_squeeze %dma_wait3A_583 : memref<1x512xf32, #tpu.memory_space<hbm>> -> memref<512xf32, #tpu.memory_space<hbm>>
    %dma_wait3A_585 = tpu.memref_slice %arg5[%dma_wait3A_580, %mul3A_381] : memref<18x16384xf32, #tpu.memory_space<hbm>> -> memref<1x512xf32, #tpu.memory_space<hbm>>
    %dma_wait3A_586 = tpu.memref_squeeze %dma_wait3A_585 : memref<1x512xf32, #tpu.memory_space<hbm>> -> memref<512xf32, #tpu.memory_space<hbm>>
    %dma_wait3A_587 = arith.constant 1024 : i32
    %dma_wait3A_588 = tpu.memref_slice %arg10[%dma_wait3A_587] : memref<9216xf32, #tpu.memory_space<vmem>> -> memref<512xf32, #tpu.memory_space<vmem>>
    tpu.wait_dma2 semaphore(%arg12 : memref<!tpu.dma_semaphore, #tpu.memory_space<semaphore_mem>>) src(%dma_wait3A_588 : memref<512xf32, #tpu.memory_space<vmem>>) dst(%dma_wait3A_586 : memref<512xf32, #tpu.memory_space<hbm>>)
    %dma_wait3A_589 = arith.constant 3 : i32
    %dma_wait3A_590 = arith.constant 1536 : i32
    %dma_wait3A_591 = tpu.memref_slice %arg10[%dma_wait3A_590] : memref<9216xf32, #tpu.memory_space<vmem>> -> memref<512xf32, #tpu.memory_space<vmem>>
    %dma_wait3A_592 = tpu.memref_slice %arg5[%dma_wait3A_589, %mul3A_392] : memref<18x16384xf32, #tpu.memory_space<hbm>> -> memref<1x512xf32, #tpu.memory_space<hbm>>
    %dma_wait3A_593 = tpu.memref_squeeze %dma_wait3A_592 : memref<1x512xf32, #tpu.memory_space<hbm>> -> memref<512xf32, #tpu.memory_space<hbm>>
    %dma_wait3A_594 = tpu.memref_slice %arg5[%dma_wait3A_589, %mul3A_392] : memref<18x16384xf32, #tpu.memory_space<hbm>> -> memref<1x512xf32, #tpu.memory_space<hbm>>
    %dma_wait3A_595 = tpu.memref_squeeze %dma_wait3A_594 : memref<1x512xf32, #tpu.memory_space<hbm>> -> memref<512xf32, #tpu.memory_space<hbm>>
    %dma_wait3A_596 = arith.constant 1536 : i32
    %dma_wait3A_597 = tpu.memref_slice %arg10[%dma_wait3A_596] : memref<9216xf32, #tpu.memory_space<vmem>> -> memref<512xf32, #tpu.memory_space<vmem>>
    tpu.wait_dma2 semaphore(%arg12 : memref<!tpu.dma_semaphore, #tpu.memory_space<semaphore_mem>>) src(%dma_wait3A_597 : memref<512xf32, #tpu.memory_space<vmem>>) dst(%dma_wait3A_595 : memref<512xf32, #tpu.memory_space<hbm>>)
    %dma_wait3A_598 = arith.constant 4 : i32
    %dma_wait3A_599 = arith.constant 2048 : i32
    %dma_wait3A_600 = tpu.memref_slice %arg10[%dma_wait3A_599] : memref<9216xf32, #tpu.memory_space<vmem>> -> memref<512xf32, #tpu.memory_space<vmem>>
    %dma_wait3A_601 = tpu.memref_slice %arg5[%dma_wait3A_598, %mul3A_403] : memref<18x16384xf32, #tpu.memory_space<hbm>> -> memref<1x512xf32, #tpu.memory_space<hbm>>
    %dma_wait3A_602 = tpu.memref_squeeze %dma_wait3A_601 : memref<1x512xf32, #tpu.memory_space<hbm>> -> memref<512xf32, #tpu.memory_space<hbm>>
    %dma_wait3A_603 = tpu.memref_slice %arg5[%dma_wait3A_598, %mul3A_403] : memref<18x16384xf32, #tpu.memory_space<hbm>> -> memref<1x512xf32, #tpu.memory_space<hbm>>
    %dma_wait3A_604 = tpu.memref_squeeze %dma_wait3A_603 : memref<1x512xf32, #tpu.memory_space<hbm>> -> memref<512xf32, #tpu.memory_space<hbm>>
    %dma_wait3A_605 = arith.constant 2048 : i32
    %dma_wait3A_606 = tpu.memref_slice %arg10[%dma_wait3A_605] : memref<9216xf32, #tpu.memory_space<vmem>> -> memref<512xf32, #tpu.memory_space<vmem>>
    tpu.wait_dma2 semaphore(%arg12 : memref<!tpu.dma_semaphore, #tpu.memory_space<semaphore_mem>>) src(%dma_wait3A_606 : memref<512xf32, #tpu.memory_space<vmem>>) dst(%dma_wait3A_604 : memref<512xf32, #tpu.memory_space<hbm>>)
    %dma_wait3A_607 = arith.constant 5 : i32
    %dma_wait3A_608 = arith.constant 2560 : i32
    %dma_wait3A_609 = tpu.memref_slice %arg10[%dma_wait3A_608] : memref<9216xf32, #tpu.memory_space<vmem>> -> memref<512xf32, #tpu.memory_space<vmem>>
    %dma_wait3A_610 = tpu.memref_slice %arg5[%dma_wait3A_607, %mul3A_414] : memref<18x16384xf32, #tpu.memory_space<hbm>> -> memref<1x512xf32, #tpu.memory_space<hbm>>
    %dma_wait3A_611 = tpu.memref_squeeze %dma_wait3A_610 : memref<1x512xf32, #tpu.memory_space<hbm>> -> memref<512xf32, #tpu.memory_space<hbm>>
    %dma_wait3A_612 = tpu.memref_slice %arg5[%dma_wait3A_607, %mul3A_414] : memref<18x16384xf32, #tpu.memory_space<hbm>> -> memref<1x512xf32, #tpu.memory_space<hbm>>
    %dma_wait3A_613 = tpu.memref_squeeze %dma_wait3A_612 : memref<1x512xf32, #tpu.memory_space<hbm>> -> memref<512xf32, #tpu.memory_space<hbm>>
    %dma_wait3A_614 = arith.constant 2560 : i32
    %dma_wait3A_615 = tpu.memref_slice %arg10[%dma_wait3A_614] : memref<9216xf32, #tpu.memory_space<vmem>> -> memref<512xf32, #tpu.memory_space<vmem>>
    tpu.wait_dma2 semaphore(%arg12 : memref<!tpu.dma_semaphore, #tpu.memory_space<semaphore_mem>>) src(%dma_wait3A_615 : memref<512xf32, #tpu.memory_space<vmem>>) dst(%dma_wait3A_613 : memref<512xf32, #tpu.memory_space<hbm>>)
    %dma_wait3A_616 = arith.constant 6 : i32
    %dma_wait3A_617 = arith.constant 3072 : i32
    %dma_wait3A_618 = tpu.memref_slice %arg10[%dma_wait3A_617] : memref<9216xf32, #tpu.memory_space<vmem>> -> memref<512xf32, #tpu.memory_space<vmem>>
    %dma_wait3A_619 = tpu.memref_slice %arg5[%dma_wait3A_616, %mul3A_425] : memref<18x16384xf32, #tpu.memory_space<hbm>> -> memref<1x512xf32, #tpu.memory_space<hbm>>
    %dma_wait3A_620 = tpu.memref_squeeze %dma_wait3A_619 : memref<1x512xf32, #tpu.memory_space<hbm>> -> memref<512xf32, #tpu.memory_space<hbm>>
    %dma_wait3A_621 = tpu.memref_slice %arg5[%dma_wait3A_616, %mul3A_425] : memref<18x16384xf32, #tpu.memory_space<hbm>> -> memref<1x512xf32, #tpu.memory_space<hbm>>
    %dma_wait3A_622 = tpu.memref_squeeze %dma_wait3A_621 : memref<1x512xf32, #tpu.memory_space<hbm>> -> memref<512xf32, #tpu.memory_space<hbm>>
    %dma_wait3A_623 = arith.constant 3072 : i32
    %dma_wait3A_624 = tpu.memref_slice %arg10[%dma_wait3A_623] : memref<9216xf32, #tpu.memory_space<vmem>> -> memref<512xf32, #tpu.memory_space<vmem>>
    tpu.wait_dma2 semaphore(%arg12 : memref<!tpu.dma_semaphore, #tpu.memory_space<semaphore_mem>>) src(%dma_wait3A_624 : memref<512xf32, #tpu.memory_space<vmem>>) dst(%dma_wait3A_622 : memref<512xf32, #tpu.memory_space<hbm>>)
    %dma_wait3A_625 = arith.constant 7 : i32
    %dma_wait3A_626 = arith.constant 3584 : i32
    %dma_wait3A_627 = tpu.memref_slice %arg10[%dma_wait3A_626] : memref<9216xf32, #tpu.memory_space<vmem>> -> memref<512xf32, #tpu.memory_space<vmem>>
    %dma_wait3A_628 = tpu.memref_slice %arg5[%dma_wait3A_625, %mul3A_436] : memref<18x16384xf32, #tpu.memory_space<hbm>> -> memref<1x512xf32, #tpu.memory_space<hbm>>
    %dma_wait3A_629 = tpu.memref_squeeze %dma_wait3A_628 : memref<1x512xf32, #tpu.memory_space<hbm>> -> memref<512xf32, #tpu.memory_space<hbm>>
    %dma_wait3A_630 = tpu.memref_slice %arg5[%dma_wait3A_625, %mul3A_436] : memref<18x16384xf32, #tpu.memory_space<hbm>> -> memref<1x512xf32, #tpu.memory_space<hbm>>
    %dma_wait3A_631 = tpu.memref_squeeze %dma_wait3A_630 : memref<1x512xf32, #tpu.memory_space<hbm>> -> memref<512xf32, #tpu.memory_space<hbm>>
    %dma_wait3A_632 = arith.constant 3584 : i32
    %dma_wait3A_633 = tpu.memref_slice %arg10[%dma_wait3A_632] : memref<9216xf32, #tpu.memory_space<vmem>> -> memref<512xf32, #tpu.memory_space<vmem>>
    tpu.wait_dma2 semaphore(%arg12 : memref<!tpu.dma_semaphore, #tpu.memory_space<semaphore_mem>>) src(%dma_wait3A_633 : memref<512xf32, #tpu.memory_space<vmem>>) dst(%dma_wait3A_631 : memref<512xf32, #tpu.memory_space<hbm>>)
    %dma_wait3A_634 = arith.constant 8 : i32
    %dma_wait3A_635 = arith.constant 4096 : i32
    %dma_wait3A_636 = tpu.memref_slice %arg10[%dma_wait3A_635] : memref<9216xf32, #tpu.memory_space<vmem>> -> memref<512xf32, #tpu.memory_space<vmem>>
    %dma_wait3A_637 = tpu.memref_slice %arg5[%dma_wait3A_634, %mul3A_447] : memref<18x16384xf32, #tpu.memory_space<hbm>> -> memref<1x512xf32, #tpu.memory_space<hbm>>
    %dma_wait3A_638 = tpu.memref_squeeze %dma_wait3A_637 : memref<1x512xf32, #tpu.memory_space<hbm>> -> memref<512xf32, #tpu.memory_space<hbm>>
    %dma_wait3A_639 = tpu.memref_slice %arg5[%dma_wait3A_634, %mul3A_447] : memref<18x16384xf32, #tpu.memory_space<hbm>> -> memref<1x512xf32, #tpu.memory_space<hbm>>
    %dma_wait3A_640 = tpu.memref_squeeze %dma_wait3A_639 : memref<1x512xf32, #tpu.memory_space<hbm>> -> memref<512xf32, #tpu.memory_space<hbm>>
    %dma_wait3A_641 = arith.constant 4096 : i32
    %dma_wait3A_642 = tpu.memref_slice %arg10[%dma_wait3A_641] : memref<9216xf32, #tpu.memory_space<vmem>> -> memref<512xf32, #tpu.memory_space<vmem>>
    tpu.wait_dma2 semaphore(%arg12 : memref<!tpu.dma_semaphore, #tpu.memory_space<semaphore_mem>>) src(%dma_wait3A_642 : memref<512xf32, #tpu.memory_space<vmem>>) dst(%dma_wait3A_640 : memref<512xf32, #tpu.memory_space<hbm>>)
    %dma_wait3A_643 = arith.constant 9 : i32
    %dma_wait3A_644 = arith.constant 4608 : i32
    %dma_wait3A_645 = tpu.memref_slice %arg10[%dma_wait3A_644] : memref<9216xf32, #tpu.memory_space<vmem>> -> memref<512xf32, #tpu.memory_space<vmem>>
    %dma_wait3A_646 = tpu.memref_slice %arg5[%dma_wait3A_643, %mul3A_458] : memref<18x16384xf32, #tpu.memory_space<hbm>> -> memref<1x512xf32, #tpu.memory_space<hbm>>
    %dma_wait3A_647 = tpu.memref_squeeze %dma_wait3A_646 : memref<1x512xf32, #tpu.memory_space<hbm>> -> memref<512xf32, #tpu.memory_space<hbm>>
    %dma_wait3A_648 = tpu.memref_slice %arg5[%dma_wait3A_643, %mul3A_458] : memref<18x16384xf32, #tpu.memory_space<hbm>> -> memref<1x512xf32, #tpu.memory_space<hbm>>
    %dma_wait3A_649 = tpu.memref_squeeze %dma_wait3A_648 : memref<1x512xf32, #tpu.memory_space<hbm>> -> memref<512xf32, #tpu.memory_space<hbm>>
    %dma_wait3A_650 = arith.constant 4608 : i32
    %dma_wait3A_651 = tpu.memref_slice %arg10[%dma_wait3A_650] : memref<9216xf32, #tpu.memory_space<vmem>> -> memref<512xf32, #tpu.memory_space<vmem>>
    tpu.wait_dma2 semaphore(%arg12 : memref<!tpu.dma_semaphore, #tpu.memory_space<semaphore_mem>>) src(%dma_wait3A_651 : memref<512xf32, #tpu.memory_space<vmem>>) dst(%dma_wait3A_649 : memref<512xf32, #tpu.memory_space<hbm>>)
    %dma_wait3A_652 = arith.constant 10 : i32
    %dma_wait3A_653 = arith.constant 5120 : i32
    %dma_wait3A_654 = tpu.memref_slice %arg10[%dma_wait3A_653] : memref<9216xf32, #tpu.memory_space<vmem>> -> memref<512xf32, #tpu.memory_space<vmem>>
    %dma_wait3A_655 = tpu.memref_slice %arg5[%dma_wait3A_652, %mul3A_469] : memref<18x16384xf32, #tpu.memory_space<hbm>> -> memref<1x512xf32, #tpu.memory_space<hbm>>
    %dma_wait3A_656 = tpu.memref_squeeze %dma_wait3A_655 : memref<1x512xf32, #tpu.memory_space<hbm>> -> memref<512xf32, #tpu.memory_space<hbm>>
    %dma_wait3A_657 = tpu.memref_slice %arg5[%dma_wait3A_652, %mul3A_469] : memref<18x16384xf32, #tpu.memory_space<hbm>> -> memref<1x512xf32, #tpu.memory_space<hbm>>
    %dma_wait3A_658 = tpu.memref_squeeze %dma_wait3A_657 : memref<1x512xf32, #tpu.memory_space<hbm>> -> memref<512xf32, #tpu.memory_space<hbm>>
    %dma_wait3A_659 = arith.constant 5120 : i32
    %dma_wait3A_660 = tpu.memref_slice %arg10[%dma_wait3A_659] : memref<9216xf32, #tpu.memory_space<vmem>> -> memref<512xf32, #tpu.memory_space<vmem>>
    tpu.wait_dma2 semaphore(%arg12 : memref<!tpu.dma_semaphore, #tpu.memory_space<semaphore_mem>>) src(%dma_wait3A_660 : memref<512xf32, #tpu.memory_space<vmem>>) dst(%dma_wait3A_658 : memref<512xf32, #tpu.memory_space<hbm>>)
    %dma_wait3A_661 = arith.constant 11 : i32
    %dma_wait3A_662 = arith.constant 5632 : i32
    %dma_wait3A_663 = tpu.memref_slice %arg10[%dma_wait3A_662] : memref<9216xf32, #tpu.memory_space<vmem>> -> memref<512xf32, #tpu.memory_space<vmem>>
    %dma_wait3A_664 = tpu.memref_slice %arg5[%dma_wait3A_661, %mul3A_480] : memref<18x16384xf32, #tpu.memory_space<hbm>> -> memref<1x512xf32, #tpu.memory_space<hbm>>
    %dma_wait3A_665 = tpu.memref_squeeze %dma_wait3A_664 : memref<1x512xf32, #tpu.memory_space<hbm>> -> memref<512xf32, #tpu.memory_space<hbm>>
    %dma_wait3A_666 = tpu.memref_slice %arg5[%dma_wait3A_661, %mul3A_480] : memref<18x16384xf32, #tpu.memory_space<hbm>> -> memref<1x512xf32, #tpu.memory_space<hbm>>
    %dma_wait3A_667 = tpu.memref_squeeze %dma_wait3A_666 : memref<1x512xf32, #tpu.memory_space<hbm>> -> memref<512xf32, #tpu.memory_space<hbm>>
    %dma_wait3A_668 = arith.constant 5632 : i32
    %dma_wait3A_669 = tpu.memref_slice %arg10[%dma_wait3A_668] : memref<9216xf32, #tpu.memory_space<vmem>> -> memref<512xf32, #tpu.memory_space<vmem>>
    tpu.wait_dma2 semaphore(%arg12 : memref<!tpu.dma_semaphore, #tpu.memory_space<semaphore_mem>>) src(%dma_wait3A_669 : memref<512xf32, #tpu.memory_space<vmem>>) dst(%dma_wait3A_667 : memref<512xf32, #tpu.memory_space<hbm>>)
    %dma_wait3A_670 = arith.constant 12 : i32
    %dma_wait3A_671 = arith.constant 6144 : i32
    %dma_wait3A_672 = tpu.memref_slice %arg10[%dma_wait3A_671] : memref<9216xf32, #tpu.memory_space<vmem>> -> memref<512xf32, #tpu.memory_space<vmem>>
    %dma_wait3A_673 = tpu.memref_slice %arg5[%dma_wait3A_670, %mul3A_491] : memref<18x16384xf32, #tpu.memory_space<hbm>> -> memref<1x512xf32, #tpu.memory_space<hbm>>
    %dma_wait3A_674 = tpu.memref_squeeze %dma_wait3A_673 : memref<1x512xf32, #tpu.memory_space<hbm>> -> memref<512xf32, #tpu.memory_space<hbm>>
    %dma_wait3A_675 = tpu.memref_slice %arg5[%dma_wait3A_670, %mul3A_491] : memref<18x16384xf32, #tpu.memory_space<hbm>> -> memref<1x512xf32, #tpu.memory_space<hbm>>
    %dma_wait3A_676 = tpu.memref_squeeze %dma_wait3A_675 : memref<1x512xf32, #tpu.memory_space<hbm>> -> memref<512xf32, #tpu.memory_space<hbm>>
    %dma_wait3A_677 = arith.constant 6144 : i32
    %dma_wait3A_678 = tpu.memref_slice %arg10[%dma_wait3A_677] : memref<9216xf32, #tpu.memory_space<vmem>> -> memref<512xf32, #tpu.memory_space<vmem>>
    tpu.wait_dma2 semaphore(%arg12 : memref<!tpu.dma_semaphore, #tpu.memory_space<semaphore_mem>>) src(%dma_wait3A_678 : memref<512xf32, #tpu.memory_space<vmem>>) dst(%dma_wait3A_676 : memref<512xf32, #tpu.memory_space<hbm>>)
    %dma_wait3A_679 = arith.constant 13 : i32
    %dma_wait3A_680 = arith.constant 6656 : i32
    %dma_wait3A_681 = tpu.memref_slice %arg10[%dma_wait3A_680] : memref<9216xf32, #tpu.memory_space<vmem>> -> memref<512xf32, #tpu.memory_space<vmem>>
    %dma_wait3A_682 = tpu.memref_slice %arg5[%dma_wait3A_679, %mul3A_502] : memref<18x16384xf32, #tpu.memory_space<hbm>> -> memref<1x512xf32, #tpu.memory_space<hbm>>
    %dma_wait3A_683 = tpu.memref_squeeze %dma_wait3A_682 : memref<1x512xf32, #tpu.memory_space<hbm>> -> memref<512xf32, #tpu.memory_space<hbm>>
    %dma_wait3A_684 = tpu.memref_slice %arg5[%dma_wait3A_679, %mul3A_502] : memref<18x16384xf32, #tpu.memory_space<hbm>> -> memref<1x512xf32, #tpu.memory_space<hbm>>
    %dma_wait3A_685 = tpu.memref_squeeze %dma_wait3A_684 : memref<1x512xf32, #tpu.memory_space<hbm>> -> memref<512xf32, #tpu.memory_space<hbm>>
    %dma_wait3A_686 = arith.constant 6656 : i32
    %dma_wait3A_687 = tpu.memref_slice %arg10[%dma_wait3A_686] : memref<9216xf32, #tpu.memory_space<vmem>> -> memref<512xf32, #tpu.memory_space<vmem>>
    tpu.wait_dma2 semaphore(%arg12 : memref<!tpu.dma_semaphore, #tpu.memory_space<semaphore_mem>>) src(%dma_wait3A_687 : memref<512xf32, #tpu.memory_space<vmem>>) dst(%dma_wait3A_685 : memref<512xf32, #tpu.memory_space<hbm>>)
    %dma_wait3A_688 = arith.constant 14 : i32
    %dma_wait3A_689 = arith.constant 7168 : i32
    %dma_wait3A_690 = tpu.memref_slice %arg10[%dma_wait3A_689] : memref<9216xf32, #tpu.memory_space<vmem>> -> memref<512xf32, #tpu.memory_space<vmem>>
    %dma_wait3A_691 = tpu.memref_slice %arg5[%dma_wait3A_688, %mul3A_513] : memref<18x16384xf32, #tpu.memory_space<hbm>> -> memref<1x512xf32, #tpu.memory_space<hbm>>
    %dma_wait3A_692 = tpu.memref_squeeze %dma_wait3A_691 : memref<1x512xf32, #tpu.memory_space<hbm>> -> memref<512xf32, #tpu.memory_space<hbm>>
    %dma_wait3A_693 = tpu.memref_slice %arg5[%dma_wait3A_688, %mul3A_513] : memref<18x16384xf32, #tpu.memory_space<hbm>> -> memref<1x512xf32, #tpu.memory_space<hbm>>
    %dma_wait3A_694 = tpu.memref_squeeze %dma_wait3A_693 : memref<1x512xf32, #tpu.memory_space<hbm>> -> memref<512xf32, #tpu.memory_space<hbm>>
    %dma_wait3A_695 = arith.constant 7168 : i32
    %dma_wait3A_696 = tpu.memref_slice %arg10[%dma_wait3A_695] : memref<9216xf32, #tpu.memory_space<vmem>> -> memref<512xf32, #tpu.memory_space<vmem>>
    tpu.wait_dma2 semaphore(%arg12 : memref<!tpu.dma_semaphore, #tpu.memory_space<semaphore_mem>>) src(%dma_wait3A_696 : memref<512xf32, #tpu.memory_space<vmem>>) dst(%dma_wait3A_694 : memref<512xf32, #tpu.memory_space<hbm>>)
    %dma_wait3A_697 = arith.constant 15 : i32
    %dma_wait3A_698 = arith.constant 7680 : i32
    %dma_wait3A_699 = tpu.memref_slice %arg10[%dma_wait3A_698] : memref<9216xf32, #tpu.memory_space<vmem>> -> memref<512xf32, #tpu.memory_space<vmem>>
    %dma_wait3A_700 = tpu.memref_slice %arg5[%dma_wait3A_697, %mul3A_524] : memref<18x16384xf32, #tpu.memory_space<hbm>> -> memref<1x512xf32, #tpu.memory_space<hbm>>
    %dma_wait3A_701 = tpu.memref_squeeze %dma_wait3A_700 : memref<1x512xf32, #tpu.memory_space<hbm>> -> memref<512xf32, #tpu.memory_space<hbm>>
    %dma_wait3A_702 = tpu.memref_slice %arg5[%dma_wait3A_697, %mul3A_524] : memref<18x16384xf32, #tpu.memory_space<hbm>> -> memref<1x512xf32, #tpu.memory_space<hbm>>
    %dma_wait3A_703 = tpu.memref_squeeze %dma_wait3A_702 : memref<1x512xf32, #tpu.memory_space<hbm>> -> memref<512xf32, #tpu.memory_space<hbm>>
    %dma_wait3A_704 = arith.constant 7680 : i32
    %dma_wait3A_705 = tpu.memref_slice %arg10[%dma_wait3A_704] : memref<9216xf32, #tpu.memory_space<vmem>> -> memref<512xf32, #tpu.memory_space<vmem>>
    tpu.wait_dma2 semaphore(%arg12 : memref<!tpu.dma_semaphore, #tpu.memory_space<semaphore_mem>>) src(%dma_wait3A_705 : memref<512xf32, #tpu.memory_space<vmem>>) dst(%dma_wait3A_703 : memref<512xf32, #tpu.memory_space<hbm>>)
    %dma_wait3A_706 = arith.constant 16 : i32
    %dma_wait3A_707 = arith.constant 8192 : i32
    %dma_wait3A_708 = tpu.memref_slice %arg10[%dma_wait3A_707] : memref<9216xf32, #tpu.memory_space<vmem>> -> memref<512xf32, #tpu.memory_space<vmem>>
    %dma_wait3A_709 = tpu.memref_slice %arg5[%dma_wait3A_706, %mul3A_535] : memref<18x16384xf32, #tpu.memory_space<hbm>> -> memref<1x512xf32, #tpu.memory_space<hbm>>
    %dma_wait3A_710 = tpu.memref_squeeze %dma_wait3A_709 : memref<1x512xf32, #tpu.memory_space<hbm>> -> memref<512xf32, #tpu.memory_space<hbm>>
    %dma_wait3A_711 = tpu.memref_slice %arg5[%dma_wait3A_706, %mul3A_535] : memref<18x16384xf32, #tpu.memory_space<hbm>> -> memref<1x512xf32, #tpu.memory_space<hbm>>
    %dma_wait3A_712 = tpu.memref_squeeze %dma_wait3A_711 : memref<1x512xf32, #tpu.memory_space<hbm>> -> memref<512xf32, #tpu.memory_space<hbm>>
    %dma_wait3A_713 = arith.constant 8192 : i32
    %dma_wait3A_714 = tpu.memref_slice %arg10[%dma_wait3A_713] : memref<9216xf32, #tpu.memory_space<vmem>> -> memref<512xf32, #tpu.memory_space<vmem>>
    tpu.wait_dma2 semaphore(%arg12 : memref<!tpu.dma_semaphore, #tpu.memory_space<semaphore_mem>>) src(%dma_wait3A_714 : memref<512xf32, #tpu.memory_space<vmem>>) dst(%dma_wait3A_712 : memref<512xf32, #tpu.memory_space<hbm>>)
    %dma_wait3A_715 = arith.constant 17 : i32
    %dma_wait3A_716 = arith.constant 8704 : i32
    %dma_wait3A_717 = tpu.memref_slice %arg10[%dma_wait3A_716] : memref<9216xf32, #tpu.memory_space<vmem>> -> memref<512xf32, #tpu.memory_space<vmem>>
    %dma_wait3A_718 = tpu.memref_slice %arg5[%dma_wait3A_715, %mul3A_546] : memref<18x16384xf32, #tpu.memory_space<hbm>> -> memref<1x512xf32, #tpu.memory_space<hbm>>
    %dma_wait3A_719 = tpu.memref_squeeze %dma_wait3A_718 : memref<1x512xf32, #tpu.memory_space<hbm>> -> memref<512xf32, #tpu.memory_space<hbm>>
    %dma_wait3A_720 = tpu.memref_slice %arg5[%dma_wait3A_715, %mul3A_546] : memref<18x16384xf32, #tpu.memory_space<hbm>> -> memref<1x512xf32, #tpu.memory_space<hbm>>
    %dma_wait3A_721 = tpu.memref_squeeze %dma_wait3A_720 : memref<1x512xf32, #tpu.memory_space<hbm>> -> memref<512xf32, #tpu.memory_space<hbm>>
    %dma_wait3A_722 = arith.constant 8704 : i32
    %dma_wait3A_723 = tpu.memref_slice %arg10[%dma_wait3A_722] : memref<9216xf32, #tpu.memory_space<vmem>> -> memref<512xf32, #tpu.memory_space<vmem>>
    tpu.wait_dma2 semaphore(%arg12 : memref<!tpu.dma_semaphore, #tpu.memory_space<semaphore_mem>>) src(%dma_wait3A_723 : memref<512xf32, #tpu.memory_space<vmem>>) dst(%dma_wait3A_721 : memref<512xf32, #tpu.memory_space<hbm>>)
    return
  }
}

#map = affine_map<(d0, d1) -> (0, 0)>
module attributes {stable_mosaic.version = 14 : i64} {
  func.func @_phase2_body(%arg0: i32, %arg1: i32, %arg2: memref<18x16384xf32, #tpu.memory_space<hbm>>, %arg3: memref<32x16xf32, #tpu.memory_space<hbm>>, %arg4: memref<16384xf32, #tpu.memory_space<vmem>>, %arg5: memref<512xf32, #tpu.memory_space<vmem>>, %arg6: memref<16xf32, #tpu.memory_space<vmem>>) attributes {dimension_semantics = [#tpu.dimension_semantics<core_parallel>, #tpu.dimension_semantics<subcore_parallel>], iteration_bounds = array<i64: 2, 16>, scalar_prefetch = 0 : i64, scratch_operands = 3 : i64, tpu.core_type = #tpu.core_type<sc_vector_subcore>, window_params = [{transform_indices = #map}, {transform_indices = #map}]} {
    %mul3A = arith.constant 16 : i32
    %mul3A_0 = arith.muli %arg0, %mul3A : i32
    %add3A = arith.addi %mul3A_0, %arg1 : i32
    %lt3A = arith.constant 18 : i32
    %lt3A_1 = arith.cmpi slt, %add3A, %lt3A : i32
    %min3A = arith.constant 17 : i32
    %min3A_2 = arith.minsi %add3A, %min3A : i32
    "tpu.region"() ({
      %run_scoped3A = tpu.sem_alloc : memref<!tpu.dma_semaphore, #tpu.memory_space<semaphore_mem>>
      %dma_start3A = arith.constant 0 : i32
      %dma_start3A_40 = tpu.memref_slice %arg2[%min3A_2, %dma_start3A] : memref<18x16384xf32, #tpu.memory_space<hbm>> -> memref<1x16384xf32, #tpu.memory_space<hbm>>
      %dma_start3A_41 = tpu.memref_squeeze %dma_start3A_40 : memref<1x16384xf32, #tpu.memory_space<hbm>> -> memref<16384xf32, #tpu.memory_space<hbm>>
      %dma_start3A_42 = arith.constant 0 : i32
      %dma_start3A_43 = tpu.memref_slice %arg2[%min3A_2, %dma_start3A_42] : memref<18x16384xf32, #tpu.memory_space<hbm>> -> memref<1x16384xf32, #tpu.memory_space<hbm>>
      %dma_start3A_44 = tpu.memref_squeeze %dma_start3A_43 : memref<1x16384xf32, #tpu.memory_space<hbm>> -> memref<16384xf32, #tpu.memory_space<hbm>>
      tpu.enqueue_dma source(%dma_start3A_44 : memref<16384xf32, #tpu.memory_space<hbm>>) target(%arg4 : memref<16384xf32, #tpu.memory_space<vmem>>) target_semaphore(%run_scoped3A : memref<!tpu.dma_semaphore, #tpu.memory_space<semaphore_mem>>)
      %dma_wait3A = arith.constant 0 : i32
      %dma_wait3A_45 = tpu.memref_slice %arg2[%min3A_2, %dma_wait3A] : memref<18x16384xf32, #tpu.memory_space<hbm>> -> memref<1x16384xf32, #tpu.memory_space<hbm>>
      %dma_wait3A_46 = tpu.memref_squeeze %dma_wait3A_45 : memref<1x16384xf32, #tpu.memory_space<hbm>> -> memref<16384xf32, #tpu.memory_space<hbm>>
      %dma_wait3A_47 = arith.constant 0 : i32
      %dma_wait3A_48 = tpu.memref_slice %arg2[%min3A_2, %dma_wait3A_47] : memref<18x16384xf32, #tpu.memory_space<hbm>> -> memref<1x16384xf32, #tpu.memory_space<hbm>>
      %dma_wait3A_49 = tpu.memref_squeeze %dma_wait3A_48 : memref<1x16384xf32, #tpu.memory_space<hbm>> -> memref<16384xf32, #tpu.memory_space<hbm>>
      tpu.wait_dma2 semaphore(%run_scoped3A : memref<!tpu.dma_semaphore, #tpu.memory_space<semaphore_mem>>) src(%dma_wait3A_49 : memref<16384xf32, #tpu.memory_space<hbm>>) dst(%arg4 : memref<16384xf32, #tpu.memory_space<vmem>>)
      tpu.yield
    }) : () -> ()
    %scan3A = arith.constant 0.000000e+00 : f32
    %scan3A_3 = arith.constant 0 : i32
    %scan3A_4 = arith.constant 32 : i32
    %scan3A_5 = arith.addi %scan3A_3, %scan3A_4 : i32
    %scan3A_6 = arith.constant 1 : i32
    %scan3A_7 = scf.for %scan3A_40 = %scan3A_3 to %scan3A_5 step %scan3A_6 iter_args(%scan3A_41 = %scan3A) -> (f32)  : i32 {
      %mul3A_42 = arith.constant 16 : i32
      %mul3A_43 = arith.muli %scan3A_40, %mul3A_42 : i32
      %get3A = arith.index_cast %mul3A_43 : i32 to index
      %get3A_44 = tpu.vector_load %arg4[%get3A] {strides = array<i32>} : memref<16384xf32, #tpu.memory_space<vmem>>, vector<16xf32>,
      %mul3A_45 = arith.constant 16 : i32
      %mul3A_46 = arith.muli %scan3A_40, %mul3A_45 : i32
      %add3A_47 = arith.constant 512 : i32
      %add3A_48 = arith.addi %add3A_47, %mul3A_46 : i32
      %get3A_49 = arith.index_cast %add3A_48 : i32 to index
      %get3A_50 = tpu.vector_load %arg4[%get3A_49] {strides = array<i32>} : memref<16384xf32, #tpu.memory_space<vmem>>, vector<16xf32>,
      %add3A_51 = arith.addf %get3A_44, %get3A_50 : vector<16xf32>
      %mul3A_52 = arith.constant 16 : i32
      %mul3A_53 = arith.muli %scan3A_40, %mul3A_52 : i32
      %add3A_54 = arith.constant 1024 : i32
      %add3A_55 = arith.addi %add3A_54, %mul3A_53 : i32
      %get3A_56 = arith.index_cast %add3A_55 : i32 to index
      %get3A_57 = tpu.vector_load %arg4[%get3A_56] {strides = array<i32>} : memref<16384xf32, #tpu.memory_space<vmem>>, vector<16xf32>,
      %add3A_58 = arith.addf %add3A_51, %get3A_57 : vector<16xf32>
      %mul3A_59 = arith.constant 16 : i32
      %mul3A_60 = arith.muli %scan3A_40, %mul3A_59 : i32
      %add3A_61 = arith.constant 1536 : i32
      %add3A_62 = arith.addi %add3A_61, %mul3A_60 : i32
      %get3A_63 = arith.index_cast %add3A_62 : i32 to index
      %get3A_64 = tpu.vector_load %arg4[%get3A_63] {strides = array<i32>} : memref<16384xf32, #tpu.memory_space<vmem>>, vector<16xf32>,
      %add3A_65 = arith.addf %add3A_58, %get3A_64 : vector<16xf32>
      %mul3A_66 = arith.constant 16 : i32
      %mul3A_67 = arith.muli %scan3A_40, %mul3A_66 : i32
      %add3A_68 = arith.constant 2048 : i32
      %add3A_69 = arith.addi %add3A_68, %mul3A_67 : i32
      %get3A_70 = arith.index_cast %add3A_69 : i32 to index
      %get3A_71 = tpu.vector_load %arg4[%get3A_70] {strides = array<i32>} : memref<16384xf32, #tpu.memory_space<vmem>>, vector<16xf32>,
      %add3A_72 = arith.addf %add3A_65, %get3A_71 : vector<16xf32>
      %mul3A_73 = arith.constant 16 : i32
      %mul3A_74 = arith.muli %scan3A_40, %mul3A_73 : i32
      %add3A_75 = arith.constant 2560 : i32
      %add3A_76 = arith.addi %add3A_75, %mul3A_74 : i32
      %get3A_77 = arith.index_cast %add3A_76 : i32 to index
      %get3A_78 = tpu.vector_load %arg4[%get3A_77] {strides = array<i32>} : memref<16384xf32, #tpu.memory_space<vmem>>, vector<16xf32>,
      %add3A_79 = arith.addf %add3A_72, %get3A_78 : vector<16xf32>
      %mul3A_80 = arith.constant 16 : i32
      %mul3A_81 = arith.muli %scan3A_40, %mul3A_80 : i32
      %add3A_82 = arith.constant 3072 : i32
      %add3A_83 = arith.addi %add3A_82, %mul3A_81 : i32
      %get3A_84 = arith.index_cast %add3A_83 : i32 to index
      %get3A_85 = tpu.vector_load %arg4[%get3A_84] {strides = array<i32>} : memref<16384xf32, #tpu.memory_space<vmem>>, vector<16xf32>,
      %add3A_86 = arith.addf %add3A_79, %get3A_85 : vector<16xf32>
      %mul3A_87 = arith.constant 16 : i32
      %mul3A_88 = arith.muli %scan3A_40, %mul3A_87 : i32
      %add3A_89 = arith.constant 3584 : i32
      %add3A_90 = arith.addi %add3A_89, %mul3A_88 : i32
      %get3A_91 = arith.index_cast %add3A_90 : i32 to index
      %get3A_92 = tpu.vector_load %arg4[%get3A_91] {strides = array<i32>} : memref<16384xf32, #tpu.memory_space<vmem>>, vector<16xf32>,
      %add3A_93 = arith.addf %add3A_86, %get3A_92 : vector<16xf32>
      %mul3A_94 = arith.constant 16 : i32
      %mul3A_95 = arith.muli %scan3A_40, %mul3A_94 : i32
      %add3A_96 = arith.constant 4096 : i32
      %add3A_97 = arith.addi %add3A_96, %mul3A_95 : i32
      %get3A_98 = arith.index_cast %add3A_97 : i32 to index
      %get3A_99 = tpu.vector_load %arg4[%get3A_98] {strides = array<i32>} : memref<16384xf32, #tpu.memory_space<vmem>>, vector<16xf32>,
      %add3A_100 = arith.addf %add3A_93, %get3A_99 : vector<16xf32>
      %mul3A_101 = arith.constant 16 : i32
      %mul3A_102 = arith.muli %scan3A_40, %mul3A_101 : i32
      %add3A_103 = arith.constant 4608 : i32
      %add3A_104 = arith.addi %add3A_103, %mul3A_102 : i32
      %get3A_105 = arith.index_cast %add3A_104 : i32 to index
      %get3A_106 = tpu.vector_load %arg4[%get3A_105] {strides = array<i32>} : memref<16384xf32, #tpu.memory_space<vmem>>, vector<16xf32>,
      %add3A_107 = arith.addf %add3A_100, %get3A_106 : vector<16xf32>
      %mul3A_108 = arith.constant 16 : i32
      %mul3A_109 = arith.muli %scan3A_40, %mul3A_108 : i32
      %add3A_110 = arith.constant 5120 : i32
      %add3A_111 = arith.addi %add3A_110, %mul3A_109 : i32
      %get3A_112 = arith.index_cast %add3A_111 : i32 to index
      %get3A_113 = tpu.vector_load %arg4[%get3A_112] {strides = array<i32>} : memref<16384xf32, #tpu.memory_space<vmem>>, vector<16xf32>,
      %add3A_114 = arith.addf %add3A_107, %get3A_113 : vector<16xf32>
      %mul3A_115 = arith.constant 16 : i32
      %mul3A_116 = arith.muli %scan3A_40, %mul3A_115 : i32
      %add3A_117 = arith.constant 5632 : i32
      %add3A_118 = arith.addi %add3A_117, %mul3A_116 : i32
      %get3A_119 = arith.index_cast %add3A_118 : i32 to index
      %get3A_120 = tpu.vector_load %arg4[%get3A_119] {strides = array<i32>} : memref<16384xf32, #tpu.memory_space<vmem>>, vector<16xf32>,
      %add3A_121 = arith.addf %add3A_114, %get3A_120 : vector<16xf32>
      %mul3A_122 = arith.constant 16 : i32
      %mul3A_123 = arith.muli %scan3A_40, %mul3A_122 : i32
      %add3A_124 = arith.constant 6144 : i32
      %add3A_125 = arith.addi %add3A_124, %mul3A_123 : i32
      %get3A_126 = arith.index_cast %add3A_125 : i32 to index
      %get3A_127 = tpu.vector_load %arg4[%get3A_126] {strides = array<i32>} : memref<16384xf32, #tpu.memory_space<vmem>>, vector<16xf32>,
      %add3A_128 = arith.addf %add3A_121, %get3A_127 : vector<16xf32>
      %mul3A_129 = arith.constant 16 : i32
      %mul3A_130 = arith.muli %scan3A_40, %mul3A_129 : i32
      %add3A_131 = arith.constant 6656 : i32
      %add3A_132 = arith.addi %add3A_131, %mul3A_130 : i32
      %get3A_133 = arith.index_cast %add3A_132 : i32 to index
      %get3A_134 = tpu.vector_load %arg4[%get3A_133] {strides = array<i32>} : memref<16384xf32, #tpu.memory_space<vmem>>, vector<16xf32>,
      %add3A_135 = arith.addf %add3A_128, %get3A_134 : vector<16xf32>
      %mul3A_136 = arith.constant 16 : i32
      %mul3A_137 = arith.muli %scan3A_40, %mul3A_136 : i32
      %add3A_138 = arith.constant 7168 : i32
      %add3A_139 = arith.addi %add3A_138, %mul3A_137 : i32
      %get3A_140 = arith.index_cast %add3A_139 : i32 to index
      %get3A_141 = tpu.vector_load %arg4[%get3A_140] {strides = array<i32>} : memref<16384xf32, #tpu.memory_space<vmem>>, vector<16xf32>,
      %add3A_142 = arith.addf %add3A_135, %get3A_141 : vector<16xf32>
      %mul3A_143 = arith.constant 16 : i32
      %mul3A_144 = arith.muli %scan3A_40, %mul3A_143 : i32
      %add3A_145 = arith.constant 7680 : i32
      %add3A_146 = arith.addi %add3A_145, %mul3A_144 : i32
      %get3A_147 = arith.index_cast %add3A_146 : i32 to index
      %get3A_148 = tpu.vector_load %arg4[%get3A_147] {strides = array<i32>} : memref<16384xf32, #tpu.memory_space<vmem>>, vector<16xf32>,
      %add3A_149 = arith.addf %add3A_142, %get3A_148 : vector<16xf32>
      %mul3A_150 = arith.constant 16 : i32
      %mul3A_151 = arith.muli %scan3A_40, %mul3A_150 : i32
      %add3A_152 = arith.constant 8192 : i32
      %add3A_153 = arith.addi %add3A_152, %mul3A_151 : i32
      %get3A_154 = arith.index_cast %add3A_153 : i32 to index
      %get3A_155 = tpu.vector_load %arg4[%get3A_154] {strides = array<i32>} : memref<16384xf32, #tpu.memory_space<vmem>>, vector<16xf32>,
      %add3A_156 = arith.addf %add3A_149, %get3A_155 : vector<16xf32>
      %mul3A_157 = arith.constant 16 : i32
      %mul3A_158 = arith.muli %scan3A_40, %mul3A_157 : i32
      %add3A_159 = arith.constant 8704 : i32
      %add3A_160 = arith.addi %add3A_159, %mul3A_158 : i32
      %get3A_161 = arith.index_cast %add3A_160 : i32 to index
      %get3A_162 = tpu.vector_load %arg4[%get3A_161] {strides = array<i32>} : memref<16384xf32, #tpu.memory_space<vmem>>, vector<16xf32>,
      %add3A_163 = arith.addf %add3A_156, %get3A_162 : vector<16xf32>
      %mul3A_164 = arith.constant 16 : i32
      %mul3A_165 = arith.muli %scan3A_40, %mul3A_164 : i32
      %add3A_166 = arith.constant 9216 : i32
      %add3A_167 = arith.addi %add3A_166, %mul3A_165 : i32
      %get3A_168 = arith.index_cast %add3A_167 : i32 to index
      %get3A_169 = tpu.vector_load %arg4[%get3A_168] {strides = array<i32>} : memref<16384xf32, #tpu.memory_space<vmem>>, vector<16xf32>,
      %add3A_170 = arith.addf %add3A_163, %get3A_169 : vector<16xf32>
      %mul3A_171 = arith.constant 16 : i32
      %mul3A_172 = arith.muli %scan3A_40, %mul3A_171 : i32
      %add3A_173 = arith.constant 9728 : i32
      %add3A_174 = arith.addi %add3A_173, %mul3A_172 : i32
      %get3A_175 = arith.index_cast %add3A_174 : i32 to index
      %get3A_176 = tpu.vector_load %arg4[%get3A_175] {strides = array<i32>} : memref<16384xf32, #tpu.memory_space<vmem>>, vector<16xf32>,
      %add3A_177 = arith.addf %add3A_170, %get3A_176 : vector<16xf32>
      %mul3A_178 = arith.constant 16 : i32
      %mul3A_179 = arith.muli %scan3A_40, %mul3A_178 : i32
      %add3A_180 = arith.constant 10240 : i32
      %add3A_181 = arith.addi %add3A_180, %mul3A_179 : i32
      %get3A_182 = arith.index_cast %add3A_181 : i32 to index
      %get3A_183 = tpu.vector_load %arg4[%get3A_182] {strides = array<i32>} : memref<16384xf32, #tpu.memory_space<vmem>>, vector<16xf32>,
      %add3A_184 = arith.addf %add3A_177, %get3A_183 : vector<16xf32>
      %mul3A_185 = arith.constant 16 : i32
      %mul3A_186 = arith.muli %scan3A_40, %mul3A_185 : i32
      %add3A_187 = arith.constant 10752 : i32
      %add3A_188 = arith.addi %add3A_187, %mul3A_186 : i32
      %get3A_189 = arith.index_cast %add3A_188 : i32 to index
      %get3A_190 = tpu.vector_load %arg4[%get3A_189] {strides = array<i32>} : memref<16384xf32, #tpu.memory_space<vmem>>, vector<16xf32>,
      %add3A_191 = arith.addf %add3A_184, %get3A_190 : vector<16xf32>
      %mul3A_192 = arith.constant 16 : i32
      %mul3A_193 = arith.muli %scan3A_40, %mul3A_192 : i32
      %add3A_194 = arith.constant 11264 : i32
      %add3A_195 = arith.addi %add3A_194, %mul3A_193 : i32
      %get3A_196 = arith.index_cast %add3A_195 : i32 to index
      %get3A_197 = tpu.vector_load %arg4[%get3A_196] {strides = array<i32>} : memref<16384xf32, #tpu.memory_space<vmem>>, vector<16xf32>,
      %add3A_198 = arith.addf %add3A_191, %get3A_197 : vector<16xf32>
      %mul3A_199 = arith.constant 16 : i32
      %mul3A_200 = arith.muli %scan3A_40, %mul3A_199 : i32
      %add3A_201 = arith.constant 11776 : i32
      %add3A_202 = arith.addi %add3A_201, %mul3A_200 : i32
      %get3A_203 = arith.index_cast %add3A_202 : i32 to index
      %get3A_204 = tpu.vector_load %arg4[%get3A_203] {strides = array<i32>} : memref<16384xf32, #tpu.memory_space<vmem>>, vector<16xf32>,
      %add3A_205 = arith.addf %add3A_198, %get3A_204 : vector<16xf32>
      %mul3A_206 = arith.constant 16 : i32
      %mul3A_207 = arith.muli %scan3A_40, %mul3A_206 : i32
      %add3A_208 = arith.constant 12288 : i32
      %add3A_209 = arith.addi %add3A_208, %mul3A_207 : i32
      %get3A_210 = arith.index_cast %add3A_209 : i32 to index
      %get3A_211 = tpu.vector_load %arg4[%get3A_210] {strides = array<i32>} : memref<16384xf32, #tpu.memory_space<vmem>>, vector<16xf32>,
      %add3A_212 = arith.addf %add3A_205, %get3A_211 : vector<16xf32>
      %mul3A_213 = arith.constant 16 : i32
      %mul3A_214 = arith.muli %scan3A_40, %mul3A_213 : i32
      %add3A_215 = arith.constant 12800 : i32
      %add3A_216 = arith.addi %add3A_215, %mul3A_214 : i32
      %get3A_217 = arith.index_cast %add3A_216 : i32 to index
      %get3A_218 = tpu.vector_load %arg4[%get3A_217] {strides = array<i32>} : memref<16384xf32, #tpu.memory_space<vmem>>, vector<16xf32>,
      %add3A_219 = arith.addf %add3A_212, %get3A_218 : vector<16xf32>
      %mul3A_220 = arith.constant 16 : i32
      %mul3A_221 = arith.muli %scan3A_40, %mul3A_220 : i32
      %add3A_222 = arith.constant 13312 : i32
      %add3A_223 = arith.addi %add3A_222, %mul3A_221 : i32
      %get3A_224 = arith.index_cast %add3A_223 : i32 to index
      %get3A_225 = tpu.vector_load %arg4[%get3A_224] {strides = array<i32>} : memref<16384xf32, #tpu.memory_space<vmem>>, vector<16xf32>,
      %add3A_226 = arith.addf %add3A_219, %get3A_225 : vector<16xf32>
      %mul3A_227 = arith.constant 16 : i32
      %mul3A_228 = arith.muli %scan3A_40, %mul3A_227 : i32
      %add3A_229 = arith.constant 13824 : i32
      %add3A_230 = arith.addi %add3A_229, %mul3A_228 : i32
      %get3A_231 = arith.index_cast %add3A_230 : i32 to index
      %get3A_232 = tpu.vector_load %arg4[%get3A_231] {strides = array<i32>} : memref<16384xf32, #tpu.memory_space<vmem>>, vector<16xf32>,
      %add3A_233 = arith.addf %add3A_226, %get3A_232 : vector<16xf32>
      %mul3A_234 = arith.constant 16 : i32
      %mul3A_235 = arith.muli %scan3A_40, %mul3A_234 : i32
      %add3A_236 = arith.constant 14336 : i32
      %add3A_237 = arith.addi %add3A_236, %mul3A_235 : i32
      %get3A_238 = arith.index_cast %add3A_237 : i32 to index
      %get3A_239 = tpu.vector_load %arg4[%get3A_238] {strides = array<i32>} : memref<16384xf32, #tpu.memory_space<vmem>>, vector<16xf32>,
      %add3A_240 = arith.addf %add3A_233, %get3A_239 : vector<16xf32>
      %mul3A_241 = arith.constant 16 : i32
      %mul3A_242 = arith.muli %scan3A_40, %mul3A_241 : i32
      %add3A_243 = arith.constant 14848 : i32
      %add3A_244 = arith.addi %add3A_243, %mul3A_242 : i32
      %get3A_245 = arith.index_cast %add3A_244 : i32 to index
      %get3A_246 = tpu.vector_load %arg4[%get3A_245] {strides = array<i32>} : memref<16384xf32, #tpu.memory_space<vmem>>, vector<16xf32>,
      %add3A_247 = arith.addf %add3A_240, %get3A_246 : vector<16xf32>
      %mul3A_248 = arith.constant 16 : i32
      %mul3A_249 = arith.muli %scan3A_40, %mul3A_248 : i32
      %add3A_250 = arith.constant 15360 : i32
      %add3A_251 = arith.addi %add3A_250, %mul3A_249 : i32
      %get3A_252 = arith.index_cast %add3A_251 : i32 to index
      %get3A_253 = tpu.vector_load %arg4[%get3A_252] {strides = array<i32>} : memref<16384xf32, #tpu.memory_space<vmem>>, vector<16xf32>,
      %add3A_254 = arith.addf %add3A_247, %get3A_253 : vector<16xf32>
      %mul3A_255 = arith.constant 16 : i32
      %mul3A_256 = arith.muli %scan3A_40, %mul3A_255 : i32
      %add3A_257 = arith.constant 15872 : i32
      %add3A_258 = arith.addi %add3A_257, %mul3A_256 : i32
      %get3A_259 = arith.index_cast %add3A_258 : i32 to index
      %get3A_260 = tpu.vector_load %arg4[%get3A_259] {strides = array<i32>} : memref<16384xf32, #tpu.memory_space<vmem>>, vector<16xf32>,
      %add3A_261 = arith.addf %add3A_254, %get3A_260 : vector<16xf32>
      %mul3A_262 = arith.constant 16 : i32
      %mul3A_263 = arith.muli %scan3A_40, %mul3A_262 : i32
      %swap3A_264 = arith.index_cast %mul3A_263 : i32 to index
      %swap3A_265 = tpu.vector_load %arg5[%swap3A_264] {strides = array<i32>} : memref<512xf32, #tpu.memory_space<vmem>>, vector<16xf32>,
      tpu.vector_store %arg5[%swap3A_264], %add3A_261 {strides = array<i32>} : memref<512xf32, #tpu.memory_space<vmem>>, vector<16xf32>,
      %mul3A_266 = arith.constant 16 : i32
      %mul3A_267 = arith.muli %scan3A_40, %mul3A_266 : i32
      %ge3A = arith.constant 256 : i32
      %ge3A_268 = arith.cmpi sge, %mul3A_267, %ge3A : i32
      %reduce_sum3A_269 = arith.constant true
      %reduce_sum3A_270 = vector.broadcast %reduce_sum3A_269 : i1 to vector<16xi1>
      %reduce_sum3A_271 = tpu.scan <sum>, %add3A_261 masked %reduce_sum3A_270 : vector<16xf32>, vector<16xi1> -> vector<16xf32>
      %reduce_sum3A_272 = vector.extract %reduce_sum3A_271[15] : f32 from vector<16xf32>
      %add3A_273 = arith.addf %scan3A_41, %reduce_sum3A_272 : f32
      %select_n3A_274 = arith.select %ge3A_268, %add3A_273, %scan3A_41 : f32
      scf.yield %select_n3A_274 : f32
    }
    %scan3A_8 = arith.constant 32 : i32
    %broadcast_in_dim3A = arith.constant 0.000000e+00 : f32
    %broadcast_in_dim3A_9 = vector.broadcast %broadcast_in_dim3A : f32 to vector<16xf32>
    %scan3A_10 = arith.constant 0.000000e+00 : f32
    %scan3A_11 = arith.constant 0.000000e+00 : f32
    %scan3A_12 = arith.constant 0 : i32
    %scan3A_13 = arith.constant 16 : i32
    %scan3A_14 = arith.addi %scan3A_12, %scan3A_13 : i32
    %scan3A_15 = arith.constant 1 : i32
    %scan3A_16:3 = scf.for %scan3A_40 = %scan3A_12 to %scan3A_14 step %scan3A_15 iter_args(%scan3A_41 = %scan3A_10, %scan3A_42 = %scan3A_11, %scan3A_43 = %broadcast_in_dim3A_9) -> (f32, f32, vector<16xf32>)  : i32 {
      %add3A_44 = arith.constant 1 : i32
      %add3A_45 = arith.addi %scan3A_40, %add3A_44 : i32
      %mul3A_46 = arith.constant 16 : i32
      %mul3A_47 = arith.muli %mul3A_46, %add3A_45 : i32
      %sub3A_48 = arith.constant 256 : i32
      %sub3A_49 = arith.subi %sub3A_48, %mul3A_47 : i32
      %get3A = arith.index_cast %sub3A_49 : i32 to index
      %get3A_50 = tpu.vector_load %arg5[%get3A] {strides = array<i32>} : memref<512xf32, #tpu.memory_space<vmem>>, vector<16xf32>,
      %rev3A = arith.constant 15 : i32
      %rev3A_51 = vector.broadcast %rev3A : i32 to vector<16xi32>
      %rev3A_52 = tpu.iota {dimensions = array<i32: 0>} : vector<16xi32>
      %rev3A_53 = arith.subi %rev3A_51, %rev3A_52 : vector<16xi32>
      %rev3A_54 = tpu.dynamic_gather %get3A_50[%rev3A_53] in [0] : vector<16xf32>, vector<16xi32> -> vector<16xf32>
      %add3A_55 = arith.constant 256 : i32
      %add3A_56 = arith.addi %sub3A_49, %add3A_55 : i32
      %get3A_57 = arith.index_cast %add3A_56 : i32 to index
      %get3A_58 = tpu.vector_load %arg5[%get3A_57] {strides = array<i32>} : memref<512xf32, #tpu.memory_space<vmem>>, vector<16xf32>,
      %rev3A_59 = arith.constant 15 : i32
      %rev3A_60 = vector.broadcast %rev3A_59 : i32 to vector<16xi32>
      %rev3A_61 = tpu.iota {dimensions = array<i32: 0>} : vector<16xi32>
      %rev3A_62 = arith.subi %rev3A_60, %rev3A_61 : vector<16xi32>
      %rev3A_63 = tpu.dynamic_gather %get3A_58[%rev3A_62] in [0] : vector<16xf32>, vector<16xi32> -> vector<16xf32>
      %cumsum3A = arith.constant true
      %cumsum3A_64 = vector.broadcast %cumsum3A : i1 to vector<16xi1>
      %cumsum3A_65 = tpu.scan <sum>, %rev3A_54 masked %cumsum3A_64 : vector<16xf32>, vector<16xi1> -> vector<16xf32>
      %add3A_66 = vector.broadcast %scan3A_41 : f32 to vector<16xf32>
      %add3A_67 = arith.addf %add3A_66, %cumsum3A_65 : vector<16xf32>
      %cumsum3A_68 = arith.constant true
      %cumsum3A_69 = vector.broadcast %cumsum3A_68 : i1 to vector<16xi1>
      %cumsum3A_70 = tpu.scan <sum>, %rev3A_63 masked %cumsum3A_69 : vector<16xf32>, vector<16xi1> -> vector<16xf32>
      %add3A_71 = vector.broadcast %scan3A_42 : f32 to vector<16xf32>
      %add3A_72 = arith.addf %add3A_71, %cumsum3A_70 : vector<16xf32>
      %sub3A_73 = vector.broadcast %scan3A_7 : f32 to vector<16xf32>
      %sub3A_74 = arith.subf %sub3A_73, %add3A_72 : vector<16xf32>
      %add3A_75 = vector.broadcast %scan3A_7 : f32 to vector<16xf32>
      %add3A_76 = arith.addf %add3A_75, %add3A_67 : vector<16xf32>
      %sub3A_77 = arith.subf %add3A_76, %add3A_72 : vector<16xf32>
      %max3A = arith.constant 9.99999996E-13 : f32
      %max3A_78 = vector.broadcast %max3A : f32 to vector<16xf32>
      %max3A_79 = arith.maximumf %sub3A_77, %max3A_78 : vector<16xf32>
      %div3A = arith.divf %sub3A_74, %max3A_79 : vector<16xf32>
      %sub3A_80 = arith.constant 1.000000e+00 : f32
      %sub3A_81 = vector.broadcast %sub3A_80 : f32 to vector<16xf32>
      %sub3A_82 = arith.subf %sub3A_81, %div3A : vector<16xf32>
      %reduce_sum3A_83 = arith.constant true
      %reduce_sum3A_84 = vector.broadcast %reduce_sum3A_83 : i1 to vector<16xi1>
      %reduce_sum3A_85 = tpu.scan <sum>, %rev3A_54 masked %reduce_sum3A_84 : vector<16xf32>, vector<16xi1> -> vector<16xf32>
      %reduce_sum3A_86 = vector.extract %reduce_sum3A_85[15] : f32 from vector<16xf32>
      %add3A_87 = arith.addf %scan3A_41, %reduce_sum3A_86 : f32
      %reduce_sum3A_88 = arith.constant true
      %reduce_sum3A_89 = vector.broadcast %reduce_sum3A_88 : i1 to vector<16xi1>
      %reduce_sum3A_90 = tpu.scan <sum>, %rev3A_63 masked %reduce_sum3A_89 : vector<16xf32>, vector<16xi1> -> vector<16xf32>
      %reduce_sum3A_91 = vector.extract %reduce_sum3A_90[15] : f32 from vector<16xf32>
      %add3A_92 = arith.addf %scan3A_42, %reduce_sum3A_91 : f32
      %add3A_93 = arith.addf %scan3A_43, %sub3A_82 : vector<16xf32>
      scf.yield %add3A_87, %add3A_92, %add3A_93 : f32, f32, vector<16xf32>
    }
    %scan3A_17 = arith.constant 16 : i32
    %reduce_sum3A = arith.constant true
    %reduce_sum3A_18 = vector.broadcast %reduce_sum3A : i1 to vector<16xi1>
    %reduce_sum3A_19 = tpu.scan <sum>, %scan3A_16#2 masked %reduce_sum3A_18 : vector<16xf32>, vector<16xi1> -> vector<16xf32>
    %reduce_sum3A_20 = vector.extract %reduce_sum3A_19[15] : f32 from vector<16xf32>
    %sub3A = arith.constant 5.000000e-01 : f32
    %sub3A_21 = arith.subf %reduce_sum3A_20, %sub3A : f32
    %mul3A_22 = arith.constant 0.0039138943 : f32
    %mul3A_23 = arith.mulf %sub3A_21, %mul3A_22 : f32
    %gt3A = arith.constant 5.000000e-01 : f32
    %gt3A_24 = arith.cmpf ogt, %scan3A_7, %gt3A : f32
    %and3A = arith.andi %lt3A_1, %gt3A_24 : i1
    %jit3A = arith.constant 0.000000e+00 : f32
    %select_n3A = arith.select %and3A, %mul3A_23, %jit3A : f32
    %jit3A_25 = arith.constant 1.000000e+00 : f32
    %jit3A_26 = arith.constant 0.000000e+00 : f32
    %select_n3A_27 = arith.select %and3A, %jit3A_25, %jit3A_26 : f32
    %iota3A = tpu.iota {dimensions = array<i32: 0>} : vector<16xi32>
    %eq3A = arith.constant 0 : i32
    %eq3A_28 = vector.broadcast %eq3A : i32 to vector<16xi32>
    %eq3A_29 = arith.cmpi eq, %iota3A, %eq3A_28 : vector<16xi32>
    %eq3A_30 = arith.constant 1 : i32
    %eq3A_31 = vector.broadcast %eq3A_30 : i32 to vector<16xi32>
    %eq3A_32 = arith.cmpi eq, %iota3A, %eq3A_31 : vector<16xi32>
    %jit3A_33 = arith.constant 0.000000e+00 : f32
    %broadcast_in_dim3A_34 = vector.broadcast %select_n3A_27 : f32 to vector<16xf32>
    %broadcast_in_dim3A_35 = vector.broadcast %jit3A_33 : f32 to vector<16xf32>
    %select_n3A_36 = arith.select %eq3A_32, %broadcast_in_dim3A_34, %broadcast_in_dim3A_35 : vector<16xi1>, vector<16xf32>
    %broadcast_in_dim3A_37 = vector.broadcast %select_n3A : f32 to vector<16xf32>
    %select_n3A_38 = arith.select %eq3A_29, %broadcast_in_dim3A_37, %select_n3A_36 : vector<16xi1>, vector<16xf32>
    %swap3A = arith.constant 0 : index
    %swap3A_39 = tpu.vector_load %arg6[%swap3A] {strides = array<i32>} : memref<16xf32, #tpu.memory_space<vmem>>, vector<16xf32>,
    tpu.vector_store %arg6[%swap3A], %select_n3A_38 {strides = array<i32>} : memref<16xf32, #tpu.memory_space<vmem>>, vector<16xf32>,
    "tpu.region"() ({
      %run_scoped3A = tpu.sem_alloc : memref<!tpu.dma_semaphore, #tpu.memory_space<semaphore_mem>>
      %dma_start3A = arith.constant 0 : i32
      %dma_start3A_40 = tpu.memref_slice %arg3[%add3A, %dma_start3A] : memref<32x16xf32, #tpu.memory_space<hbm>> -> memref<1x16xf32, #tpu.memory_space<hbm>>
      %dma_start3A_41 = tpu.memref_squeeze %dma_start3A_40 : memref<1x16xf32, #tpu.memory_space<hbm>> -> memref<16xf32, #tpu.memory_space<hbm>>
      %dma_start3A_42 = arith.constant 0 : i32
      %dma_start3A_43 = tpu.memref_slice %arg3[%add3A, %dma_start3A_42] : memref<32x16xf32, #tpu.memory_space<hbm>> -> memref<1x16xf32, #tpu.memory_space<hbm>>
      %dma_start3A_44 = tpu.memref_squeeze %dma_start3A_43 : memref<1x16xf32, #tpu.memory_space<hbm>> -> memref<16xf32, #tpu.memory_space<hbm>>
      tpu.enqueue_dma source(%arg6 : memref<16xf32, #tpu.memory_space<vmem>>) target(%dma_start3A_44 : memref<16xf32, #tpu.memory_space<hbm>>) target_semaphore(%run_scoped3A : memref<!tpu.dma_semaphore, #tpu.memory_space<semaphore_mem>>)
      %dma_wait3A = arith.constant 0 : i32
      %dma_wait3A_45 = tpu.memref_slice %arg3[%add3A, %dma_wait3A] : memref<32x16xf32, #tpu.memory_space<hbm>> -> memref<1x16xf32, #tpu.memory_space<hbm>>
      %dma_wait3A_46 = tpu.memref_squeeze %dma_wait3A_45 : memref<1x16xf32, #tpu.memory_space<hbm>> -> memref<16xf32, #tpu.memory_space<hbm>>
      %dma_wait3A_47 = arith.constant 0 : i32
      %dma_wait3A_48 = tpu.memref_slice %arg3[%add3A, %dma_wait3A_47] : memref<32x16xf32, #tpu.memory_space<hbm>> -> memref<1x16xf32, #tpu.memory_space<hbm>>
      %dma_wait3A_49 = tpu.memref_squeeze %dma_wait3A_48 : memref<1x16xf32, #tpu.memory_space<hbm>> -> memref<16xf32, #tpu.memory_space<hbm>>
      tpu.wait_dma2 semaphore(%run_scoped3A : memref<!tpu.dma_semaphore, #tpu.memory_space<semaphore_mem>>) src(%arg6 : memref<16xf32, #tpu.memory_space<vmem>>) dst(%dma_wait3A_49 : memref<16xf32, #tpu.memory_space<hbm>>)
      tpu.yield
    }) : () -> ()
    return
  }
}

</mosaic_0001>

<sc_bundles>
// kernel: kernel.4.cloned.1.call-start
scs
__scs_entry_jumppad:
0x0: {  	(pc) =	sbr.rel $0x88, $3  }
0x1: {  	(tag) =	ssettag $0x0;
	lr =	simm.s32 $0x1  }
0x2: {  	[smem:$0x3F9F] =	sst lr;
	_ =	strace $0xD0000000  }
0x3: {  	_ = 	snop  }
0x4: {  	_ = 	snop  }
0x5: {  	_ = 	snop  }
0x6: {  	_ = 	snop  }
0x7: {  	_ = 	snop  }
__scs_overlays_trampoline_lowered:
0x8: {  	[smem:$0x3FAE] =	sst s0  }
0x9: {  	[smem:$0x3FAF] =	sst s1  }
0xa: {  	[smem:$0x3FB0] =	sst s2  }
0xb: {  	[smem:$0x3FB1] =	sst s3  }
0xc: {  	[smem:$0x3FB2] =	sst s4  }
0xd: {  	[smem:$0x3FB3] =	sst s5  }
0xe: {  	[smem:$0x3FB4] =	sst s6  }
0xf: {  	[smem:$0x3FB5] =	sst s7  }
0x10: {  	[smem:$0x3FB6] =	sst s8  }
0x11: {  	[smem:$0x3FB7] =	sst s9;
	s0 =	simm.s32 @!p0 $0x0  }
0x12: {  	s1 =	sld [smem:$0x3F9D];
	s0 =	simm.s32 @p0 $0x1  }
0x13: {  	[smem:$0x3FB8] =	sst s0;
	s0 =	simm.s32 @!p1 $0x0  }
0x14: {  	s2 =	sld [smem:$0x3F9C];
	s0 =	simm.s32 @p1 $0x1  }
0x15: {  	[smem:$0x3FB9] =	sst s0;
	s0 =	simm.s32 @!p2 $0x0  }
0x16: {  	s3 =	sld [smem:$0x3FDB];
	s0 =	simm.s32 @p2 $0x1  }
0x17: {  	s4 =	simm.s32 $0x1BF5;
	[smem:$0x3FBB] =	sst s0  }
0x18: {  	s0 =	sld [smem:$0x3F9E];
	_ =	swait.ge [sflag:s4], $0x0  }
0x19: {  	s7 =	sld [smem:$0x3F9F]  }
0x1a: {  	s8 =	sadd.s32 $0xFFFFE003, lr  }
0x1b: {  	s9 =	sadd.s32 $0xFFFFFEF7, lr;
	s5 =	simm.s32 $0xFFFFFFFF;
	p2 =	slt.u32 s8, $0xFFFFF086  }
0x1c: {  	p1 =	slt.u32 s9, $0xF7A;
	s5 =	simm.s32 @!p2 $0x0  }
0x1d: {  	s5 =	simm.s32 @p1 $0x1;
	p0 =	seq.s32 s7, s2  }
0x1e: {  	s7 =	smul.u32 @!p0 $0xF7A, s2;
	p2 =	seq.s32 @!p0 s5, $0x0  }
0x1f: {  	s9 =	smul.u32 $0xF7A, s1;
	s8 =	simm.s32 @!p0 $0x1BF5;
	p2 =	por !p2, p0  }
0x20: {  	[sflag:s8] =	ssyncset.s32 @!p0 $0xFFFFF086;
	s6 =	sadd.s32 @!p0 s3, s7;
	s7 =	simm.s32 @!p0 $0x108  }
0x21: {  	s3 =	sadd.s32 s3, s9;
	s6 =	sadd.s32 @!p0 $0x88, s6;
	s7 =	simm.s32 @p2 $0x1082  }
0x22: {  	[simem:s7], [sflag:s8] =	dma.local @!p0 [hbm:s6], $0xF7A  }
0x23: {  	s9 =	sor.u32 $0xD0000000, s2;
	s6 =	simm.s32 $0x108;
	_ =	swait.ge @!p0 [sflag:s8], $0x0  }
0x24: {  	s3 =	sadd.s32 $0x88, s3;
	s6 =	simm.s32 @!p1 $0x1082;
	[sflag:s4] =	ssyncset.s32 $0xFFFFF086  }
0x25: {  	[simem:s6], [sflag:s4] =	dma.local [hbm:s3], $0xF7A  }
0x26: {  	[smem:$0x3F9F] =	sst s1;
	(tag) =	ssettag s2;
	_ =	strace s9  }
0x27: {  	s1 =	sld [smem:$0x3FAF]  }
0x28: {  	s2 =	sld [smem:$0x3FB0]  }
0x29: {  	s4 =	sld [smem:$0x3FB2]  }
0x2a: {  	p0 =	seq.s32 s5, $0x0;
	s5 =	sld [smem:$0x3FB3]  }
0x2b: {  	s6 =	sld [smem:$0x3FB4]  }
0x2c: {  	s7 =	sld [smem:$0x3FB5]  }
0x2d: {  	s3 =	simm.s32 $0x108;
	s8 =	sld [smem:$0x3FB6]  }
0x2e: {  	s3 =	simm.s32 @!p0 $0x1082;
	s9 =	sld [smem:$0x3FB7]  }
0x2f: {  	lr =	sadd.s32 s0, s3;
	s0 =	sld [smem:$0x3FAE]  }
0x30: {  	s3 =	sld [smem:$0x3FB1]  }
0x31: {  	[smem:$0x3FBA] =	sst s10  }
0x32: {  	s10 =	sld [smem:$0x3FB8];
	_ =	sdelay $0x3  }
0x33: {  	p0 =	seq.s32 s10, $0x1;
	s10 =	sld [smem:$0x3FBA];
	_ =	sdelay $0x3  }
0x34: {  	[smem:$0x3FBA] =	sst s10  }
0x35: {  	s10 =	sld [smem:$0x3FB9];
	_ =	sdelay $0x3  }
0x36: {  	p1 =	seq.s32 s10, $0x1;
	s10 =	sld [smem:$0x3FBA];
	_ =	sdelay $0x3  }
0x37: {  	[smem:$0x3FBA] =	sst s10  }
0x38: {  	s10 =	sld [smem:$0x3FBB]  }
0x39: {  	_ = 	snop;
	(pc) =	sbr.ind lr, $3  }
0x3a: {  	_ = 	snop  }
0x3b: {  	_ = 	snop  }
0x3c: {  	p2 =	seq.s32 s10, $0x1;
	s10 =	sld [smem:$0x3FBA]  }
0x3d: {  	_ =	shalt  }
0x3e: {  	_ =	shalt  }
0x3f: {  	_ =	shalt  }
0x40: {  	_ =	shalt  }
0x41: {  	_ =	shalt  }
0x42: {  	_ =	shalt  }
0x43: {  	_ =	shalt  }
0x44: {  	_ =	shalt  }
0x45: {  	_ =	shalt  }
0x46: {  	_ =	shalt  }
0x47: {  	_ =	shalt  }
0x48: {  	_ =	shalt  }
0x49: {  	_ =	shalt  }
0x4a: {  	_ =	shalt  }
0x4b: {  	_ =	shalt  }
0x4c: {  	_ =	shalt  }
0x4d: {  	_ =	shalt  }
0x4e: {  	_ =	shalt  }
0x4f: {  	_ =	shalt  }
0x50: {  	_ =	shalt  }
0x51: {  	_ =	shalt  }
0x52: {  	_ =	shalt  }
0x53: {  	_ =	shalt  }
0x54: {  	_ =	shalt  }
0x55: {  	_ =	shalt  }
0x56: {  	_ =	shalt  }
0x57: {  	_ =	shalt  }
0x58: {  	_ =	shalt  }
0x59: {  	_ =	shalt  }
0x5a: {  	_ =	shalt  }
0x5b: {  	_ =	shalt  }
0x5c: {  	_ =	shalt  }
0x5d: {  	_ =	shalt  }
0x5e: {  	_ =	shalt  }
0x5f: {  	_ =	shalt  }
0x60: {  	_ =	shalt  }
0x61: {  	_ =	shalt  }
0x62: {  	_ =	shalt  }
0x63: {  	_ =	shalt  }
0x64: {  	_ =	shalt  }
0x65: {  	_ =	shalt  }
0x66: {  	_ =	shalt  }
0x67: {  	_ =	shalt  }
0x68: {  	_ =	shalt  }
0x69: {  	_ =	shalt  }
0x6a: {  	_ =	shalt  }
0x6b: {  	_ =	shalt  }
0x6c: {  	_ =	shalt  }
0x6d: {  	_ =	shalt  }
0x6e: {  	_ =	shalt  }
0x6f: {  	_ =	shalt  }
0x70: {  	_ =	shalt  }
0x71: {  	_ =	shalt  }
0x72: {  	_ =	shalt  }
0x73: {  	_ =	shalt  }
0x74: {  	_ =	shalt  }
0x75: {  	_ =	shalt  }
0x76: {  	_ =	shalt  }
0x77: {  	_ =	shalt  }
0x78: {  	_ =	shalt  }
0x79: {  	_ =	shalt  }
0x7a: {  	_ =	shalt  }
0x7b: {  	_ =	shalt  }
0x7c: {  	_ =	shalt  }
0x7d: {  	_ =	shalt  }
0x7e: {  	_ =	shalt  }
0x7f: {  	_ =	shalt  }
0x80: {  	_ =	shalt  }
0x81: {  	_ =	shalt  }
0x82: {  	_ =	shalt  }
0x83: {  	_ =	shalt  }
0x84: {  	_ =	shalt  }
0x85: {  	_ =	shalt  }
0x86: {  	_ =	shalt  }
0x87: {  	_ =	shalt  }
.Lfunc_end0:
.L_simem_size_0:
called_computation_lowered:
.L_overlay_start_0:
0x88: {  	s2 =	sld [smem:$0x3FD9]  }
0x89: {  	s3 =	sld [smem:$0x3FFE];
	_ =	sdelay $0x1  }
0x8a: {  	s1 =	srdreg.scid  }
0x8b: {  	s0 =	sand.u32 $0x1, s1  }
0x8c: {  	s17 =	sshll.u32 s0, $0xA;
	s2 =	sadd.s32 s3, s2  }
0x8d: {  	s2 =	sadd.s32 s2, s17  }
0x8e: {  	[smem:$0x3FC6] =	sst s2  }
0x8f: {  	_ = 	snop  }
0x90: {  	s2 =	sld [smem:$0x3FC9]  }
0x91: {  	s18 =	sld [smem:$0x3FC8]  }
0x92: {  	s4 =	sld [smem:$0x3FD0];
	(tm) =	ssettm $0x1  }
0x93: {  	s5 =	sld [smem:$0x3FFB];
	_ =	sdelay $0x3  }
0x94: {  	_ =	strace s5  }
0x95: {  	s5 =	sld [smem:$0x3FFC];
	_ =	sdelay $0x3  }
0x96: {  	_ =	strace s5  }
0x97: {  	s5 =	sld [smem:$0x3FFD];
	_ =	sdelay $0x3  }
0x98: {  	_ =	strace s5  }
0x99: {  	_ =	strace $0x8FFFFFFF  }
0x9a: {  	s19 =	sld [smem:$0x3FDB];
	_ =	sdelay $0x1  }
0x9b: {  	s6 =	simm.s32 $_scs_section_size  }
0x9c: {  	s7 =	simm.s32 $_size__tile_overlayer_lowered;
	s8 =	simm.s32 $_tile_overlayer_lowered  }
0x9d: {  	s22 =	simm.s32 $0x1BFF;
	s21 =	sshll.u32 s8, $0x1;
	s5 =	sadd.s32 s6, s19  }
0x9e: {  	s9 =	simm.s32 $0x0;
	s20 =	sshll.u32 s7, $0x1;
	s7 =	sadd.s32 s21, s5  }
0x9f: {  	[timem:s9], [sflag:s22] =	dma.local [hbm:s7], s20  }
0xa0: {  	_ =	swait.ge [sflag:s22], s20  }
0xa1: {  	s6 =	ssub.s32 $0x0, s20;
	[sflag:s22] =	ssyncset.done $0x0  }
0xa2: {  	[sflag:s22] =	ssyncadd.s32 s6;
	_ =	sdelay $0x1  }
0xa3: {  	s23 =	simm.s32 $0x1B8B  }
0xa4: {  	_ =	swait.ge [sflag:s23], $0x1  }
0xa5: {  	[sflag:s23] =	ssyncset.done $0x0  }
0xa6: {  	s25 =	simm.s32 $0x1B8E;
	s24 =	sld [smem:$0x3FFE];
	[sflag:s23] =	ssyncadd.s32 $0xFFFFFFFF  }
0xa7: {  	s26 =	simm.s32 $execute0_lowered;
	[smem:$0x3FD2] =	sst s25  }
0xa8: {  	s7 =	sshll.u32 s26, $0x1;
	_ =	strace $0x80000046;
	[dreg:$0x1] =	wrdreg $0xFFFFFFFF  }
0xa9: {  	s28 =	simm.s32 $_size_execute0_lowered;
	s5 =	sadd.s32 s5, s7;
	[dreg:$0x0] =	wrdreg $0x0  }
0xaa: {  	s7 =	sshll.u32 s28, $0x1;
	[dreg:$0x2] =	wrdreg s5  }
0xab: {  	[dreg:$0x3] =	wrdreg s7  }
0xac: {  	[dreg:$0x4] =	wrdreg $0xC0  }
0xad: {  	_ =	task [dreg:s9], $0x5FFFF  }
0xae: {  	[dreg:$0x1] =	wrdreg $0xFFFFFFFF  }
0xaf: {  	[dreg:$0x0] =	wrdreg $0x60  }
0xb0: {  	[dreg:$0x2] =	wrdreg s2  }
0xb1: {  	[dreg:$0x3] =	wrdreg s18  }
0xb2: {  	[dreg:$0x4] =	wrdreg s4  }
0xb3: {  	[dreg:$0x5] =	wrdreg s24  }
0xb4: {  	[dreg:$0x6] =	wrdreg $0x9  }
0xb5: {  	_ =	task.clear_ibuf [dreg:s9], $0x7FFFF;
	_ =	strace $0x90000046  }
0xb6: {  	s29 =	simm.s32 $0x9;
	_ =	strace $0x80000048  }
0xb7: {  	_ =	swait.ge [sflag:s29], $0x1  }
0xb8: {  	[sflag:s29] =	ssyncadd.s32 $0xFFFFFFFF  }
0xb9: {  	_ =	strace $0x90000048  }
0xba: {  	_ =	sfence  }
0xbb: {  	s30 =	sld [smem:$0x0];
	_ =	sdelay $0x2  }
0xbc: {  	s31 =	sshll.u32 s1, $0xD;
	s1 =	sshrl.u32 s1, $0x2  }
0xbd: {  	s3 =	sand.u32 $0x4000, s31;
	s1 =	sadd.s32 s1, s30  }
0xbe: {  	s0 =	sor.u32 s3, s0;
	s1 =	sshll.u32 s1, $0x11  }
0xbf: {  	s0 =	sor.u32 s1, s0  }
0xc0: {  	s0 =	sadd.s32 $0x8F2B, s0  }
0xc1: {  	[sflag:s0] =	ssyncadd.remote.s32 $0x1  }
0xc2: {  	_ =	sfence.sel $0xFFFF  }
0xc3: {  	[dreg:$0x0] =	wrdreg $0xFFFFFFFF;
	(pc) =	sbr.abs _section_cstart, $3  }
0xc4: {  	[dreg:$0x1] =	wrdreg $0xFFFFFFFF  }
0xc5: {  	_ =	task.clear_ibuf [dreg:s9], $0x2FFFF;
	_ =	strace $0x9FFFFFFF  }
0xc6: {  	(tm) =	ssettm $0x7FFFFFFF  }
0xc7: {  	_ =	shalt  }
tec
execute0_lowered:
.L_overlay_start_1:
0x0: {  	(tag) =	ssettag $0x1  }
0x1: {  	s0 =	rddreg [dreg:$0x0]  }
0x2: {  	s1 =	rddreg [dreg:$0x1];
	s3 =	srdreg.scid  }
0x3: {  	s2 =	rddreg [dreg:$0x3];
	s4 =	sand.u32 $0x1, s3  }
0x4: {  	s8 =	stileid.u32;
	s3 =	simm.s32 $0x0;
	s5 =	sshll.u32 s4, $0x4  }
0x5: {  	s25 =	sshll.u32 s8, $0x4;
	s4 =	ssub.s32 $0x2, s4;
	s5 =	sor.u32 s8, s5  }
0x6: {  	[smem:$0x7FF] =	sst s3;
	s7 =	sshrl.u32 s4, $0x1;
	s6 =	sshll.u32 s5, $0x9  }
0x7: {  	s7 =	ssub.s32 s4, s7;
	s26 =	sshll.u32 s5, $0xB;
	s9 =	sshll.u32 s5, $0x4  }
0x8: {  	s4 =	sand.u32 $0x70, s25;
	s5 =	sshll.u32 s5, $0x8;
	s6 =	sadd.s32 s6, s2  }
0x9: {  	s9 =	sand.u32 $0x180, s9;
	s2 =	sadd.s32 s2, s4;
	s5 =	sadd.s32 s1, s5  }
0xa: {  	_ =	strace $0x80000047;
	[dreg:$0x5] =	wrdreg s5;
	s8 =	sadd.s32 s9, s2  }
0xb: {  	s9 =	sadd.s32 $0x200, s6;
	[dreg:$0x6] =	wrdreg s8  }
0xc: {  	s10 =	sadd.s32 $0x210, s6;
	[dreg:$0x7] =	wrdreg s9  }
0xd: {  	s11 =	sadd.s32 $0x220, s6;
	[dreg:$0x8] =	wrdreg s10  }
0xe: {  	s12 =	sadd.s32 $0x230, s6;
	[dreg:$0x9] =	wrdreg s11  }
0xf: {  	s13 =	sadd.s32 $0x240, s6;
	[dreg:$0xa] =	wrdreg s12  }
0x10: {  	s14 =	sadd.s32 $0x250, s6;
	[dreg:$0xb] =	wrdreg s13  }
0x11: {  	s15 =	sadd.s32 $0x260, s6;
	[dreg:$0xc] =	wrdreg s14  }
0x12: {  	s16 =	sadd.s32 $0x270, s6;
	[dreg:$0xd] =	wrdreg s15  }
0x13: {  	s17 =	sadd.s32 $0x4200, s6;
	[dreg:$0xe] =	wrdreg s16  }
0x14: {  	s18 =	sadd.s32 $0x4210, s6;
	[dreg:$0xf] =	wrdreg s17  }
0x15: {  	s4 =	sadd.s32 s0, s26;
	s19 =	sadd.s32 $0x4220, s6;
	[dreg:$0x10] =	wrdreg s18  }
0x16: {  	s20 =	sadd.s32 $0x4230, s6;
	s21 =	sadd.s32 $0x4240, s6;
	[dreg:$0x11] =	wrdreg s19  }
0x17: {  	s22 =	sadd.s32 $0x4250, s6;
	s23 =	sadd.s32 $0x4260, s6;
	[dreg:$0x12] =	wrdreg s20  }
0x18: {  	s24 =	sadd.s32 $0x4270, s6;
	s25 =	sadd.s32 $0x8200, s6;
	[dreg:$0x13] =	wrdreg s21  }
0x19: {  	s26 =	sadd.s32 $0x8210, s6;
	s28 =	sadd.s32 $0x20, s4;
	[dreg:$0x14] =	wrdreg s22  }
0x1a: {  	s29 =	sadd.s32 $0x30, s4;
	s30 =	sadd.s32 $0x40, s4;
	[dreg:$0x15] =	wrdreg s23  }
0x1b: {  	s31 =	sadd.s32 $0x50, s4;
	s0 =	sadd.s32 $0x60, s4;
	[dreg:$0x16] =	wrdreg s24  }
0x1c: {  	s2 =	sadd.s32 $0x70, s4;
	s1 =	sadd.s32 $0x10000, s4;
	[dreg:$0x17] =	wrdreg s25  }
0x1d: {  	s5 =	sadd.s32 $0x10010, s4;
	s6 =	sadd.s32 $0x10020, s4;
	[dreg:$0x18] =	wrdreg s26  }
0x1e: {  	s25 =	smax.u32 s7, $0x1;
	s26 =	sadd.s32 $0x10, s4;
	s7 =	sadd.s32 $0x10030, s4  }
0x1f: {  	s8 =	sadd.s32 $0x10040, s4;
	s9 =	sadd.s32 $0x10050, s4;
	s10 =	sadd.s32 $0x10060, s4  }
0x20: {  	s11 =	sadd.s32 $0x10070, s4;
	s12 =	sadd.s32 $0x20000, s4;
	s13 =	sadd.s32 $0x20010, s4  }
0x21: {  	v0 =	vimm.f32 $0.0e+00;
	s14 =	simm.s32 $0x80;
	s15 =	simm.s32 $0x400;
	s16 =	simm.s32 $0x9800  }
0x22: {  	v1 =	vimm.f32 $1.000000000e+00;
	v2 =	vlaneseq.u32;
	v3 =	vimm.f32 $-1.000000000e+00;
	s17 =	simm.s32 $0x1;
	s18 =	simm.s32 $0x9880;
	s19 =	simm.s32 $0x0  }
.LBB2_1:
0x23: {  	[tilespmem:s3], [sflag:$0x1] =	stream.strided.gather [hbm4b:s4+s14], $0x800, s15, s14, $0x38;
	[tilespmem:$0xBD00] =	vst v63  }
0x24: {  	s20 =	simm.s32 $0x800  }
0x25: {  	[tilespmem:s20], [sflag:$0x1] =	stream.strided.gather [hbm4b:s26+s14], $0x800, s15, s14, $0x38;
	[tilespmem:$0xBD00] =	vst v63  }
0x26: {  	s23 =	simm.s32 $0x1000  }
0x27: {  	[tilespmem:s23], [sflag:$0x1] =	stream.strided.gather [hbm4b:s28+s14], $0x800, s15, s14, $0x38;
	[tilespmem:$0xBD00] =	vst v63  }
0x28: {  	s24 =	simm.s32 $0x1800  }
0x29: {  	[tilespmem:s24], [sflag:$0x1] =	stream.strided.gather [hbm4b:s29+s14], $0x800, s15, s14, $0x38;
	[tilespmem:$0xBD00] =	vst v63  }
0x2a: {  	s21 =	simm.s32 $0x2000  }
0x2b: {  	[tilespmem:s21], [sflag:$0x1] =	stream.strided.gather [hbm4b:s30+s14], $0x800, s15, s14, $0x38;
	[tilespmem:$0xBD00] =	vst v63  }
0x2c: {  	s22 =	simm.s32 $0x2800  }
0x2d: {  	[tilespmem:s22], [sflag:$0x1] =	stream.strided.gather [hbm4b:s31+s14], $0x800, s15, s14, $0x38;
	[tilespmem:$0xBD00] =	vst v63  }
0x2e: {  	s23 =	simm.s32 $0x3000  }
0x2f: {  	[tilespmem:s23], [sflag:$0x1] =	stream.strided.gather [hbm4b:s0+s14], $0x800, s15, s14, $0x38;
	[tilespmem:$0xBD00] =	vst v63  }
0x30: {  	s24 =	simm.s32 $0x3800  }
0x31: {  	[tilespmem:s24], [sflag:$0x1] =	stream.strided.gather [hbm4b:s2+s14], $0x800, s15, s14, $0x38;
	[tilespmem:$0xBD00] =	vst v63  }
0x32: {  	s21 =	simm.s32 $0x4000  }
0x33: {  	[tilespmem:s21], [sflag:$0x1] =	stream.strided.gather [hbm4b:s1+s14], $0x800, s15, s14, $0x38;
	[tilespmem:$0xBD00] =	vst v63  }
0x34: {  	s22 =	simm.s32 $0x4800  }
0x35: {  	[tilespmem:s22], [sflag:$0x1] =	stream.strided.gather [hbm4b:s5+s14], $0x800, s15, s14, $0x38;
	[tilespmem:$0xBD00] =	vst v63  }
0x36: {  	s23 =	simm.s32 $0x5000  }
0x37: {  	[tilespmem:s23], [sflag:$0x1] =	stream.strided.gather [hbm4b:s6+s14], $0x800, s15, s14, $0x38;
	[tilespmem:$0xBD00] =	vst v63  }
0x38: {  	s24 =	simm.s32 $0x5800  }
0x39: {  	[tilespmem:s24], [sflag:$0x1] =	stream.strided.gather [hbm4b:s7+s14], $0x800, s15, s14, $0x38;
	[tilespmem:$0xBD00] =	vst v63  }
0x3a: {  	s21 =	simm.s32 $0x6000  }
0x3b: {  	[tilespmem:s21], [sflag:$0x1] =	stream.strided.gather [hbm4b:s8+s14], $0x800, s15, s14, $0x38;
	[tilespmem:$0xBD00] =	vst v63  }
0x3c: {  	s22 =	simm.s32 $0x6800  }
0x3d: {  	[tilespmem:s22], [sflag:$0x1] =	stream.strided.gather [hbm4b:s9+s14], $0x800, s15, s14, $0x38;
	[tilespmem:$0xBD00] =	vst v63  }
0x3e: {  	s23 =	simm.s32 $0x7000  }
0x3f: {  	[tilespmem:s23], [sflag:$0x1] =	stream.strided.gather [hbm4b:s10+s14], $0x800, s15, s14, $0x38;
	[tilespmem:$0xBD00] =	vst v63  }
0x40: {  	s24 =	simm.s32 $0x7800  }
0x41: {  	[tilespmem:s24], [sflag:$0x1] =	stream.strided.gather [hbm4b:s11+s14], $0x800, s15, s14, $0x38;
	[tilespmem:$0xBD00] =	vst v63  }
0x42: {  	s21 =	simm.s32 $0x8000  }
0x43: {  	[tilespmem:s21], [sflag:$0x1] =	stream.strided.gather [hbm4b:s12+s14], $0x800, s15, s14, $0x38;
	[tilespmem:$0xBD00] =	vst v63  }
0x44: {  	s22 =	simm.s32 $0x8800  }
0x45: {  	[tilespmem:s22], [sflag:$0x1] =	stream.strided.gather [hbm4b:s13+s14], $0x800, s15, s14, $0x38;
	[tilespmem:$0xBD00] =	vst v63  }
0x46: {  	s23 =	rddreg [dreg:$0x5];
	s21 =	simm.s32 $0x9000  }
0x47: {  	[tilespmem:s21], [sflag:$0x1] =	stream.linear.gather [hbm4b:s23+s3], $0x800, $0x38;
	[tilespmem:$0xBD00] =	vst v63  }
0x48: {  	s20 =	simm.s32 $0x0;
	s24 =	rddreg [dreg:$0x2];
	s21 =	simm.s32 $0x200  }
0x49: {  	[tilespmem:s16], [sflag:$0x1] =	stream.linear.gather [hbm4b:s24+s3], $0x80, $0x38;
	[tilespmem:$0xBD00] =	vst v63  }
.LBB2_2:
0x4a: {  	p0 =	sne.s32 s21, $0x8E00;
	[tilespmem:s20+$0x98F0] =	vst v0  }
0x4b: {  	[tilespmem:s20+$0x9880] =	vst v0  }
0x4c: {  	[tilespmem:s20+$0x9890] =	vst v0  }
.Ltmp0:
0x4d: {  	[tilespmem:s20+$0x98A0] =	vst v0;
	(pc) =	sbr.rel @p0 .LBB2_2-.Ltmp0, $4  }
0x4e: {  	[tilespmem:s20+$0x98B0] =	vst v0  }
0x4f: {  	[tilespmem:s20+$0x98C0] =	vst v0  }
0x50: {  	[tilespmem:s20+$0x98D0] =	vst v0  }
0x51: {  	[tilespmem:s20+$0x98E0] =	vst v0;
	s20 =	sshra.s32 s21, $0x2;
	s21 =	sadd.s32 $0x200, s21  }
0x52: {  	[tilespmem:s20+$0x98F0] =	vst v0  }
0x53: {  	[tilespmem:s20+$0x9880] =	vst v0  }
0x54: {  	[tilespmem:s20+$0x9890] =	vst v0  }
0x55: {  	[tilespmem:s20+$0x98A0] =	vst v0  }
0x56: {  	[tilespmem:s20+$0x98B0] =	vst v0  }
0x57: {  	[tilespmem:s20+$0x98C0] =	vst v0  }
0x58: {  	[tilespmem:s20+$0x98D0] =	vst v0  }
0x59: {  	[tilespmem:s20+$0x98E0] =	vst v0  }
0x5a: {  	_ =	swait.ge [sflag:s17], $0x800  }
0x5b: {  	[sflag:s17] =	ssyncset.done $0x0  }
0x5c: {  	[sflag:s17] =	ssyncadd.s32 $0xFFFFF800  }
0x5d: {  	_ =	swait.ge [sflag:s17], $0x800  }
0x5e: {  	[sflag:s17] =	ssyncset.done $0x0  }
0x5f: {  	[sflag:s17] =	ssyncadd.s32 $0xFFFFF800  }
0x60: {  	_ =	swait.ge [sflag:s17], $0x800  }
0x61: {  	[sflag:s17] =	ssyncset.done $0x0  }
0x62: {  	[sflag:s17] =	ssyncadd.s32 $0xFFFFF800  }
0x63: {  	_ =	swait.ge [sflag:s17], $0x800  }
0x64: {  	[sflag:s17] =	ssyncset.done $0x0  }
0x65: {  	[sflag:s17] =	ssyncadd.s32 $0xFFFFF800  }
0x66: {  	_ =	swait.ge [sflag:s17], $0x800  }
0x67: {  	[sflag:s17] =	ssyncset.done $0x0  }
0x68: {  	[sflag:s17] =	ssyncadd.s32 $0xFFFFF800  }
0x69: {  	_ =	swait.ge [sflag:s17], $0x800  }
0x6a: {  	[sflag:s17] =	ssyncset.done $0x0  }
0x6b: {  	[sflag:s17] =	ssyncadd.s32 $0xFFFFF800  }
0x6c: {  	_ =	swait.ge [sflag:s17], $0x800  }
0x6d: {  	[sflag:s17] =	ssyncset.done $0x0  }
0x6e: {  	[sflag:s17] =	ssyncadd.s32 $0xFFFFF800  }
0x6f: {  	_ =	swait.ge [sflag:s17], $0x800  }
0x70: {  	[sflag:s17] =	ssyncset.done $0x0  }
0x71: {  	[sflag:s17] =	ssyncadd.s32 $0xFFFFF800  }
0x72: {  	_ =	swait.ge [sflag:s17], $0x800  }
0x73: {  	[sflag:s17] =	ssyncset.done $0x0  }
0x74: {  	[sflag:s17] =	ssyncadd.s32 $0xFFFFF800  }
0x75: {  	_ =	swait.ge [sflag:s17], $0x800  }
0x76: {  	[sflag:s17] =	ssyncset.done $0x0  }
0x77: {  	[sflag:s17] =	ssyncadd.s32 $0xFFFFF800  }
0x78: {  	_ =	swait.ge [sflag:s17], $0x800  }
0x79: {  	[sflag:s17] =	ssyncset.done $0x0  }
0x7a: {  	[sflag:s17] =	ssyncadd.s32 $0xFFFFF800  }
0x7b: {  	_ =	swait.ge [sflag:s17], $0x800  }
0x7c: {  	[sflag:s17] =	ssyncset.done $0x0  }
0x7d: {  	[sflag:s17] =	ssyncadd.s32 $0xFFFFF800  }
0x7e: {  	_ =	swait.ge [sflag:s17], $0x800  }
0x7f: {  	[sflag:s17] =	ssyncset.done $0x0  }
0x80: {  	[sflag:s17] =	ssyncadd.s32 $0xFFFFF800  }
0x81: {  	_ =	swait.ge [sflag:s17], $0x800  }
0x82: {  	[sflag:s17] =	ssyncset.done $0x0  }
0x83: {  	[sflag:s17] =	ssyncadd.s32 $0xFFFFF800  }
0x84: {  	_ =	swait.ge [sflag:s17], $0x800  }
0x85: {  	[sflag:s17] =	ssyncset.done $0x0  }
0x86: {  	[sflag:s17] =	ssyncadd.s32 $0xFFFFF800  }
0x87: {  	_ =	swait.ge [sflag:s17], $0x800  }
0x88: {  	[sflag:s17] =	ssyncset.done $0x0  }
0x89: {  	[sflag:s17] =	ssyncadd.s32 $0xFFFFF800  }
0x8a: {  	_ =	swait.ge [sflag:s17], $0x800  }
0x8b: {  	[sflag:s17] =	ssyncset.done $0x0  }
0x8c: {  	[sflag:s17] =	ssyncadd.s32 $0xFFFFF800  }
0x8d: {  	_ =	swait.ge [sflag:s17], $0x800  }
0x8e: {  	[sflag:s17] =	ssyncset.done $0x0  }
0x8f: {  	[sflag:s17] =	ssyncadd.s32 $0xFFFFF800  }
0x90: {  	_ =	swait.ge [sflag:s17], $0x800  }
0x91: {  	[sflag:s17] =	ssyncset.done $0x0  }
0x92: {  	[sflag:s17] =	ssyncadd.s32 $0xFFFFF800  }
0x93: {  	_ =	swait.ge [sflag:s17], $0x80  }
0x94: {  	v4 =	vimm.f32 $0.0e+00;
	[sflag:s17] =	ssyncset.done $0x0  }
0x95: {  	s20 =	simm.s32 $0x0;
	s21 =	simm.s32 $0x30;
	v6 =	vimm.f32 $0.0e+00;
	v5 =	vimm.f32 $0.0e+00;
	v7 =	vimm.f32 $0.0e+00;
	[sflag:s17] =	ssyncadd.s32 $0xFFFFFF80  }
.LBB2_4:
0x96: {  	s23 =	sadd.s32 $0xFFFFFFD0, s21;
	s22 =	sshra.s32 s20, $0x2  }
0x97: {  	v8 =	vld [tilespmem:s22+$0x0];
	s24 =	sand.u32 $0x7C0, s23  }
0x98: {  	v9 =	vld [tilespmem:s24+$0x800]  }
0x99: {  	v10 =	vld [tilespmem:s24+$0x1000]  }
0x9a: {  	v11 =	vld [tilespmem:s24+$0x1800]  }
0x9b: {  	v12 =	vld [tilespmem:s24+$0x2000]  }
0x9c: {  	v13 =	vld [tilespmem:s24+$0x2800];
	v8 =	vmul.f32 $1.442695020e+00, v8  }
0x9d: {  	v14 =	vld [tilespmem:s24+$0x3000];
	v9 =	vmul.f32 $1.442695020e+00, v9  }
0x9e: {  	v39 =	vld [tilespmem:s24+$0x3800];
	(erf) = vpow2.f32 v8;
	v8 =	vmul.f32 $1.442695020e+00, v10  }
0x9f: {  	v41 =	vld [tilespmem:s24+$0x4000];
	v40 =	vmul.f32 $1.442695020e+00, v11;
	(erf) = vpow2.f32 v9  }
0xa0: {  	v42 =	vld [tilespmem:s24+$0x4800];
	(erf) = vpow2.f32 v8;
	v8 =	vmul.f32 $1.442695020e+00, v12  }
0xa1: {  	v44 =	vld [tilespmem:s24+$0x5000];
	v43 =	vmul.f32 $1.442695020e+00, v13;
	(erf) = vpow2.f32 v40  }
0xa2: {  	v45 =	vld [tilespmem:s24+$0x5800];
	(erf) = vpow2.f32 v8;
	v8 =	vmul.f32 $1.442695020e+00, v14  }
0xa3: {  	v47 =	vld [tilespmem:s24+$0x6000];
	v46 =	vmul.f32 $1.442695020e+00, v39;
	(erf) = vpow2.f32 v43  }
0xa4: {  	v48 =	vld [tilespmem:s24+$0x6800];
	(erf) = vpow2.f32 v8;
	v8 =	vmul.f32 $1.442695020e+00, v41  }
0xa5: {  	v50 =	vld [tilespmem:s24+$0x7000];
	v49 =	vmul.f32 $1.442695020e+00, v42;
	(erf) = vpow2.f32 v46  }
0xa6: {  	v51 =	vld [tilespmem:s24+$0x7800];
	(erf) = vpow2.f32 v8;
	v8 =	vmul.f32 $1.442695020e+00, v44  }
0xa7: {  	v52 =	vmul.f32 $1.442695020e+00, v45;
	v15 =	vpop (erf);
	(erf) = vpow2.f32 v49  }
0xa8: {  	v53 =	vpop (erf);
	(erf) = vpow2.f32 v8;
	v8 =	vmul.f32 $1.442695020e+00, v47  }
0xa9: {  	v55 =	vmul.f32 $1.442695020e+00, v48;
	v54 =	vpop (erf);
	(erf) = vpow2.f32 v52  }
0xaa: {  	v56 =	vpop (erf);
	(erf) = vpow2.f32 v8;
	v8 =	vmul.f32 $1.442695020e+00, v50  }
0xab: {  	v59 =	vld [tilespmem:s24+$0x8000];
	v58 =	vmul.f32 $1.442695020e+00, v51;
	v57 =	vpop (erf);
	(erf) = vpow2.f32 v55  }
0xac: {  	v16 =	vpop (erf);
	(erf) = vpow2.f32 v8;
	v8 =	vld [tilespmem:s24+$0x8800]  }
0xad: {  	v17 =	vpop (erf);
	(erf) = vpow2.f32 v58  }
0xae: {  	v60 =	vpop (erf)  }
0xaf: {  	v18 =	vpop (erf)  }
0xb0: {  	v13 =	vmul.f32 $1.442695020e+00, v59;
	v19 =	vpop (erf)  }
0xb1: {  	v20 =	vpop (erf);
	v8 =	vmul.f32 $1.442695020e+00, v8  }
0xb2: {  	v21 =	vpop (erf);
	(erf) = vpow2.f32 v13  }
0xb3: {  	v61 =	vpop (erf);
	(erf) = vpow2.f32 v8  }
0xb4: {  	v23 =	vadd.f32 v56, v54;
	v25 =	vadd.f32 v16, v57;
	v22 =	vpop (erf)  }
0xb5: {  	v26 =	vadd.f32 v60, v17;
	v28 =	vadd.f32 v19, v18;
	v24 =	vpop (erf)  }
0xb6: {  	v8 =	vadd.f32 v53, v15;
	v29 =	vadd.f32 v21, v20;
	v27 =	vpop (erf)  }
0xb7: {  	v30 =	vadd.f32 v22, v61;
	v31 =	vadd.f32 v27, v24  }
0xb8: {  	v62 =	vadd.f32 v26, v25;
	v8 =	vadd.f32 v23, v8  }
0xb9: {  	v63 =	vadd.f32 v29, v28;
	v32 =	vadd.f32 v31, v30;
	_ =	sdelay $0x1  }
0xba: {  	v8 =	vadd.f32 v62, v8;
	v33 =	vpop (erf);
	v34 =	vadd.f32 v32, v63  }
0xbb: {  	v35 =	vpop (erf)  }
0xbc: {  	v36 =	vadd.f32 v35, v33;
	v8 =	vadd.f32 v34, v8;
	_ =	sdelay $0x1  }
0xbd: {  	v8 =	vadd.f32 v8, v36;
	_ =	sdelay $0x1  }
0xbe: {  	(erf) = vrcp.f32 v8;
	_ =	sdelay $0x8  }
0xbf: {  	v37 =	vpop (erf)  }
0xc0: {  	v23 =	vmul.f32 $2.555000000e+02, v37;
	_ =	sdelay $0x1  }
0xc1: {  	v15 =	vmul.f32 v23, v15  }
0xc2: {  	v14 =	vmul.f32 v23, v53;
	v10 =	vmul.f32 v23, v54  }
0xc3: {  	v11 =	vmul.f32 v23, v56;
	v12 =	vmul.f32 v23, v57  }
0xc4: {  	v16 =	vmul.f32 v23, v16;
	v17 =	vmul.f32 v23, v17  }
0xc5: {  	v9 =	vmul.f32 v23, v60;
	v18 =	vmul.f32 v23, v18  }
0xc6: {  	v19 =	vmul.f32 v23, v19;
	v20 =	vmul.f32 v23, v20  }
0xc7: {  	v21 =	vmul.f32 v23, v21;
	v13 =	vmul.f32 v23, v61  }
0xc8: {  	v38 =	vld [tilespmem:s22+$0x9000];
	v43 =	vmul.f32 v23, v22;
	v45 =	vmul.f32 v23, v24  }
0xc9: {  	v47 =	vmul.f32 v23, v27;
	v51 =	vmul.f32 v23, v33  }
0xca: {  	v55 =	vmul.f32 v23, v35;
	v15 =	vtrunc.f32 v15  }
0xcb: {  	v14 =	vtrunc.f32 v14;
	v10 =	vtrunc.f32 v10  }
0xcc: {  	v15 =	vcvt.f32.s32 v15;
	v14 =	vcvt.f32.s32 v14  }
0xcd: {  	v62 =	vshll.u32 v38, $0xB;
	v11 =	vtrunc.f32 v11;
	v10 =	vcvt.f32.s32 v10  }
0xce: {  	v12 =	vtrunc.f32 v12;
	v11 =	vcvt.f32.s32 v11;
	v14 =	vadd.s32 $0x200, v14  }
0xcf: {  	v16 =	vtrunc.f32 v16;
	v12 =	vcvt.f32.s32 v12;
	v10 =	vadd.s32 $0x400, v10  }
0xd0: {  	v17 =	vtrunc.f32 v17;
	v16 =	vcvt.f32.s32 v16;
	v11 =	vadd.s32 $0x600, v11  }
0xd1: {  	v9 =	vtrunc.f32 v9;
	v17 =	vcvt.f32.s32 v17;
	v12 =	vadd.s32 $0x800, v12  }
0xd2: {  	v18 =	vtrunc.f32 v18;
	v9 =	vcvt.f32.s32 v9;
	v39 =	vadd.s32 $0xA00, v16;
	[tilespmem:v15+s18+$0x0] =	vst.idx.add.f32.msk $0xffff, v1  }
0xd3: {  	v19 =	vtrunc.f32 v19;
	v18 =	vcvt.f32.s32 v18;
	v42 =	vadd.s32 $0xC00, v17;
	[tilespmem:v14+s18+$0x0] =	vst.idx.add.f32.msk $0xffff, v1  }
0xd4: {  	v20 =	vtrunc.f32 v20;
	v19 =	vcvt.f32.s32 v19;
	v9 =	vadd.s32 $0xE00, v9;
	[tilespmem:v10+s18+$0x0] =	vst.idx.add.f32.msk $0xffff, v1  }
0xd5: {  	v21 =	vtrunc.f32 v21;
	v40 =	vcvt.f32.s32 v20;
	v46 =	vadd.s32 $0x1000, v18;
	[tilespmem:v11+s18+$0x0] =	vst.idx.add.f32.msk $0xffff, v1  }
0xd6: {  	v13 =	vtrunc.f32 v13;
	v41 =	vcvt.f32.s32 v21;
	v48 =	vadd.s32 $0x1200, v19;
	[tilespmem:v12+s18+$0x0] =	vst.idx.add.f32.msk $0xffff, v1  }
0xd7: {  	v44 =	vcvt.f32.s32 v13;
	v17 =	vtrunc.f32 v43;
	v49 =	vadd.s32 $0x1400, v40;
	[tilespmem:v39+s18+$0x0] =	vst.idx.add.f32.msk $0xffff, v1  }
0xd8: {  	v13 =	vtrunc.f32 v45;
	v52 =	vadd.s32 $0x1600, v41;
	v17 =	vcvt.f32.s32 v17;
	[tilespmem:v42+s18+$0x0] =	vst.idx.add.f32.msk $0xffff, v1  }
0xd9: {  	v50 =	vtrunc.f32 v47;
	v13 =	vcvt.f32.s32 v13;
	v53 =	vadd.s32 $0x1800, v44;
	[tilespmem:v9+s18+$0x0] =	vst.idx.add.f32.msk $0xffff, v1  }
0xda: {  	v54 =	vtrunc.f32 v51;
	v16 =	vcvt.f32.s32 v50;
	v56 =	vadd.s32 $0x1A00, v17;
	[tilespmem:v46+s18+$0x0] =	vst.idx.add.f32.msk $0xffff, v1  }
0xdb: {  	v59 =	vtrunc.f32 v55;
	v57 =	vadd.s32 $0x1C00, v13;
	v10 =	vcvt.f32.s32 v54;
	[tilespmem:v48+s18+$0x0] =	vst.idx.add.f32.msk $0xffff, v1  }
0xdc: {  	v61 =	vmov s23;
	v60 =	vcvt.f32.s32 v59;
	v58 =	vadd.s32 $0x1E00, v16;
	[tilespmem:v49+s18+$0x0] =	vst.idx.add.f32.msk $0xffff, v1  }
0xdd: {  	v63 =	vor.u32 s23, v2;
	v16 =	vand.u32 $0x780, v61;
	v10 =	vadd.s32 $0x2000, v10;
	[tilespmem:v52+s18+$0x0] =	vst.idx.add.f32.msk $0xffff, v1  }
0xde: {  	v20 =	vand.u32 $0x4F, v63;
	v19 =	vadd.s32 $0x2200, v60;
	v14 =	vor.u32 v16, v62;
	[tilespmem:v53+s18+$0x0] =	vst.idx.add.f32.msk $0xffff, v1  }
0xdf: {  	v21 =	vor.u32 v20, v14;
	[tilespmem:v56+s18+$0x0] =	vst.idx.add.f32.msk $0xffff, v1  }
0xe0: {  	[tilespmem:v57+s18+$0x0] =	vst.idx.add.f32.msk $0xffff, v1  }
0xe1: {  	[tilespmem:v58+s18+$0x0] =	vst.idx.add.f32.msk $0xffff, v1  }
0xe2: {  	[tilespmem:v10+s18+$0x0] =	vst.idx.add.f32.msk $0xffff, v1  }
0xe3: {  	[tilespmem:v19+s18+$0x0] =	vst.idx.add.f32.msk $0xffff, v1  }
0xe4: {  	v10 =	vld.idx.msk [tilespmem:v21+s3+$0x0], $0xffff;
	_ =	sdelay $0x4  }
0xe5: {  	v22 =	vmul.f32 $1.442695020e+00, v10;
	_ =	sdelay $0x1  }
0xe6: {  	(erf) = vpow2.f32 v22;
	_ =	sdelay $0x8  }
0xe7: {  	v9 =	vpop (erf)  }
0xe8: {  	v9 =	vmul.f32 v9, v23;
	_ =	sdelay $0x1  }
0xe9: {  	v24 =	vsub.f32 $2.555000000e+02, v9;
	_ =	sdelay $0x1  }
0xea: {  	v11 =	vtrunc.f32 v24  }
0xeb: {  	v9 =	vtrunc.f32 v9;
	v11 =	vcvt.f32.s32 v11  }
0xec: {  	v25 =	vshll.u32 v38, $0x9;
	v9 =	vcvt.f32.s32 v9  }
0xed: {  	v27 =	vadd.s32 v11, v25  }
0xee: {  	v12 =	vadd.s32 v9, v25;
	v11 =	vand.u32 $0x7F, v11;
	v28 =	vand.u32 $0xFFFFFF80, v27  }
0xef: {  	v9 =	vor.u32 v11, v28  }
0xf0: {  	v11 =	vadd.s32 $0x100, v9;
	_ =	sdelay $0x1  }
0xf1: {  	v9 =	vld.idx.msk [tilespmem:v38+s16+$0x0], $0xffff  }
0xf2: {  	[tilespmem:v12+s18+$0x0] =	vst.idx.add.f32.msk $0xffff, v3  }
0xf3: {  	[tilespmem:v27+s18+$0x0] =	vst.idx.add.f32.msk $0xffff, v1  }
0xf4: {  	[tilespmem:v11+s18+$0x0] =	vst.idx.add.f32.msk $0xffff, v1  }
0xf5: {  	v11 =	vld [tilespmem:s22+$0x10]  }
0xf6: {  	v12 =	vld [tilespmem:s22+$0x810]  }
0xf7: {  	v13 =	vld [tilespmem:s22+$0x1010]  }
0xf8: {  	v29 =	vld [tilespmem:s22+$0x1810]  }
0xf9: {  	v30 =	vld [tilespmem:s22+$0x2010]  }
0xfa: {  	v31 =	vld [tilespmem:s22+$0x2810];
	v11 =	vmul.f32 $1.442695020e+00, v11  }
0xfb: {  	v32 =	vld [tilespmem:s22+$0x3010];
	v12 =	vmul.f32 $1.442695020e+00, v12  }
0xfc: {  	v34 =	vld [tilespmem:s22+$0x3810];
	v33 =	vmul.f32 $1.442695020e+00, v13;
	(erf) = vpow2.f32 v11  }
0xfd: {  	v36 =	vld [tilespmem:s22+$0x4010];
	v35 =	vmul.f32 $1.442695020e+00, v29;
	(erf) = vpow2.f32 v12  }
0xfe: {  	v38 =	vld [tilespmem:s22+$0x4810];
	v37 =	vmul.f32 $1.442695020e+00, v30;
	(erf) = vpow2.f32 v33  }
0xff: {  	v40 =	vld [tilespmem:s22+$0x5010];
	v39 =	vmul.f32 $1.442695020e+00, v31;
	(erf) = vpow2.f32 v35  }
0x100: {  	v42 =	vld [tilespmem:s22+$0x5810];
	v41 =	vmul.f32 $1.442695020e+00, v32;
	(erf) = vpow2.f32 v37  }
0x101: {  	v44 =	vld [tilespmem:s22+$0x6010];
	v43 =	vmul.f32 $1.442695020e+00, v34;
	(erf) = vpow2.f32 v39  }
0x102: {  	v46 =	vld [tilespmem:s22+$0x6810];
	v45 =	vmul.f32 $1.442695020e+00, v36;
	(erf) = vpow2.f32 v41  }
0x103: {  	v48 =	vld [tilespmem:s22+$0x7010];
	v47 =	vmul.f32 $1.442695020e+00, v38;
	(erf) = vpow2.f32 v43  }
0x104: {  	v50 =	vld [tilespmem:s22+$0x7810];
	v49 =	vmul.f32 $1.442695020e+00, v40;
	(erf) = vpow2.f32 v45  }
0x105: {  	v51 =	vmul.f32 $1.442695020e+00, v42;
	v18 =	vpop (erf);
	(erf) = vpow2.f32 v47  }
0x106: {  	v52 =	vmul.f32 $1.442695020e+00, v44;
	v17 =	vpop (erf);
	(erf) = vpow2.f32 v49  }
0x107: {  	v53 =	vmul.f32 $1.442695020e+00, v46;
	v13 =	vpop (erf);
	(erf) = vpow2.f32 v51  }
0x108: {  	v54 =	vmul.f32 $1.442695020e+00, v48;
	v14 =	vpop (erf);
	(erf) = vpow2.f32 v52  }
0x109: {  	v57 =	vld [tilespmem:s22+$0x8010];
	v56 =	vmul.f32 $1.442695020e+00, v50;
	v55 =	vpop (erf);
	(erf) = vpow2.f32 v53  }
0x10a: {  	v59 =	vld [tilespmem:s22+$0x8810];
	v58 =	vpop (erf);
	(erf) = vpow2.f32 v54  }
0x10b: {  	v60 =	vpop (erf);
	(erf) = vpow2.f32 v56  }
0x10c: {  	v61 =	vpop (erf)  }
0x10d: {  	v62 =	vpop (erf)  }
0x10e: {  	v16 =	vmul.f32 $1.442695020e+00, v57;
	v63 =	vpop (erf)  }
0x10f: {  	v11 =	vmul.f32 $1.442695020e+00, v59;
	v36 =	vpop (erf)  }
0x110: {  	v37 =	vpop (erf);
	(erf) = vpow2.f32 v16  }
0x111: {  	v38 =	vpop (erf);
	(erf) = vpow2.f32 v11  }
0x112: {  	v40 =	vadd.f32 v17, v18;
	v41 =	vadd.f32 v14, v13;
	v39 =	vpop (erf)  }
0x113: {  	v43 =	vadd.f32 v58, v55;
	v44 =	vadd.f32 v61, v60;
	v42 =	vpop (erf)  }
0x114: {  	v46 =	vadd.f32 v63, v62;
	v32 =	vadd.f32 v37, v36;
	v45 =	vpop (erf)  }
0x115: {  	v33 =	vadd.f32 v39, v38;
	v34 =	vadd.f32 v45, v42  }
0x116: {  	v47 =	vadd.f32 v44, v43;
	v11 =	vadd.f32 v41, v40  }
0x117: {  	v48 =	vadd.f32 v32, v46;
	v49 =	vadd.f32 v34, v33;
	_ =	sdelay $0x1  }
0x118: {  	v11 =	vadd.f32 v47, v11;
	v50 =	vpop (erf);
	v51 =	vadd.f32 v49, v48  }
0x119: {  	v52 =	vpop (erf)  }
0x11a: {  	v53 =	vadd.f32 v52, v50;
	v11 =	vadd.f32 v51, v11;
	_ =	sdelay $0x1  }
0x11b: {  	v11 =	vadd.f32 v11, v53;
	_ =	sdelay $0x1  }
0x11c: {  	(erf) = vrcp.f32 v11;
	_ =	sdelay $0x8  }
0x11d: {  	v54 =	vpop (erf)  }
0x11e: {  	v26 =	vmul.f32 $2.555000000e+02, v54;
	_ =	sdelay $0x1  }
0x11f: {  	v18 =	vmul.f32 v26, v18  }
0x120: {  	v17 =	vmul.f32 v26, v17;
	v13 =	vmul.f32 v26, v13  }
0x121: {  	v14 =	vmul.f32 v26, v14;
	v15 =	vmul.f32 v26, v55  }
0x122: {  	v19 =	vmul.f32 v26, v58;
	v20 =	vmul.f32 v26, v60  }
0x123: {  	v12 =	vmul.f32 v26, v61;
	v21 =	vmul.f32 v26, v62  }
0x124: {  	v22 =	vmul.f32 v26, v63;
	v23 =	vmul.f32 v26, v36  }
0x125: {  	v24 =	vmul.f32 v26, v37;
	v16 =	vmul.f32 v26, v38  }
0x126: {  	v60 =	vmul.f32 v26, v39;
	v62 =	vmul.f32 v26, v42  }
0x127: {  	v31 =	vmul.f32 v26, v50;
	v35 =	vmul.f32 v26, v52  }
0x128: {  	v18 =	vtrunc.f32 v18;
	v17 =	vtrunc.f32 v17  }
0x129: {  	v13 =	vtrunc.f32 v13;
	v14 =	vtrunc.f32 v14  }
0x12a: {  	s24 =	sadd.s32 $0xFFFFFFE0, s21;
	v18 =	vcvt.f32.s32 v18;
	v17 =	vcvt.f32.s32 v17  }
0x12b: {  	v43 =	vor.u32 s24, v2;
	v15 =	vtrunc.f32 v15;
	v13 =	vcvt.f32.s32 v13  }
0x12c: {  	v19 =	vtrunc.f32 v19;
	v14 =	vcvt.f32.s32 v14;
	v17 =	vadd.s32 $0x200, v17  }
0x12d: {  	v20 =	vtrunc.f32 v20;
	v15 =	vcvt.f32.s32 v15;
	v13 =	vadd.s32 $0x400, v13  }
0x12e: {  	v12 =	vtrunc.f32 v12;
	v19 =	vcvt.f32.s32 v19;
	v14 =	vadd.s32 $0x600, v14  }
0x12f: {  	v55 =	vld [tilespmem:s22+$0x9010];
	v21 =	vtrunc.f32 v21;
	v20 =	vcvt.f32.s32 v20;
	v15 =	vadd.s32 $0x800, v15  }
0x130: {  	v22 =	vtrunc.f32 v22;
	v12 =	vcvt.f32.s32 v12;
	v56 =	vadd.s32 $0xA00, v19;
	[tilespmem:v18+s18+$0x0] =	vst.idx.add.f32.msk $0xffff, v1  }
0x131: {  	v23 =	vtrunc.f32 v23;
	v21 =	vcvt.f32.s32 v21;
	v59 =	vadd.s32 $0xC00, v20;
	[tilespmem:v17+s18+$0x0] =	vst.idx.add.f32.msk $0xffff, v1  }
0x132: {  	v24 =	vtrunc.f32 v24;
	v22 =	vcvt.f32.s32 v22;
	v12 =	vadd.s32 $0xE00, v12;
	[tilespmem:v13+s18+$0x0] =	vst.idx.add.f32.msk $0xffff, v1  }
0x133: {  	v16 =	vtrunc.f32 v16;
	v57 =	vcvt.f32.s32 v23;
	v63 =	vadd.s32 $0x1000, v21;
	[tilespmem:v14+s18+$0x0] =	vst.idx.add.f32.msk $0xffff, v1  }
0x134: {  	v58 =	vcvt.f32.s32 v24;
	v61 =	vcvt.f32.s32 v16;
	v25 =	vadd.s32 $0x1200, v22;
	[tilespmem:v15+s18+$0x0] =	vst.idx.add.f32.msk $0xffff, v1  }
0x135: {  	v24 =	vmul.f32 v26, v45;
	v20 =	vtrunc.f32 v60;
	v27 =	vadd.s32 $0x1400, v57;
	[tilespmem:v56+s18+$0x0] =	vst.idx.add.f32.msk $0xffff, v1  }
0x136: {  	v16 =	vtrunc.f32 v62;
	v32 =	vadd.s32 $0x1600, v58;
	v20 =	vcvt.f32.s32 v20;
	[tilespmem:v59+s18+$0x0] =	vst.idx.add.f32.msk $0xffff, v1  }
0x137: {  	v16 =	vcvt.f32.s32 v16;
	v30 =	vtrunc.f32 v24;
	v33 =	vadd.s32 $0x1800, v61;
	[tilespmem:v12+s18+$0x0] =	vst.idx.add.f32.msk $0xffff, v1  }
0x138: {  	v34 =	vtrunc.f32 v31;
	v19 =	vcvt.f32.s32 v30;
	v36 =	vadd.s32 $0x1A00, v20;
	[tilespmem:v63+s18+$0x0] =	vst.idx.add.f32.msk $0xffff, v1  }
0x139: {  	v39 =	vtrunc.f32 v35;
	v37 =	vadd.s32 $0x1C00, v16;
	v13 =	vcvt.f32.s32 v34;
	[tilespmem:v25+s18+$0x0] =	vst.idx.add.f32.msk $0xffff, v1  }
0x13a: {  	v41 =	vmov s24;
	v40 =	vcvt.f32.s32 v39;
	v38 =	vadd.s32 $0x1E00, v19;
	[tilespmem:v27+s18+$0x0] =	vst.idx.add.f32.msk $0xffff, v1  }
0x13b: {  	v42 =	vshll.u32 v55, $0xB;
	v19 =	vand.u32 $0x780, v41;
	v13 =	vadd.s32 $0x2000, v13;
	[tilespmem:v32+s18+$0x0] =	vst.idx.add.f32.msk $0xffff, v1  }
0x13c: {  	v45 =	vand.u32 $0x5F, v43;
	v44 =	vadd.s32 $0x2200, v40;
	v17 =	vor.u32 v19, v42;
	[tilespmem:v33+s18+$0x0] =	vst.idx.add.f32.msk $0xffff, v1  }
0x13d: {  	v46 =	vor.u32 v45, v17;
	[tilespmem:v36+s18+$0x0] =	vst.idx.add.f32.msk $0xffff, v1  }
0x13e: {  	[tilespmem:v37+s18+$0x0] =	vst.idx.add.f32.msk $0xffff, v1  }
0x13f: {  	[tilespmem:v38+s18+$0x0] =	vst.idx.add.f32.msk $0xffff, v1  }
0x140: {  	[tilespmem:v13+s18+$0x0] =	vst.idx.add.f32.msk $0xffff, v1  }
0x141: {  	[tilespmem:v44+s18+$0x0] =	vst.idx.add.f32.msk $0xffff, v1  }
0x142: {  	v13 =	vld.idx.msk [tilespmem:v46+s3+$0x0], $0xffff;
	_ =	sdelay $0x4  }
0x143: {  	v47 =	vmul.f32 $1.442695020e+00, v13;
	_ =	sdelay $0x1  }
0x144: {  	(erf) = vpow2.f32 v47;
	_ =	sdelay $0x8  }
0x145: {  	v12 =	vpop (erf)  }
0x146: {  	v12 =	vmul.f32 v12, v26;
	_ =	sdelay $0x1  }
0x147: {  	v48 =	vsub.f32 $2.555000000e+02, v12;
	_ =	sdelay $0x1  }
0x148: {  	v14 =	vtrunc.f32 v48  }
0x149: {  	v12 =	vtrunc.f32 v12;
	v14 =	vcvt.f32.s32 v14  }
0x14a: {  	v49 =	vshll.u32 v55, $0x9;
	v12 =	vcvt.f32.s32 v12  }
0x14b: {  	v50 =	vadd.s32 v14, v49  }
0x14c: {  	v15 =	vadd.s32 v12, v49;
	v14 =	vand.u32 $0x7F, v14;
	v51 =	vand.u32 $0xFFFFFF80, v50  }
0x14d: {  	v12 =	vor.u32 v14, v51  }
0x14e: {  	v14 =	vadd.s32 $0x100, v12;
	_ =	sdelay $0x1  }
0x14f: {  	v12 =	vld.idx.msk [tilespmem:v55+s16+$0x0], $0xffff  }
0x150: {  	[tilespmem:v15+s18+$0x0] =	vst.idx.add.f32.msk $0xffff, v3  }
0x151: {  	[tilespmem:v50+s18+$0x0] =	vst.idx.add.f32.msk $0xffff, v1  }
0x152: {  	[tilespmem:v14+s18+$0x0] =	vst.idx.add.f32.msk $0xffff, v1  }
0x153: {  	v14 =	vld [tilespmem:s22+$0x20]  }
0x154: {  	v15 =	vld [tilespmem:s22+$0x820]  }
0x155: {  	v16 =	vld [tilespmem:s22+$0x1020]  }
0x156: {  	v52 =	vld [tilespmem:s22+$0x1820]  }
0x157: {  	v53 =	vld [tilespmem:s22+$0x2020]  }
0x158: {  	v54 =	vld [tilespmem:s22+$0x2820];
	v14 =	vmul.f32 $1.442695020e+00, v14  }
0x159: {  	v55 =	vld [tilespmem:s22+$0x3020];
	v15 =	vmul.f32 $1.442695020e+00, v15  }
0x15a: {  	v57 =	vld [tilespmem:s22+$0x3820];
	v56 =	vmul.f32 $1.442695020e+00, v16;
	(erf) = vpow2.f32 v14  }
0x15b: {  	v59 =	vld [tilespmem:s22+$0x4020];
	v58 =	vmul.f32 $1.442695020e+00, v52;
	(erf) = vpow2.f32 v15  }
0x15c: {  	v61 =	vld [tilespmem:s22+$0x4820];
	v60 =	vmul.f32 $1.442695020e+00, v53;
	(erf) = vpow2.f32 v56  }
0x15d: {  	v63 =	vld [tilespmem:s22+$0x5020];
	v62 =	vmul.f32 $1.442695020e+00, v54;
	(erf) = vpow2.f32 v58  }
0x15e: {  	v25 =	vld [tilespmem:s22+$0x5820];
	v24 =	vmul.f32 $1.442695020e+00, v55;
	(erf) = vpow2.f32 v60  }
0x15f: {  	v27 =	vld [tilespmem:s22+$0x6020];
	v26 =	vmul.f32 $1.442695020e+00, v57;
	(erf) = vpow2.f32 v62  }
0x160: {  	v29 =	vld [tilespmem:s22+$0x6820];
	v28 =	vmul.f32 $1.442695020e+00, v59;
	(erf) = vpow2.f32 v24  }
0x161: {  	v31 =	vld [tilespmem:s22+$0x7020];
	v30 =	vmul.f32 $1.442695020e+00, v61;
	(erf) = vpow2.f32 v26  }
0x162: {  	v33 =	vld [tilespmem:s22+$0x7820];
	v32 =	vmul.f32 $1.442695020e+00, v63;
	(erf) = vpow2.f32 v28  }
0x163: {  	v34 =	vmul.f32 $1.442695020e+00, v25;
	v21 =	vpop (erf);
	(erf) = vpow2.f32 v30  }
0x164: {  	v35 =	vmul.f32 $1.442695020e+00, v27;
	v20 =	vpop (erf);
	(erf) = vpow2.f32 v32  }
0x165: {  	v36 =	vmul.f32 $1.442695020e+00, v29;
	v16 =	vpop (erf);
	(erf) = vpow2.f32 v34  }
0x166: {  	v37 =	vmul.f32 $1.442695020e+00, v31;
	v17 =	vpop (erf);
	(erf) = vpow2.f32 v35  }
0x167: {  	v39 =	vld [tilespmem:s22+$0x8020];
	v38 =	vmul.f32 $1.442695020e+00, v33;
	v18 =	vpop (erf);
	(erf) = vpow2.f32 v36  }
0x168: {  	v41 =	vld [tilespmem:s22+$0x8820];
	v40 =	vpop (erf);
	(erf) = vpow2.f32 v37  }
0x169: {  	v42 =	vpop (erf);
	(erf) = vpow2.f32 v38  }
0x16a: {  	v43 =	vpop (erf)  }
0x16b: {  	v44 =	vpop (erf)  }
0x16c: {  	v19 =	vmul.f32 $1.442695020e+00, v39;
	v45 =	vpop (erf)  }
0x16d: {  	v14 =	vmul.f32 $1.442695020e+00, v41;
	v46 =	vpop (erf)  }
0x16e: {  	v47 =	vpop (erf);
	(erf) = vpow2.f32 v19  }
0x16f: {  	v48 =	vpop (erf);
	(erf) = vpow2.f32 v14  }
0x170: {  	v50 =	vadd.f32 v20, v21;
	v51 =	vadd.f32 v17, v16;
	v49 =	vpop (erf)  }
0x171: {  	v53 =	vadd.f32 v40, v18;
	v54 =	vadd.f32 v43, v42;
	v52 =	vpop (erf)  }
0x172: {  	v56 =	vadd.f32 v45, v44;
	v35 =	vadd.f32 v47, v46;
	v55 =	vpop (erf)  }
0x173: {  	v36 =	vadd.f32 v49, v48;
	v37 =	vadd.f32 v55, v52  }
0x174: {  	v57 =	vadd.f32 v54, v53;
	v14 =	vadd.f32 v51, v50  }
0x175: {  	v58 =	vadd.f32 v35, v56;
	v59 =	vadd.f32 v37, v36;
	_ =	sdelay $0x1  }
0x176: {  	v14 =	vadd.f32 v57, v14;
	v60 =	vpop (erf);
	v61 =	vadd.f32 v59, v58  }
0x177: {  	v62 =	vpop (erf)  }
0x178: {  	v63 =	vadd.f32 v62, v60;
	v14 =	vadd.f32 v61, v14;
	_ =	sdelay $0x1  }
0x179: {  	v14 =	vadd.f32 v14, v63;
	_ =	sdelay $0x1  }
0x17a: {  	(erf) = vrcp.f32 v14;
	_ =	sdelay $0x8  }
0x17b: {  	v35 =	vpop (erf)  }
0x17c: {  	v29 =	vmul.f32 $2.555000000e+02, v35;
	_ =	sdelay $0x1  }
0x17d: {  	v21 =	vmul.f32 v29, v21  }
0x17e: {  	v20 =	vmul.f32 v29, v20;
	v16 =	vmul.f32 v29, v16  }
0x17f: {  	v17 =	vmul.f32 v29, v17;
	v18 =	vmul.f32 v29, v18  }
0x180: {  	v22 =	vmul.f32 v29, v40;
	v23 =	vmul.f32 v29, v42  }
0x181: {  	v15 =	vmul.f32 v29, v43;
	v24 =	vmul.f32 v29, v44  }
0x182: {  	v25 =	vmul.f32 v29, v45;
	v26 =	vmul.f32 v29, v46  }
0x183: {  	v27 =	vmul.f32 v29, v47;
	v19 =	vmul.f32 v29, v48  }
0x184: {  	v40 =	vmul.f32 v29, v49;
	v42 =	vmul.f32 v29, v52  }
0x185: {  	v44 =	vmul.f32 v29, v55;
	v48 =	vmul.f32 v29, v60  }
0x186: {  	v52 =	vmul.f32 v29, v62;
	v21 =	vtrunc.f32 v21  }
0x187: {  	v20 =	vtrunc.f32 v20;
	v16 =	vtrunc.f32 v16  }
0x188: {  	s24 =	sadd.s32 $0xFFFFFFF0, s21;
	v21 =	vcvt.f32.s32 v21;
	v20 =	vcvt.f32.s32 v20  }
0x189: {  	v58 =	vmov s24;
	v17 =	vtrunc.f32 v17;
	v16 =	vcvt.f32.s32 v16  }
0x18a: {  	v18 =	vtrunc.f32 v18;
	v17 =	vcvt.f32.s32 v17;
	v20 =	vadd.s32 $0x200, v20  }
0x18b: {  	v22 =	vtrunc.f32 v22;
	v18 =	vcvt.f32.s32 v18;
	v16 =	vadd.s32 $0x400, v16  }
0x18c: {  	v23 =	vtrunc.f32 v23;
	v22 =	vcvt.f32.s32 v22;
	v17 =	vadd.s32 $0x600, v17  }
0x18d: {  	v32 =	vld [tilespmem:s22+$0x9020];
	v15 =	vtrunc.f32 v15;
	v23 =	vcvt.f32.s32 v23;
	v18 =	vadd.s32 $0x800, v18  }
0x18e: {  	v24 =	vtrunc.f32 v24;
	v15 =	vcvt.f32.s32 v15;
	v36 =	vadd.s32 $0xA00, v22;
	[tilespmem:v21+s18+$0x0] =	vst.idx.add.f32.msk $0xffff, v1  }
0x18f: {  	v25 =	vtrunc.f32 v25;
	v24 =	vcvt.f32.s32 v24;
	v39 =	vadd.s32 $0xC00, v23;
	[tilespmem:v20+s18+$0x0] =	vst.idx.add.f32.msk $0xffff, v1  }
0x190: {  	v26 =	vtrunc.f32 v26;
	v25 =	vcvt.f32.s32 v25;
	v15 =	vadd.s32 $0xE00, v15;
	[tilespmem:v16+s18+$0x0] =	vst.idx.add.f32.msk $0xffff, v1  }
0x191: {  	v27 =	vtrunc.f32 v27;
	v37 =	vcvt.f32.s32 v26;
	v43 =	vadd.s32 $0x1000, v24;
	[tilespmem:v17+s18+$0x0] =	vst.idx.add.f32.msk $0xffff, v1  }
0x192: {  	v19 =	vtrunc.f32 v19;
	v38 =	vcvt.f32.s32 v27;
	v45 =	vadd.s32 $0x1200, v25;
	[tilespmem:v18+s18+$0x0] =	vst.idx.add.f32.msk $0xffff, v1  }
0x193: {  	v41 =	vcvt.f32.s32 v19;
	v23 =	vtrunc.f32 v40;
	v46 =	vadd.s32 $0x1400, v37;
	[tilespmem:v36+s18+$0x0] =	vst.idx.add.f32.msk $0xffff, v1  }
0x194: {  	v19 =	vtrunc.f32 v42;
	v49 =	vadd.s32 $0x1600, v38;
	v23 =	vcvt.f32.s32 v23;
	[tilespmem:v39+s18+$0x0] =	vst.idx.add.f32.msk $0xffff, v1  }
0x195: {  	v47 =	vtrunc.f32 v44;
	v19 =	vcvt.f32.s32 v19;
	v50 =	vadd.s32 $0x1800, v41;
	[tilespmem:v15+s18+$0x0] =	vst.idx.add.f32.msk $0xffff, v1  }
0x196: {  	v51 =	vtrunc.f32 v48;
	v22 =	vcvt.f32.s32 v47;
	v53 =	vadd.s32 $0x1A00, v23;
	[tilespmem:v43+s18+$0x0] =	vst.idx.add.f32.msk $0xffff, v1  }
0x197: {  	v56 =	vtrunc.f32 v52;
	v54 =	vadd.s32 $0x1C00, v19;
	v16 =	vcvt.f32.s32 v51;
	[tilespmem:v45+s18+$0x0] =	vst.idx.add.f32.msk $0xffff, v1  }
0x198: {  	v59 =	vshll.u32 v32, $0xB;
	v57 =	vcvt.f32.s32 v56;
	v55 =	vadd.s32 $0x1E00, v22;
	[tilespmem:v46+s18+$0x0] =	vst.idx.add.f32.msk $0xffff, v1  }
0x199: {  	v60 =	vor.u32 s24, v2;
	v22 =	vand.u32 $0x780, v58;
	v16 =	vadd.s32 $0x2000, v16;
	[tilespmem:v49+s18+$0x0] =	vst.idx.add.f32.msk $0xffff, v1  }
0x19a: {  	v62 =	vand.u32 $0x6F, v60;
	v61 =	vadd.s32 $0x2200, v57;
	v20 =	vor.u32 v22, v59;
	[tilespmem:v50+s18+$0x0] =	vst.idx.add.f32.msk $0xffff, v1  }
0x19b: {  	v63 =	vor.u32 v62, v20;
	[tilespmem:v53+s18+$0x0] =	vst.idx.add.f32.msk $0xffff, v1  }
0x19c: {  	[tilespmem:v54+s18+$0x0] =	vst.idx.add.f32.msk $0xffff, v1  }
0x19d: {  	[tilespmem:v55+s18+$0x0] =	vst.idx.add.f32.msk $0xffff, v1  }
0x19e: {  	[tilespmem:v16+s18+$0x0] =	vst.idx.add.f32.msk $0xffff, v1  }
0x19f: {  	[tilespmem:v61+s18+$0x0] =	vst.idx.add.f32.msk $0xffff, v1  }
0x1a0: {  	v15 =	vld.idx.msk [tilespmem:v63+s3+$0x0], $0xffff;
	_ =	sdelay $0x4  }
0x1a1: {  	v20 =	vmul.f32 $1.442695020e+00, v15;
	_ =	sdelay $0x1  }
0x1a2: {  	(erf) = vpow2.f32 v20;
	_ =	sdelay $0x8  }
0x1a3: {  	v16 =	vpop (erf)  }
0x1a4: {  	v16 =	vmul.f32 v16, v29;
	_ =	sdelay $0x1  }
0x1a5: {  	v21 =	vsub.f32 $2.555000000e+02, v16;
	_ =	sdelay $0x1  }
0x1a6: {  	v17 =	vtrunc.f32 v21  }
0x1a7: {  	v16 =	vtrunc.f32 v16;
	v17 =	vcvt.f32.s32 v17  }
0x1a8: {  	v22 =	vshll.u32 v32, $0x9;
	v16 =	vcvt.f32.s32 v16  }
0x1a9: {  	v23 =	vadd.s32 v17, v22  }
0x1aa: {  	v18 =	vadd.s32 v16, v22;
	v17 =	vand.u32 $0x7F, v17;
	v24 =	vand.u32 $0xFFFFFF80, v23  }
0x1ab: {  	v16 =	vor.u32 v17, v24  }
0x1ac: {  	v17 =	vadd.s32 $0x100, v16;
	_ =	sdelay $0x1  }
0x1ad: {  	v16 =	vld.idx.msk [tilespmem:v32+s16+$0x0], $0xffff  }
0x1ae: {  	[tilespmem:v18+s18+$0x0] =	vst.idx.add.f32.msk $0xffff, v3  }
0x1af: {  	[tilespmem:v23+s18+$0x0] =	vst.idx.add.f32.msk $0xffff, v1  }
0x1b0: {  	[tilespmem:v17+s18+$0x0] =	vst.idx.add.f32.msk $0xffff, v1  }
0x1b1: {  	v17 =	vld [tilespmem:s22+$0x30]  }
0x1b2: {  	v18 =	vld [tilespmem:s22+$0x830]  }
0x1b3: {  	v19 =	vld [tilespmem:s22+$0x1030]  }
0x1b4: {  	v25 =	vld [tilespmem:s22+$0x1830]  }
0x1b5: {  	v26 =	vld [tilespmem:s22+$0x2030]  }
0x1b6: {  	v27 =	vld [tilespmem:s22+$0x2830];
	v17 =	vmul.f32 $1.442695020e+00, v17  }
0x1b7: {  	v28 =	vld [tilespmem:s22+$0x3030];
	v18 =	vmul.f32 $1.442695020e+00, v18  }
0x1b8: {  	v30 =	vld [tilespmem:s22+$0x3830];
	v29 =	vmul.f32 $1.442695020e+00, v19;
	(erf) = vpow2.f32 v17  }
0x1b9: {  	v32 =	vld [tilespmem:s22+$0x4030];
	v31 =	vmul.f32 $1.442695020e+00, v25;
	(erf) = vpow2.f32 v18  }
0x1ba: {  	v34 =	vld [tilespmem:s22+$0x4830];
	v33 =	vmul.f32 $1.442695020e+00, v26;
	(erf) = vpow2.f32 v29  }
0x1bb: {  	v36 =	vld [tilespmem:s22+$0x5030];
	v35 =	vmul.f32 $1.442695020e+00, v27;
	(erf) = vpow2.f32 v31  }
0x1bc: {  	v38 =	vld [tilespmem:s22+$0x5830];
	v37 =	vmul.f32 $1.442695020e+00, v28;
	(erf) = vpow2.f32 v33  }
0x1bd: {  	v40 =	vld [tilespmem:s22+$0x6030];
	v39 =	vmul.f32 $1.442695020e+00, v30;
	(erf) = vpow2.f32 v35  }
0x1be: {  	v42 =	vld [tilespmem:s22+$0x6830];
	v41 =	vmul.f32 $1.442695020e+00, v32;
	(erf) = vpow2.f32 v37  }
0x1bf: {  	v44 =	vld [tilespmem:s22+$0x7030];
	v43 =	vmul.f32 $1.442695020e+00, v34;
	(erf) = vpow2.f32 v39  }
0x1c0: {  	v46 =	vld [tilespmem:s22+$0x7830];
	v45 =	vmul.f32 $1.442695020e+00, v36;
	(erf) = vpow2.f32 v41  }
0x1c1: {  	v47 =	vmul.f32 $1.442695020e+00, v38;
	v24 =	vpop (erf);
	(erf) = vpow2.f32 v43  }
0x1c2: {  	v48 =	vmul.f32 $1.442695020e+00, v40;
	v23 =	vpop (erf);
	(erf) = vpow2.f32 v45  }
0x1c3: {  	v49 =	vmul.f32 $1.442695020e+00, v42;
	v25 =	vpop (erf);
	(erf) = vpow2.f32 v47  }
0x1c4: {  	v50 =	vmul.f32 $1.442695020e+00, v44;
	v26 =	vpop (erf);
	(erf) = vpow2.f32 v48  }
0x1c5: {  	v52 =	vld [tilespmem:s22+$0x8030];
	v51 =	vmul.f32 $1.442695020e+00, v46;
	v27 =	vpop (erf);
	(erf) = vpow2.f32 v49  }
0x1c6: {  	v53 =	vld [tilespmem:s22+$0x8830];
	v22 =	vpop (erf);
	(erf) = vpow2.f32 v50  }
0x1c7: {  	v54 =	vpop (erf);
	(erf) = vpow2.f32 v51  }
0x1c8: {  	v55 =	vpop (erf)  }
0x1c9: {  	v56 =	vpop (erf)  }
0x1ca: {  	v58 =	vmul.f32 $1.442695020e+00, v52;
	v57 =	vpop (erf)  }
0x1cb: {  	v17 =	vmul.f32 $1.442695020e+00, v53;
	v32 =	vpop (erf)  }
0x1cc: {  	(erf) = vpow2.f32 v58;
	v33 =	vpop (erf)  }
0x1cd: {  	(erf) = vpow2.f32 v17;
	v34 =	vpop (erf)  }
0x1ce: {  	v59 =	vadd.f32 v23, v24;
	v60 =	vadd.f32 v26, v25;
	v35 =	vpop (erf)  }
0x1cf: {  	v61 =	vadd.f32 v22, v27;
	v62 =	vadd.f32 v55, v54;
	v36 =	vpop (erf)  }
0x1d0: {  	v63 =	vadd.f32 v57, v56;
	v38 =	vadd.f32 v33, v32;
	v37 =	vpop (erf)  }
0x1d1: {  	v39 =	vadd.f32 v35, v34;
	v40 =	vadd.f32 v37, v36  }
0x1d2: {  	v17 =	vadd.f32 v60, v59;
	v43 =	vadd.f32 v62, v61  }
0x1d3: {  	v44 =	vadd.f32 v38, v63;
	v45 =	vadd.f32 v40, v39;
	_ =	sdelay $0x1  }
0x1d4: {  	v17 =	vadd.f32 v43, v17;
	v38 =	vpop (erf);
	v46 =	vadd.f32 v45, v44  }
0x1d5: {  	v39 =	vpop (erf)  }
0x1d6: {  	v47 =	vadd.f32 v39, v38;
	v17 =	vadd.f32 v46, v17;
	_ =	sdelay $0x1  }
0x1d7: {  	v17 =	vadd.f32 v17, v47  }
0x1d8: {  	v48 =	vand.u32 $0x7FFFFF, v8  }
0x1d9: {  	v18 =	vor.u32 $0x3F800000, v48;
	(erf) = vrcp.f32 v17  }
0x1da: {  	v21 =	vadd.f32 $-1.000000000e+00, v18;
	_ =	sdelay $0x1  }
0x1db: {  	v18 =	vmul.f32 $1.477872110e-02, v21;
	_ =	sdelay $0x1  }
0x1dc: {  	v18 =	vadd.f32 $-7.684872300e-02, v18  }
0x1dd: {  	v52 =	vand.u32 $0x7FFFFF, v14  }
0x1de: {  	v42 =	vor.u32 $0x3F800000, v52;
	v49 =	vand.u32 $0x7FFFFF, v11;
	v18 =	vmul.f32 v18, v21  }
0x1df: {  	v20 =	vadd.f32 $-1.000000000e+00, v42;
	v19 =	vor.u32 $0x3F800000, v49  }
0x1e0: {  	v19 =	vadd.f32 $-1.000000000e+00, v19;
	v50 =	vadd.f32 $1.904208360e-01, v18;
	v41 =	vpop (erf)  }
0x1e1: {  	v42 =	vmul.f32 $1.477872110e-02, v20;
	v18 =	vmul.f32 $2.555000000e+02, v41  }
0x1e2: {  	v51 =	vmul.f32 $1.477872110e-02, v19;
	v53 =	vmul.f32 v50, v21  }
0x1e3: {  	v24 =	vmul.f32 v18, v24;
	v23 =	vmul.f32 v18, v23  }
0x1e4: {  	v25 =	vmul.f32 v18, v25;
	v26 =	vmul.f32 v18, v26  }
0x1e5: {  	v27 =	vmul.f32 v18, v27;
	v22 =	vmul.f32 v18, v22  }
0x1e6: {  	v28 =	vmul.f32 v18, v54;
	v29 =	vmul.f32 v18, v55  }
0x1e7: {  	v56 =	vmul.f32 v18, v56;
	v57 =	vmul.f32 v18, v57  }
0x1e8: {  	v32 =	vmul.f32 v18, v32;
	v33 =	vmul.f32 v18, v33  }
0x1e9: {  	v34 =	vmul.f32 v18, v34;
	v35 =	vmul.f32 v18, v35  }
0x1ea: {  	v40 =	vadd.f32 $-7.684872300e-02, v51;
	v44 =	vmul.f32 v18, v37;
	v51 =	vmul.f32 v18, v38  }
0x1eb: {  	v52 =	vmul.f32 v18, v39;
	v24 =	vtrunc.f32 v24  }
0x1ec: {  	v23 =	vtrunc.f32 v23;
	v25 =	vtrunc.f32 v25  }
0x1ed: {  	v26 =	vtrunc.f32 v26;
	v27 =	vtrunc.f32 v27  }
0x1ee: {  	v30 =	vadd.f32 $-3.231159450e-01, v53;
	v22 =	vtrunc.f32 v22;
	v54 =	vtrunc.f32 v28  }
0x1ef: {  	v37 =	vand.u32 $0x7FFFFF, v17;
	v24 =	vcvt.f32.s32 v24;
	v23 =	vcvt.f32.s32 v23  }
0x1f0: {  	v38 =	vor.u32 s21, v2;
	v55 =	vtrunc.f32 v29;
	v25 =	vcvt.f32.s32 v25  }
0x1f1: {  	v59 =	vtrunc.f32 v56;
	v26 =	vcvt.f32.s32 v26;
	v23 =	vadd.s32 $0x200, v23  }
0x1f2: {  	v60 =	vtrunc.f32 v57;
	v27 =	vcvt.f32.s32 v27;
	v25 =	vadd.s32 $0x400, v25  }
0x1f3: {  	v32 =	vtrunc.f32 v32;
	v43 =	vcvt.f32.s32 v22;
	v26 =	vadd.s32 $0x600, v26  }
0x1f4: {  	v33 =	vtrunc.f32 v33;
	v58 =	vcvt.f32.s32 v54;
	v22 =	vld [tilespmem:s22+$0x9030];
	v27 =	vadd.s32 $0x800, v27  }
0x1f5: {  	v34 =	vtrunc.f32 v34;
	v28 =	vcvt.f32.s32 v55;
	v62 =	vadd.s32 $0xA00, v43;
	[tilespmem:v24+s18+$0x0] =	vst.idx.add.f32.msk $0xffff, v1  }
0x1f6: {  	v35 =	vtrunc.f32 v35;
	v61 =	vcvt.f32.s32 v59;
	v63 =	vadd.s32 $0xC00, v58;
	[tilespmem:v23+s18+$0x0] =	vst.idx.add.f32.msk $0xffff, v1  }
0x1f7: {  	v49 =	vtrunc.f32 v44;
	v29 =	vcvt.f32.s32 v60;
	v45 =	vadd.s32 $0xE00, v28;
	[tilespmem:v25+s18+$0x0] =	vst.idx.add.f32.msk $0xffff, v1  }
0x1f8: {  	v56 =	vtrunc.f32 v52;
	v32 =	vcvt.f32.s32 v32;
	v48 =	vadd.s32 $0x1000, v61;
	[tilespmem:v26+s18+$0x0] =	vst.idx.add.f32.msk $0xffff, v1  }
0x1f9: {  	v33 =	vcvt.f32.s32 v33;
	v43 =	vmul.f32 v18, v36;
	v50 =	vadd.s32 $0x1200, v29;
	[tilespmem:v27+s18+$0x0] =	vst.idx.add.f32.msk $0xffff, v1  }
0x1fa: {  	v46 =	vcvt.f32.s32 v34;
	v47 =	vcvt.f32.s32 v35;
	v53 =	vadd.s32 $0x1400, v32;
	[tilespmem:v62+s18+$0x0] =	vst.idx.add.f32.msk $0xffff, v1  }
0x1fb: {  	v54 =	vcvt.f32.s32 v49;
	v55 =	vadd.s32 $0x1600, v33;
	v31 =	vtrunc.f32 v43;
	[tilespmem:v63+s18+$0x0] =	vst.idx.add.f32.msk $0xffff, v1  }
0x1fc: {  	v59 =	vcvt.f32.s32 v56;
	v57 =	vadd.s32 $0x1800, v46;
	v31 =	vcvt.f32.s32 v31;
	[tilespmem:v45+s18+$0x0] =	vst.idx.add.f32.msk $0xffff, v1  }
0x1fd: {  	v60 =	vadd.f32 $-7.684872300e-02, v42;
	v29 =	vtrunc.f32 v51;
	v61 =	vadd.s32 $0x1A00, v47;
	[tilespmem:v48+s18+$0x0] =	vst.idx.add.f32.msk $0xffff, v1  }
0x1fe: {  	v34 =	vor.u32 $0x3F800000, v37;
	v58 =	vcvt.f32.s32 v29;
	v31 =	vadd.s32 $0x1C00, v31;
	[tilespmem:v50+s18+$0x0] =	vst.idx.add.f32.msk $0xffff, v1  }
0x1ff: {  	v39 =	vadd.f32 $-1.000000000e+00, v34;
	v36 =	vmov s21;
	v62 =	vadd.s32 $0x1E00, v54;
	[tilespmem:v53+s18+$0x0] =	vst.idx.add.f32.msk $0xffff, v1  }
0x200: {  	v32 =	vand.u32 $0x780, v36;
	v28 =	vadd.s32 $0x2000, v58;
	v63 =	vshll.u32 v22, $0xB;
	[tilespmem:v55+s18+$0x0] =	vst.idx.add.f32.msk $0xffff, v1  }
0x201: {  	v29 =	vadd.s32 $0x2200, v59;
	v23 =	vand.u32 $0x7F, v38;
	v24 =	vor.u32 v32, v63;
	[tilespmem:v57+s18+$0x0] =	vst.idx.add.f32.msk $0xffff, v1  }
0x202: {  	v40 =	vmul.f32 v40, v19;
	v23 =	vor.u32 v23, v24;
	[tilespmem:v61+s18+$0x0] =	vst.idx.add.f32.msk $0xffff, v1  }
0x203: {  	v41 =	vmul.f32 v60, v20;
	v42 =	vmul.f32 $1.477872110e-02, v39;
	[tilespmem:v31+s18+$0x0] =	vst.idx.add.f32.msk $0xffff, v1  }
0x204: {  	v30 =	vmul.f32 v30, v21;
	v40 =	vadd.f32 $1.904208360e-01, v40;
	[tilespmem:v62+s18+$0x0] =	vst.idx.add.f32.msk $0xffff, v1  }
0x205: {  	v26 =	vadd.f32 $-7.684872300e-02, v42;
	v24 =	vadd.f32 $1.904208360e-01, v41;
	[tilespmem:v28+s18+$0x0] =	vst.idx.add.f32.msk $0xffff, v1  }
0x206: {  	v30 =	vadd.f32 $4.724995200e-01, v30;
	v43 =	vmul.f32 v40, v19;
	[tilespmem:v29+s18+$0x0] =	vst.idx.add.f32.msk $0xffff, v1  }
0x207: {  	v26 =	vmul.f32 v26, v39;
	v24 =	vmul.f32 v24, v20;
	v23 =	vld.idx.msk [tilespmem:v23+s3+$0x0], $0xffff  }
0x208: {  	v44 =	vmul.f32 v30, v21;
	v45 =	vadd.f32 $-3.231159450e-01, v43  }
0x209: {  	v26 =	vadd.f32 $1.904208360e-01, v26;
	v24 =	vadd.f32 $-3.231159450e-01, v24  }
0x20a: {  	v14 =	vshra.s32 v14, $0x17;
	v27 =	vadd.f32 $-7.203866240e-01, v44;
	v28 =	vmul.f32 v45, v19  }
0x20b: {  	v14 =	vadd.s32 $0xFFFFFF81, v14;
	v26 =	vmul.f32 v26, v39;
	v24 =	vmul.f32 v24, v20  }
0x20c: {  	v27 =	vmul.f32 v27, v21;
	v28 =	vadd.f32 $4.724995200e-01, v28;
	v46 =	vmul.f32 $1.442695020e+00, v23  }
0x20d: {  	v14 =	vcvt.s32.f32 v14;
	v26 =	vadd.f32 $-3.231159450e-01, v26;
	v24 =	vadd.f32 $4.724995200e-01, v24  }
0x20e: {  	v27 =	vadd.f32 $1.442652110e+00, v27;
	v28 =	vmul.f32 v28, v19;
	(erf) = vpow2.f32 v46  }
0x20f: {  	v26 =	vmul.f32 v26, v39;
	v24 =	vmul.f32 v24, v20  }
0x210: {  	v8 =	vshra.s32 v8, $0x17;
	v21 =	vmul.f32 v27, v21;
	v47 =	vadd.f32 $-7.203866240e-01, v28  }
0x211: {  	v8 =	vadd.s32 $0xFFFFFF81, v8;
	v26 =	vadd.f32 $4.724995200e-01, v26;
	v24 =	vadd.f32 $-7.203866240e-01, v24  }
0x212: {  	v8 =	vcvt.s32.f32 v8;
	v21 =	vadd.f32 $3.196978180e-07, v21;
	v27 =	vmul.f32 v47, v19  }
0x213: {  	v11 =	vshra.s32 v11, $0x17;
	v26 =	vmul.f32 v26, v39;
	v24 =	vmul.f32 v24, v20  }
0x214: {  	v11 =	vadd.s32 $0xFFFFFF81, v11;
	v8 =	vadd.f32 v8, v21;
	v48 =	vadd.f32 $1.442652110e+00, v27  }
0x215: {  	v11 =	vcvt.s32.f32 v11;
	v50 =	vadd.f32 $-7.203866240e-01, v26;
	v49 =	vadd.f32 $1.442652110e+00, v24  }
0x216: {  	v8 =	vmul.f32 $6.931471820e-01, v8;
	v19 =	vmul.f32 v48, v19  }
0x217: {  	v52 =	vmul.f32 v50, v39;
	v51 =	vmul.f32 v49, v20;
	v53 =	vpop (erf)  }
0x218: {  	v8 =	vsub.f32 v8, v10;
	v19 =	vadd.f32 $3.196978180e-07, v19;
	v18 =	vmul.f32 v53, v18  }
0x219: {  	v17 =	vshra.s32 v17, $0x17;
	v54 =	vadd.f32 $1.442652110e+00, v52;
	v10 =	vadd.f32 $3.196978180e-07, v51  }
0x21a: {  	v17 =	vadd.s32 $0xFFFFFF81, v17;
	v11 =	vadd.f32 v11, v19;
	v55 =	vsub.f32 $2.555000000e+02, v18  }
0x21b: {  	v56 =	vcvt.s32.f32 v17;
	v19 =	vmul.f32 v54, v39  }
0x21c: {  	v10 =	vadd.f32 v14, v10;
	v11 =	vmul.f32 $6.931471820e-01, v11;
	v57 =	vtrunc.f32 v55  }
0x21d: {  	v19 =	vadd.f32 $3.196978180e-07, v19;
	v18 =	vtrunc.f32 v18;
	v17 =	vcvt.f32.s32 v57  }
0x21e: {  	v58 =	vshll.u32 v22, $0x9;
	v10 =	vmul.f32 $6.931471820e-01, v10;
	v18 =	vcvt.f32.s32 v18  }
0x21f: {  	v11 =	vsub.f32 v11, v13;
	v14 =	vadd.f32 v56, v19;
	v59 =	vadd.s32 v17, v58  }
0x220: {  	v60 =	vld.idx.msk [tilespmem:v22+s16+$0x0], $0xffff;
	v13 =	vadd.s32 v18, v58;
	v17 =	vand.u32 $0x7F, v17;
	v61 =	vand.u32 $0xFFFFFF80, v59  }
0x221: {  	v8 =	vmul.f32 v8, v9;
	v14 =	vmul.f32 $6.931471820e-01, v14;
	v17 =	vor.u32 v17, v61  }
0x222: {  	p0 =	sne.s32 s20, $0x1F00;
	v10 =	vsub.f32 v10, v15;
	v62 =	vadd.s32 $0x100, v17  }
.Ltmp1:
0x223: {  	v7 =	vadd.f32 v8, v7;
	v11 =	vmul.f32 v11, v12;
	v8 =	vsub.f32 v14, v23;
	(pc) =	sbr.rel @p0 .LBB2_4-.Ltmp1, $4  }
0x224: {  	v5 =	vadd.f32 v9, v5;
	v4 =	vadd.f32 v12, v4;
	v63 =	vmul.f32 v10, v16  }
0x225: {  	v6 =	vadd.f32 v11, v6;
	v8 =	vmul.f32 v8, v60;
	[tilespmem:v13+s18+$0x0] =	vst.idx.add.f32.msk $0xffff, v3  }
0x226: {  	v5 =	vadd.f32 v16, v5;
	v4 =	vadd.f32 v60, v4;
	[tilespmem:v59+s18+$0x0] =	vst.idx.add.f32.msk $0xffff, v1  }
0x227: {  	s20 =	sadd.s32 $0x100, s20;
	s21 =	sadd.s32 $0x40, s21;
	v7 =	vadd.f32 v63, v7;
	v6 =	vadd.f32 v8, v6;
	[tilespmem:v62+s18+$0x0] =	vst.idx.add.f32.msk $0xffff, v1  }
0x228: {  	v4 =	vadd.f32 v4, v5  }
0x229: {  	v6 =	vadd.f32 v6, v7  }
0x22a: {  	[tilespmem:$0xBC90] =	vst v4  }
0x22b: {  	s20 =	rddreg [dreg:$0x6];
	s21 =	simm.s32 $0xBC80;
	[tilespmem:$0xBC80] =	vst v6  }
0x22c: {  	[hbm4b:s20+s3] =	stream.linear.scatter [tilespmem:s21], [sflag:$0x1], $0x80, $0x38;
	[tilespmem:$0xBD00] =	vst v63  }
0x22d: {  	s22 =	rddreg [dreg:$0x7]  }
0x22e: {  	[hbm4b:s22+s14] =	stream.strided.scatter [tilespmem:s18], [sflag:$0x1], $0x200, s15, s14, $0x38;
	[tilespmem:$0xBD00] =	vst v63  }
0x22f: {  	s23 =	rddreg [dreg:$0x8];
	s24 =	simm.s32 $0x9A80  }
0x230: {  	[hbm4b:s23+s14] =	stream.strided.scatter [tilespmem:s24], [sflag:$0x1], $0x200, s15, s14, $0x38;
	[tilespmem:$0xBD00] =	vst v63  }
0x231: {  	s21 =	rddreg [dreg:$0x9];
	s22 =	simm.s32 $0x9C80  }
0x232: {  	[hbm4b:s21+s14] =	stream.strided.scatter [tilespmem:s22], [sflag:$0x1], $0x200, s15, s14, $0x38;
	[tilespmem:$0xBD00] =	vst v63  }
0x233: {  	s23 =	rddreg [dreg:$0xa];
	s24 =	simm.s32 $0x9E80  }
0x234: {  	[hbm4b:s23+s14] =	stream.strided.scatter [tilespmem:s24], [sflag:$0x1], $0x200, s15, s14, $0x38;
	[tilespmem:$0xBD00] =	vst v63  }
0x235: {  	s21 =	rddreg [dreg:$0xb];
	s22 =	simm.s32 $0xA080  }
0x236: {  	[hbm4b:s21+s14] =	stream.strided.scatter [tilespmem:s22], [sflag:$0x1], $0x200, s15, s14, $0x38;
	[tilespmem:$0xBD00] =	vst v63  }
0x237: {  	s23 =	rddreg [dreg:$0xc];
	s24 =	simm.s32 $0xA280  }
0x238: {  	[hbm4b:s23+s14] =	stream.strided.scatter [tilespmem:s24], [sflag:$0x1], $0x200, s15, s14, $0x38;
	[tilespmem:$0xBD00] =	vst v63  }
0x239: {  	s21 =	rddreg [dreg:$0xd];
	s22 =	simm.s32 $0xA480  }
0x23a: {  	[hbm4b:s21+s14] =	stream.strided.scatter [tilespmem:s22], [sflag:$0x1], $0x200, s15, s14, $0x38;
	[tilespmem:$0xBD00] =	vst v63  }
0x23b: {  	s23 =	rddreg [dreg:$0xe];
	s24 =	simm.s32 $0xA680  }
0x23c: {  	[hbm4b:s23+s14] =	stream.strided.scatter [tilespmem:s24], [sflag:$0x1], $0x200, s15, s14, $0x38;
	[tilespmem:$0xBD00] =	vst v63  }
0x23d: {  	s21 =	rddreg [dreg:$0xf];
	s22 =	simm.s32 $0xA880  }
0x23e: {  	[hbm4b:s21+s14] =	stream.strided.scatter [tilespmem:s22], [sflag:$0x1], $0x200, s15, s14, $0x38;
	[tilespmem:$0xBD00] =	vst v63  }
0x23f: {  	s23 =	rddreg [dreg:$0x10];
	s24 =	simm.s32 $0xAA80  }
0x240: {  	[hbm4b:s23+s14] =	stream.strided.scatter [tilespmem:s24], [sflag:$0x1], $0x200, s15, s14, $0x38;
	[tilespmem:$0xBD00] =	vst v63  }
0x241: {  	s21 =	rddreg [dreg:$0x11];
	s22 =	simm.s32 $0xAC80  }
0x242: {  	[hbm4b:s21+s14] =	stream.strided.scatter [tilespmem:s22], [sflag:$0x1], $0x200, s15, s14, $0x38;
	[tilespmem:$0xBD00] =	vst v63  }
0x243: {  	s23 =	rddreg [dreg:$0x12];
	s24 =	simm.s32 $0xAE80  }
0x244: {  	[hbm4b:s23+s14] =	stream.strided.scatter [tilespmem:s24], [sflag:$0x1], $0x200, s15, s14, $0x38;
	[tilespmem:$0xBD00] =	vst v63  }
0x245: {  	s21 =	rddreg [dreg:$0x13];
	s22 =	simm.s32 $0xB080  }
0x246: {  	[hbm4b:s21+s14] =	stream.strided.scatter [tilespmem:s22], [sflag:$0x1], $0x200, s15, s14, $0x38;
	[tilespmem:$0xBD00] =	vst v63  }
0x247: {  	s23 =	rddreg [dreg:$0x14];
	s24 =	simm.s32 $0xB280  }
0x248: {  	[hbm4b:s23+s14] =	stream.strided.scatter [tilespmem:s24], [sflag:$0x1], $0x200, s15, s14, $0x38;
	[tilespmem:$0xBD00] =	vst v63  }
0x249: {  	s21 =	rddreg [dreg:$0x15];
	s22 =	simm.s32 $0xB480  }
0x24a: {  	[hbm4b:s21+s14] =	stream.strided.scatter [tilespmem:s22], [sflag:$0x1], $0x200, s15, s14, $0x38;
	[tilespmem:$0xBD00] =	vst v63  }
0x24b: {  	s23 =	rddreg [dreg:$0x16];
	s24 =	simm.s32 $0xB680  }
0x24c: {  	[hbm4b:s23+s14] =	stream.strided.scatter [tilespmem:s24], [sflag:$0x1], $0x200, s15, s14, $0x38;
	[tilespmem:$0xBD00] =	vst v63  }
0x24d: {  	s21 =	rddreg [dreg:$0x17];
	s22 =	simm.s32 $0xB880  }
0x24e: {  	[hbm4b:s21+s14] =	stream.strided.scatter [tilespmem:s22], [sflag:$0x1], $0x200, s15, s14, $0x38;
	[tilespmem:$0xBD00] =	vst v63  }
0x24f: {  	s23 =	rddreg [dreg:$0x18];
	s24 =	simm.s32 $0xBA80  }
0x250: {  	[hbm4b:s23+s14] =	stream.strided.scatter [tilespmem:s24], [sflag:$0x1], $0x200, s15, s14, $0x38;
	[tilespmem:$0xBD00] =	vst v63  }
0x251: {  	_ =	swait.ge [sflag:s17], $0x80  }
0x252: {  	[sflag:s17] =	ssyncset.done $0x0  }
0x253: {  	[sflag:s17] =	ssyncadd.s32 $0xFFFFFF80  }
0x254: {  	_ =	swait.ge [sflag:s17], $0x200  }
0x255: {  	[sflag:s17] =	ssyncset.done $0x0  }
0x256: {  	[sflag:s17] =	ssyncadd.s32 $0xFFFFFE00  }
0x257: {  	_ =	swait.ge [sflag:s17], $0x200  }
0x258: {  	[sflag:s17] =	ssyncset.done $0x0  }
0x259: {  	[sflag:s17] =	ssyncadd.s32 $0xFFFFFE00  }
0x25a: {  	_ =	swait.ge [sflag:s17], $0x200  }
0x25b: {  	[sflag:s17] =	ssyncset.done $0x0  }
0x25c: {  	[sflag:s17] =	ssyncadd.s32 $0xFFFFFE00  }
0x25d: {  	_ =	swait.ge [sflag:s17], $0x200  }
0x25e: {  	[sflag:s17] =	ssyncset.done $0x0  }
0x25f: {  	[sflag:s17] =	ssyncadd.s32 $0xFFFFFE00  }
0x260: {  	_ =	swait.ge [sflag:s17], $0x200  }
0x261: {  	[sflag:s17] =	ssyncset.done $0x0  }
0x262: {  	[sflag:s17] =	ssyncadd.s32 $0xFFFFFE00  }
0x263: {  	_ =	swait.ge [sflag:s17], $0x200  }
0x264: {  	[sflag:s17] =	ssyncset.done $0x0  }
0x265: {  	[sflag:s17] =	ssyncadd.s32 $0xFFFFFE00  }
0x266: {  	_ =	swait.ge [sflag:s17], $0x200  }
0x267: {  	[sflag:s17] =	ssyncset.done $0x0  }
0x268: {  	[sflag:s17] =	ssyncadd.s32 $0xFFFFFE00  }
0x269: {  	_ =	swait.ge [sflag:s17], $0x200  }
0x26a: {  	[sflag:s17] =	ssyncset.done $0x0  }
0x26b: {  	[sflag:s17] =	ssyncadd.s32 $0xFFFFFE00  }
0x26c: {  	_ =	swait.ge [sflag:s17], $0x200  }
0x26d: {  	[sflag:s17] =	ssyncset.done $0x0  }
0x26e: {  	[sflag:s17] =	ssyncadd.s32 $0xFFFFFE00  }
0x26f: {  	_ =	swait.ge [sflag:s17], $0x200  }
0x270: {  	[sflag:s17] =	ssyncset.done $0x0  }
0x271: {  	[sflag:s17] =	ssyncadd.s32 $0xFFFFFE00  }
0x272: {  	_ =	swait.ge [sflag:s17], $0x200  }
0x273: {  	[sflag:s17] =	ssyncset.done $0x0  }
0x274: {  	[sflag:s17] =	ssyncadd.s32 $0xFFFFFE00  }
0x275: {  	_ =	swait.ge [sflag:s17], $0x200  }
0x276: {  	[sflag:s17] =	ssyncset.done $0x0  }
0x277: {  	[sflag:s17] =	ssyncadd.s32 $0xFFFFFE00  }
0x278: {  	_ =	swait.ge [sflag:s17], $0x200  }
0x279: {  	[sflag:s17] =	ssyncset.done $0x0  }
0x27a: {  	[sflag:s17] =	ssyncadd.s32 $0xFFFFFE00  }
0x27b: {  	_ =	swait.ge [sflag:s17], $0x200  }
0x27c: {  	[sflag:s17] =	ssyncset.done $0x0  }
0x27d: {  	[sflag:s17] =	ssyncadd.s32 $0xFFFFFE00  }
0x27e: {  	_ =	swait.ge [sflag:s17], $0x200  }
0x27f: {  	[sflag:s17] =	ssyncset.done $0x0  }
0x280: {  	[sflag:s17] =	ssyncadd.s32 $0xFFFFFE00  }
0x281: {  	_ =	swait.ge [sflag:s17], $0x200  }
0x282: {  	[sflag:s17] =	ssyncset.done $0x0  }
0x283: {  	s19 =	sadd.s32 $0x1, s19;
	[sflag:s17] =	ssyncadd.s32 $0xFFFFFE00  }
0x284: {  	p0 =	sne.s32 s19, s25;
	_ =	swait.ge [sflag:s17], $0x200  }
.Ltmp2:
0x285: {  	[sflag:s17] =	ssyncset.done $0x0;
	(pc) =	sbr.rel @p0 .LBB2_1-.Ltmp2, $4  }
0x286: {  	[sflag:s17] =	ssyncadd.s32 $0xFFFFFE00  }
0x287: {  	_ =	swait.ge [sflag:s17], $0x200  }
0x288: {  	[sflag:s17] =	ssyncset.done $0x0  }
0x289: {  	[sflag:s17] =	ssyncadd.s32 $0xFFFFFE00  }
0x28a: {  	_ =	sfence.sel $0x180000  }
0x28b: {  	[bflag:$0x0] =	sbarrier.arrive $0xFFFF  }
0x28c: {  	_ =	strace $0x90000047  }
0x28d: {  	s0 =	stileid.u32;
	[bflag:$0x2] =	sbarrier.arrive $0xFFFF  }
0x28e: {  	p0 =	sne.s32 s0, $0x0;
	s0 =	rddreg [dreg:$0x4]  }
0x28f: {  	s0 =	sadd.s32 @!p0 $0x100000, s0  }
0x290: {  	[sflag:s0] =	ssyncadd.tile.s32 @!p0 $0x1;
	_ =	shalt  }
.Lfunc_end2:
_tile_overlayer_lowered:
.L_overlay_start_2:
0x291: {  	(tag) =	ssettag $0x2  }
0x292: {  	s0 =	rddreg [dreg:$0x0];
	s2 =	stileid.u32  }
0x293: {  	s1 =	rddreg [dreg:$0x1];
	p0 =	sne.s32 s2, $0x0  }
0x294: {  	s3 =	rddreg [dreg:$0x2];
	[bflag:$0x3] =	sbarrier.arrive $0xFFFF;
	s2 =	simm.s32 @!p0 $0x1C02  }
0x295: {  	[timem:s3], [sflag:s2] =	dma.local @!p0 [hbm:s0], s1  }
0x296: {  	s0 =	simm.s32 @!p0 $0x2  }
0x297: {  	_ =	swait.ge @!p0 [sflag:s0], s1  }
0x298: {  	s1 =	ssub.s32 @!p0 $0x0, s1;
	[sflag:s0] =	ssyncset.done @!p0 $0x0  }
0x299: {  	[sflag:s0] =	ssyncadd.s32 @!p0 s1  }
0x29a: {  	[bflag:$0x3] =	sbarrier.arrive $0xFFFF  }
0x29b: {  	_ =	shalt  }

// kernel: kernel.7.cloned.1.call-start
scs
__scs_entry_jumppad:
0x0: {  	(pc) =	sbr.rel $0x88, $3  }
0x1: {  	(tag) =	ssettag $0x0;
	lr =	simm.s32 $0x1  }
0x2: {  	[smem:$0x3F9F] =	sst lr;
	_ =	strace $0xD0000000  }
0x3: {  	_ = 	snop  }
0x4: {  	_ = 	snop  }
0x5: {  	_ = 	snop  }
0x6: {  	_ = 	snop  }
0x7: {  	_ = 	snop  }
__scs_overlays_trampoline_lowered:
0x8: {  	[smem:$0x3FAE] =	sst s0  }
0x9: {  	[smem:$0x3FAF] =	sst s1  }
0xa: {  	[smem:$0x3FB0] =	sst s2  }
0xb: {  	[smem:$0x3FB1] =	sst s3  }
0xc: {  	[smem:$0x3FB2] =	sst s4  }
0xd: {  	[smem:$0x3FB3] =	sst s5  }
0xe: {  	[smem:$0x3FB4] =	sst s6  }
0xf: {  	[smem:$0x3FB5] =	sst s7  }
0x10: {  	[smem:$0x3FB6] =	sst s8  }
0x11: {  	[smem:$0x3FB7] =	sst s9;
	s0 =	simm.s32 @!p0 $0x0  }
0x12: {  	s1 =	sld [smem:$0x3F9D];
	s0 =	simm.s32 @p0 $0x1  }
0x13: {  	[smem:$0x3FB8] =	sst s0;
	s0 =	simm.s32 @!p1 $0x0  }
0x14: {  	s2 =	sld [smem:$0x3F9C];
	s0 =	simm.s32 @p1 $0x1  }
0x15: {  	[smem:$0x3FB9] =	sst s0;
	s0 =	simm.s32 @!p2 $0x0  }
0x16: {  	s3 =	sld [smem:$0x3FDB];
	s0 =	simm.s32 @p2 $0x1  }
0x17: {  	s4 =	simm.s32 $0x1BF5;
	[smem:$0x3FBB] =	sst s0  }
0x18: {  	s0 =	sld [smem:$0x3F9E];
	_ =	swait.ge [sflag:s4], $0x0  }
0x19: {  	s7 =	sld [smem:$0x3F9F]  }
0x1a: {  	s8 =	sadd.s32 $0xFFFFE003, lr  }
0x1b: {  	s9 =	sadd.s32 $0xFFFFFEF7, lr;
	s5 =	simm.s32 $0xFFFFFFFF;
	p2 =	slt.u32 s8, $0xFFFFF086  }
0x1c: {  	p1 =	slt.u32 s9, $0xF7A;
	s5 =	simm.s32 @!p2 $0x0  }
0x1d: {  	s5 =	simm.s32 @p1 $0x1;
	p0 =	seq.s32 s7, s2  }
0x1e: {  	s7 =	smul.u32 @!p0 $0xF7A, s2;
	p2 =	seq.s32 @!p0 s5, $0x0  }
0x1f: {  	s9 =	smul.u32 $0xF7A, s1;
	s8 =	simm.s32 @!p0 $0x1BF5;
	p2 =	por !p2, p0  }
0x20: {  	[sflag:s8] =	ssyncset.s32 @!p0 $0xFFFFF086;
	s6 =	sadd.s32 @!p0 s3, s7;
	s7 =	simm.s32 @!p0 $0x108  }
0x21: {  	s3 =	sadd.s32 s3, s9;
	s6 =	sadd.s32 @!p0 $0x88, s6;
	s7 =	simm.s32 @p2 $0x1082  }
0x22: {  	[simem:s7], [sflag:s8] =	dma.local @!p0 [hbm:s6], $0xF7A  }
0x23: {  	s9 =	sor.u32 $0xD0000000, s2;
	s6 =	simm.s32 $0x108;
	_ =	swait.ge @!p0 [sflag:s8], $0x0  }
0x24: {  	s3 =	sadd.s32 $0x88, s3;
	s6 =	simm.s32 @!p1 $0x1082;
	[sflag:s4] =	ssyncset.s32 $0xFFFFF086  }
0x25: {  	[simem:s6], [sflag:s4] =	dma.local [hbm:s3], $0xF7A  }
0x26: {  	[smem:$0x3F9F] =	sst s1;
	(tag) =	ssettag s2;
	_ =	strace s9  }
0x27: {  	s1 =	sld [smem:$0x3FAF]  }
0x28: {  	s2 =	sld [smem:$0x3FB0]  }
0x29: {  	s4 =	sld [smem:$0x3FB2]  }
0x2a: {  	p0 =	seq.s32 s5, $0x0;
	s5 =	sld [smem:$0x3FB3]  }
0x2b: {  	s6 =	sld [smem:$0x3FB4]  }
0x2c: {  	s7 =	sld [smem:$0x3FB5]  }
0x2d: {  	s3 =	simm.s32 $0x108;
	s8 =	sld [smem:$0x3FB6]  }
0x2e: {  	s3 =	simm.s32 @!p0 $0x1082;
	s9 =	sld [smem:$0x3FB7]  }
0x2f: {  	lr =	sadd.s32 s0, s3;
	s0 =	sld [smem:$0x3FAE]  }
0x30: {  	s3 =	sld [smem:$0x3FB1]  }
0x31: {  	[smem:$0x3FBA] =	sst s10  }
0x32: {  	s10 =	sld [smem:$0x3FB8];
	_ =	sdelay $0x3  }
0x33: {  	p0 =	seq.s32 s10, $0x1;
	s10 =	sld [smem:$0x3FBA];
	_ =	sdelay $0x3  }
0x34: {  	[smem:$0x3FBA] =	sst s10  }
0x35: {  	s10 =	sld [smem:$0x3FB9];
	_ =	sdelay $0x3  }
0x36: {  	p1 =	seq.s32 s10, $0x1;
	s10 =	sld [smem:$0x3FBA];
	_ =	sdelay $0x3  }
0x37: {  	[smem:$0x3FBA] =	sst s10  }
0x38: {  	s10 =	sld [smem:$0x3FBB]  }
0x39: {  	_ = 	snop;
	(pc) =	sbr.ind lr, $3  }
0x3a: {  	_ = 	snop  }
0x3b: {  	_ = 	snop  }
0x3c: {  	p2 =	seq.s32 s10, $0x1;
	s10 =	sld [smem:$0x3FBA]  }
0x3d: {  	_ =	shalt  }
0x3e: {  	_ =	shalt  }
0x3f: {  	_ =	shalt  }
0x40: {  	_ =	shalt  }
0x41: {  	_ =	shalt  }
0x42: {  	_ =	shalt  }
0x43: {  	_ =	shalt  }
0x44: {  	_ =	shalt  }
0x45: {  	_ =	shalt  }
0x46: {  	_ =	shalt  }
0x47: {  	_ =	shalt  }
0x48: {  	_ =	shalt  }
0x49: {  	_ =	shalt  }
0x4a: {  	_ =	shalt  }
0x4b: {  	_ =	shalt  }
0x4c: {  	_ =	shalt  }
0x4d: {  	_ =	shalt  }
0x4e: {  	_ =	shalt  }
0x4f: {  	_ =	shalt  }
0x50: {  	_ =	shalt  }
0x51: {  	_ =	shalt  }
0x52: {  	_ =	shalt  }
0x53: {  	_ =	shalt  }
0x54: {  	_ =	shalt  }
0x55: {  	_ =	shalt  }
0x56: {  	_ =	shalt  }
0x57: {  	_ =	shalt  }
0x58: {  	_ =	shalt  }
0x59: {  	_ =	shalt  }
0x5a: {  	_ =	shalt  }
0x5b: {  	_ =	shalt  }
0x5c: {  	_ =	shalt  }
0x5d: {  	_ =	shalt  }
0x5e: {  	_ =	shalt  }
0x5f: {  	_ =	shalt  }
0x60: {  	_ =	shalt  }
0x61: {  	_ =	shalt  }
0x62: {  	_ =	shalt  }
0x63: {  	_ =	shalt  }
0x64: {  	_ =	shalt  }
0x65: {  	_ =	shalt  }
0x66: {  	_ =	shalt  }
0x67: {  	_ =	shalt  }
0x68: {  	_ =	shalt  }
0x69: {  	_ =	shalt  }
0x6a: {  	_ =	shalt  }
0x6b: {  	_ =	shalt  }
0x6c: {  	_ =	shalt  }
0x6d: {  	_ =	shalt  }
0x6e: {  	_ =	shalt  }
0x6f: {  	_ =	shalt  }
0x70: {  	_ =	shalt  }
0x71: {  	_ =	shalt  }
0x72: {  	_ =	shalt  }
0x73: {  	_ =	shalt  }
0x74: {  	_ =	shalt  }
0x75: {  	_ =	shalt  }
0x76: {  	_ =	shalt  }
0x77: {  	_ =	shalt  }
0x78: {  	_ =	shalt  }
0x79: {  	_ =	shalt  }
0x7a: {  	_ =	shalt  }
0x7b: {  	_ =	shalt  }
0x7c: {  	_ =	shalt  }
0x7d: {  	_ =	shalt  }
0x7e: {  	_ =	shalt  }
0x7f: {  	_ =	shalt  }
0x80: {  	_ =	shalt  }
0x81: {  	_ =	shalt  }
0x82: {  	_ =	shalt  }
0x83: {  	_ =	shalt  }
0x84: {  	_ =	shalt  }
0x85: {  	_ =	shalt  }
0x86: {  	_ =	shalt  }
0x87: {  	_ =	shalt  }
.Lfunc_end0:
.L_simem_size_0:
called_computation.1_lowered:
.L_overlay_start_0:
0x88: {  	s2 =	sld [smem:$0x3FD9]  }
0x89: {  	s3 =	sld [smem:$0x3FFE];
	_ =	sdelay $0x1  }
0x8a: {  	s1 =	srdreg.scid  }
0x8b: {  	s0 =	sand.u32 $0x1, s1  }
0x8c: {  	s16 =	sshll.u32 s0, $0xA;
	s2 =	sadd.s32 s3, s2  }
0x8d: {  	s2 =	sadd.s32 s2, s16  }
0x8e: {  	[smem:$0x3FC6] =	sst s2  }
0x8f: {  	_ = 	snop  }
0x90: {  	(tm) =	ssettm $0x1  }
0x91: {  	s17 =	sld [smem:$0x3FFB];
	_ =	sdelay $0x3  }
0x92: {  	_ =	strace s17  }
0x93: {  	s2 =	sld [smem:$0x3FFC];
	_ =	sdelay $0x3  }
0x94: {  	_ =	strace s2  }
0x95: {  	s2 =	sld [smem:$0x3FFD];
	_ =	sdelay $0x3  }
0x96: {  	_ =	strace s2  }
0x97: {  	_ =	strace $0x8FFFFFFF  }
0x98: {  	s18 =	sld [smem:$0x3FDB];
	_ =	sdelay $0x1  }
0x99: {  	s19 =	simm.s32 $_scs_section_size  }
0x9a: {  	s4 =	simm.s32 $_size__tile_overlayer_lowered;
	s5 =	simm.s32 $_tile_overlayer_lowered  }
0x9b: {  	s22 =	simm.s32 $0x1BFF;
	s21 =	sshll.u32 s5, $0x1;
	s2 =	sadd.s32 s19, s18  }
0x9c: {  	s6 =	simm.s32 $0x0;
	s20 =	sshll.u32 s4, $0x1;
	s4 =	sadd.s32 s21, s2  }
0x9d: {  	[timem:s6], [sflag:s22] =	dma.local [hbm:s4], s20  }
0x9e: {  	_ =	swait.ge [sflag:s22], s20  }
0x9f: {  	s3 =	ssub.s32 $0x0, s20;
	[sflag:s22] =	ssyncset.done $0x0  }
0xa0: {  	[sflag:s22] =	ssyncadd.s32 s3;
	_ =	sdelay $0x1  }
0xa1: {  	s23 =	simm.s32 $0x1B8B  }
0xa2: {  	_ =	swait.ge [sflag:s23], $0x1  }
0xa3: {  	[sflag:s23] =	ssyncset.done $0x0  }
0xa4: {  	s25 =	simm.s32 $0x1B8E;
	s24 =	sld [smem:$0x3FFE];
	[sflag:s23] =	ssyncadd.s32 $0xFFFFFFFF  }
0xa5: {  	s26 =	simm.s32 $execute0_lowered;
	[smem:$0x3FD2] =	sst s25  }
0xa6: {  	s4 =	sshll.u32 s26, $0x1;
	_ =	strace $0x80000049;
	[dreg:$0x1] =	wrdreg $0xFFFFFFFF  }
0xa7: {  	s28 =	simm.s32 $_size_execute0_lowered;
	s2 =	sadd.s32 s2, s4;
	[dreg:$0x0] =	wrdreg $0x0  }
0xa8: {  	s4 =	sshll.u32 s28, $0x1;
	[dreg:$0x2] =	wrdreg s2  }
0xa9: {  	[dreg:$0x3] =	wrdreg s4  }
0xaa: {  	[dreg:$0x4] =	wrdreg $0xC0  }
0xab: {  	_ =	task [dreg:s6], $0x5FFFF  }
0xac: {  	[dreg:$0x1] =	wrdreg $0xFFFFFFFF  }
0xad: {  	[dreg:$0x0] =	wrdreg $0x60  }
0xae: {  	[dreg:$0x2] =	wrdreg s24  }
0xaf: {  	[dreg:$0x3] =	wrdreg $0x9  }
0xb0: {  	_ =	task.clear_ibuf [dreg:s6], $0x4FFFF;
	_ =	strace $0x90000049  }
0xb1: {  	s29 =	simm.s32 $0x9;
	_ =	strace $0x8000004B  }
0xb2: {  	_ =	swait.ge [sflag:s29], $0x1  }
0xb3: {  	[sflag:s29] =	ssyncadd.s32 $0xFFFFFFFF  }
0xb4: {  	_ =	strace $0x9000004B  }
0xb5: {  	_ =	sfence  }
0xb6: {  	s30 =	sld [smem:$0x0];
	_ =	sdelay $0x2  }
0xb7: {  	s31 =	sshll.u32 s1, $0xD;
	s1 =	sshrl.u32 s1, $0x2  }
0xb8: {  	s3 =	sand.u32 $0x4000, s31;
	s1 =	sadd.s32 s1, s30  }
0xb9: {  	s0 =	sor.u32 s3, s0;
	s1 =	sshll.u32 s1, $0x11  }
0xba: {  	s0 =	sor.u32 s1, s0  }
0xbb: {  	s0 =	sadd.s32 $0x8F2B, s0  }
0xbc: {  	[sflag:s0] =	ssyncadd.remote.s32 $0x1  }
0xbd: {  	_ =	sfence.sel $0xFFFF  }
0xbe: {  	[dreg:$0x0] =	wrdreg $0xFFFFFFFF;
	(pc) =	sbr.abs _section_cstart, $3  }
0xbf: {  	[dreg:$0x1] =	wrdreg $0xFFFFFFFF  }
0xc0: {  	_ =	task.clear_ibuf [dreg:s6], $0x2FFFF;
	_ =	strace $0x9FFFFFFF  }
0xc1: {  	(tm) =	ssettm $0x7FFFFFFF  }
tec
execute0_lowered:
.L_overlay_start_1:
0x0: {  	(tag) =	ssettag $0x1  }
0x1: {  	s0 =	srdreg.scid;
	s4 =	rddreg [dreg:$0x0]  }
0x2: {  	s2 =	simm.s32 $0x0;
	s10 =	simm.s32 $0x0;
	s3 =	sand.u32 $0x1, s0  }
0x3: {  	s0 =	stileid.u32;
	[smem:$0x7FF] =	sst s2;
	s1 =	sshll.u32 s3, $0x4  }
0x4: {  	s7 =	sshll.u32 s0, $0x4;
	s3 =	ssub.s32 $0x2, s3;
	s9 =	sor.u32 s0, s1  }
0x5: {  	s1 =	rddreg [dreg:$0x1];
	s7 =	sand.u32 $0x70, s7;
	_ =	strace $0x8000004A  }
0x6: {  	s8 =	sshrl.u32 s3, $0x1;
	s5 =	smin.u32 s9, $0x11;
	s30 =	sshll.u32 s9, $0x4  }
0x7: {  	s8 =	ssub.s32 s3, s8;
	s6 =	sshll.u32 s5, $0x4;
	s5 =	sshll.u32 s5, $0xB  }
0x8: {  	p0 =	slt.u32 s9, $0x12;
	s6 =	sand.u32 $0x70, s6;
	s5 =	sand.u32 $0xC000, s5  }
0x9: {  	v0 =	vlaneseq.u32;
	s6 =	sadd.s32 s6, s4;
	s4 =	sadd.s32 s7, s4;
	s7 =	sand.u32 $0x180, s30  }
0xa: {  	v0 =	vmul.u32 $0xFFFFFFFF, v0;
	s9 =	simm.s32 $0x4200;
	s31 =	sadd.s32 s5, s6;
	s4 =	sadd.s32 s7, s4  }
0xb: {  	s5 =	smax.u32 s8, $0x1;
	s6 =	simm.s32 $0x80;
	s7 =	simm.s32 $0x400  }
0xc: {  	vm0 =	vcmask $0x300;
	vm1 =	vcmask $0x704;
	v0 =	vadd.s32 $0xF, v0;
	s8 =	simm.s32 $0x1;
	s3 =	sadd.s32 $0x200, s31;
	s4 =	sadd.s32 $0xC200, s4  }
.LBB2_1:
0xd: {  	[tilespmem:s2], [sflag:$0x1] =	stream.strided.gather [hbm4b:s3+s6], $0x4000, s7, s6, $0x38;
	[tilespmem:$0x4280] =	vst v63  }
0xe: {  	_ =	swait.ge [sflag:s8], $0x4000  }
0xf: {  	[sflag:s8] =	ssyncset.done $0x0  }
0x10: {  	s13 =	sand.u32 $0x1F0, s2;
	[sflag:s8] =	ssyncadd.s32 $0xFFFFC000  }
0x11: {  	v1 =	vld [tilespmem:s13+$0x200]  }
0x12: {  	v2 =	vld [tilespmem:s2+$0x0];
	_ =	sdelay $0x1  }
0x13: {  	v3 =	vld [tilespmem:s13+$0x400];
	_ =	sdelay $0x1  }
0x14: {  	v4 =	vld [tilespmem:s13+$0x600]  }
0x15: {  	v1 =	vadd.f32 v1, v2  }
0x16: {  	v2 =	vld [tilespmem:s13+$0x800]  }
0x17: {  	v1 =	vadd.f32 v3, v1  }
0x18: {  	v3 =	vld [tilespmem:s13+$0xA00]  }
0x19: {  	v1 =	vadd.f32 v4, v1  }
0x1a: {  	v4 =	vld [tilespmem:s13+$0xC00]  }
0x1b: {  	v1 =	vadd.f32 v2, v1  }
0x1c: {  	v2 =	vld [tilespmem:s13+$0xE00]  }
0x1d: {  	v1 =	vadd.f32 v3, v1  }
0x1e: {  	v3 =	vld [tilespmem:s13+$0x1000]  }
0x1f: {  	v1 =	vadd.f32 v4, v1  }
0x20: {  	v4 =	vld [tilespmem:s13+$0x1200]  }
0x21: {  	v1 =	vadd.f32 v2, v1  }
0x22: {  	v2 =	vld [tilespmem:s13+$0x1400]  }
0x23: {  	v1 =	vadd.f32 v3, v1  }
0x24: {  	v3 =	vld [tilespmem:s13+$0x1600]  }
0x25: {  	v1 =	vadd.f32 v4, v1  }
0x26: {  	v4 =	vld [tilespmem:s13+$0x1800]  }
0x27: {  	v1 =	vadd.f32 v2, v1  }
0x28: {  	v2 =	vld [tilespmem:s13+$0x1A00]  }
0x29: {  	v1 =	vadd.f32 v3, v1  }
0x2a: {  	v3 =	vld [tilespmem:s13+$0x1C00]  }
0x2b: {  	v1 =	vadd.f32 v4, v1  }
0x2c: {  	v4 =	vld [tilespmem:s13+$0x1E00]  }
0x2d: {  	v1 =	vadd.f32 v2, v1  }
0x2e: {  	v2 =	vld [tilespmem:s13+$0x2000]  }
0x2f: {  	v1 =	vadd.f32 v3, v1  }
0x30: {  	v3 =	vld [tilespmem:s13+$0x2200]  }
0x31: {  	v1 =	vadd.f32 v4, v1  }
0x32: {  	v4 =	vld [tilespmem:s13+$0x2400]  }
0x33: {  	v1 =	vadd.f32 v2, v1  }
0x34: {  	v2 =	vld [tilespmem:s13+$0x2600]  }
0x35: {  	v1 =	vadd.f32 v3, v1  }
0x36: {  	v3 =	vld [tilespmem:s13+$0x2800]  }
0x37: {  	v1 =	vadd.f32 v4, v1  }
0x38: {  	v4 =	vld [tilespmem:s13+$0x2A00]  }
0x39: {  	v1 =	vadd.f32 v2, v1  }
0x3a: {  	v2 =	vld [tilespmem:s13+$0x2C00]  }
0x3b: {  	v1 =	vadd.f32 v3, v1  }
0x3c: {  	v3 =	vld [tilespmem:s13+$0x2E00]  }
0x3d: {  	v1 =	vadd.f32 v4, v1  }
0x3e: {  	v4 =	vld [tilespmem:s13+$0x3000]  }
0x3f: {  	v1 =	vadd.f32 v2, v1  }
0x40: {  	v2 =	vld [tilespmem:s13+$0x3200]  }
0x41: {  	v1 =	vadd.f32 v3, v1  }
0x42: {  	v3 =	vld [tilespmem:s13+$0x3400]  }
0x43: {  	v1 =	vadd.f32 v4, v1  }
0x44: {  	v4 =	vld [tilespmem:s13+$0x3600]  }
0x45: {  	v1 =	vadd.f32 v2, v1  }
0x46: {  	v2 =	vld [tilespmem:s13+$0x3800]  }
0x47: {  	v1 =	vadd.f32 v3, v1  }
0x48: {  	v3 =	vld [tilespmem:s13+$0x3A00]  }
0x49: {  	v1 =	vadd.f32 v4, v1  }
0x4a: {  	v4 =	vld [tilespmem:s13+$0x3C00]  }
0x4b: {  	v1 =	vadd.f32 v2, v1  }
0x4c: {  	v2 =	vld [tilespmem:s13+$0x3E00]  }
0x4d: {  	v1 =	vadd.f32 v3, v1;
	_ =	sdelay $0x1  }
0x4e: {  	v1 =	vadd.f32 v4, v1;
	_ =	sdelay $0x1  }
0x4f: {  	v1 =	vadd.f32 v2, v1  }
0x50: {  	s12 =	simm.s32 $0x4000;
	s14 =	simm.s32 $0x10  }
0x51: {  	s15 =	sand.u32 $0x1F0, s14;
	[tilespmem:s12+$0x0] =	vst v1  }
0x52: {  	v2 =	vld [tilespmem:s15+$0x200]  }
0x53: {  	v3 =	vld [tilespmem:s14+$0x0];
	_ =	sdelay $0x1  }
0x54: {  	v4 =	vld [tilespmem:s15+$0x400];
	_ =	sdelay $0x1  }
0x55: {  	v5 =	vld [tilespmem:s15+$0x600]  }
0x56: {  	v2 =	vadd.f32 v2, v3  }
0x57: {  	v3 =	vld [tilespmem:s15+$0x800]  }
0x58: {  	v2 =	vadd.f32 v4, v2  }
0x59: {  	v4 =	vld [tilespmem:s15+$0xA00]  }
0x5a: {  	v2 =	vadd.f32 v5, v2  }
0x5b: {  	(xrf2) =	vadd.scan.msk.f32 $0xffff, v1;
	v1 =	vld [tilespmem:s15+$0xC00]  }
0x5c: {  	v2 =	vadd.f32 v3, v2  }
0x5d: {  	v3 =	vld [tilespmem:s15+$0xE00]  }
0x5e: {  	v2 =	vadd.f32 v4, v2  }
0x5f: {  	v4 =	vld [tilespmem:s15+$0x1000]  }
0x60: {  	v1 =	vadd.f32 v1, v2  }
0x61: {  	v2 =	vld [tilespmem:s15+$0x1200]  }
0x62: {  	v1 =	vadd.f32 v3, v1  }
0x63: {  	v3 =	vld [tilespmem:s15+$0x1400]  }
0x64: {  	v1 =	vadd.f32 v4, v1  }
0x65: {  	v5 =	vld [tilespmem:s15+$0x1600]  }
0x66: {  	v4, _, _ =	vpop (xrf2);
	v1 =	vadd.f32 v2, v1  }
0x67: {  	(v2sf) =	vpush v4, $0xF;
	v2 =	vld [tilespmem:s15+$0x1800]  }
0x68: {  	v1 =	vadd.f32 v3, v1  }
0x69: {  	v3 =	vld [tilespmem:s15+$0x1A00]  }
0x6a: {  	v1 =	vadd.f32 v5, v1  }
0x6b: {  	v4 =	vld [tilespmem:s15+$0x1C00]  }
0x6c: {  	v1 =	vadd.f32 v2, v1  }
0x6d: {  	v2 =	vld [tilespmem:s15+$0x1E00]  }
0x6e: {  	v1 =	vadd.f32 v3, v1  }
0x6f: {  	v3 =	vld [tilespmem:s15+$0x2000]  }
0x70: {  	v1 =	vadd.f32 v4, v1  }
0x71: {  	v4 =	vld [tilespmem:s15+$0x2200]  }
0x72: {  	v1 =	vadd.f32 v2, v1;
	_ =	sdelay $0x1  }
0x73: {  	v5 =	vld [tilespmem:s15+$0x2400];
	v1 =	vadd.f32 v3, v1;
	_ =	sdelay $0x1  }
0x74: {  	s11 =	simm.f32 $0.0e+00;
	s31 =	spop (v2sf);
	v3 =	vadd.f32 v4, v1;
	v1 =	vld [tilespmem:s15+$0x2600]  }
0x75: {  	s16 =	sadd.f32 s31, s11  }
0x76: {  	s17 =	simm.s32 $0x2;
	p1 =	por $0x0, $0x0;
	s18 =	simm.s32 $0x3;
	v2 =	vld [tilespmem:s15+$0x2800]  }
0x77: {  	s13 =	simm.s32 $0x1;
	s11 =	smov.u32 @p1 s16;
	s16 =	simm.s32 $0x10;
	v3 =	vadd.f32 v5, v3  }
.LBB2_2:
0x78: {  	p1 =	seq.s32 s18, $0x1F;
	v4 =	vld [tilespmem:s15+$0x2A00]  }
0x79: {  	v1 =	vadd.f32 v1, v3  }
0x7a: {  	v3 =	vld [tilespmem:s15+$0x2C00]  }
0x7b: {  	v1 =	vadd.f32 v2, v1  }
0x7c: {  	v2 =	vld [tilespmem:s15+$0x2E00]  }
0x7d: {  	v1 =	vadd.f32 v4, v1  }
0x7e: {  	v4 =	vld [tilespmem:s15+$0x3000]  }
0x7f: {  	v1 =	vadd.f32 v3, v1  }
0x80: {  	v3 =	vld [tilespmem:s15+$0x3200]  }
0x81: {  	v1 =	vadd.f32 v2, v1  }
0x82: {  	v2 =	vld [tilespmem:s15+$0x3400]  }
0x83: {  	v1 =	vadd.f32 v4, v1  }
0x84: {  	v4 =	vld [tilespmem:s15+$0x3600]  }
0x85: {  	v1 =	vadd.f32 v3, v1  }
0x86: {  	v3 =	vld [tilespmem:s15+$0x3800]  }
0x87: {  	v1 =	vadd.f32 v2, v1  }
0x88: {  	v2 =	vld [tilespmem:s15+$0x3A00]  }
0x89: {  	v1 =	vadd.f32 v4, v1  }
0x8a: {  	v4 =	vld [tilespmem:s15+$0x3C00]  }
0x8b: {  	v1 =	vadd.f32 v3, v1  }
0x8c: {  	v3 =	vld [tilespmem:s15+$0x3E00]  }
0x8d: {  	v1 =	vadd.f32 v2, v1;
	_ =	sdelay $0x1  }
0x8e: {  	v1 =	vadd.f32 v4, v1;
	_ =	sdelay $0x1  }
0x8f: {  	v1 =	vadd.f32 v3, v1  }
0x90: {  	s14 =	sadd.s32 $0x10, s14;
	s12 =	sadd.s32 $0x10, s12  }
0x91: {  	s15 =	sand.u32 $0x1F0, s14;
	[tilespmem:s12+$0x0] =	vst v1;
	(xrf2) =	vadd.scan.msk.f32 $0xffff, v1  }
0x92: {  	s16 =	sadd.s32 $0x10, s16;
	v1 =	vld [tilespmem:s15+$0x200]  }
0x93: {  	v2 =	vld [tilespmem:s16+$0x0];
	_ =	sdelay $0x1  }
0x94: {  	v3 =	vld [tilespmem:s15+$0x400];
	_ =	sdelay $0x1  }
0x95: {  	v4 =	vld [tilespmem:s15+$0x600]  }
0x96: {  	v1 =	vadd.f32 v1, v2  }
0x97: {  	v2 =	vld [tilespmem:s15+$0x800]  }
0x98: {  	v1 =	vadd.f32 v3, v1  }
0x99: {  	v3 =	vld [tilespmem:s15+$0xA00];
	v5, _, _ =	vpop (xrf2)  }
0x9a: {  	v1 =	vadd.f32 v4, v1;
	(v2sf) =	vpush v5, $0xF  }
0x9b: {  	v4 =	vld [tilespmem:s15+$0xC00]  }
0x9c: {  	v1 =	vadd.f32 v2, v1  }
0x9d: {  	v2 =	vld [tilespmem:s15+$0xE00]  }
0x9e: {  	v1 =	vadd.f32 v3, v1  }
0x9f: {  	v3 =	vld [tilespmem:s15+$0x1000]  }
0xa0: {  	v1 =	vadd.f32 v4, v1  }
0xa1: {  	v4 =	vld [tilespmem:s15+$0x1200]  }
0xa2: {  	v1 =	vadd.f32 v2, v1  }
0xa3: {  	v2 =	vld [tilespmem:s15+$0x1400]  }
0xa4: {  	v1 =	vadd.f32 v3, v1  }
0xa5: {  	v3 =	vld [tilespmem:s15+$0x1600]  }
0xa6: {  	v1 =	vadd.f32 v4, v1  }
0xa7: {  	v4 =	vld [tilespmem:s15+$0x1800]  }
0xa8: {  	v1 =	vadd.f32 v2, v1  }
0xa9: {  	v2 =	vld [tilespmem:s15+$0x1A00];
	s19 =	spop (v2sf)  }
0xaa: {  	v1 =	vadd.f32 v3, v1;
	s19 =	sadd.f32 s19, s11  }
0xab: {  	p2 =	sgt.u32 s13, $0xF;
	s13 =	smov.u32 s17;
	s17 =	smov.u32 s18;
	v3 =	vld [tilespmem:s15+$0x1C00]  }
0xac: {  	v1 =	vadd.f32 v4, v1;
	s11 =	smov.u32 @p2 s19  }
0xad: {  	v4 =	vld [tilespmem:s15+$0x1E00]  }
0xae: {  	v1 =	vadd.f32 v2, v1  }
0xaf: {  	v2 =	vld [tilespmem:s15+$0x2000]  }
0xb0: {  	v1 =	vadd.f32 v3, v1  }
0xb1: {  	v3 =	vld [tilespmem:s15+$0x2200]  }
0xb2: {  	v1 =	vadd.f32 v4, v1  }
0xb3: {  	v4 =	vld [tilespmem:s15+$0x2400]  }
.Ltmp0:
0xb4: {  	v2 =	vadd.f32 v2, v1;
	(pc) =	sbr.rel @!p1 .LBB2_2-.Ltmp0, $4  }
0xb5: {  	v1 =	vld [tilespmem:s15+$0x2600]  }
0xb6: {  	v3 =	vadd.f32 v3, v2  }
0xb7: {  	v2 =	vld [tilespmem:s15+$0x2800]  }
0xb8: {  	s18 =	sadd.s32 $0x1, s18;
	v3 =	vadd.f32 v4, v3  }
0xb9: {  	v4 =	vld [tilespmem:s15+$0x2A00]  }
0xba: {  	v1 =	vadd.f32 v1, v3  }
0xbb: {  	v3 =	vld [tilespmem:s15+$0x2C00]  }
0xbc: {  	v1 =	vadd.f32 v2, v1  }
0xbd: {  	v2 =	vld [tilespmem:s15+$0x2E00]  }
0xbe: {  	v1 =	vadd.f32 v4, v1  }
0xbf: {  	v4 =	vld [tilespmem:s15+$0x3000]  }
0xc0: {  	v1 =	vadd.f32 v3, v1  }
0xc1: {  	v3 =	vld [tilespmem:s15+$0x3200]  }
0xc2: {  	v1 =	vadd.f32 v2, v1  }
0xc3: {  	v2 =	vld [tilespmem:s15+$0x3400]  }
0xc4: {  	v1 =	vadd.f32 v4, v1  }
0xc5: {  	v4 =	vld [tilespmem:s15+$0x3600]  }
0xc6: {  	v1 =	vadd.f32 v3, v1  }
0xc7: {  	v3 =	vld [tilespmem:s15+$0x3800]  }
0xc8: {  	v1 =	vadd.f32 v2, v1  }
0xc9: {  	v2 =	vld [tilespmem:s15+$0x3A00]  }
0xca: {  	v1 =	vadd.f32 v4, v1  }
0xcb: {  	v4 =	vld [tilespmem:s15+$0x3C00]  }
0xcc: {  	v1 =	vadd.f32 v3, v1  }
0xcd: {  	v3 =	vld [tilespmem:s15+$0x3E00]  }
0xce: {  	v1 =	vadd.f32 v2, v1;
	_ =	sdelay $0x1  }
0xcf: {  	v1 =	vadd.f32 v4, v1;
	_ =	sdelay $0x1  }
0xd0: {  	v1 =	vadd.f32 v3, v1  }
0xd1: {  	s14 =	sadd.s32 $0x10, s14;
	s12 =	sadd.s32 $0x10, s12  }
0xd2: {  	s14 =	sand.u32 $0x1F0, s14;
	[tilespmem:s12+$0x0] =	vst v1  }
0xd3: {  	s29 =	sadd.s32 $0x10, s16;
	v2 =	vld [tilespmem:s14+$0x200]  }
0xd4: {  	v3 =	vld [tilespmem:s29+$0x0];
	_ =	sdelay $0x1  }
0xd5: {  	v4 =	vld [tilespmem:s14+$0x400];
	_ =	sdelay $0x1  }
0xd6: {  	v5 =	vld [tilespmem:s14+$0x600]  }
0xd7: {  	v2 =	vadd.f32 v2, v3  }
0xd8: {  	v3 =	vld [tilespmem:s14+$0x800]  }
0xd9: {  	v2 =	vadd.f32 v4, v2  }
0xda: {  	v4 =	vld [tilespmem:s14+$0xA00]  }
0xdb: {  	v2 =	vadd.f32 v5, v2  }
0xdc: {  	v5 =	vld [tilespmem:s14+$0xC00]  }
0xdd: {  	v2 =	vadd.f32 v3, v2  }
0xde: {  	v3 =	vld [tilespmem:s14+$0xE00]  }
0xdf: {  	v2 =	vadd.f32 v4, v2  }
0xe0: {  	v4 =	vld [tilespmem:s14+$0x1000]  }
0xe1: {  	v2 =	vadd.f32 v5, v2  }
0xe2: {  	v5 =	vld [tilespmem:s14+$0x1200]  }
0xe3: {  	v2 =	vadd.f32 v3, v2  }
0xe4: {  	v3 =	vld [tilespmem:s14+$0x1400]  }
0xe5: {  	v2 =	vadd.f32 v4, v2  }
0xe6: {  	v4 =	vld [tilespmem:s14+$0x1600]  }
0xe7: {  	v2 =	vadd.f32 v5, v2  }
0xe8: {  	v5 =	vld [tilespmem:s14+$0x1800]  }
0xe9: {  	v2 =	vadd.f32 v3, v2  }
0xea: {  	v3 =	vld [tilespmem:s14+$0x1A00]  }
0xeb: {  	v2 =	vadd.f32 v4, v2  }
0xec: {  	v4 =	vld [tilespmem:s14+$0x1C00]  }
0xed: {  	v2 =	vadd.f32 v5, v2  }
0xee: {  	v5 =	vld [tilespmem:s14+$0x1E00]  }
0xef: {  	v2 =	vadd.f32 v3, v2  }
0xf0: {  	v3 =	vld [tilespmem:s14+$0x2000]  }
0xf1: {  	v2 =	vadd.f32 v4, v2  }
0xf2: {  	v4 =	vld [tilespmem:s14+$0x2200]  }
0xf3: {  	v2 =	vadd.f32 v5, v2  }
0xf4: {  	v5 =	vld [tilespmem:s14+$0x2400]  }
0xf5: {  	v2 =	vadd.f32 v3, v2  }
0xf6: {  	v3 =	vld [tilespmem:s14+$0x2600]  }
0xf7: {  	v2 =	vadd.f32 v4, v2  }
0xf8: {  	v4 =	vld [tilespmem:s14+$0x2800]  }
0xf9: {  	v2 =	vadd.f32 v5, v2  }
0xfa: {  	v5 =	vld [tilespmem:s14+$0x2A00]  }
0xfb: {  	v2 =	vadd.f32 v3, v2  }
0xfc: {  	v3 =	vld [tilespmem:s14+$0x2C00]  }
0xfd: {  	v2 =	vadd.f32 v4, v2  }
0xfe: {  	v4 =	vld [tilespmem:s14+$0x2E00]  }
0xff: {  	v2 =	vadd.f32 v5, v2  }
0x100: {  	v5 =	vld [tilespmem:s14+$0x3000]  }
0x101: {  	v2 =	vadd.f32 v3, v2  }
0x102: {  	v3 =	vld [tilespmem:s14+$0x3200]  }
0x103: {  	v2 =	vadd.f32 v4, v2  }
0x104: {  	v4 =	vld [tilespmem:s14+$0x3400]  }
0x105: {  	v2 =	vadd.f32 v5, v2  }
0x106: {  	v5 =	vld [tilespmem:s14+$0x3600]  }
0x107: {  	v2 =	vadd.f32 v3, v2  }
0x108: {  	v3 =	vld [tilespmem:s14+$0x3800]  }
0x109: {  	v2 =	vadd.f32 v4, v2  }
0x10a: {  	v4 =	vld [tilespmem:s14+$0x3A00]  }
0x10b: {  	v2 =	vadd.f32 v5, v2  }
0x10c: {  	v5 =	vld [tilespmem:s14+$0x3C00]  }
0x10d: {  	v2 =	vadd.f32 v3, v2  }
0x10e: {  	v3 =	vld [tilespmem:s14+$0x3E00]  }
0x10f: {  	v2 =	vadd.f32 v4, v2;
	_ =	sdelay $0x1  }
0x110: {  	v2 =	vadd.f32 v5, v2;
	_ =	sdelay $0x1  }
0x111: {  	(xrf2) =	vadd.scan.msk.f32 $0xffff, v1;
	v1 =	vadd.f32 v3, v2;
	_ =	sdelay $0x1  }
0x112: {  	(xrf2) =	vadd.scan.msk.f32 $0xffff, v1;
	_ =	sdelay $0x3  }
0x113: {  	s12 =	sadd.s32 $0x10, s12  }
0x114: {  	s15 =	simm.s32 $0x0;
	[tilespmem:s12+$0x0] =	vst v1  }
0x115: {  	v3 =	vld [tilespmem:s15+$0x40F0]  }
0x116: {  	v4 =	vld [tilespmem:s15+$0x41F0]  }
0x117: {  	v2, _, _ =	vpop (xrf2)  }
0x118: {  	(v2sf) =	vpush v2, $0xF  }
0x119: {  	v2, _, _ =	vpop (xrf2)  }
0x11a: {  	v3 =	vperm.xlane v3, v0;
	(v2sf) =	vpush v2, $0xF  }
0x11b: {  	s16 =	simm.s32 $0xFFFFFFF0;
	v4 =	vperm.xlane v4, v0  }
0x11c: {  	s17 =	simm.s32 $0xFFFFFFE0;
	v5 =	vld [tilespmem:s16+$0x40F0];
	(xrf2) =	vadd.scan.msk.f32 $0xffff, v3  }
0x11d: {  	(xrf2) =	vadd.scan.msk.f32 $0xffff, v4;
	v4 =	vld [tilespmem:s17+$0x40F0]  }
0x11e: {  	v6 =	vld [tilespmem:s16+$0x41F0];
	_ =	sdelay $0x2  }
0x11f: {  	v3 =	vperm.xlane v5, v0  }
0x120: {  	v4 =	vperm.xlane v4, v0  }
0x121: {  	v5 =	vperm.xlane v6, v0;
	(xrf2) =	vadd.scan.msk.f32 $0xffff, v3;
	v3 =	vld [tilespmem:s17+$0x41F0];
	_ =	sdelay $0x1  }
0x122: {  	(xrf2) =	vadd.scan.msk.f32 $0xffff, v5  }
0x123: {  	(xrf2) =	vadd.scan.msk.f32 $0xffff, v4;
	v4, _, _ =	vpop (xrf2)  }
0x124: {  	s30 =	spop (v2sf);
	(v2sf) =	vpush v4, $0xF  }
0x125: {  	v3 =	vperm.xlane v3, v0;
	v5, _, _ =	vpop (xrf2)  }
0x126: {  	s18 =	simm.s32 $0xFFFFFFD0;
	s31 =	spop (v2sf);
	(v2sf) =	vpush v5, $0xF  }
0x127: {  	(xrf2) =	vadd.scan.msk.f32 $0xffff, v3;
	v3 =	vld [tilespmem:s18+$0x40F0];
	_ =	sdelay $0x2  }
0x128: {  	v6 =	vld [tilespmem:s18+$0x41F0]  }
0x129: {  	s19 =	simm.s32 $0xFFFFFFC0;
	s14 =	sadd.f32 s30, s11  }
0x12a: {  	p1 =	sgt.u32 s13, $0xF;
	v8 =	vld [tilespmem:s19+$0x40F0];
	v3 =	vperm.xlane v3, v0  }
0x12b: {  	s20 =	simm.s32 $0xFFFFFFB0;
	v10 =	vld [tilespmem:s19+$0x41F0];
	s11 =	smov.u32 @p1 s14  }
0x12c: {  	s14 =	simm.f32 $0.0e+00;
	v7, _, _ =	vpop (xrf2);
	s11 =	sadd.f32 s31, s11;
	(xrf2) =	vadd.scan.msk.f32 $0xffff, v3;
	v3 =	vld [tilespmem:s20+$0x40F0]  }
0x12d: {  	v6 =	vperm.xlane v6, v0;
	v4 =	vadd.f32 s14, v4;
	v9, _, _ =	vpop (xrf2);
	(v2sf) =	vpush v7, $0xF  }
0x12e: {  	v5 =	vadd.f32 s14, v5;
	(v2sf) =	vpush v9, $0xF;
	v11, _, _ =	vpop (xrf2);
	v1 =	vmov s11  }
0x12f: {  	(xrf2) =	vadd.scan.msk.f32 $0xffff, v6;
	v6 =	vperm.xlane v8, v0;
	(v2sf) =	vpush v11, $0xF;
	v4 =	vadd.f32 v4, v1  }
0x130: {  	v10 =	vperm.xlane v10, v0;
	v8 =	vld [tilespmem:s20+$0x41F0]  }
0x131: {  	(xrf2) =	vadd.scan.msk.f32 $0xffff, v6;
	v4 =	vsub.f32 v4, v5;
	v3 =	vperm.xlane v3, v0;
	s21 =	spop (v2sf)  }
0x132: {  	(xrf2) =	vadd.scan.msk.f32 $0xffff, v10;
	s13 =	sadd.f32 s21, s14  }
0x133: {  	(xrf2) =	vadd.scan.msk.f32 $0xffff, v3;
	v3 =	vmax.f32 v4, $9.999999960e-13;
	s22 =	spop (v2sf)  }
0x134: {  	s23 =	simm.s32 $0xFFFFFFA0;
	(erf) = vrcp.f32 v3;
	v3 =	vadd.f32 s13, v7;
	s12 =	sadd.f32 s22, s14  }
0x135: {  	v6 =	vperm.xlane v8, v0;
	v8 =	vld [tilespmem:s23+$0x41F0]  }
0x136: {  	v12, _, _ =	vpop (xrf2);
	v7 =	vadd.f32 s12, v9;
	v9 =	vadd.f32 v3, v1  }
0x137: {  	(v2sf) =	vpush v12, $0xF  }
0x138: {  	v9 =	vsub.f32 v9, v7  }
0x139: {  	v14 =	vsub.f32 v1, v5;
	v4 =	vld [tilespmem:s23+$0x40F0];
	v13, _, _ =	vpop (xrf2)  }
0x13a: {  	v5, _, _ =	vpop (xrf2);
	(v2sf) =	vpush v13, $0xF;
	v16 =	vperm.xlane v8, v0;
	v8 =	vmax.f32 v9, $9.999999960e-13  }
0x13b: {  	s25 =	simm.s32 $0xFFFFFF90;
	(xrf2) =	vadd.scan.msk.f32 $0xffff, v6;
	(v2sf) =	vpush v5, $0xF;
	v6, _, _ =	vpop (xrf2)  }
0x13c: {  	v10 =	vld [tilespmem:s25+$0x40F0];
	s24 =	spop (v2sf);
	(v2sf) =	vpush v6, $0xF;
	v3 =	vsub.f32 v1, v7;
	v7, _, _ =	vpop (xrf2)  }
0x13d: {  	s26 =	spop (v2sf);
	(v2sf) =	vpush v7, $0xF;
	(erf) = vrcp.f32 v8;
	v8, _, _ =	vpop (xrf2)  }
0x13e: {  	v4 =	vperm.xlane v4, v0;
	s13 =	sadd.f32 s24, s13;
	s29 =	spop (v2sf);
	(v2sf) =	vpush v8, $0xF  }
0x13f: {  	s28 =	sadd.f32 s26, s12  }
0x140: {  	(xrf2) =	vadd.scan.msk.f32 $0xffff, v4  }
0x141: {  	v15 =	vld [tilespmem:s25+$0x41F0];
	v11 =	vadd.f32 s13, v11;
	v12 =	vadd.f32 s28, v12;
	v9 =	vperm.xlane v10, v0  }
0x142: {  	(xrf2) =	vadd.scan.msk.f32 $0xffff, v16  }
0x143: {  	v11 =	vadd.f32 v11, v1;
	(xrf2) =	vadd.scan.msk.f32 $0xffff, v9  }
0x144: {  	s30 =	simm.s32 $0xFFFFFF80  }
0x145: {  	s12 =	sadd.f32 s29, s13;
	v4 =	vsub.f32 v1, v12;
	v17 =	vsub.f32 v11, v12;
	v11 =	vld [tilespmem:s30+$0x40F0];
	v12 =	vpop (erf)  }
0x146: {  	v15 =	vperm.xlane v15, v0;
	s31 =	spop (v2sf);
	v9 =	vmul.f32 v12, v14  }
0x147: {  	v2 =	vimm.f32 $0.0e+00;
	s14 =	simm.s32 $0xFFFFFDC0;
	v13 =	vadd.f32 s12, v13;
	v10 =	vld [tilespmem:s30+$0x41F0];
	s13 =	sadd.f32 s31, s28;
	v14 =	vmax.f32 v17, $9.999999960e-13;
	v12, _, _ =	vpop (xrf2)  }
.LBB2_4:
0x148: {  	p1 =	sne.s32 s14, $0xFFFFFC40;
	(v2sf) =	vpush v12, $0xF;
	(erf) = vrcp.f32 v14;
	v18 =	vsub.f32 $1.000000000e+00, v9;
	v16 =	vmovc v8;
	v14 =	vmovc v4;
	s15 =	smov.u32 s14;
	s14 =	sadd.s32 $0xFFFFFFC0, s14  }
.Ltmp1:
0x149: {  	(xrf2) =	vadd.scan.msk.f32 $0xffff, v15;
	v15 =	vadd.f32 s13, v5;
	v13 =	vadd.f32 v13, v1;
	s16 =	spop (v2sf);
	v5 =	vmovc v7;
	v7 =	vmov v12;
	(pc) =	sbr.rel @p1 .LBB2_4-.Ltmp1, $4  }
0x14a: {  	s15 =	sshra.s32 s15, $0x2;
	v19 =	vperm.xlane v11, v0;
	v8, _, _ =	vpop (xrf2);
	s12 =	sadd.f32 s16, s12;
	v2 =	vadd.f32 v18, v2  }
0x14b: {  	v11 =	vld [tilespmem:s15+$0x40F0];
	v4 =	vsub.f32 v1, v15;
	v17 =	vsub.f32 v13, v15;
	s16 =	spop (v2sf);
	v9 =	vpop (erf)  }
0x14c: {  	v15 =	vperm.xlane v10, v0;
	v10 =	vld [tilespmem:s15+$0x41F0];
	(xrf2) =	vadd.scan.msk.f32 $0xffff, v19;
	(v2sf) =	vpush v8, $0xF;
	s13 =	sadd.f32 s16, s13;
	v9 =	vmul.f32 v9, v3;
	v3 =	vmovc v14  }
0x14d: {  	v13 =	vadd.f32 s12, v6;
	v6 =	vmov v16;
	v12, _, _ =	vpop (xrf2);
	v14 =	vmax.f32 v17, $9.999999960e-13  }
0x14e: {  	(xrf2) =	vadd.scan.msk.f32 $0xffff, v15;
	_ =	sdelay $0x4  }
0x14f: {  	(v2sf) =	vpush v12, $0xF;
	v39, _, _ =	vpop (xrf2)  }
0x150: {  	(v2sf) =	vpush v39, $0xF  }
0x151: {  	v16, _, _ =	vpop (xrf2)  }
0x152: {  	(v2sf) =	vpush v16, $0xF;
	v17, _, _ =	vpop (xrf2)  }
0x153: {  	(v2sf) =	vpush v17, $0xF  }
0x154: {  	v18, _, _ =	vpop (xrf2)  }
0x155: {  	(v2sf) =	vpush v18, $0xF  }
0x156: {  	s14 =	spop (v2sf)  }
0x157: {  	s15 =	spop (v2sf);
	s12 =	sadd.f32 s14, s12  }
0x158: {  	v11 =	vperm.xlane v11, v0;
	s20 =	spop (v2sf);
	s15 =	sadd.f32 s15, s13  }
0x159: {  	v5 =	vadd.f32 s13, v5;
	(erf) = vrcp.f32 v14;
	s21 =	sadd.f32 s20, s12  }
0x15a: {  	v40 =	vadd.f32 v13, v1;
	v10 =	vperm.xlane v10, v0;
	v6 =	vadd.f32 s12, v6;
	(xrf2) =	vadd.scan.msk.f32 $0xffff, v11  }
0x15b: {  	v7 =	vadd.f32 s15, v7;
	v8 =	vadd.f32 s21, v8;
	s22 =	spop (v2sf)  }
0x15c: {  	(xrf2) =	vadd.scan.msk.f32 $0xffff, v10;
	v10 =	vsub.f32 v40, v5;
	v6 =	vadd.f32 v6, v1;
	s12 =	sadd.f32 s22, s15  }
0x15d: {  	v9 =	vsub.f32 $1.000000000e+00, v9;
	v8 =	vadd.f32 v8, v1;
	s23 =	spop (v2sf)  }
0x15e: {  	v48 =	vpop (erf);
	v10 =	vmax.f32 v10, $9.999999960e-13;
	v6 =	vsub.f32 v6, v7;
	v41 =	vadd.f32 s12, v12;
	s13 =	sadd.f32 s23, s21;
	s24 =	spop (v2sf)  }
0x15f: {  	v2 =	vadd.f32 v9, v2;
	v3 =	vmul.f32 v48, v3;
	(erf) = vrcp.f32 v10;
	s12 =	sadd.f32 s24, s12;
	s25 =	spop (v2sf)  }
0x160: {  	v5 =	vsub.f32 v1, v5;
	v6 =	vmax.f32 v6, $9.999999960e-13;
	v8 =	vsub.f32 v8, v41;
	s14 =	sadd.f32 s25, s13  }
0x161: {  	v3 =	vsub.f32 $1.000000000e+00, v3;
	(erf) = vrcp.f32 v6;
	v42 =	vadd.f32 s13, v39;
	s26 =	spop (v2sf)  }
0x162: {  	v8 =	vmax.f32 v8, $9.999999960e-13;
	v43 =	vadd.f32 s12, v16;
	v44 =	vadd.f32 s14, v17;
	s12 =	sadd.f32 s26, s12;
	s28 =	spop (v2sf)  }
0x163: {  	v2 =	vadd.f32 v3, v2;
	v51 =	vpop (erf);
	(erf) = vrcp.f32 v8;
	v45 =	vadd.f32 v42, v1;
	s13 =	sadd.f32 s28, s14  }
0x164: {  	v4 =	vmul.f32 v51, v4;
	v46, _, _ =	vpop (xrf2);
	v13 =	vadd.f32 v44, v1;
	v47 =	vadd.f32 s12, v18;
	s29 =	spop (v2sf)  }
0x165: {  	v6 =	vsub.f32 v45, v43;
	s12 =	sadd.f32 s29, s12;
	v49 =	vadd.f32 s13, v46  }
0x166: {  	v3 =	vsub.f32 $1.000000000e+00, v4;
	v50, _, _ =	vpop (xrf2);
	v13 =	vsub.f32 v13, v47  }
0x167: {  	v6 =	vmax.f32 v6, $9.999999960e-13;
	v52 =	vadd.f32 s12, v50;
	v8 =	vadd.f32 v49, v1  }
0x168: {  	v55 =	vsub.f32 v1, v7;
	v54 =	vpop (erf);
	(erf) = vrcp.f32 v6  }
0x169: {  	v4 =	vmul.f32 v54, v5;
	v53 =	vmax.f32 v13, $9.999999960e-13;
	v8 =	vsub.f32 v8, v52  }
0x16a: {  	v2 =	vadd.f32 v3, v2;
	v57 =	vsub.f32 v1, v41;
	v3 =	vpop (erf);
	(erf) = vrcp.f32 v53  }
0x16b: {  	v4 =	vsub.f32 $1.000000000e+00, v4;
	v3 =	vmul.f32 v3, v55;
	v56 =	vmax.f32 v8, $9.999999960e-13  }
0x16c: {  	v58 =	vpop (erf);
	(erf) = vrcp.f32 v56  }
0x16d: {  	v2 =	vadd.f32 v4, v2;
	v3 =	vsub.f32 $1.000000000e+00, v3;
	v59 =	vmul.f32 v58, v57;
	_ =	sdelay $0x1  }
0x16e: {  	v2 =	vadd.f32 v3, v2;
	v3 =	vsub.f32 $1.000000000e+00, v59  }
0x16f: {  	v60 =	vsub.f32 v1, v43  }
0x170: {  	v61 =	vpop (erf)  }
0x171: {  	v62 =	vsub.f32 v1, v47;
	v5 =	vmul.f32 v61, v60  }
0x172: {  	v2 =	vadd.f32 v3, v2;
	v3 =	vpop (erf)  }
0x173: {  	v1 =	vsub.f32 v1, v52;
	v5 =	vsub.f32 $1.000000000e+00, v5;
	v3 =	vmul.f32 v3, v62  }
0x174: {  	v63 =	vpop (erf)  }
0x175: {  	v2 =	vadd.f32 v5, v2;
	v3 =	vsub.f32 $1.000000000e+00, v3;
	v1 =	vmul.f32 v63, v1;
	_ =	sdelay $0x1  }
0x176: {  	v2 =	vadd.f32 v3, v2;
	v1 =	vsub.f32 $1.000000000e+00, v1;
	_ =	sdelay $0x1  }
0x177: {  	v1 =	vadd.f32 v1, v2;
	_ =	sdelay $0x1  }
0x178: {  	(xrf2) =	vadd.scan.msk.f32 $0xffff, v1;
	_ =	sdelay $0x8  }
0x179: {  	(v2sf) =	vpush v46, $0xF  }
0x17a: {  	(v2sf) =	vpush v50, $0xF;
	v1, _, _ =	vpop (xrf2)  }
0x17b: {  	(v2sf) =	vpush v1, $0xF;
	_ =	sdelay $0xc  }
0x17c: {  	s30 =	spop (v2sf)  }
0x17d: {  	s31 =	spop (v2sf)  }
0x17e: {  	s12 =	spop (v2sf)  }
0x17f: {  	p1 =	sgt.f32 s11, $5.000000000e-01;
	s12 =	sadd.f32 $-5.000000000e-01, s12  }
0x180: {  	_ = 	snop  }
0x181: {  	p1 =	por !p0, !p1;
	s11 =	smul.f32 $3.913894300e-03, s12  }
0x182: {  	p1 =	por !p1, !p1  }
0x183: {  	s11 =	simm.s32 @!p1 $0x0  }
0x184: {  	s12 =	simm.f32 $1.000000000e+00;
	v1 =	vmov s11  }
0x185: {  	s10 =	sadd.s32 $0x1, s10;
	s12 =	simm.s32 @!p1 $0x0;
	v1 =	vnsel vm0, $0x0, v1  }
0x186: {  	p1 =	sne.s32 s10, s5;
	v1 =	vsel vm1, s12, v1  }
.Ltmp2:
0x187: {  	[tilespmem:$0x4200] =	vst v1;
	(pc) =	sbr.rel @p1 .LBB2_1-.Ltmp2, $4  }
0x188: {  	[hbm4b:s4+s2] =	stream.linear.scatter [tilespmem:s9], [sflag:$0x1], $0x80, $0x38;
	[tilespmem:$0x4280] =	vst v63  }
0x189: {  	_ =	swait.ge [sflag:s8], $0x80  }
0x18a: {  	[sflag:s8] =	ssyncset.done $0x0  }
0x18b: {  	[sflag:s8] =	ssyncadd.s32 $0xFFFFFF80  }
0x18c: {  	_ =	sfence.sel $0x180000  }
0x18d: {  	[bflag:$0x0] =	sbarrier.arrive $0xFFFF  }
0x18e: {  	p0 =	sne.s32 s0, $0x0;
	_ =	strace $0x9000004A  }
0x18f: {  	s0 =	sadd.s32 @!p0 $0x100000, s1;
	[bflag:$0x2] =	sbarrier.arrive $0xFFFF  }
0x190: {  	[sflag:s0] =	ssyncadd.tile.s32 @!p0 $0x1;
	_ =	shalt  }
.Lfunc_end2:
_tile_overlayer_lowered:
.L_overlay_start_2:
0x191: {  	(tag) =	ssettag $0x2  }
0x192: {  	s0 =	rddreg [dreg:$0x0];
	s2 =	stileid.u32  }
0x193: {  	s1 =	rddreg [dreg:$0x1];
	p0 =	sne.s32 s2, $0x0  }
0x194: {  	s3 =	rddreg [dreg:$0x2];
	[bflag:$0x3] =	sbarrier.arrive $0xFFFF;
	s2 =	simm.s32 @!p0 $0x1C01  }
0x195: {  	[timem:s3], [sflag:s2] =	dma.local @!p0 [hbm:s0], s1  }
0x196: {  	s0 =	simm.s32 @!p0 $0x1  }
0x197: {  	_ =	swait.ge @!p0 [sflag:s0], s1  }
0x198: {  	s1 =	ssub.s32 @!p0 $0x0, s1;
	[sflag:s0] =	ssyncset.done @!p0 $0x0  }
0x199: {  	[sflag:s0] =	ssyncadd.s32 @!p0 s1  }
0x19a: {  	[bflag:$0x3] =	sbarrier.arrive $0xFFFF  }
0x19b: {  	_ =	shalt  }

</sc_bundles>
